<compile_context>
chip_gen: v7x
topology: tpu7x:2x2x1
jax: 0.10.2.dev20260603
libtpu: 0.0.44.dev20260713+nightly
codegen_flags: <defaults>
</compile_context>

<pallas_src>
import functools

import jax
import jax.numpy as jnp
from jax import lax
from jax.experimental import pallas as pl
from jax.experimental.pallas import tpu as pltpu
from jax.experimental.pallas import tpu_sc as plsc

_TOPK = 8


def _logits_body(rw_ref, xT_ref, logitsT_ref, lg4_ref):
    lg = jax.lax.dot(rw_ref[...], xT_ref[...],
                     preferred_element_type=jnp.float32)
    logitsT_ref[...] = lg
    for g in range(lg4_ref.shape[0]):
        lg4_ref[g, :, :] = lg[:, g * 16:(g + 1) * 16]


def _routing_weights_sc(lgT4):
    n_groups, E, _ = lgT4.shape
    info = plsc.get_sparse_core_info()
    nc = info.num_cores

    mesh = plsc.VectorSubcoreMesh(core_axis_name="c", subcore_axis_name="s")

    @functools.partial(
        pl.kernel,
        mesh=mesh,
        out_type=jax.ShapeDtypeStruct((n_groups, E, 16), jnp.float32),
        scratch_types=[
            pltpu.VMEM((E, 16), jnp.float32),
            pltpu.VMEM((E, 16), jnp.float32),
        ],
    )
    def routing(logits_hbm, w_hbm, lg_v, w_v):
        wid = lax.axis_index("s") * nc + lax.axis_index("c")

        @pl.when(wid < n_groups)
        def _():
            pltpu.sync_copy(logits_hbm.at[wid], lg_v)
            neg_inf = jnp.full((16,), -jnp.inf, jnp.float32)
            m = [neg_inf] * _TOPK
            mx = neg_inf
            for e in range(E):
                v = lg_v[e, :]
                mx = jnp.maximum(mx, v)
                for i in range(_TOPK):
                    hi = jnp.maximum(m[i], v)
                    v = jnp.minimum(m[i], v)
                    m[i] = hi
            thr = m[_TOPK - 1]
            s = jnp.zeros((16,), jnp.float32)
            for e in range(E):
                v = lg_v[e, :]
                pm = jnp.where(v >= thr, jnp.exp(v - mx), 0.0)
                s = s + pm
                w_v[e, :] = pm
            rs = 1.0 / s
            for e in range(E):
                w_v[e, :] = w_v[e, :] * rs
            pltpu.sync_copy(w_v, w_hbm.at[wid])

    return routing(lgT4)


def _shared_body(xT_ref, xTb_ref, sg_ref, su_ref, sd_ref, sgw_ref, lg_ref,
                 sharedT_ref):
    xTb = xTb_ref[...]
    sgT = jax.lax.dot(sg_ref[...].astype(jnp.bfloat16), xTb,
                      preferred_element_type=jnp.float32)
    suT = jax.lax.dot(su_ref[...].astype(jnp.bfloat16), xTb,
                      preferred_element_type=jnp.float32)
    shT = (sgT * jax.nn.sigmoid(sgT)) * suT
    sdT = jax.lax.dot(sd_ref[...].astype(jnp.bfloat16),
                      shT.astype(jnp.bfloat16),
                      preferred_element_type=jnp.float32)
    gate = jax.lax.dot(sgw_ref[...], xT_ref[...],
                       preferred_element_type=jnp.float32)
    sharedT_ref[...] = sdT * jax.nn.sigmoid(gate) + 0.0 * lg_ref[0:1, :]


def _moe_body(xTb_ref, W4_ref, sharedT_ref, wg_ref, wu_ref, wd_ref,
              outT_ref):
    e = pl.program_id(0)
    n_groups = W4_ref.shape[0]

    @pl.when(e == 0)
    def _init():
        outT_ref[...] = sharedT_ref[...]

    xTb = xTb_ref[...]
    we = jnp.concatenate(
        [W4_ref[g, pl.ds(e, 1), :] for g in range(n_groups)], axis=1)
    gT = jax.lax.dot(wg_ref[0].astype(jnp.bfloat16), xTb,
                     preferred_element_type=jnp.float32)
    uT = jax.lax.dot(wu_ref[0].astype(jnp.bfloat16), xTb,
                     preferred_element_type=jnp.float32)
    hT = (gT * jax.nn.sigmoid(gT)) * uT * we
    oT = jax.lax.dot(wd_ref[0].astype(jnp.bfloat16), hT.astype(jnp.bfloat16),
                     preferred_element_type=jnp.float32)
    outT_ref[...] += oT


def kernel(hidden_states, router_w, expert_gate_w, expert_up_w,
           expert_down_w, shared_gate_w, shared_up_w, shared_down_w,
           shared_expert_gate_w):
    b, s, d = hidden_states.shape
    x = hidden_states.reshape(-1, d)
    t = x.shape[0]
    e = router_w.shape[0]
    f = expert_gate_w.shape[1]
    fs = shared_gate_w.shape[0]
    g = t // 16
    xT = x.T
    xTb = xT.astype(jnp.bfloat16)

    const2 = lambda i: (0, 0)
    const3 = lambda i: (0, 0, 0)

    logitsT, lgT4 = pl.pallas_call(
        _logits_body,
        grid=(1,),
        in_specs=[pl.BlockSpec((e, d), const2), pl.BlockSpec((d, t), const2)],
        out_specs=[pl.BlockSpec((e, t), const2),
                   pl.BlockSpec((g, e, 16), const3)],
        out_shape=[jax.ShapeDtypeStruct((e, t), jnp.float32),
                   jax.ShapeDtypeStruct((g, e, 16), jnp.float32)],
    )(router_w, xT)

    W4 = _routing_weights_sc(lgT4)

    sharedT = pl.pallas_call(
        _shared_body,
        grid=(1,),
        in_specs=[
            pl.BlockSpec((d, t), const2),
            pl.BlockSpec((d, t), const2),
            pl.BlockSpec((fs, d), const2),
            pl.BlockSpec((fs, d), const2),
            pl.BlockSpec((d, fs), const2),
            pl.BlockSpec((1, d), const2),
            pl.BlockSpec((e, t), const2),
        ],
        out_specs=pl.BlockSpec((d, t), const2),
        out_shape=jax.ShapeDtypeStruct((d, t), jnp.float32),
    )(xT, xTb, shared_gate_w, shared_up_w, shared_down_w,
      shared_expert_gate_w, logitsT)

    outT = pl.pallas_call(
        _moe_body,
        grid=(e,),
        in_specs=[
            pl.BlockSpec((d, t), const2),
            pl.BlockSpec((g, e, 16), const3),
            pl.BlockSpec((d, t), const2),
            pl.BlockSpec((1, f, d), lambda i: (i, 0, 0)),
            pl.BlockSpec((1, f, d), lambda i: (i, 0, 0)),
            pl.BlockSpec((1, d, f), lambda i: (i, 0, 0)),
        ],
        out_specs=pl.BlockSpec((d, t), const2),
        out_shape=jax.ShapeDtypeStruct((d, t), jnp.float32),
        compiler_params=pltpu.CompilerParams(
            dimension_semantics=("arbitrary",),
        ),
    )(xTb, W4, sharedT, expert_gate_w, expert_up_w, expert_down_w)

    return outT.T.reshape(b, s, d), logitsT.T

# --- scband reference (transcript-rebuilt; emitter-appended) ---
"""Pipeline reference for scband-qwen3-next-sparse-moe-block-618475290760 (READ-ONLY COPY).

The authoritative reference and input builder live on the scoring server;
editing this copy changes nothing except your own understanding.
"""

import jax, jax.numpy as jnp
import numpy as np

B, S, D, E, K, F, FS = 64, 1, 2048, 64, 8, 512, 512


def setup_inputs(seed: int = 0) -> dict:
    key = jax.random.key(seed)
    ks = jax.random.split(key, 9)
    return {
        "hidden_states": jax.random.normal(ks[0], (B, S, D), dtype=jnp.float32),
        "router_w": jax.random.normal(ks[1], (E, D), dtype=jnp.float32) * 0.02,
        "expert_gate_w": jax.random.normal(ks[2], (E, F, D), dtype=jnp.float32) * 0.02,
        "expert_up_w": jax.random.normal(ks[3], (E, F, D), dtype=jnp.float32) * 0.02,
        "expert_down_w": jax.random.normal(ks[4], (E, D, F), dtype=jnp.float32) * 0.02,
        "shared_gate_w": jax.random.normal(ks[5], (FS, D), dtype=jnp.float32) * 0.02,
        "shared_up_w": jax.random.normal(ks[6], (FS, D), dtype=jnp.float32) * 0.02,
        "shared_down_w": jax.random.normal(ks[7], (D, FS), dtype=jnp.float32) * 0.02,
        "shared_expert_gate_w": jax.random.normal(ks[8], (1, D), dtype=jnp.float32) * 0.02,
    }


def reference(hidden_states, router_w, expert_gate_w, expert_up_w, expert_down_w,
              shared_gate_w, shared_up_w, shared_down_w, shared_expert_gate_w):
    b, s, d = hidden_states.shape
    x = hidden_states.reshape(-1, d)  # [T, D]
    router_logits = x @ router_w.T  # [T, E]
    probs = jax.nn.softmax(router_logits.astype(jnp.float32), axis=1)
    routing_weights, selected_experts = jax.lax.top_k(probs, K)  # [T, K]
    # norm_topk_prob = True
    routing_weights = routing_weights / jnp.sum(routing_weights, axis=-1, keepdims=True)
    routing_weights = routing_weights.astype(x.dtype)
    # Dense (all-experts) compute, then gather selected experts per token.
    # Mathematically identical to the torch dispatch loop.
    g = jnp.einsum('td,efd->tef', x, expert_gate_w)
    u = jnp.einsum('td,efd->tef', x, expert_up_w)
    h = jax.nn.silu(g) * u
    expert_out = jnp.einsum('tef,edf->ted', h, expert_down_w)  # [T, E, D]
    sel_out = jnp.take_along_axis(expert_out, selected_experts[:, :, None], axis=1)  # [T, K, D]
    final = jnp.sum(sel_out * routing_weights[:, :, None], axis=1)  # [T, D]
    # Shared expert (SwiGLU MLP) gated by sigmoid(shared_expert_gate(x))
    shared = (jax.nn.silu(x @ shared_gate_w.T) * (x @ shared_up_w.T)) @ shared_down_w.T
    shared = jax.nn.sigmoid(x @ shared_expert_gate_w.T) * shared
    final = final + shared
    return final.reshape(b, s, d), router_logits

if __name__ == "__main__":
    import jax
    _d = setup_inputs()
    print(jax.jit(kernel)(*tuple(_d.values())))

</pallas_src>

<mosaic_0001>
#map = affine_map<(d0, d1) -> (0, 0, 0)>
module attributes {stable_mosaic.version = 14 : i64} {
  func.func @routing(%arg0: i32, %arg1: i32, %arg2: memref<4x64x16xf32, #tpu.memory_space<hbm>>, %arg3: memref<4x64x16xf32, #tpu.memory_space<hbm>>, %arg4: memref<64x16xf32, #tpu.memory_space<vmem>>, %arg5: memref<64x16xf32, #tpu.memory_space<vmem>>) attributes {dimension_semantics = [#tpu.dimension_semantics<core_parallel>, #tpu.dimension_semantics<subcore_parallel>], iteration_bounds = array<i64: 2, 16>, scalar_prefetch = 0 : i64, scratch_operands = 2 : i64, tpu.core_type = #tpu.core_type<sc_vector_subcore>, window_params = [{transform_indices = #map}, {transform_indices = #map}]} {
    %mul3A = arith.constant 2 : i32
    %mul3A_0 = arith.muli %arg1, %mul3A : i32
    %add3A = arith.addi %mul3A_0, %arg0 : i32
    %lt3A = arith.constant 4 : i32
    %lt3A_1 = arith.cmpi slt, %add3A, %lt3A : i32
    %convert_element_type3A = arith.extui %lt3A_1 : i1 to i32
    %cond3A = arith.constant 0 : i32
    %cond3A_2 = arith.cmpi ne, %convert_element_type3A, %cond3A : i32
    scf.if %cond3A_2 {
      "tpu.region"() ({
        %run_scoped3A = tpu.sem_alloc : memref<!tpu.dma_semaphore, #tpu.memory_space<semaphore_mem>>
        %dma_start3A = arith.constant 0 : i32
        %dma_start3A_3327 = arith.constant 0 : i32
        %dma_start3A_3328 = tpu.memref_slice %arg2[%add3A, %dma_start3A, %dma_start3A_3327] : memref<4x64x16xf32, #tpu.memory_space<hbm>> -> memref<1x64x16xf32, #tpu.memory_space<hbm>>
        %dma_start3A_3329 = tpu.memref_squeeze %dma_start3A_3328 : memref<1x64x16xf32, #tpu.memory_space<hbm>> -> memref<64x16xf32, #tpu.memory_space<hbm>>
        %dma_start3A_3330 = arith.constant 0 : i32
        %dma_start3A_3331 = arith.constant 0 : i32
        %dma_start3A_3332 = tpu.memref_slice %arg2[%add3A, %dma_start3A_3330, %dma_start3A_3331] : memref<4x64x16xf32, #tpu.memory_space<hbm>> -> memref<1x64x16xf32, #tpu.memory_space<hbm>>
        %dma_start3A_3333 = tpu.memref_squeeze %dma_start3A_3332 : memref<1x64x16xf32, #tpu.memory_space<hbm>> -> memref<64x16xf32, #tpu.memory_space<hbm>>
        tpu.enqueue_dma source(%dma_start3A_3333 : memref<64x16xf32, #tpu.memory_space<hbm>>) target(%arg4 : memref<64x16xf32, #tpu.memory_space<vmem>>) target_semaphore(%run_scoped3A : memref<!tpu.dma_semaphore, #tpu.memory_space<semaphore_mem>>)
        %dma_wait3A = arith.constant 0 : i32
        %dma_wait3A_3334 = arith.constant 0 : i32
        %dma_wait3A_3335 = tpu.memref_slice %arg2[%add3A, %dma_wait3A, %dma_wait3A_3334] : memref<4x64x16xf32, #tpu.memory_space<hbm>> -> memref<1x64x16xf32, #tpu.memory_space<hbm>>
        %dma_wait3A_3336 = tpu.memref_squeeze %dma_wait3A_3335 : memref<1x64x16xf32, #tpu.memory_space<hbm>> -> memref<64x16xf32, #tpu.memory_space<hbm>>
        %dma_wait3A_3337 = arith.constant 0 : i32
        %dma_wait3A_3338 = arith.constant 0 : i32
        %dma_wait3A_3339 = tpu.memref_slice %arg2[%add3A, %dma_wait3A_3337, %dma_wait3A_3338] : memref<4x64x16xf32, #tpu.memory_space<hbm>> -> memref<1x64x16xf32, #tpu.memory_space<hbm>>
        %dma_wait3A_3340 = tpu.memref_squeeze %dma_wait3A_3339 : memref<1x64x16xf32, #tpu.memory_space<hbm>> -> memref<64x16xf32, #tpu.memory_space<hbm>>
        tpu.wait_dma2 semaphore(%run_scoped3A : memref<!tpu.dma_semaphore, #tpu.memory_space<semaphore_mem>>) src(%dma_wait3A_3340 : memref<64x16xf32, #tpu.memory_space<hbm>>) dst(%arg4 : memref<64x16xf32, #tpu.memory_space<vmem>>)
        tpu.yield
      }) : () -> ()
      %broadcast_in_dim3A = arith.constant 0xFF800000 : f32
      %broadcast_in_dim3A_3 = vector.broadcast %broadcast_in_dim3A : f32 to vector<16xf32>
      %get3A = arith.constant 0 : i32
      %get3A_4 = arith.index_cast %get3A : i32 to index
      %get3A_5 = arith.constant 0 : index
      %get3A_6 = tpu.vector_load %arg4[%get3A_4, %get3A_5] {strides = array<i32>} : memref<64x16xf32, #tpu.memory_space<vmem>>, vector<1x16xf32>,
      %get3A_7 = vector.shape_cast %get3A_6 : vector<1x16xf32> to vector<16xf32>
      %max3A = arith.maximumf %broadcast_in_dim3A_3, %get3A_7 : vector<16xf32>
      %max3A_8 = arith.maximumf %broadcast_in_dim3A_3, %get3A_7 : vector<16xf32>
      %min3A = arith.minimumf %broadcast_in_dim3A_3, %get3A_7 : vector<16xf32>
      %max3A_9 = arith.maximumf %broadcast_in_dim3A_3, %min3A : vector<16xf32>
      %min3A_10 = arith.minimumf %broadcast_in_dim3A_3, %min3A : vector<16xf32>
      %max3A_11 = arith.maximumf %broadcast_in_dim3A_3, %min3A_10 : vector<16xf32>
      %min3A_12 = arith.minimumf %broadcast_in_dim3A_3, %min3A_10 : vector<16xf32>
      %max3A_13 = arith.maximumf %broadcast_in_dim3A_3, %min3A_12 : vector<16xf32>
      %min3A_14 = arith.minimumf %broadcast_in_dim3A_3, %min3A_12 : vector<16xf32>
      %max3A_15 = arith.maximumf %broadcast_in_dim3A_3, %min3A_14 : vector<16xf32>
      %min3A_16 = arith.minimumf %broadcast_in_dim3A_3, %min3A_14 : vector<16xf32>
      %max3A_17 = arith.maximumf %broadcast_in_dim3A_3, %min3A_16 : vector<16xf32>
      %min3A_18 = arith.minimumf %broadcast_in_dim3A_3, %min3A_16 : vector<16xf32>
      %max3A_19 = arith.maximumf %broadcast_in_dim3A_3, %min3A_18 : vector<16xf32>
      %min3A_20 = arith.minimumf %broadcast_in_dim3A_3, %min3A_18 : vector<16xf32>
      %max3A_21 = arith.maximumf %broadcast_in_dim3A_3, %min3A_20 : vector<16xf32>
      %min3A_22 = arith.minimumf %broadcast_in_dim3A_3, %min3A_20 : vector<16xf32>
      %get3A_23 = arith.constant 1 : i32
      %get3A_24 = arith.index_cast %get3A_23 : i32 to index
      %get3A_25 = arith.constant 0 : index
      %get3A_26 = tpu.vector_load %arg4[%get3A_24, %get3A_25] {strides = array<i32>} : memref<64x16xf32, #tpu.memory_space<vmem>>, vector<1x16xf32>,
      %get3A_27 = vector.shape_cast %get3A_26 : vector<1x16xf32> to vector<16xf32>
      %max3A_28 = arith.maximumf %max3A, %get3A_27 : vector<16xf32>
      %max3A_29 = arith.maximumf %max3A_8, %get3A_27 : vector<16xf32>
      %min3A_30 = arith.minimumf %max3A_8, %get3A_27 : vector<16xf32>
      %max3A_31 = arith.maximumf %max3A_9, %min3A_30 : vector<16xf32>
      %min3A_32 = arith.minimumf %max3A_9, %min3A_30 : vector<16xf32>
      %max3A_33 = arith.maximumf %max3A_11, %min3A_32 : vector<16xf32>
      %min3A_34 = arith.minimumf %max3A_11, %min3A_32 : vector<16xf32>
      %max3A_35 = arith.maximumf %max3A_13, %min3A_34 : vector<16xf32>
      %min3A_36 = arith.minimumf %max3A_13, %min3A_34 : vector<16xf32>
      %max3A_37 = arith.maximumf %max3A_15, %min3A_36 : vector<16xf32>
      %min3A_38 = arith.minimumf %max3A_15, %min3A_36 : vector<16xf32>
      %max3A_39 = arith.maximumf %max3A_17, %min3A_38 : vector<16xf32>
      %min3A_40 = arith.minimumf %max3A_17, %min3A_38 : vector<16xf32>
      %max3A_41 = arith.maximumf %max3A_19, %min3A_40 : vector<16xf32>
      %min3A_42 = arith.minimumf %max3A_19, %min3A_40 : vector<16xf32>
      %max3A_43 = arith.maximumf %max3A_21, %min3A_42 : vector<16xf32>
      %min3A_44 = arith.minimumf %max3A_21, %min3A_42 : vector<16xf32>
      %get3A_45 = arith.constant 2 : i32
      %get3A_46 = arith.index_cast %get3A_45 : i32 to index
      %get3A_47 = arith.constant 0 : index
      %get3A_48 = tpu.vector_load %arg4[%get3A_46, %get3A_47] {strides = array<i32>} : memref<64x16xf32, #tpu.memory_space<vmem>>, vector<1x16xf32>,
      %get3A_49 = vector.shape_cast %get3A_48 : vector<1x16xf32> to vector<16xf32>
      %max3A_50 = arith.maximumf %max3A_28, %get3A_49 : vector<16xf32>
      %max3A_51 = arith.maximumf %max3A_29, %get3A_49 : vector<16xf32>
      %min3A_52 = arith.minimumf %max3A_29, %get3A_49 : vector<16xf32>
      %max3A_53 = arith.maximumf %max3A_31, %min3A_52 : vector<16xf32>
      %min3A_54 = arith.minimumf %max3A_31, %min3A_52 : vector<16xf32>
      %max3A_55 = arith.maximumf %max3A_33, %min3A_54 : vector<16xf32>
      %min3A_56 = arith.minimumf %max3A_33, %min3A_54 : vector<16xf32>
      %max3A_57 = arith.maximumf %max3A_35, %min3A_56 : vector<16xf32>
      %min3A_58 = arith.minimumf %max3A_35, %min3A_56 : vector<16xf32>
      %max3A_59 = arith.maximumf %max3A_37, %min3A_58 : vector<16xf32>
      %min3A_60 = arith.minimumf %max3A_37, %min3A_58 : vector<16xf32>
      %max3A_61 = arith.maximumf %max3A_39, %min3A_60 : vector<16xf32>
      %min3A_62 = arith.minimumf %max3A_39, %min3A_60 : vector<16xf32>
      %max3A_63 = arith.maximumf %max3A_41, %min3A_62 : vector<16xf32>
      %min3A_64 = arith.minimumf %max3A_41, %min3A_62 : vector<16xf32>
      %max3A_65 = arith.maximumf %max3A_43, %min3A_64 : vector<16xf32>
      %min3A_66 = arith.minimumf %max3A_43, %min3A_64 : vector<16xf32>
      %get3A_67 = arith.constant 3 : i32
      %get3A_68 = arith.index_cast %get3A_67 : i32 to index
      %get3A_69 = arith.constant 0 : index
      %get3A_70 = tpu.vector_load %arg4[%get3A_68, %get3A_69] {strides = array<i32>} : memref<64x16xf32, #tpu.memory_space<vmem>>, vector<1x16xf32>,
      %get3A_71 = vector.shape_cast %get3A_70 : vector<1x16xf32> to vector<16xf32>
      %max3A_72 = arith.maximumf %max3A_50, %get3A_71 : vector<16xf32>
      %max3A_73 = arith.maximumf %max3A_51, %get3A_71 : vector<16xf32>
      %min3A_74 = arith.minimumf %max3A_51, %get3A_71 : vector<16xf32>
      %max3A_75 = arith.maximumf %max3A_53, %min3A_74 : vector<16xf32>
      %min3A_76 = arith.minimumf %max3A_53, %min3A_74 : vector<16xf32>
      %max3A_77 = arith.maximumf %max3A_55, %min3A_76 : vector<16xf32>
      %min3A_78 = arith.minimumf %max3A_55, %min3A_76 : vector<16xf32>
      %max3A_79 = arith.maximumf %max3A_57, %min3A_78 : vector<16xf32>
      %min3A_80 = arith.minimumf %max3A_57, %min3A_78 : vector<16xf32>
      %max3A_81 = arith.maximumf %max3A_59, %min3A_80 : vector<16xf32>
      %min3A_82 = arith.minimumf %max3A_59, %min3A_80 : vector<16xf32>
      %max3A_83 = arith.maximumf %max3A_61, %min3A_82 : vector<16xf32>
      %min3A_84 = arith.minimumf %max3A_61, %min3A_82 : vector<16xf32>
      %max3A_85 = arith.maximumf %max3A_63, %min3A_84 : vector<16xf32>
      %min3A_86 = arith.minimumf %max3A_63, %min3A_84 : vector<16xf32>
      %max3A_87 = arith.maximumf %max3A_65, %min3A_86 : vector<16xf32>
      %min3A_88 = arith.minimumf %max3A_65, %min3A_86 : vector<16xf32>
      %get3A_89 = arith.constant 4 : i32
      %get3A_90 = arith.index_cast %get3A_89 : i32 to index
      %get3A_91 = arith.constant 0 : index
      %get3A_92 = tpu.vector_load %arg4[%get3A_90, %get3A_91] {strides = array<i32>} : memref<64x16xf32, #tpu.memory_space<vmem>>, vector<1x16xf32>,
      %get3A_93 = vector.shape_cast %get3A_92 : vector<1x16xf32> to vector<16xf32>
      %max3A_94 = arith.maximumf %max3A_72, %get3A_93 : vector<16xf32>
      %max3A_95 = arith.maximumf %max3A_73, %get3A_93 : vector<16xf32>
      %min3A_96 = arith.minimumf %max3A_73, %get3A_93 : vector<16xf32>
      %max3A_97 = arith.maximumf %max3A_75, %min3A_96 : vector<16xf32>
      %min3A_98 = arith.minimumf %max3A_75, %min3A_96 : vector<16xf32>
      %max3A_99 = arith.maximumf %max3A_77, %min3A_98 : vector<16xf32>
      %min3A_100 = arith.minimumf %max3A_77, %min3A_98 : vector<16xf32>
      %max3A_101 = arith.maximumf %max3A_79, %min3A_100 : vector<16xf32>
      %min3A_102 = arith.minimumf %max3A_79, %min3A_100 : vector<16xf32>
      %max3A_103 = arith.maximumf %max3A_81, %min3A_102 : vector<16xf32>
      %min3A_104 = arith.minimumf %max3A_81, %min3A_102 : vector<16xf32>
      %max3A_105 = arith.maximumf %max3A_83, %min3A_104 : vector<16xf32>
      %min3A_106 = arith.minimumf %max3A_83, %min3A_104 : vector<16xf32>
      %max3A_107 = arith.maximumf %max3A_85, %min3A_106 : vector<16xf32>
      %min3A_108 = arith.minimumf %max3A_85, %min3A_106 : vector<16xf32>
      %max3A_109 = arith.maximumf %max3A_87, %min3A_108 : vector<16xf32>
      %min3A_110 = arith.minimumf %max3A_87, %min3A_108 : vector<16xf32>
      %get3A_111 = arith.constant 5 : i32
      %get3A_112 = arith.index_cast %get3A_111 : i32 to index
      %get3A_113 = arith.constant 0 : index
      %get3A_114 = tpu.vector_load %arg4[%get3A_112, %get3A_113] {strides = array<i32>} : memref<64x16xf32, #tpu.memory_space<vmem>>, vector<1x16xf32>,
      %get3A_115 = vector.shape_cast %get3A_114 : vector<1x16xf32> to vector<16xf32>
      %max3A_116 = arith.maximumf %max3A_94, %get3A_115 : vector<16xf32>
      %max3A_117 = arith.maximumf %max3A_95, %get3A_115 : vector<16xf32>
      %min3A_118 = arith.minimumf %max3A_95, %get3A_115 : vector<16xf32>
      %max3A_119 = arith.maximumf %max3A_97, %min3A_118 : vector<16xf32>
      %min3A_120 = arith.minimumf %max3A_97, %min3A_118 : vector<16xf32>
      %max3A_121 = arith.maximumf %max3A_99, %min3A_120 : vector<16xf32>
      %min3A_122 = arith.minimumf %max3A_99, %min3A_120 : vector<16xf32>
      %max3A_123 = arith.maximumf %max3A_101, %min3A_122 : vector<16xf32>
      %min3A_124 = arith.minimumf %max3A_101, %min3A_122 : vector<16xf32>
      %max3A_125 = arith.maximumf %max3A_103, %min3A_124 : vector<16xf32>
      %min3A_126 = arith.minimumf %max3A_103, %min3A_124 : vector<16xf32>
      %max3A_127 = arith.maximumf %max3A_105, %min3A_126 : vector<16xf32>
      %min3A_128 = arith.minimumf %max3A_105, %min3A_126 : vector<16xf32>
      %max3A_129 = arith.maximumf %max3A_107, %min3A_128 : vector<16xf32>
      %min3A_130 = arith.minimumf %max3A_107, %min3A_128 : vector<16xf32>
      %max3A_131 = arith.maximumf %max3A_109, %min3A_130 : vector<16xf32>
      %min3A_132 = arith.minimumf %max3A_109, %min3A_130 : vector<16xf32>
      %get3A_133 = arith.constant 6 : i32
      %get3A_134 = arith.index_cast %get3A_133 : i32 to index
      %get3A_135 = arith.constant 0 : index
      %get3A_136 = tpu.vector_load %arg4[%get3A_134, %get3A_135] {strides = array<i32>} : memref<64x16xf32, #tpu.memory_space<vmem>>, vector<1x16xf32>,
      %get3A_137 = vector.shape_cast %get3A_136 : vector<1x16xf32> to vector<16xf32>
      %max3A_138 = arith.maximumf %max3A_116, %get3A_137 : vector<16xf32>
      %max3A_139 = arith.maximumf %max3A_117, %get3A_137 : vector<16xf32>
      %min3A_140 = arith.minimumf %max3A_117, %get3A_137 : vector<16xf32>
      %max3A_141 = arith.maximumf %max3A_119, %min3A_140 : vector<16xf32>
      %min3A_142 = arith.minimumf %max3A_119, %min3A_140 : vector<16xf32>
      %max3A_143 = arith.maximumf %max3A_121, %min3A_142 : vector<16xf32>
      %min3A_144 = arith.minimumf %max3A_121, %min3A_142 : vector<16xf32>
      %max3A_145 = arith.maximumf %max3A_123, %min3A_144 : vector<16xf32>
      %min3A_146 = arith.minimumf %max3A_123, %min3A_144 : vector<16xf32>
      %max3A_147 = arith.maximumf %max3A_125, %min3A_146 : vector<16xf32>
      %min3A_148 = arith.minimumf %max3A_125, %min3A_146 : vector<16xf32>
      %max3A_149 = arith.maximumf %max3A_127, %min3A_148 : vector<16xf32>
      %min3A_150 = arith.minimumf %max3A_127, %min3A_148 : vector<16xf32>
      %max3A_151 = arith.maximumf %max3A_129, %min3A_150 : vector<16xf32>
      %min3A_152 = arith.minimumf %max3A_129, %min3A_150 : vector<16xf32>
      %max3A_153 = arith.maximumf %max3A_131, %min3A_152 : vector<16xf32>
      %min3A_154 = arith.minimumf %max3A_131, %min3A_152 : vector<16xf32>
      %get3A_155 = arith.constant 7 : i32
      %get3A_156 = arith.index_cast %get3A_155 : i32 to index
      %get3A_157 = arith.constant 0 : index
      %get3A_158 = tpu.vector_load %arg4[%get3A_156, %get3A_157] {strides = array<i32>} : memref<64x16xf32, #tpu.memory_space<vmem>>, vector<1x16xf32>,
      %get3A_159 = vector.shape_cast %get3A_158 : vector<1x16xf32> to vector<16xf32>
      %max3A_160 = arith.maximumf %max3A_138, %get3A_159 : vector<16xf32>
      %max3A_161 = arith.maximumf %max3A_139, %get3A_159 : vector<16xf32>
      %min3A_162 = arith.minimumf %max3A_139, %get3A_159 : vector<16xf32>
      %max3A_163 = arith.maximumf %max3A_141, %min3A_162 : vector<16xf32>
      %min3A_164 = arith.minimumf %max3A_141, %min3A_162 : vector<16xf32>
      %max3A_165 = arith.maximumf %max3A_143, %min3A_164 : vector<16xf32>
      %min3A_166 = arith.minimumf %max3A_143, %min3A_164 : vector<16xf32>
      %max3A_167 = arith.maximumf %max3A_145, %min3A_166 : vector<16xf32>
      %min3A_168 = arith.minimumf %max3A_145, %min3A_166 : vector<16xf32>
      %max3A_169 = arith.maximumf %max3A_147, %min3A_168 : vector<16xf32>
      %min3A_170 = arith.minimumf %max3A_147, %min3A_168 : vector<16xf32>
      %max3A_171 = arith.maximumf %max3A_149, %min3A_170 : vector<16xf32>
      %min3A_172 = arith.minimumf %max3A_149, %min3A_170 : vector<16xf32>
      %max3A_173 = arith.maximumf %max3A_151, %min3A_172 : vector<16xf32>
      %min3A_174 = arith.minimumf %max3A_151, %min3A_172 : vector<16xf32>
      %max3A_175 = arith.maximumf %max3A_153, %min3A_174 : vector<16xf32>
      %min3A_176 = arith.minimumf %max3A_153, %min3A_174 : vector<16xf32>
      %get3A_177 = arith.constant 8 : i32
      %get3A_178 = arith.index_cast %get3A_177 : i32 to index
      %get3A_179 = arith.constant 0 : index
      %get3A_180 = tpu.vector_load %arg4[%get3A_178, %get3A_179] {strides = array<i32>} : memref<64x16xf32, #tpu.memory_space<vmem>>, vector<1x16xf32>,
      %get3A_181 = vector.shape_cast %get3A_180 : vector<1x16xf32> to vector<16xf32>
      %max3A_182 = arith.maximumf %max3A_160, %get3A_181 : vector<16xf32>
      %max3A_183 = arith.maximumf %max3A_161, %get3A_181 : vector<16xf32>
      %min3A_184 = arith.minimumf %max3A_161, %get3A_181 : vector<16xf32>
      %max3A_185 = arith.maximumf %max3A_163, %min3A_184 : vector<16xf32>
      %min3A_186 = arith.minimumf %max3A_163, %min3A_184 : vector<16xf32>
      %max3A_187 = arith.maximumf %max3A_165, %min3A_186 : vector<16xf32>
      %min3A_188 = arith.minimumf %max3A_165, %min3A_186 : vector<16xf32>
      %max3A_189 = arith.maximumf %max3A_167, %min3A_188 : vector<16xf32>
      %min3A_190 = arith.minimumf %max3A_167, %min3A_188 : vector<16xf32>
      %max3A_191 = arith.maximumf %max3A_169, %min3A_190 : vector<16xf32>
      %min3A_192 = arith.minimumf %max3A_169, %min3A_190 : vector<16xf32>
      %max3A_193 = arith.maximumf %max3A_171, %min3A_192 : vector<16xf32>
      %min3A_194 = arith.minimumf %max3A_171, %min3A_192 : vector<16xf32>
      %max3A_195 = arith.maximumf %max3A_173, %min3A_194 : vector<16xf32>
      %min3A_196 = arith.minimumf %max3A_173, %min3A_194 : vector<16xf32>
      %max3A_197 = arith.maximumf %max3A_175, %min3A_196 : vector<16xf32>
      %min3A_198 = arith.minimumf %max3A_175, %min3A_196 : vector<16xf32>
      %get3A_199 = arith.constant 9 : i32
      %get3A_200 = arith.index_cast %get3A_199 : i32 to index
      %get3A_201 = arith.constant 0 : index
      %get3A_202 = tpu.vector_load %arg4[%get3A_200, %get3A_201] {strides = array<i32>} : memref<64x16xf32, #tpu.memory_space<vmem>>, vector<1x16xf32>,
      %get3A_203 = vector.shape_cast %get3A_202 : vector<1x16xf32> to vector<16xf32>
      %max3A_204 = arith.maximumf %max3A_182, %get3A_203 : vector<16xf32>
      %max3A_205 = arith.maximumf %max3A_183, %get3A_203 : vector<16xf32>
      %min3A_206 = arith.minimumf %max3A_183, %get3A_203 : vector<16xf32>
      %max3A_207 = arith.maximumf %max3A_185, %min3A_206 : vector<16xf32>
      %min3A_208 = arith.minimumf %max3A_185, %min3A_206 : vector<16xf32>
      %max3A_209 = arith.maximumf %max3A_187, %min3A_208 : vector<16xf32>
      %min3A_210 = arith.minimumf %max3A_187, %min3A_208 : vector<16xf32>
      %max3A_211 = arith.maximumf %max3A_189, %min3A_210 : vector<16xf32>
      %min3A_212 = arith.minimumf %max3A_189, %min3A_210 : vector<16xf32>
      %max3A_213 = arith.maximumf %max3A_191, %min3A_212 : vector<16xf32>
      %min3A_214 = arith.minimumf %max3A_191, %min3A_212 : vector<16xf32>
      %max3A_215 = arith.maximumf %max3A_193, %min3A_214 : vector<16xf32>
      %min3A_216 = arith.minimumf %max3A_193, %min3A_214 : vector<16xf32>
      %max3A_217 = arith.maximumf %max3A_195, %min3A_216 : vector<16xf32>
      %min3A_218 = arith.minimumf %max3A_195, %min3A_216 : vector<16xf32>
      %max3A_219 = arith.maximumf %max3A_197, %min3A_218 : vector<16xf32>
      %min3A_220 = arith.minimumf %max3A_197, %min3A_218 : vector<16xf32>
      %get3A_221 = arith.constant 10 : i32
      %get3A_222 = arith.index_cast %get3A_221 : i32 to index
      %get3A_223 = arith.constant 0 : index
      %get3A_224 = tpu.vector_load %arg4[%get3A_222, %get3A_223] {strides = array<i32>} : memref<64x16xf32, #tpu.memory_space<vmem>>, vector<1x16xf32>,
      %get3A_225 = vector.shape_cast %get3A_224 : vector<1x16xf32> to vector<16xf32>
      %max3A_226 = arith.maximumf %max3A_204, %get3A_225 : vector<16xf32>
      %max3A_227 = arith.maximumf %max3A_205, %get3A_225 : vector<16xf32>
      %min3A_228 = arith.minimumf %max3A_205, %get3A_225 : vector<16xf32>
      %max3A_229 = arith.maximumf %max3A_207, %min3A_228 : vector<16xf32>
      %min3A_230 = arith.minimumf %max3A_207, %min3A_228 : vector<16xf32>
      %max3A_231 = arith.maximumf %max3A_209, %min3A_230 : vector<16xf32>
      %min3A_232 = arith.minimumf %max3A_209, %min3A_230 : vector<16xf32>
      %max3A_233 = arith.maximumf %max3A_211, %min3A_232 : vector<16xf32>
      %min3A_234 = arith.minimumf %max3A_211, %min3A_232 : vector<16xf32>
      %max3A_235 = arith.maximumf %max3A_213, %min3A_234 : vector<16xf32>
      %min3A_236 = arith.minimumf %max3A_213, %min3A_234 : vector<16xf32>
      %max3A_237 = arith.maximumf %max3A_215, %min3A_236 : vector<16xf32>
      %min3A_238 = arith.minimumf %max3A_215, %min3A_236 : vector<16xf32>
      %max3A_239 = arith.maximumf %max3A_217, %min3A_238 : vector<16xf32>
      %min3A_240 = arith.minimumf %max3A_217, %min3A_238 : vector<16xf32>
      %max3A_241 = arith.maximumf %max3A_219, %min3A_240 : vector<16xf32>
      %min3A_242 = arith.minimumf %max3A_219, %min3A_240 : vector<16xf32>
      %get3A_243 = arith.constant 11 : i32
      %get3A_244 = arith.index_cast %get3A_243 : i32 to index
      %get3A_245 = arith.constant 0 : index
      %get3A_246 = tpu.vector_load %arg4[%get3A_244, %get3A_245] {strides = array<i32>} : memref<64x16xf32, #tpu.memory_space<vmem>>, vector<1x16xf32>,
      %get3A_247 = vector.shape_cast %get3A_246 : vector<1x16xf32> to vector<16xf32>
      %max3A_248 = arith.maximumf %max3A_226, %get3A_247 : vector<16xf32>
      %max3A_249 = arith.maximumf %max3A_227, %get3A_247 : vector<16xf32>
      %min3A_250 = arith.minimumf %max3A_227, %get3A_247 : vector<16xf32>
      %max3A_251 = arith.maximumf %max3A_229, %min3A_250 : vector<16xf32>
      %min3A_252 = arith.minimumf %max3A_229, %min3A_250 : vector<16xf32>
      %max3A_253 = arith.maximumf %max3A_231, %min3A_252 : vector<16xf32>
      %min3A_254 = arith.minimumf %max3A_231, %min3A_252 : vector<16xf32>
      %max3A_255 = arith.maximumf %max3A_233, %min3A_254 : vector<16xf32>
      %min3A_256 = arith.minimumf %max3A_233, %min3A_254 : vector<16xf32>
      %max3A_257 = arith.maximumf %max3A_235, %min3A_256 : vector<16xf32>
      %min3A_258 = arith.minimumf %max3A_235, %min3A_256 : vector<16xf32>
      %max3A_259 = arith.maximumf %max3A_237, %min3A_258 : vector<16xf32>
      %min3A_260 = arith.minimumf %max3A_237, %min3A_258 : vector<16xf32>
      %max3A_261 = arith.maximumf %max3A_239, %min3A_260 : vector<16xf32>
      %min3A_262 = arith.minimumf %max3A_239, %min3A_260 : vector<16xf32>
      %max3A_263 = arith.maximumf %max3A_241, %min3A_262 : vector<16xf32>
      %min3A_264 = arith.minimumf %max3A_241, %min3A_262 : vector<16xf32>
      %get3A_265 = arith.constant 12 : i32
      %get3A_266 = arith.index_cast %get3A_265 : i32 to index
      %get3A_267 = arith.constant 0 : index
      %get3A_268 = tpu.vector_load %arg4[%get3A_266, %get3A_267] {strides = array<i32>} : memref<64x16xf32, #tpu.memory_space<vmem>>, vector<1x16xf32>,
      %get3A_269 = vector.shape_cast %get3A_268 : vector<1x16xf32> to vector<16xf32>
      %max3A_270 = arith.maximumf %max3A_248, %get3A_269 : vector<16xf32>
      %max3A_271 = arith.maximumf %max3A_249, %get3A_269 : vector<16xf32>
      %min3A_272 = arith.minimumf %max3A_249, %get3A_269 : vector<16xf32>
      %max3A_273 = arith.maximumf %max3A_251, %min3A_272 : vector<16xf32>
      %min3A_274 = arith.minimumf %max3A_251, %min3A_272 : vector<16xf32>
      %max3A_275 = arith.maximumf %max3A_253, %min3A_274 : vector<16xf32>
      %min3A_276 = arith.minimumf %max3A_253, %min3A_274 : vector<16xf32>
      %max3A_277 = arith.maximumf %max3A_255, %min3A_276 : vector<16xf32>
      %min3A_278 = arith.minimumf %max3A_255, %min3A_276 : vector<16xf32>
      %max3A_279 = arith.maximumf %max3A_257, %min3A_278 : vector<16xf32>
      %min3A_280 = arith.minimumf %max3A_257, %min3A_278 : vector<16xf32>
      %max3A_281 = arith.maximumf %max3A_259, %min3A_280 : vector<16xf32>
      %min3A_282 = arith.minimumf %max3A_259, %min3A_280 : vector<16xf32>
      %max3A_283 = arith.maximumf %max3A_261, %min3A_282 : vector<16xf32>
      %min3A_284 = arith.minimumf %max3A_261, %min3A_282 : vector<16xf32>
      %max3A_285 = arith.maximumf %max3A_263, %min3A_284 : vector<16xf32>
      %min3A_286 = arith.minimumf %max3A_263, %min3A_284 : vector<16xf32>
      %get3A_287 = arith.constant 13 : i32
      %get3A_288 = arith.index_cast %get3A_287 : i32 to index
      %get3A_289 = arith.constant 0 : index
      %get3A_290 = tpu.vector_load %arg4[%get3A_288, %get3A_289] {strides = array<i32>} : memref<64x16xf32, #tpu.memory_space<vmem>>, vector<1x16xf32>,
      %get3A_291 = vector.shape_cast %get3A_290 : vector<1x16xf32> to vector<16xf32>
      %max3A_292 = arith.maximumf %max3A_270, %get3A_291 : vector<16xf32>
      %max3A_293 = arith.maximumf %max3A_271, %get3A_291 : vector<16xf32>
      %min3A_294 = arith.minimumf %max3A_271, %get3A_291 : vector<16xf32>
      %max3A_295 = arith.maximumf %max3A_273, %min3A_294 : vector<16xf32>
      %min3A_296 = arith.minimumf %max3A_273, %min3A_294 : vector<16xf32>
      %max3A_297 = arith.maximumf %max3A_275, %min3A_296 : vector<16xf32>
      %min3A_298 = arith.minimumf %max3A_275, %min3A_296 : vector<16xf32>
      %max3A_299 = arith.maximumf %max3A_277, %min3A_298 : vector<16xf32>
      %min3A_300 = arith.minimumf %max3A_277, %min3A_298 : vector<16xf32>
      %max3A_301 = arith.maximumf %max3A_279, %min3A_300 : vector<16xf32>
      %min3A_302 = arith.minimumf %max3A_279, %min3A_300 : vector<16xf32>
      %max3A_303 = arith.maximumf %max3A_281, %min3A_302 : vector<16xf32>
      %min3A_304 = arith.minimumf %max3A_281, %min3A_302 : vector<16xf32>
      %max3A_305 = arith.maximumf %max3A_283, %min3A_304 : vector<16xf32>
      %min3A_306 = arith.minimumf %max3A_283, %min3A_304 : vector<16xf32>
      %max3A_307 = arith.maximumf %max3A_285, %min3A_306 : vector<16xf32>
      %min3A_308 = arith.minimumf %max3A_285, %min3A_306 : vector<16xf32>
      %get3A_309 = arith.constant 14 : i32
      %get3A_310 = arith.index_cast %get3A_309 : i32 to index
      %get3A_311 = arith.constant 0 : index
      %get3A_312 = tpu.vector_load %arg4[%get3A_310, %get3A_311] {strides = array<i32>} : memref<64x16xf32, #tpu.memory_space<vmem>>, vector<1x16xf32>,
      %get3A_313 = vector.shape_cast %get3A_312 : vector<1x16xf32> to vector<16xf32>
      %max3A_314 = arith.maximumf %max3A_292, %get3A_313 : vector<16xf32>
      %max3A_315 = arith.maximumf %max3A_293, %get3A_313 : vector<16xf32>
      %min3A_316 = arith.minimumf %max3A_293, %get3A_313 : vector<16xf32>
      %max3A_317 = arith.maximumf %max3A_295, %min3A_316 : vector<16xf32>
      %min3A_318 = arith.minimumf %max3A_295, %min3A_316 : vector<16xf32>
      %max3A_319 = arith.maximumf %max3A_297, %min3A_318 : vector<16xf32>
      %min3A_320 = arith.minimumf %max3A_297, %min3A_318 : vector<16xf32>
      %max3A_321 = arith.maximumf %max3A_299, %min3A_320 : vector<16xf32>
      %min3A_322 = arith.minimumf %max3A_299, %min3A_320 : vector<16xf32>
      %max3A_323 = arith.maximumf %max3A_301, %min3A_322 : vector<16xf32>
      %min3A_324 = arith.minimumf %max3A_301, %min3A_322 : vector<16xf32>
      %max3A_325 = arith.maximumf %max3A_303, %min3A_324 : vector<16xf32>
      %min3A_326 = arith.minimumf %max3A_303, %min3A_324 : vector<16xf32>
      %max3A_327 = arith.maximumf %max3A_305, %min3A_326 : vector<16xf32>
      %min3A_328 = arith.minimumf %max3A_305, %min3A_326 : vector<16xf32>
      %max3A_329 = arith.maximumf %max3A_307, %min3A_328 : vector<16xf32>
      %min3A_330 = arith.minimumf %max3A_307, %min3A_328 : vector<16xf32>
      %get3A_331 = arith.constant 15 : i32
      %get3A_332 = arith.index_cast %get3A_331 : i32 to index
      %get3A_333 = arith.constant 0 : index
      %get3A_334 = tpu.vector_load %arg4[%get3A_332, %get3A_333] {strides = array<i32>} : memref<64x16xf32, #tpu.memory_space<vmem>>, vector<1x16xf32>,
      %get3A_335 = vector.shape_cast %get3A_334 : vector<1x16xf32> to vector<16xf32>
      %max3A_336 = arith.maximumf %max3A_314, %get3A_335 : vector<16xf32>
      %max3A_337 = arith.maximumf %max3A_315, %get3A_335 : vector<16xf32>
      %min3A_338 = arith.minimumf %max3A_315, %get3A_335 : vector<16xf32>
      %max3A_339 = arith.maximumf %max3A_317, %min3A_338 : vector<16xf32>
      %min3A_340 = arith.minimumf %max3A_317, %min3A_338 : vector<16xf32>
      %max3A_341 = arith.maximumf %max3A_319, %min3A_340 : vector<16xf32>
      %min3A_342 = arith.minimumf %max3A_319, %min3A_340 : vector<16xf32>
      %max3A_343 = arith.maximumf %max3A_321, %min3A_342 : vector<16xf32>
      %min3A_344 = arith.minimumf %max3A_321, %min3A_342 : vector<16xf32>
      %max3A_345 = arith.maximumf %max3A_323, %min3A_344 : vector<16xf32>
      %min3A_346 = arith.minimumf %max3A_323, %min3A_344 : vector<16xf32>
      %max3A_347 = arith.maximumf %max3A_325, %min3A_346 : vector<16xf32>
      %min3A_348 = arith.minimumf %max3A_325, %min3A_346 : vector<16xf32>
      %max3A_349 = arith.maximumf %max3A_327, %min3A_348 : vector<16xf32>
      %min3A_350 = arith.minimumf %max3A_327, %min3A_348 : vector<16xf32>
      %max3A_351 = arith.maximumf %max3A_329, %min3A_350 : vector<16xf32>
      %min3A_352 = arith.minimumf %max3A_329, %min3A_350 : vector<16xf32>
      %get3A_353 = arith.constant 16 : i32
      %get3A_354 = arith.index_cast %get3A_353 : i32 to index
      %get3A_355 = arith.constant 0 : index
      %get3A_356 = tpu.vector_load %arg4[%get3A_354, %get3A_355] {strides = array<i32>} : memref<64x16xf32, #tpu.memory_space<vmem>>, vector<1x16xf32>,
      %get3A_357 = vector.shape_cast %get3A_356 : vector<1x16xf32> to vector<16xf32>
      %max3A_358 = arith.maximumf %max3A_336, %get3A_357 : vector<16xf32>
      %max3A_359 = arith.maximumf %max3A_337, %get3A_357 : vector<16xf32>
      %min3A_360 = arith.minimumf %max3A_337, %get3A_357 : vector<16xf32>
      %max3A_361 = arith.maximumf %max3A_339, %min3A_360 : vector<16xf32>
      %min3A_362 = arith.minimumf %max3A_339, %min3A_360 : vector<16xf32>
      %max3A_363 = arith.maximumf %max3A_341, %min3A_362 : vector<16xf32>
      %min3A_364 = arith.minimumf %max3A_341, %min3A_362 : vector<16xf32>
      %max3A_365 = arith.maximumf %max3A_343, %min3A_364 : vector<16xf32>
      %min3A_366 = arith.minimumf %max3A_343, %min3A_364 : vector<16xf32>
      %max3A_367 = arith.maximumf %max3A_345, %min3A_366 : vector<16xf32>
      %min3A_368 = arith.minimumf %max3A_345, %min3A_366 : vector<16xf32>
      %max3A_369 = arith.maximumf %max3A_347, %min3A_368 : vector<16xf32>
      %min3A_370 = arith.minimumf %max3A_347, %min3A_368 : vector<16xf32>
      %max3A_371 = arith.maximumf %max3A_349, %min3A_370 : vector<16xf32>
      %min3A_372 = arith.minimumf %max3A_349, %min3A_370 : vector<16xf32>
      %max3A_373 = arith.maximumf %max3A_351, %min3A_372 : vector<16xf32>
      %min3A_374 = arith.minimumf %max3A_351, %min3A_372 : vector<16xf32>
      %get3A_375 = arith.constant 17 : i32
      %get3A_376 = arith.index_cast %get3A_375 : i32 to index
      %get3A_377 = arith.constant 0 : index
      %get3A_378 = tpu.vector_load %arg4[%get3A_376, %get3A_377] {strides = array<i32>} : memref<64x16xf32, #tpu.memory_space<vmem>>, vector<1x16xf32>,
      %get3A_379 = vector.shape_cast %get3A_378 : vector<1x16xf32> to vector<16xf32>
      %max3A_380 = arith.maximumf %max3A_358, %get3A_379 : vector<16xf32>
      %max3A_381 = arith.maximumf %max3A_359, %get3A_379 : vector<16xf32>
      %min3A_382 = arith.minimumf %max3A_359, %get3A_379 : vector<16xf32>
      %max3A_383 = arith.maximumf %max3A_361, %min3A_382 : vector<16xf32>
      %min3A_384 = arith.minimumf %max3A_361, %min3A_382 : vector<16xf32>
      %max3A_385 = arith.maximumf %max3A_363, %min3A_384 : vector<16xf32>
      %min3A_386 = arith.minimumf %max3A_363, %min3A_384 : vector<16xf32>
      %max3A_387 = arith.maximumf %max3A_365, %min3A_386 : vector<16xf32>
      %min3A_388 = arith.minimumf %max3A_365, %min3A_386 : vector<16xf32>
      %max3A_389 = arith.maximumf %max3A_367, %min3A_388 : vector<16xf32>
      %min3A_390 = arith.minimumf %max3A_367, %min3A_388 : vector<16xf32>
      %max3A_391 = arith.maximumf %max3A_369, %min3A_390 : vector<16xf32>
      %min3A_392 = arith.minimumf %max3A_369, %min3A_390 : vector<16xf32>
      %max3A_393 = arith.maximumf %max3A_371, %min3A_392 : vector<16xf32>
      %min3A_394 = arith.minimumf %max3A_371, %min3A_392 : vector<16xf32>
      %max3A_395 = arith.maximumf %max3A_373, %min3A_394 : vector<16xf32>
      %min3A_396 = arith.minimumf %max3A_373, %min3A_394 : vector<16xf32>
      %get3A_397 = arith.constant 18 : i32
      %get3A_398 = arith.index_cast %get3A_397 : i32 to index
      %get3A_399 = arith.constant 0 : index
      %get3A_400 = tpu.vector_load %arg4[%get3A_398, %get3A_399] {strides = array<i32>} : memref<64x16xf32, #tpu.memory_space<vmem>>, vector<1x16xf32>,
      %get3A_401 = vector.shape_cast %get3A_400 : vector<1x16xf32> to vector<16xf32>
      %max3A_402 = arith.maximumf %max3A_380, %get3A_401 : vector<16xf32>
      %max3A_403 = arith.maximumf %max3A_381, %get3A_401 : vector<16xf32>
      %min3A_404 = arith.minimumf %max3A_381, %get3A_401 : vector<16xf32>
      %max3A_405 = arith.maximumf %max3A_383, %min3A_404 : vector<16xf32>
      %min3A_406 = arith.minimumf %max3A_383, %min3A_404 : vector<16xf32>
      %max3A_407 = arith.maximumf %max3A_385, %min3A_406 : vector<16xf32>
      %min3A_408 = arith.minimumf %max3A_385, %min3A_406 : vector<16xf32>
      %max3A_409 = arith.maximumf %max3A_387, %min3A_408 : vector<16xf32>
      %min3A_410 = arith.minimumf %max3A_387, %min3A_408 : vector<16xf32>
      %max3A_411 = arith.maximumf %max3A_389, %min3A_410 : vector<16xf32>
      %min3A_412 = arith.minimumf %max3A_389, %min3A_410 : vector<16xf32>
      %max3A_413 = arith.maximumf %max3A_391, %min3A_412 : vector<16xf32>
      %min3A_414 = arith.minimumf %max3A_391, %min3A_412 : vector<16xf32>
      %max3A_415 = arith.maximumf %max3A_393, %min3A_414 : vector<16xf32>
      %min3A_416 = arith.minimumf %max3A_393, %min3A_414 : vector<16xf32>
      %max3A_417 = arith.maximumf %max3A_395, %min3A_416 : vector<16xf32>
      %min3A_418 = arith.minimumf %max3A_395, %min3A_416 : vector<16xf32>
      %get3A_419 = arith.constant 19 : i32
      %get3A_420 = arith.index_cast %get3A_419 : i32 to index
      %get3A_421 = arith.constant 0 : index
      %get3A_422 = tpu.vector_load %arg4[%get3A_420, %get3A_421] {strides = array<i32>} : memref<64x16xf32, #tpu.memory_space<vmem>>, vector<1x16xf32>,
      %get3A_423 = vector.shape_cast %get3A_422 : vector<1x16xf32> to vector<16xf32>
      %max3A_424 = arith.maximumf %max3A_402, %get3A_423 : vector<16xf32>
      %max3A_425 = arith.maximumf %max3A_403, %get3A_423 : vector<16xf32>
      %min3A_426 = arith.minimumf %max3A_403, %get3A_423 : vector<16xf32>
      %max3A_427 = arith.maximumf %max3A_405, %min3A_426 : vector<16xf32>
      %min3A_428 = arith.minimumf %max3A_405, %min3A_426 : vector<16xf32>
      %max3A_429 = arith.maximumf %max3A_407, %min3A_428 : vector<16xf32>
      %min3A_430 = arith.minimumf %max3A_407, %min3A_428 : vector<16xf32>
      %max3A_431 = arith.maximumf %max3A_409, %min3A_430 : vector<16xf32>
      %min3A_432 = arith.minimumf %max3A_409, %min3A_430 : vector<16xf32>
      %max3A_433 = arith.maximumf %max3A_411, %min3A_432 : vector<16xf32>
      %min3A_434 = arith.minimumf %max3A_411, %min3A_432 : vector<16xf32>
      %max3A_435 = arith.maximumf %max3A_413, %min3A_434 : vector<16xf32>
      %min3A_436 = arith.minimumf %max3A_413, %min3A_434 : vector<16xf32>
      %max3A_437 = arith.maximumf %max3A_415, %min3A_436 : vector<16xf32>
      %min3A_438 = arith.minimumf %max3A_415, %min3A_436 : vector<16xf32>
      %max3A_439 = arith.maximumf %max3A_417, %min3A_438 : vector<16xf32>
      %min3A_440 = arith.minimumf %max3A_417, %min3A_438 : vector<16xf32>
      %get3A_441 = arith.constant 20 : i32
      %get3A_442 = arith.index_cast %get3A_441 : i32 to index
      %get3A_443 = arith.constant 0 : index
      %get3A_444 = tpu.vector_load %arg4[%get3A_442, %get3A_443] {strides = array<i32>} : memref<64x16xf32, #tpu.memory_space<vmem>>, vector<1x16xf32>,
      %get3A_445 = vector.shape_cast %get3A_444 : vector<1x16xf32> to vector<16xf32>
      %max3A_446 = arith.maximumf %max3A_424, %get3A_445 : vector<16xf32>
      %max3A_447 = arith.maximumf %max3A_425, %get3A_445 : vector<16xf32>
      %min3A_448 = arith.minimumf %max3A_425, %get3A_445 : vector<16xf32>
      %max3A_449 = arith.maximumf %max3A_427, %min3A_448 : vector<16xf32>
      %min3A_450 = arith.minimumf %max3A_427, %min3A_448 : vector<16xf32>
      %max3A_451 = arith.maximumf %max3A_429, %min3A_450 : vector<16xf32>
      %min3A_452 = arith.minimumf %max3A_429, %min3A_450 : vector<16xf32>
      %max3A_453 = arith.maximumf %max3A_431, %min3A_452 : vector<16xf32>
      %min3A_454 = arith.minimumf %max3A_431, %min3A_452 : vector<16xf32>
      %max3A_455 = arith.maximumf %max3A_433, %min3A_454 : vector<16xf32>
      %min3A_456 = arith.minimumf %max3A_433, %min3A_454 : vector<16xf32>
      %max3A_457 = arith.maximumf %max3A_435, %min3A_456 : vector<16xf32>
      %min3A_458 = arith.minimumf %max3A_435, %min3A_456 : vector<16xf32>
      %max3A_459 = arith.maximumf %max3A_437, %min3A_458 : vector<16xf32>
      %min3A_460 = arith.minimumf %max3A_437, %min3A_458 : vector<16xf32>
      %max3A_461 = arith.maximumf %max3A_439, %min3A_460 : vector<16xf32>
      %min3A_462 = arith.minimumf %max3A_439, %min3A_460 : vector<16xf32>
      %get3A_463 = arith.constant 21 : i32
      %get3A_464 = arith.index_cast %get3A_463 : i32 to index
      %get3A_465 = arith.constant 0 : index
      %get3A_466 = tpu.vector_load %arg4[%get3A_464, %get3A_465] {strides = array<i32>} : memref<64x16xf32, #tpu.memory_space<vmem>>, vector<1x16xf32>,
      %get3A_467 = vector.shape_cast %get3A_466 : vector<1x16xf32> to vector<16xf32>
      %max3A_468 = arith.maximumf %max3A_446, %get3A_467 : vector<16xf32>
      %max3A_469 = arith.maximumf %max3A_447, %get3A_467 : vector<16xf32>
      %min3A_470 = arith.minimumf %max3A_447, %get3A_467 : vector<16xf32>
      %max3A_471 = arith.maximumf %max3A_449, %min3A_470 : vector<16xf32>
      %min3A_472 = arith.minimumf %max3A_449, %min3A_470 : vector<16xf32>
      %max3A_473 = arith.maximumf %max3A_451, %min3A_472 : vector<16xf32>
      %min3A_474 = arith.minimumf %max3A_451, %min3A_472 : vector<16xf32>
      %max3A_475 = arith.maximumf %max3A_453, %min3A_474 : vector<16xf32>
      %min3A_476 = arith.minimumf %max3A_453, %min3A_474 : vector<16xf32>
      %max3A_477 = arith.maximumf %max3A_455, %min3A_476 : vector<16xf32>
      %min3A_478 = arith.minimumf %max3A_455, %min3A_476 : vector<16xf32>
      %max3A_479 = arith.maximumf %max3A_457, %min3A_478 : vector<16xf32>
      %min3A_480 = arith.minimumf %max3A_457, %min3A_478 : vector<16xf32>
      %max3A_481 = arith.maximumf %max3A_459, %min3A_480 : vector<16xf32>
      %min3A_482 = arith.minimumf %max3A_459, %min3A_480 : vector<16xf32>
      %max3A_483 = arith.maximumf %max3A_461, %min3A_482 : vector<16xf32>
      %min3A_484 = arith.minimumf %max3A_461, %min3A_482 : vector<16xf32>
      %get3A_485 = arith.constant 22 : i32
      %get3A_486 = arith.index_cast %get3A_485 : i32 to index
      %get3A_487 = arith.constant 0 : index
      %get3A_488 = tpu.vector_load %arg4[%get3A_486, %get3A_487] {strides = array<i32>} : memref<64x16xf32, #tpu.memory_space<vmem>>, vector<1x16xf32>,
      %get3A_489 = vector.shape_cast %get3A_488 : vector<1x16xf32> to vector<16xf32>
      %max3A_490 = arith.maximumf %max3A_468, %get3A_489 : vector<16xf32>
      %max3A_491 = arith.maximumf %max3A_469, %get3A_489 : vector<16xf32>
      %min3A_492 = arith.minimumf %max3A_469, %get3A_489 : vector<16xf32>
      %max3A_493 = arith.maximumf %max3A_471, %min3A_492 : vector<16xf32>
      %min3A_494 = arith.minimumf %max3A_471, %min3A_492 : vector<16xf32>
      %max3A_495 = arith.maximumf %max3A_473, %min3A_494 : vector<16xf32>
      %min3A_496 = arith.minimumf %max3A_473, %min3A_494 : vector<16xf32>
      %max3A_497 = arith.maximumf %max3A_475, %min3A_496 : vector<16xf32>
      %min3A_498 = arith.minimumf %max3A_475, %min3A_496 : vector<16xf32>
      %max3A_499 = arith.maximumf %max3A_477, %min3A_498 : vector<16xf32>
      %min3A_500 = arith.minimumf %max3A_477, %min3A_498 : vector<16xf32>
      %max3A_501 = arith.maximumf %max3A_479, %min3A_500 : vector<16xf32>
      %min3A_502 = arith.minimumf %max3A_479, %min3A_500 : vector<16xf32>
      %max3A_503 = arith.maximumf %max3A_481, %min3A_502 : vector<16xf32>
      %min3A_504 = arith.minimumf %max3A_481, %min3A_502 : vector<16xf32>
      %max3A_505 = arith.maximumf %max3A_483, %min3A_504 : vector<16xf32>
      %min3A_506 = arith.minimumf %max3A_483, %min3A_504 : vector<16xf32>
      %get3A_507 = arith.constant 23 : i32
      %get3A_508 = arith.index_cast %get3A_507 : i32 to index
      %get3A_509 = arith.constant 0 : index
      %get3A_510 = tpu.vector_load %arg4[%get3A_508, %get3A_509] {strides = array<i32>} : memref<64x16xf32, #tpu.memory_space<vmem>>, vector<1x16xf32>,
      %get3A_511 = vector.shape_cast %get3A_510 : vector<1x16xf32> to vector<16xf32>
      %max3A_512 = arith.maximumf %max3A_490, %get3A_511 : vector<16xf32>
      %max3A_513 = arith.maximumf %max3A_491, %get3A_511 : vector<16xf32>
      %min3A_514 = arith.minimumf %max3A_491, %get3A_511 : vector<16xf32>
      %max3A_515 = arith.maximumf %max3A_493, %min3A_514 : vector<16xf32>
      %min3A_516 = arith.minimumf %max3A_493, %min3A_514 : vector<16xf32>
      %max3A_517 = arith.maximumf %max3A_495, %min3A_516 : vector<16xf32>
      %min3A_518 = arith.minimumf %max3A_495, %min3A_516 : vector<16xf32>
      %max3A_519 = arith.maximumf %max3A_497, %min3A_518 : vector<16xf32>
      %min3A_520 = arith.minimumf %max3A_497, %min3A_518 : vector<16xf32>
      %max3A_521 = arith.maximumf %max3A_499, %min3A_520 : vector<16xf32>
      %min3A_522 = arith.minimumf %max3A_499, %min3A_520 : vector<16xf32>
      %max3A_523 = arith.maximumf %max3A_501, %min3A_522 : vector<16xf32>
      %min3A_524 = arith.minimumf %max3A_501, %min3A_522 : vector<16xf32>
      %max3A_525 = arith.maximumf %max3A_503, %min3A_524 : vector<16xf32>
      %min3A_526 = arith.minimumf %max3A_503, %min3A_524 : vector<16xf32>
      %max3A_527 = arith.maximumf %max3A_505, %min3A_526 : vector<16xf32>
      %min3A_528 = arith.minimumf %max3A_505, %min3A_526 : vector<16xf32>
      %get3A_529 = arith.constant 24 : i32
      %get3A_530 = arith.index_cast %get3A_529 : i32 to index
      %get3A_531 = arith.constant 0 : index
      %get3A_532 = tpu.vector_load %arg4[%get3A_530, %get3A_531] {strides = array<i32>} : memref<64x16xf32, #tpu.memory_space<vmem>>, vector<1x16xf32>,
      %get3A_533 = vector.shape_cast %get3A_532 : vector<1x16xf32> to vector<16xf32>
      %max3A_534 = arith.maximumf %max3A_512, %get3A_533 : vector<16xf32>
      %max3A_535 = arith.maximumf %max3A_513, %get3A_533 : vector<16xf32>
      %min3A_536 = arith.minimumf %max3A_513, %get3A_533 : vector<16xf32>
      %max3A_537 = arith.maximumf %max3A_515, %min3A_536 : vector<16xf32>
      %min3A_538 = arith.minimumf %max3A_515, %min3A_536 : vector<16xf32>
      %max3A_539 = arith.maximumf %max3A_517, %min3A_538 : vector<16xf32>
      %min3A_540 = arith.minimumf %max3A_517, %min3A_538 : vector<16xf32>
      %max3A_541 = arith.maximumf %max3A_519, %min3A_540 : vector<16xf32>
      %min3A_542 = arith.minimumf %max3A_519, %min3A_540 : vector<16xf32>
      %max3A_543 = arith.maximumf %max3A_521, %min3A_542 : vector<16xf32>
      %min3A_544 = arith.minimumf %max3A_521, %min3A_542 : vector<16xf32>
      %max3A_545 = arith.maximumf %max3A_523, %min3A_544 : vector<16xf32>
      %min3A_546 = arith.minimumf %max3A_523, %min3A_544 : vector<16xf32>
      %max3A_547 = arith.maximumf %max3A_525, %min3A_546 : vector<16xf32>
      %min3A_548 = arith.minimumf %max3A_525, %min3A_546 : vector<16xf32>
      %max3A_549 = arith.maximumf %max3A_527, %min3A_548 : vector<16xf32>
      %min3A_550 = arith.minimumf %max3A_527, %min3A_548 : vector<16xf32>
      %get3A_551 = arith.constant 25 : i32
      %get3A_552 = arith.index_cast %get3A_551 : i32 to index
      %get3A_553 = arith.constant 0 : index
      %get3A_554 = tpu.vector_load %arg4[%get3A_552, %get3A_553] {strides = array<i32>} : memref<64x16xf32, #tpu.memory_space<vmem>>, vector<1x16xf32>,
      %get3A_555 = vector.shape_cast %get3A_554 : vector<1x16xf32> to vector<16xf32>
      %max3A_556 = arith.maximumf %max3A_534, %get3A_555 : vector<16xf32>
      %max3A_557 = arith.maximumf %max3A_535, %get3A_555 : vector<16xf32>
      %min3A_558 = arith.minimumf %max3A_535, %get3A_555 : vector<16xf32>
      %max3A_559 = arith.maximumf %max3A_537, %min3A_558 : vector<16xf32>
      %min3A_560 = arith.minimumf %max3A_537, %min3A_558 : vector<16xf32>
      %max3A_561 = arith.maximumf %max3A_539, %min3A_560 : vector<16xf32>
      %min3A_562 = arith.minimumf %max3A_539, %min3A_560 : vector<16xf32>
      %max3A_563 = arith.maximumf %max3A_541, %min3A_562 : vector<16xf32>
      %min3A_564 = arith.minimumf %max3A_541, %min3A_562 : vector<16xf32>
      %max3A_565 = arith.maximumf %max3A_543, %min3A_564 : vector<16xf32>
      %min3A_566 = arith.minimumf %max3A_543, %min3A_564 : vector<16xf32>
      %max3A_567 = arith.maximumf %max3A_545, %min3A_566 : vector<16xf32>
      %min3A_568 = arith.minimumf %max3A_545, %min3A_566 : vector<16xf32>
      %max3A_569 = arith.maximumf %max3A_547, %min3A_568 : vector<16xf32>
      %min3A_570 = arith.minimumf %max3A_547, %min3A_568 : vector<16xf32>
      %max3A_571 = arith.maximumf %max3A_549, %min3A_570 : vector<16xf32>
      %min3A_572 = arith.minimumf %max3A_549, %min3A_570 : vector<16xf32>
      %get3A_573 = arith.constant 26 : i32
      %get3A_574 = arith.index_cast %get3A_573 : i32 to index
      %get3A_575 = arith.constant 0 : index
      %get3A_576 = tpu.vector_load %arg4[%get3A_574, %get3A_575] {strides = array<i32>} : memref<64x16xf32, #tpu.memory_space<vmem>>, vector<1x16xf32>,
      %get3A_577 = vector.shape_cast %get3A_576 : vector<1x16xf32> to vector<16xf32>
      %max3A_578 = arith.maximumf %max3A_556, %get3A_577 : vector<16xf32>
      %max3A_579 = arith.maximumf %max3A_557, %get3A_577 : vector<16xf32>
      %min3A_580 = arith.minimumf %max3A_557, %get3A_577 : vector<16xf32>
      %max3A_581 = arith.maximumf %max3A_559, %min3A_580 : vector<16xf32>
      %min3A_582 = arith.minimumf %max3A_559, %min3A_580 : vector<16xf32>
      %max3A_583 = arith.maximumf %max3A_561, %min3A_582 : vector<16xf32>
      %min3A_584 = arith.minimumf %max3A_561, %min3A_582 : vector<16xf32>
      %max3A_585 = arith.maximumf %max3A_563, %min3A_584 : vector<16xf32>
      %min3A_586 = arith.minimumf %max3A_563, %min3A_584 : vector<16xf32>
      %max3A_587 = arith.maximumf %max3A_565, %min3A_586 : vector<16xf32>
      %min3A_588 = arith.minimumf %max3A_565, %min3A_586 : vector<16xf32>
      %max3A_589 = arith.maximumf %max3A_567, %min3A_588 : vector<16xf32>
      %min3A_590 = arith.minimumf %max3A_567, %min3A_588 : vector<16xf32>
      %max3A_591 = arith.maximumf %max3A_569, %min3A_590 : vector<16xf32>
      %min3A_592 = arith.minimumf %max3A_569, %min3A_590 : vector<16xf32>
      %max3A_593 = arith.maximumf %max3A_571, %min3A_592 : vector<16xf32>
      %min3A_594 = arith.minimumf %max3A_571, %min3A_592 : vector<16xf32>
      %get3A_595 = arith.constant 27 : i32
      %get3A_596 = arith.index_cast %get3A_595 : i32 to index
      %get3A_597 = arith.constant 0 : index
      %get3A_598 = tpu.vector_load %arg4[%get3A_596, %get3A_597] {strides = array<i32>} : memref<64x16xf32, #tpu.memory_space<vmem>>, vector<1x16xf32>,
      %get3A_599 = vector.shape_cast %get3A_598 : vector<1x16xf32> to vector<16xf32>
      %max3A_600 = arith.maximumf %max3A_578, %get3A_599 : vector<16xf32>
      %max3A_601 = arith.maximumf %max3A_579, %get3A_599 : vector<16xf32>
      %min3A_602 = arith.minimumf %max3A_579, %get3A_599 : vector<16xf32>
      %max3A_603 = arith.maximumf %max3A_581, %min3A_602 : vector<16xf32>
      %min3A_604 = arith.minimumf %max3A_581, %min3A_602 : vector<16xf32>
      %max3A_605 = arith.maximumf %max3A_583, %min3A_604 : vector<16xf32>
      %min3A_606 = arith.minimumf %max3A_583, %min3A_604 : vector<16xf32>
      %max3A_607 = arith.maximumf %max3A_585, %min3A_606 : vector<16xf32>
      %min3A_608 = arith.minimumf %max3A_585, %min3A_606 : vector<16xf32>
      %max3A_609 = arith.maximumf %max3A_587, %min3A_608 : vector<16xf32>
      %min3A_610 = arith.minimumf %max3A_587, %min3A_608 : vector<16xf32>
      %max3A_611 = arith.maximumf %max3A_589, %min3A_610 : vector<16xf32>
      %min3A_612 = arith.minimumf %max3A_589, %min3A_610 : vector<16xf32>
      %max3A_613 = arith.maximumf %max3A_591, %min3A_612 : vector<16xf32>
      %min3A_614 = arith.minimumf %max3A_591, %min3A_612 : vector<16xf32>
      %max3A_615 = arith.maximumf %max3A_593, %min3A_614 : vector<16xf32>
      %min3A_616 = arith.minimumf %max3A_593, %min3A_614 : vector<16xf32>
      %get3A_617 = arith.constant 28 : i32
      %get3A_618 = arith.index_cast %get3A_617 : i32 to index
      %get3A_619 = arith.constant 0 : index
      %get3A_620 = tpu.vector_load %arg4[%get3A_618, %get3A_619] {strides = array<i32>} : memref<64x16xf32, #tpu.memory_space<vmem>>, vector<1x16xf32>,
      %get3A_621 = vector.shape_cast %get3A_620 : vector<1x16xf32> to vector<16xf32>
      %max3A_622 = arith.maximumf %max3A_600, %get3A_621 : vector<16xf32>
      %max3A_623 = arith.maximumf %max3A_601, %get3A_621 : vector<16xf32>
      %min3A_624 = arith.minimumf %max3A_601, %get3A_621 : vector<16xf32>
      %max3A_625 = arith.maximumf %max3A_603, %min3A_624 : vector<16xf32>
      %min3A_626 = arith.minimumf %max3A_603, %min3A_624 : vector<16xf32>
      %max3A_627 = arith.maximumf %max3A_605, %min3A_626 : vector<16xf32>
      %min3A_628 = arith.minimumf %max3A_605, %min3A_626 : vector<16xf32>
      %max3A_629 = arith.maximumf %max3A_607, %min3A_628 : vector<16xf32>
      %min3A_630 = arith.minimumf %max3A_607, %min3A_628 : vector<16xf32>
      %max3A_631 = arith.maximumf %max3A_609, %min3A_630 : vector<16xf32>
      %min3A_632 = arith.minimumf %max3A_609, %min3A_630 : vector<16xf32>
      %max3A_633 = arith.maximumf %max3A_611, %min3A_632 : vector<16xf32>
      %min3A_634 = arith.minimumf %max3A_611, %min3A_632 : vector<16xf32>
      %max3A_635 = arith.maximumf %max3A_613, %min3A_634 : vector<16xf32>
      %min3A_636 = arith.minimumf %max3A_613, %min3A_634 : vector<16xf32>
      %max3A_637 = arith.maximumf %max3A_615, %min3A_636 : vector<16xf32>
      %min3A_638 = arith.minimumf %max3A_615, %min3A_636 : vector<16xf32>
      %get3A_639 = arith.constant 29 : i32
      %get3A_640 = arith.index_cast %get3A_639 : i32 to index
      %get3A_641 = arith.constant 0 : index
      %get3A_642 = tpu.vector_load %arg4[%get3A_640, %get3A_641] {strides = array<i32>} : memref<64x16xf32, #tpu.memory_space<vmem>>, vector<1x16xf32>,
      %get3A_643 = vector.shape_cast %get3A_642 : vector<1x16xf32> to vector<16xf32>
      %max3A_644 = arith.maximumf %max3A_622, %get3A_643 : vector<16xf32>
      %max3A_645 = arith.maximumf %max3A_623, %get3A_643 : vector<16xf32>
      %min3A_646 = arith.minimumf %max3A_623, %get3A_643 : vector<16xf32>
      %max3A_647 = arith.maximumf %max3A_625, %min3A_646 : vector<16xf32>
      %min3A_648 = arith.minimumf %max3A_625, %min3A_646 : vector<16xf32>
      %max3A_649 = arith.maximumf %max3A_627, %min3A_648 : vector<16xf32>
      %min3A_650 = arith.minimumf %max3A_627, %min3A_648 : vector<16xf32>
      %max3A_651 = arith.maximumf %max3A_629, %min3A_650 : vector<16xf32>
      %min3A_652 = arith.minimumf %max3A_629, %min3A_650 : vector<16xf32>
      %max3A_653 = arith.maximumf %max3A_631, %min3A_652 : vector<16xf32>
      %min3A_654 = arith.minimumf %max3A_631, %min3A_652 : vector<16xf32>
      %max3A_655 = arith.maximumf %max3A_633, %min3A_654 : vector<16xf32>
      %min3A_656 = arith.minimumf %max3A_633, %min3A_654 : vector<16xf32>
      %max3A_657 = arith.maximumf %max3A_635, %min3A_656 : vector<16xf32>
      %min3A_658 = arith.minimumf %max3A_635, %min3A_656 : vector<16xf32>
      %max3A_659 = arith.maximumf %max3A_637, %min3A_658 : vector<16xf32>
      %min3A_660 = arith.minimumf %max3A_637, %min3A_658 : vector<16xf32>
      %get3A_661 = arith.constant 30 : i32
      %get3A_662 = arith.index_cast %get3A_661 : i32 to index
      %get3A_663 = arith.constant 0 : index
      %get3A_664 = tpu.vector_load %arg4[%get3A_662, %get3A_663] {strides = array<i32>} : memref<64x16xf32, #tpu.memory_space<vmem>>, vector<1x16xf32>,
      %get3A_665 = vector.shape_cast %get3A_664 : vector<1x16xf32> to vector<16xf32>
      %max3A_666 = arith.maximumf %max3A_644, %get3A_665 : vector<16xf32>
      %max3A_667 = arith.maximumf %max3A_645, %get3A_665 : vector<16xf32>
      %min3A_668 = arith.minimumf %max3A_645, %get3A_665 : vector<16xf32>
      %max3A_669 = arith.maximumf %max3A_647, %min3A_668 : vector<16xf32>
      %min3A_670 = arith.minimumf %max3A_647, %min3A_668 : vector<16xf32>
      %max3A_671 = arith.maximumf %max3A_649, %min3A_670 : vector<16xf32>
      %min3A_672 = arith.minimumf %max3A_649, %min3A_670 : vector<16xf32>
      %max3A_673 = arith.maximumf %max3A_651, %min3A_672 : vector<16xf32>
      %min3A_674 = arith.minimumf %max3A_651, %min3A_672 : vector<16xf32>
      %max3A_675 = arith.maximumf %max3A_653, %min3A_674 : vector<16xf32>
      %min3A_676 = arith.minimumf %max3A_653, %min3A_674 : vector<16xf32>
      %max3A_677 = arith.maximumf %max3A_655, %min3A_676 : vector<16xf32>
      %min3A_678 = arith.minimumf %max3A_655, %min3A_676 : vector<16xf32>
      %max3A_679 = arith.maximumf %max3A_657, %min3A_678 : vector<16xf32>
      %min3A_680 = arith.minimumf %max3A_657, %min3A_678 : vector<16xf32>
      %max3A_681 = arith.maximumf %max3A_659, %min3A_680 : vector<16xf32>
      %min3A_682 = arith.minimumf %max3A_659, %min3A_680 : vector<16xf32>
      %get3A_683 = arith.constant 31 : i32
      %get3A_684 = arith.index_cast %get3A_683 : i32 to index
      %get3A_685 = arith.constant 0 : index
      %get3A_686 = tpu.vector_load %arg4[%get3A_684, %get3A_685] {strides = array<i32>} : memref<64x16xf32, #tpu.memory_space<vmem>>, vector<1x16xf32>,
      %get3A_687 = vector.shape_cast %get3A_686 : vector<1x16xf32> to vector<16xf32>
      %max3A_688 = arith.maximumf %max3A_666, %get3A_687 : vector<16xf32>
      %max3A_689 = arith.maximumf %max3A_667, %get3A_687 : vector<16xf32>
      %min3A_690 = arith.minimumf %max3A_667, %get3A_687 : vector<16xf32>
      %max3A_691 = arith.maximumf %max3A_669, %min3A_690 : vector<16xf32>
      %min3A_692 = arith.minimumf %max3A_669, %min3A_690 : vector<16xf32>
      %max3A_693 = arith.maximumf %max3A_671, %min3A_692 : vector<16xf32>
      %min3A_694 = arith.minimumf %max3A_671, %min3A_692 : vector<16xf32>
      %max3A_695 = arith.maximumf %max3A_673, %min3A_694 : vector<16xf32>
      %min3A_696 = arith.minimumf %max3A_673, %min3A_694 : vector<16xf32>
      %max3A_697 = arith.maximumf %max3A_675, %min3A_696 : vector<16xf32>
      %min3A_698 = arith.minimumf %max3A_675, %min3A_696 : vector<16xf32>
      %max3A_699 = arith.maximumf %max3A_677, %min3A_698 : vector<16xf32>
      %min3A_700 = arith.minimumf %max3A_677, %min3A_698 : vector<16xf32>
      %max3A_701 = arith.maximumf %max3A_679, %min3A_700 : vector<16xf32>
      %min3A_702 = arith.minimumf %max3A_679, %min3A_700 : vector<16xf32>
      %max3A_703 = arith.maximumf %max3A_681, %min3A_702 : vector<16xf32>
      %min3A_704 = arith.minimumf %max3A_681, %min3A_702 : vector<16xf32>
      %get3A_705 = arith.constant 32 : i32
      %get3A_706 = arith.index_cast %get3A_705 : i32 to index
      %get3A_707 = arith.constant 0 : index
      %get3A_708 = tpu.vector_load %arg4[%get3A_706, %get3A_707] {strides = array<i32>} : memref<64x16xf32, #tpu.memory_space<vmem>>, vector<1x16xf32>,
      %get3A_709 = vector.shape_cast %get3A_708 : vector<1x16xf32> to vector<16xf32>
      %max3A_710 = arith.maximumf %max3A_688, %get3A_709 : vector<16xf32>
      %max3A_711 = arith.maximumf %max3A_689, %get3A_709 : vector<16xf32>
      %min3A_712 = arith.minimumf %max3A_689, %get3A_709 : vector<16xf32>
      %max3A_713 = arith.maximumf %max3A_691, %min3A_712 : vector<16xf32>
      %min3A_714 = arith.minimumf %max3A_691, %min3A_712 : vector<16xf32>
      %max3A_715 = arith.maximumf %max3A_693, %min3A_714 : vector<16xf32>
      %min3A_716 = arith.minimumf %max3A_693, %min3A_714 : vector<16xf32>
      %max3A_717 = arith.maximumf %max3A_695, %min3A_716 : vector<16xf32>
      %min3A_718 = arith.minimumf %max3A_695, %min3A_716 : vector<16xf32>
      %max3A_719 = arith.maximumf %max3A_697, %min3A_718 : vector<16xf32>
      %min3A_720 = arith.minimumf %max3A_697, %min3A_718 : vector<16xf32>
      %max3A_721 = arith.maximumf %max3A_699, %min3A_720 : vector<16xf32>
      %min3A_722 = arith.minimumf %max3A_699, %min3A_720 : vector<16xf32>
      %max3A_723 = arith.maximumf %max3A_701, %min3A_722 : vector<16xf32>
      %min3A_724 = arith.minimumf %max3A_701, %min3A_722 : vector<16xf32>
      %max3A_725 = arith.maximumf %max3A_703, %min3A_724 : vector<16xf32>
      %min3A_726 = arith.minimumf %max3A_703, %min3A_724 : vector<16xf32>
      %get3A_727 = arith.constant 33 : i32
      %get3A_728 = arith.index_cast %get3A_727 : i32 to index
      %get3A_729 = arith.constant 0 : index
      %get3A_730 = tpu.vector_load %arg4[%get3A_728, %get3A_729] {strides = array<i32>} : memref<64x16xf32, #tpu.memory_space<vmem>>, vector<1x16xf32>,
      %get3A_731 = vector.shape_cast %get3A_730 : vector<1x16xf32> to vector<16xf32>
      %max3A_732 = arith.maximumf %max3A_710, %get3A_731 : vector<16xf32>
      %max3A_733 = arith.maximumf %max3A_711, %get3A_731 : vector<16xf32>
      %min3A_734 = arith.minimumf %max3A_711, %get3A_731 : vector<16xf32>
      %max3A_735 = arith.maximumf %max3A_713, %min3A_734 : vector<16xf32>
      %min3A_736 = arith.minimumf %max3A_713, %min3A_734 : vector<16xf32>
      %max3A_737 = arith.maximumf %max3A_715, %min3A_736 : vector<16xf32>
      %min3A_738 = arith.minimumf %max3A_715, %min3A_736 : vector<16xf32>
      %max3A_739 = arith.maximumf %max3A_717, %min3A_738 : vector<16xf32>
      %min3A_740 = arith.minimumf %max3A_717, %min3A_738 : vector<16xf32>
      %max3A_741 = arith.maximumf %max3A_719, %min3A_740 : vector<16xf32>
      %min3A_742 = arith.minimumf %max3A_719, %min3A_740 : vector<16xf32>
      %max3A_743 = arith.maximumf %max3A_721, %min3A_742 : vector<16xf32>
      %min3A_744 = arith.minimumf %max3A_721, %min3A_742 : vector<16xf32>
      %max3A_745 = arith.maximumf %max3A_723, %min3A_744 : vector<16xf32>
      %min3A_746 = arith.minimumf %max3A_723, %min3A_744 : vector<16xf32>
      %max3A_747 = arith.maximumf %max3A_725, %min3A_746 : vector<16xf32>
      %min3A_748 = arith.minimumf %max3A_725, %min3A_746 : vector<16xf32>
      %get3A_749 = arith.constant 34 : i32
      %get3A_750 = arith.index_cast %get3A_749 : i32 to index
      %get3A_751 = arith.constant 0 : index
      %get3A_752 = tpu.vector_load %arg4[%get3A_750, %get3A_751] {strides = array<i32>} : memref<64x16xf32, #tpu.memory_space<vmem>>, vector<1x16xf32>,
      %get3A_753 = vector.shape_cast %get3A_752 : vector<1x16xf32> to vector<16xf32>
      %max3A_754 = arith.maximumf %max3A_732, %get3A_753 : vector<16xf32>
      %max3A_755 = arith.maximumf %max3A_733, %get3A_753 : vector<16xf32>
      %min3A_756 = arith.minimumf %max3A_733, %get3A_753 : vector<16xf32>
      %max3A_757 = arith.maximumf %max3A_735, %min3A_756 : vector<16xf32>
      %min3A_758 = arith.minimumf %max3A_735, %min3A_756 : vector<16xf32>
      %max3A_759 = arith.maximumf %max3A_737, %min3A_758 : vector<16xf32>
      %min3A_760 = arith.minimumf %max3A_737, %min3A_758 : vector<16xf32>
      %max3A_761 = arith.maximumf %max3A_739, %min3A_760 : vector<16xf32>
      %min3A_762 = arith.minimumf %max3A_739, %min3A_760 : vector<16xf32>
      %max3A_763 = arith.maximumf %max3A_741, %min3A_762 : vector<16xf32>
      %min3A_764 = arith.minimumf %max3A_741, %min3A_762 : vector<16xf32>
      %max3A_765 = arith.maximumf %max3A_743, %min3A_764 : vector<16xf32>
      %min3A_766 = arith.minimumf %max3A_743, %min3A_764 : vector<16xf32>
      %max3A_767 = arith.maximumf %max3A_745, %min3A_766 : vector<16xf32>
      %min3A_768 = arith.minimumf %max3A_745, %min3A_766 : vector<16xf32>
      %max3A_769 = arith.maximumf %max3A_747, %min3A_768 : vector<16xf32>
      %min3A_770 = arith.minimumf %max3A_747, %min3A_768 : vector<16xf32>
      %get3A_771 = arith.constant 35 : i32
      %get3A_772 = arith.index_cast %get3A_771 : i32 to index
      %get3A_773 = arith.constant 0 : index
      %get3A_774 = tpu.vector_load %arg4[%get3A_772, %get3A_773] {strides = array<i32>} : memref<64x16xf32, #tpu.memory_space<vmem>>, vector<1x16xf32>,
      %get3A_775 = vector.shape_cast %get3A_774 : vector<1x16xf32> to vector<16xf32>
      %max3A_776 = arith.maximumf %max3A_754, %get3A_775 : vector<16xf32>
      %max3A_777 = arith.maximumf %max3A_755, %get3A_775 : vector<16xf32>
      %min3A_778 = arith.minimumf %max3A_755, %get3A_775 : vector<16xf32>
      %max3A_779 = arith.maximumf %max3A_757, %min3A_778 : vector<16xf32>
      %min3A_780 = arith.minimumf %max3A_757, %min3A_778 : vector<16xf32>
      %max3A_781 = arith.maximumf %max3A_759, %min3A_780 : vector<16xf32>
      %min3A_782 = arith.minimumf %max3A_759, %min3A_780 : vector<16xf32>
      %max3A_783 = arith.maximumf %max3A_761, %min3A_782 : vector<16xf32>
      %min3A_784 = arith.minimumf %max3A_761, %min3A_782 : vector<16xf32>
      %max3A_785 = arith.maximumf %max3A_763, %min3A_784 : vector<16xf32>
      %min3A_786 = arith.minimumf %max3A_763, %min3A_784 : vector<16xf32>
      %max3A_787 = arith.maximumf %max3A_765, %min3A_786 : vector<16xf32>
      %min3A_788 = arith.minimumf %max3A_765, %min3A_786 : vector<16xf32>
      %max3A_789 = arith.maximumf %max3A_767, %min3A_788 : vector<16xf32>
      %min3A_790 = arith.minimumf %max3A_767, %min3A_788 : vector<16xf32>
      %max3A_791 = arith.maximumf %max3A_769, %min3A_790 : vector<16xf32>
      %min3A_792 = arith.minimumf %max3A_769, %min3A_790 : vector<16xf32>
      %get3A_793 = arith.constant 36 : i32
      %get3A_794 = arith.index_cast %get3A_793 : i32 to index
      %get3A_795 = arith.constant 0 : index
      %get3A_796 = tpu.vector_load %arg4[%get3A_794, %get3A_795] {strides = array<i32>} : memref<64x16xf32, #tpu.memory_space<vmem>>, vector<1x16xf32>,
      %get3A_797 = vector.shape_cast %get3A_796 : vector<1x16xf32> to vector<16xf32>
      %max3A_798 = arith.maximumf %max3A_776, %get3A_797 : vector<16xf32>
      %max3A_799 = arith.maximumf %max3A_777, %get3A_797 : vector<16xf32>
      %min3A_800 = arith.minimumf %max3A_777, %get3A_797 : vector<16xf32>
      %max3A_801 = arith.maximumf %max3A_779, %min3A_800 : vector<16xf32>
      %min3A_802 = arith.minimumf %max3A_779, %min3A_800 : vector<16xf32>
      %max3A_803 = arith.maximumf %max3A_781, %min3A_802 : vector<16xf32>
      %min3A_804 = arith.minimumf %max3A_781, %min3A_802 : vector<16xf32>
      %max3A_805 = arith.maximumf %max3A_783, %min3A_804 : vector<16xf32>
      %min3A_806 = arith.minimumf %max3A_783, %min3A_804 : vector<16xf32>
      %max3A_807 = arith.maximumf %max3A_785, %min3A_806 : vector<16xf32>
      %min3A_808 = arith.minimumf %max3A_785, %min3A_806 : vector<16xf32>
      %max3A_809 = arith.maximumf %max3A_787, %min3A_808 : vector<16xf32>
      %min3A_810 = arith.minimumf %max3A_787, %min3A_808 : vector<16xf32>
      %max3A_811 = arith.maximumf %max3A_789, %min3A_810 : vector<16xf32>
      %min3A_812 = arith.minimumf %max3A_789, %min3A_810 : vector<16xf32>
      %max3A_813 = arith.maximumf %max3A_791, %min3A_812 : vector<16xf32>
      %min3A_814 = arith.minimumf %max3A_791, %min3A_812 : vector<16xf32>
      %get3A_815 = arith.constant 37 : i32
      %get3A_816 = arith.index_cast %get3A_815 : i32 to index
      %get3A_817 = arith.constant 0 : index
      %get3A_818 = tpu.vector_load %arg4[%get3A_816, %get3A_817] {strides = array<i32>} : memref<64x16xf32, #tpu.memory_space<vmem>>, vector<1x16xf32>,
      %get3A_819 = vector.shape_cast %get3A_818 : vector<1x16xf32> to vector<16xf32>
      %max3A_820 = arith.maximumf %max3A_798, %get3A_819 : vector<16xf32>
      %max3A_821 = arith.maximumf %max3A_799, %get3A_819 : vector<16xf32>
      %min3A_822 = arith.minimumf %max3A_799, %get3A_819 : vector<16xf32>
      %max3A_823 = arith.maximumf %max3A_801, %min3A_822 : vector<16xf32>
      %min3A_824 = arith.minimumf %max3A_801, %min3A_822 : vector<16xf32>
      %max3A_825 = arith.maximumf %max3A_803, %min3A_824 : vector<16xf32>
      %min3A_826 = arith.minimumf %max3A_803, %min3A_824 : vector<16xf32>
      %max3A_827 = arith.maximumf %max3A_805, %min3A_826 : vector<16xf32>
      %min3A_828 = arith.minimumf %max3A_805, %min3A_826 : vector<16xf32>
      %max3A_829 = arith.maximumf %max3A_807, %min3A_828 : vector<16xf32>
      %min3A_830 = arith.minimumf %max3A_807, %min3A_828 : vector<16xf32>
      %max3A_831 = arith.maximumf %max3A_809, %min3A_830 : vector<16xf32>
      %min3A_832 = arith.minimumf %max3A_809, %min3A_830 : vector<16xf32>
      %max3A_833 = arith.maximumf %max3A_811, %min3A_832 : vector<16xf32>
      %min3A_834 = arith.minimumf %max3A_811, %min3A_832 : vector<16xf32>
      %max3A_835 = arith.maximumf %max3A_813, %min3A_834 : vector<16xf32>
      %min3A_836 = arith.minimumf %max3A_813, %min3A_834 : vector<16xf32>
      %get3A_837 = arith.constant 38 : i32
      %get3A_838 = arith.index_cast %get3A_837 : i32 to index
      %get3A_839 = arith.constant 0 : index
      %get3A_840 = tpu.vector_load %arg4[%get3A_838, %get3A_839] {strides = array<i32>} : memref<64x16xf32, #tpu.memory_space<vmem>>, vector<1x16xf32>,
      %get3A_841 = vector.shape_cast %get3A_840 : vector<1x16xf32> to vector<16xf32>
      %max3A_842 = arith.maximumf %max3A_820, %get3A_841 : vector<16xf32>
      %max3A_843 = arith.maximumf %max3A_821, %get3A_841 : vector<16xf32>
      %min3A_844 = arith.minimumf %max3A_821, %get3A_841 : vector<16xf32>
      %max3A_845 = arith.maximumf %max3A_823, %min3A_844 : vector<16xf32>
      %min3A_846 = arith.minimumf %max3A_823, %min3A_844 : vector<16xf32>
      %max3A_847 = arith.maximumf %max3A_825, %min3A_846 : vector<16xf32>
      %min3A_848 = arith.minimumf %max3A_825, %min3A_846 : vector<16xf32>
      %max3A_849 = arith.maximumf %max3A_827, %min3A_848 : vector<16xf32>
      %min3A_850 = arith.minimumf %max3A_827, %min3A_848 : vector<16xf32>
      %max3A_851 = arith.maximumf %max3A_829, %min3A_850 : vector<16xf32>
      %min3A_852 = arith.minimumf %max3A_829, %min3A_850 : vector<16xf32>
      %max3A_853 = arith.maximumf %max3A_831, %min3A_852 : vector<16xf32>
      %min3A_854 = arith.minimumf %max3A_831, %min3A_852 : vector<16xf32>
      %max3A_855 = arith.maximumf %max3A_833, %min3A_854 : vector<16xf32>
      %min3A_856 = arith.minimumf %max3A_833, %min3A_854 : vector<16xf32>
      %max3A_857 = arith.maximumf %max3A_835, %min3A_856 : vector<16xf32>
      %min3A_858 = arith.minimumf %max3A_835, %min3A_856 : vector<16xf32>
      %get3A_859 = arith.constant 39 : i32
      %get3A_860 = arith.index_cast %get3A_859 : i32 to index
      %get3A_861 = arith.constant 0 : index
      %get3A_862 = tpu.vector_load %arg4[%get3A_860, %get3A_861] {strides = array<i32>} : memref<64x16xf32, #tpu.memory_space<vmem>>, vector<1x16xf32>,
      %get3A_863 = vector.shape_cast %get3A_862 : vector<1x16xf32> to vector<16xf32>
      %max3A_864 = arith.maximumf %max3A_842, %get3A_863 : vector<16xf32>
      %max3A_865 = arith.maximumf %max3A_843, %get3A_863 : vector<16xf32>
      %min3A_866 = arith.minimumf %max3A_843, %get3A_863 : vector<16xf32>
      %max3A_867 = arith.maximumf %max3A_845, %min3A_866 : vector<16xf32>
      %min3A_868 = arith.minimumf %max3A_845, %min3A_866 : vector<16xf32>
      %max3A_869 = arith.maximumf %max3A_847, %min3A_868 : vector<16xf32>
      %min3A_870 = arith.minimumf %max3A_847, %min3A_868 : vector<16xf32>
      %max3A_871 = arith.maximumf %max3A_849, %min3A_870 : vector<16xf32>
      %min3A_872 = arith.minimumf %max3A_849, %min3A_870 : vector<16xf32>
      %max3A_873 = arith.maximumf %max3A_851, %min3A_872 : vector<16xf32>
      %min3A_874 = arith.minimumf %max3A_851, %min3A_872 : vector<16xf32>
      %max3A_875 = arith.maximumf %max3A_853, %min3A_874 : vector<16xf32>
      %min3A_876 = arith.minimumf %max3A_853, %min3A_874 : vector<16xf32>
      %max3A_877 = arith.maximumf %max3A_855, %min3A_876 : vector<16xf32>
      %min3A_878 = arith.minimumf %max3A_855, %min3A_876 : vector<16xf32>
      %max3A_879 = arith.maximumf %max3A_857, %min3A_878 : vector<16xf32>
      %min3A_880 = arith.minimumf %max3A_857, %min3A_878 : vector<16xf32>
      %get3A_881 = arith.constant 40 : i32
      %get3A_882 = arith.index_cast %get3A_881 : i32 to index
      %get3A_883 = arith.constant 0 : index
      %get3A_884 = tpu.vector_load %arg4[%get3A_882, %get3A_883] {strides = array<i32>} : memref<64x16xf32, #tpu.memory_space<vmem>>, vector<1x16xf32>,
      %get3A_885 = vector.shape_cast %get3A_884 : vector<1x16xf32> to vector<16xf32>
      %max3A_886 = arith.maximumf %max3A_864, %get3A_885 : vector<16xf32>
      %max3A_887 = arith.maximumf %max3A_865, %get3A_885 : vector<16xf32>
      %min3A_888 = arith.minimumf %max3A_865, %get3A_885 : vector<16xf32>
      %max3A_889 = arith.maximumf %max3A_867, %min3A_888 : vector<16xf32>
      %min3A_890 = arith.minimumf %max3A_867, %min3A_888 : vector<16xf32>
      %max3A_891 = arith.maximumf %max3A_869, %min3A_890 : vector<16xf32>
      %min3A_892 = arith.minimumf %max3A_869, %min3A_890 : vector<16xf32>
      %max3A_893 = arith.maximumf %max3A_871, %min3A_892 : vector<16xf32>
      %min3A_894 = arith.minimumf %max3A_871, %min3A_892 : vector<16xf32>
      %max3A_895 = arith.maximumf %max3A_873, %min3A_894 : vector<16xf32>
      %min3A_896 = arith.minimumf %max3A_873, %min3A_894 : vector<16xf32>
      %max3A_897 = arith.maximumf %max3A_875, %min3A_896 : vector<16xf32>
      %min3A_898 = arith.minimumf %max3A_875, %min3A_896 : vector<16xf32>
      %max3A_899 = arith.maximumf %max3A_877, %min3A_898 : vector<16xf32>
      %min3A_900 = arith.minimumf %max3A_877, %min3A_898 : vector<16xf32>
      %max3A_901 = arith.maximumf %max3A_879, %min3A_900 : vector<16xf32>
      %min3A_902 = arith.minimumf %max3A_879, %min3A_900 : vector<16xf32>
      %get3A_903 = arith.constant 41 : i32
      %get3A_904 = arith.index_cast %get3A_903 : i32 to index
      %get3A_905 = arith.constant 0 : index
      %get3A_906 = tpu.vector_load %arg4[%get3A_904, %get3A_905] {strides = array<i32>} : memref<64x16xf32, #tpu.memory_space<vmem>>, vector<1x16xf32>,
      %get3A_907 = vector.shape_cast %get3A_906 : vector<1x16xf32> to vector<16xf32>
      %max3A_908 = arith.maximumf %max3A_886, %get3A_907 : vector<16xf32>
      %max3A_909 = arith.maximumf %max3A_887, %get3A_907 : vector<16xf32>
      %min3A_910 = arith.minimumf %max3A_887, %get3A_907 : vector<16xf32>
      %max3A_911 = arith.maximumf %max3A_889, %min3A_910 : vector<16xf32>
      %min3A_912 = arith.minimumf %max3A_889, %min3A_910 : vector<16xf32>
      %max3A_913 = arith.maximumf %max3A_891, %min3A_912 : vector<16xf32>
      %min3A_914 = arith.minimumf %max3A_891, %min3A_912 : vector<16xf32>
      %max3A_915 = arith.maximumf %max3A_893, %min3A_914 : vector<16xf32>
      %min3A_916 = arith.minimumf %max3A_893, %min3A_914 : vector<16xf32>
      %max3A_917 = arith.maximumf %max3A_895, %min3A_916 : vector<16xf32>
      %min3A_918 = arith.minimumf %max3A_895, %min3A_916 : vector<16xf32>
      %max3A_919 = arith.maximumf %max3A_897, %min3A_918 : vector<16xf32>
      %min3A_920 = arith.minimumf %max3A_897, %min3A_918 : vector<16xf32>
      %max3A_921 = arith.maximumf %max3A_899, %min3A_920 : vector<16xf32>
      %min3A_922 = arith.minimumf %max3A_899, %min3A_920 : vector<16xf32>
      %max3A_923 = arith.maximumf %max3A_901, %min3A_922 : vector<16xf32>
      %min3A_924 = arith.minimumf %max3A_901, %min3A_922 : vector<16xf32>
      %get3A_925 = arith.constant 42 : i32
      %get3A_926 = arith.index_cast %get3A_925 : i32 to index
      %get3A_927 = arith.constant 0 : index
      %get3A_928 = tpu.vector_load %arg4[%get3A_926, %get3A_927] {strides = array<i32>} : memref<64x16xf32, #tpu.memory_space<vmem>>, vector<1x16xf32>,
      %get3A_929 = vector.shape_cast %get3A_928 : vector<1x16xf32> to vector<16xf32>
      %max3A_930 = arith.maximumf %max3A_908, %get3A_929 : vector<16xf32>
      %max3A_931 = arith.maximumf %max3A_909, %get3A_929 : vector<16xf32>
      %min3A_932 = arith.minimumf %max3A_909, %get3A_929 : vector<16xf32>
      %max3A_933 = arith.maximumf %max3A_911, %min3A_932 : vector<16xf32>
      %min3A_934 = arith.minimumf %max3A_911, %min3A_932 : vector<16xf32>
      %max3A_935 = arith.maximumf %max3A_913, %min3A_934 : vector<16xf32>
      %min3A_936 = arith.minimumf %max3A_913, %min3A_934 : vector<16xf32>
      %max3A_937 = arith.maximumf %max3A_915, %min3A_936 : vector<16xf32>
      %min3A_938 = arith.minimumf %max3A_915, %min3A_936 : vector<16xf32>
      %max3A_939 = arith.maximumf %max3A_917, %min3A_938 : vector<16xf32>
      %min3A_940 = arith.minimumf %max3A_917, %min3A_938 : vector<16xf32>
      %max3A_941 = arith.maximumf %max3A_919, %min3A_940 : vector<16xf32>
      %min3A_942 = arith.minimumf %max3A_919, %min3A_940 : vector<16xf32>
      %max3A_943 = arith.maximumf %max3A_921, %min3A_942 : vector<16xf32>
      %min3A_944 = arith.minimumf %max3A_921, %min3A_942 : vector<16xf32>
      %max3A_945 = arith.maximumf %max3A_923, %min3A_944 : vector<16xf32>
      %min3A_946 = arith.minimumf %max3A_923, %min3A_944 : vector<16xf32>
      %get3A_947 = arith.constant 43 : i32
      %get3A_948 = arith.index_cast %get3A_947 : i32 to index
      %get3A_949 = arith.constant 0 : index
      %get3A_950 = tpu.vector_load %arg4[%get3A_948, %get3A_949] {strides = array<i32>} : memref<64x16xf32, #tpu.memory_space<vmem>>, vector<1x16xf32>,
      %get3A_951 = vector.shape_cast %get3A_950 : vector<1x16xf32> to vector<16xf32>
      %max3A_952 = arith.maximumf %max3A_930, %get3A_951 : vector<16xf32>
      %max3A_953 = arith.maximumf %max3A_931, %get3A_951 : vector<16xf32>
      %min3A_954 = arith.minimumf %max3A_931, %get3A_951 : vector<16xf32>
      %max3A_955 = arith.maximumf %max3A_933, %min3A_954 : vector<16xf32>
      %min3A_956 = arith.minimumf %max3A_933, %min3A_954 : vector<16xf32>
      %max3A_957 = arith.maximumf %max3A_935, %min3A_956 : vector<16xf32>
      %min3A_958 = arith.minimumf %max3A_935, %min3A_956 : vector<16xf32>
      %max3A_959 = arith.maximumf %max3A_937, %min3A_958 : vector<16xf32>
      %min3A_960 = arith.minimumf %max3A_937, %min3A_958 : vector<16xf32>
      %max3A_961 = arith.maximumf %max3A_939, %min3A_960 : vector<16xf32>
      %min3A_962 = arith.minimumf %max3A_939, %min3A_960 : vector<16xf32>
      %max3A_963 = arith.maximumf %max3A_941, %min3A_962 : vector<16xf32>
      %min3A_964 = arith.minimumf %max3A_941, %min3A_962 : vector<16xf32>
      %max3A_965 = arith.maximumf %max3A_943, %min3A_964 : vector<16xf32>
      %min3A_966 = arith.minimumf %max3A_943, %min3A_964 : vector<16xf32>
      %max3A_967 = arith.maximumf %max3A_945, %min3A_966 : vector<16xf32>
      %min3A_968 = arith.minimumf %max3A_945, %min3A_966 : vector<16xf32>
      %get3A_969 = arith.constant 44 : i32
      %get3A_970 = arith.index_cast %get3A_969 : i32 to index
      %get3A_971 = arith.constant 0 : index
      %get3A_972 = tpu.vector_load %arg4[%get3A_970, %get3A_971] {strides = array<i32>} : memref<64x16xf32, #tpu.memory_space<vmem>>, vector<1x16xf32>,
      %get3A_973 = vector.shape_cast %get3A_972 : vector<1x16xf32> to vector<16xf32>
      %max3A_974 = arith.maximumf %max3A_952, %get3A_973 : vector<16xf32>
      %max3A_975 = arith.maximumf %max3A_953, %get3A_973 : vector<16xf32>
      %min3A_976 = arith.minimumf %max3A_953, %get3A_973 : vector<16xf32>
      %max3A_977 = arith.maximumf %max3A_955, %min3A_976 : vector<16xf32>
      %min3A_978 = arith.minimumf %max3A_955, %min3A_976 : vector<16xf32>
      %max3A_979 = arith.maximumf %max3A_957, %min3A_978 : vector<16xf32>
      %min3A_980 = arith.minimumf %max3A_957, %min3A_978 : vector<16xf32>
      %max3A_981 = arith.maximumf %max3A_959, %min3A_980 : vector<16xf32>
      %min3A_982 = arith.minimumf %max3A_959, %min3A_980 : vector<16xf32>
      %max3A_983 = arith.maximumf %max3A_961, %min3A_982 : vector<16xf32>
      %min3A_984 = arith.minimumf %max3A_961, %min3A_982 : vector<16xf32>
      %max3A_985 = arith.maximumf %max3A_963, %min3A_984 : vector<16xf32>
      %min3A_986 = arith.minimumf %max3A_963, %min3A_984 : vector<16xf32>
      %max3A_987 = arith.maximumf %max3A_965, %min3A_986 : vector<16xf32>
      %min3A_988 = arith.minimumf %max3A_965, %min3A_986 : vector<16xf32>
      %max3A_989 = arith.maximumf %max3A_967, %min3A_988 : vector<16xf32>
      %min3A_990 = arith.minimumf %max3A_967, %min3A_988 : vector<16xf32>
      %get3A_991 = arith.constant 45 : i32
      %get3A_992 = arith.index_cast %get3A_991 : i32 to index
      %get3A_993 = arith.constant 0 : index
      %get3A_994 = tpu.vector_load %arg4[%get3A_992, %get3A_993] {strides = array<i32>} : memref<64x16xf32, #tpu.memory_space<vmem>>, vector<1x16xf32>,
      %get3A_995 = vector.shape_cast %get3A_994 : vector<1x16xf32> to vector<16xf32>
      %max3A_996 = arith.maximumf %max3A_974, %get3A_995 : vector<16xf32>
      %max3A_997 = arith.maximumf %max3A_975, %get3A_995 : vector<16xf32>
      %min3A_998 = arith.minimumf %max3A_975, %get3A_995 : vector<16xf32>
      %max3A_999 = arith.maximumf %max3A_977, %min3A_998 : vector<16xf32>
      %min3A_1000 = arith.minimumf %max3A_977, %min3A_998 : vector<16xf32>
      %max3A_1001 = arith.maximumf %max3A_979, %min3A_1000 : vector<16xf32>
      %min3A_1002 = arith.minimumf %max3A_979, %min3A_1000 : vector<16xf32>
      %max3A_1003 = arith.maximumf %max3A_981, %min3A_1002 : vector<16xf32>
      %min3A_1004 = arith.minimumf %max3A_981, %min3A_1002 : vector<16xf32>
      %max3A_1005 = arith.maximumf %max3A_983, %min3A_1004 : vector<16xf32>
      %min3A_1006 = arith.minimumf %max3A_983, %min3A_1004 : vector<16xf32>
      %max3A_1007 = arith.maximumf %max3A_985, %min3A_1006 : vector<16xf32>
      %min3A_1008 = arith.minimumf %max3A_985, %min3A_1006 : vector<16xf32>
      %max3A_1009 = arith.maximumf %max3A_987, %min3A_1008 : vector<16xf32>
      %min3A_1010 = arith.minimumf %max3A_987, %min3A_1008 : vector<16xf32>
      %max3A_1011 = arith.maximumf %max3A_989, %min3A_1010 : vector<16xf32>
      %min3A_1012 = arith.minimumf %max3A_989, %min3A_1010 : vector<16xf32>
      %get3A_1013 = arith.constant 46 : i32
      %get3A_1014 = arith.index_cast %get3A_1013 : i32 to index
      %get3A_1015 = arith.constant 0 : index
      %get3A_1016 = tpu.vector_load %arg4[%get3A_1014, %get3A_1015] {strides = array<i32>} : memref<64x16xf32, #tpu.memory_space<vmem>>, vector<1x16xf32>,
      %get3A_1017 = vector.shape_cast %get3A_1016 : vector<1x16xf32> to vector<16xf32>
      %max3A_1018 = arith.maximumf %max3A_996, %get3A_1017 : vector<16xf32>
      %max3A_1019 = arith.maximumf %max3A_997, %get3A_1017 : vector<16xf32>
      %min3A_1020 = arith.minimumf %max3A_997, %get3A_1017 : vector<16xf32>
      %max3A_1021 = arith.maximumf %max3A_999, %min3A_1020 : vector<16xf32>
      %min3A_1022 = arith.minimumf %max3A_999, %min3A_1020 : vector<16xf32>
      %max3A_1023 = arith.maximumf %max3A_1001, %min3A_1022 : vector<16xf32>
      %min3A_1024 = arith.minimumf %max3A_1001, %min3A_1022 : vector<16xf32>
      %max3A_1025 = arith.maximumf %max3A_1003, %min3A_1024 : vector<16xf32>
      %min3A_1026 = arith.minimumf %max3A_1003, %min3A_1024 : vector<16xf32>
      %max3A_1027 = arith.maximumf %max3A_1005, %min3A_1026 : vector<16xf32>
      %min3A_1028 = arith.minimumf %max3A_1005, %min3A_1026 : vector<16xf32>
      %max3A_1029 = arith.maximumf %max3A_1007, %min3A_1028 : vector<16xf32>
      %min3A_1030 = arith.minimumf %max3A_1007, %min3A_1028 : vector<16xf32>
      %max3A_1031 = arith.maximumf %max3A_1009, %min3A_1030 : vector<16xf32>
      %min3A_1032 = arith.minimumf %max3A_1009, %min3A_1030 : vector<16xf32>
      %max3A_1033 = arith.maximumf %max3A_1011, %min3A_1032 : vector<16xf32>
      %min3A_1034 = arith.minimumf %max3A_1011, %min3A_1032 : vector<16xf32>
      %get3A_1035 = arith.constant 47 : i32
      %get3A_1036 = arith.index_cast %get3A_1035 : i32 to index
      %get3A_1037 = arith.constant 0 : index
      %get3A_1038 = tpu.vector_load %arg4[%get3A_1036, %get3A_1037] {strides = array<i32>} : memref<64x16xf32, #tpu.memory_space<vmem>>, vector<1x16xf32>,
      %get3A_1039 = vector.shape_cast %get3A_1038 : vector<1x16xf32> to vector<16xf32>
      %max3A_1040 = arith.maximumf %max3A_1018, %get3A_1039 : vector<16xf32>
      %max3A_1041 = arith.maximumf %max3A_1019, %get3A_1039 : vector<16xf32>
      %min3A_1042 = arith.minimumf %max3A_1019, %get3A_1039 : vector<16xf32>
      %max3A_1043 = arith.maximumf %max3A_1021, %min3A_1042 : vector<16xf32>
      %min3A_1044 = arith.minimumf %max3A_1021, %min3A_1042 : vector<16xf32>
      %max3A_1045 = arith.maximumf %max3A_1023, %min3A_1044 : vector<16xf32>
      %min3A_1046 = arith.minimumf %max3A_1023, %min3A_1044 : vector<16xf32>
      %max3A_1047 = arith.maximumf %max3A_1025, %min3A_1046 : vector<16xf32>
      %min3A_1048 = arith.minimumf %max3A_1025, %min3A_1046 : vector<16xf32>
      %max3A_1049 = arith.maximumf %max3A_1027, %min3A_1048 : vector<16xf32>
      %min3A_1050 = arith.minimumf %max3A_1027, %min3A_1048 : vector<16xf32>
      %max3A_1051 = arith.maximumf %max3A_1029, %min3A_1050 : vector<16xf32>
      %min3A_1052 = arith.minimumf %max3A_1029, %min3A_1050 : vector<16xf32>
      %max3A_1053 = arith.maximumf %max3A_1031, %min3A_1052 : vector<16xf32>
      %min3A_1054 = arith.minimumf %max3A_1031, %min3A_1052 : vector<16xf32>
      %max3A_1055 = arith.maximumf %max3A_1033, %min3A_1054 : vector<16xf32>
      %min3A_1056 = arith.minimumf %max3A_1033, %min3A_1054 : vector<16xf32>
      %get3A_1057 = arith.constant 48 : i32
      %get3A_1058 = arith.index_cast %get3A_1057 : i32 to index
      %get3A_1059 = arith.constant 0 : index
      %get3A_1060 = tpu.vector_load %arg4[%get3A_1058, %get3A_1059] {strides = array<i32>} : memref<64x16xf32, #tpu.memory_space<vmem>>, vector<1x16xf32>,
      %get3A_1061 = vector.shape_cast %get3A_1060 : vector<1x16xf32> to vector<16xf32>
      %max3A_1062 = arith.maximumf %max3A_1040, %get3A_1061 : vector<16xf32>
      %max3A_1063 = arith.maximumf %max3A_1041, %get3A_1061 : vector<16xf32>
      %min3A_1064 = arith.minimumf %max3A_1041, %get3A_1061 : vector<16xf32>
      %max3A_1065 = arith.maximumf %max3A_1043, %min3A_1064 : vector<16xf32>
      %min3A_1066 = arith.minimumf %max3A_1043, %min3A_1064 : vector<16xf32>
      %max3A_1067 = arith.maximumf %max3A_1045, %min3A_1066 : vector<16xf32>
      %min3A_1068 = arith.minimumf %max3A_1045, %min3A_1066 : vector<16xf32>
      %max3A_1069 = arith.maximumf %max3A_1047, %min3A_1068 : vector<16xf32>
      %min3A_1070 = arith.minimumf %max3A_1047, %min3A_1068 : vector<16xf32>
      %max3A_1071 = arith.maximumf %max3A_1049, %min3A_1070 : vector<16xf32>
      %min3A_1072 = arith.minimumf %max3A_1049, %min3A_1070 : vector<16xf32>
      %max3A_1073 = arith.maximumf %max3A_1051, %min3A_1072 : vector<16xf32>
      %min3A_1074 = arith.minimumf %max3A_1051, %min3A_1072 : vector<16xf32>
      %max3A_1075 = arith.maximumf %max3A_1053, %min3A_1074 : vector<16xf32>
      %min3A_1076 = arith.minimumf %max3A_1053, %min3A_1074 : vector<16xf32>
      %max3A_1077 = arith.maximumf %max3A_1055, %min3A_1076 : vector<16xf32>
      %min3A_1078 = arith.minimumf %max3A_1055, %min3A_1076 : vector<16xf32>
      %get3A_1079 = arith.constant 49 : i32
      %get3A_1080 = arith.index_cast %get3A_1079 : i32 to index
      %get3A_1081 = arith.constant 0 : index
      %get3A_1082 = tpu.vector_load %arg4[%get3A_1080, %get3A_1081] {strides = array<i32>} : memref<64x16xf32, #tpu.memory_space<vmem>>, vector<1x16xf32>,
      %get3A_1083 = vector.shape_cast %get3A_1082 : vector<1x16xf32> to vector<16xf32>
      %max3A_1084 = arith.maximumf %max3A_1062, %get3A_1083 : vector<16xf32>
      %max3A_1085 = arith.maximumf %max3A_1063, %get3A_1083 : vector<16xf32>
      %min3A_1086 = arith.minimumf %max3A_1063, %get3A_1083 : vector<16xf32>
      %max3A_1087 = arith.maximumf %max3A_1065, %min3A_1086 : vector<16xf32>
      %min3A_1088 = arith.minimumf %max3A_1065, %min3A_1086 : vector<16xf32>
      %max3A_1089 = arith.maximumf %max3A_1067, %min3A_1088 : vector<16xf32>
      %min3A_1090 = arith.minimumf %max3A_1067, %min3A_1088 : vector<16xf32>
      %max3A_1091 = arith.maximumf %max3A_1069, %min3A_1090 : vector<16xf32>
      %min3A_1092 = arith.minimumf %max3A_1069, %min3A_1090 : vector<16xf32>
      %max3A_1093 = arith.maximumf %max3A_1071, %min3A_1092 : vector<16xf32>
      %min3A_1094 = arith.minimumf %max3A_1071, %min3A_1092 : vector<16xf32>
      %max3A_1095 = arith.maximumf %max3A_1073, %min3A_1094 : vector<16xf32>
      %min3A_1096 = arith.minimumf %max3A_1073, %min3A_1094 : vector<16xf32>
      %max3A_1097 = arith.maximumf %max3A_1075, %min3A_1096 : vector<16xf32>
      %min3A_1098 = arith.minimumf %max3A_1075, %min3A_1096 : vector<16xf32>
      %max3A_1099 = arith.maximumf %max3A_1077, %min3A_1098 : vector<16xf32>
      %min3A_1100 = arith.minimumf %max3A_1077, %min3A_1098 : vector<16xf32>
      %get3A_1101 = arith.constant 50 : i32
      %get3A_1102 = arith.index_cast %get3A_1101 : i32 to index
      %get3A_1103 = arith.constant 0 : index
      %get3A_1104 = tpu.vector_load %arg4[%get3A_1102, %get3A_1103] {strides = array<i32>} : memref<64x16xf32, #tpu.memory_space<vmem>>, vector<1x16xf32>,
      %get3A_1105 = vector.shape_cast %get3A_1104 : vector<1x16xf32> to vector<16xf32>
      %max3A_1106 = arith.maximumf %max3A_1084, %get3A_1105 : vector<16xf32>
      %max3A_1107 = arith.maximumf %max3A_1085, %get3A_1105 : vector<16xf32>
      %min3A_1108 = arith.minimumf %max3A_1085, %get3A_1105 : vector<16xf32>
      %max3A_1109 = arith.maximumf %max3A_1087, %min3A_1108 : vector<16xf32>
      %min3A_1110 = arith.minimumf %max3A_1087, %min3A_1108 : vector<16xf32>
      %max3A_1111 = arith.maximumf %max3A_1089, %min3A_1110 : vector<16xf32>
      %min3A_1112 = arith.minimumf %max3A_1089, %min3A_1110 : vector<16xf32>
      %max3A_1113 = arith.maximumf %max3A_1091, %min3A_1112 : vector<16xf32>
      %min3A_1114 = arith.minimumf %max3A_1091, %min3A_1112 : vector<16xf32>
      %max3A_1115 = arith.maximumf %max3A_1093, %min3A_1114 : vector<16xf32>
      %min3A_1116 = arith.minimumf %max3A_1093, %min3A_1114 : vector<16xf32>
      %max3A_1117 = arith.maximumf %max3A_1095, %min3A_1116 : vector<16xf32>
      %min3A_1118 = arith.minimumf %max3A_1095, %min3A_1116 : vector<16xf32>
      %max3A_1119 = arith.maximumf %max3A_1097, %min3A_1118 : vector<16xf32>
      %min3A_1120 = arith.minimumf %max3A_1097, %min3A_1118 : vector<16xf32>
      %max3A_1121 = arith.maximumf %max3A_1099, %min3A_1120 : vector<16xf32>
      %min3A_1122 = arith.minimumf %max3A_1099, %min3A_1120 : vector<16xf32>
      %get3A_1123 = arith.constant 51 : i32
      %get3A_1124 = arith.index_cast %get3A_1123 : i32 to index
      %get3A_1125 = arith.constant 0 : index
      %get3A_1126 = tpu.vector_load %arg4[%get3A_1124, %get3A_1125] {strides = array<i32>} : memref<64x16xf32, #tpu.memory_space<vmem>>, vector<1x16xf32>,
      %get3A_1127 = vector.shape_cast %get3A_1126 : vector<1x16xf32> to vector<16xf32>
      %max3A_1128 = arith.maximumf %max3A_1106, %get3A_1127 : vector<16xf32>
      %max3A_1129 = arith.maximumf %max3A_1107, %get3A_1127 : vector<16xf32>
      %min3A_1130 = arith.minimumf %max3A_1107, %get3A_1127 : vector<16xf32>
      %max3A_1131 = arith.maximumf %max3A_1109, %min3A_1130 : vector<16xf32>
      %min3A_1132 = arith.minimumf %max3A_1109, %min3A_1130 : vector<16xf32>
      %max3A_1133 = arith.maximumf %max3A_1111, %min3A_1132 : vector<16xf32>
      %min3A_1134 = arith.minimumf %max3A_1111, %min3A_1132 : vector<16xf32>
      %max3A_1135 = arith.maximumf %max3A_1113, %min3A_1134 : vector<16xf32>
      %min3A_1136 = arith.minimumf %max3A_1113, %min3A_1134 : vector<16xf32>
      %max3A_1137 = arith.maximumf %max3A_1115, %min3A_1136 : vector<16xf32>
      %min3A_1138 = arith.minimumf %max3A_1115, %min3A_1136 : vector<16xf32>
      %max3A_1139 = arith.maximumf %max3A_1117, %min3A_1138 : vector<16xf32>
      %min3A_1140 = arith.minimumf %max3A_1117, %min3A_1138 : vector<16xf32>
      %max3A_1141 = arith.maximumf %max3A_1119, %min3A_1140 : vector<16xf32>
      %min3A_1142 = arith.minimumf %max3A_1119, %min3A_1140 : vector<16xf32>
      %max3A_1143 = arith.maximumf %max3A_1121, %min3A_1142 : vector<16xf32>
      %min3A_1144 = arith.minimumf %max3A_1121, %min3A_1142 : vector<16xf32>
      %get3A_1145 = arith.constant 52 : i32
      %get3A_1146 = arith.index_cast %get3A_1145 : i32 to index
      %get3A_1147 = arith.constant 0 : index
      %get3A_1148 = tpu.vector_load %arg4[%get3A_1146, %get3A_1147] {strides = array<i32>} : memref<64x16xf32, #tpu.memory_space<vmem>>, vector<1x16xf32>,
      %get3A_1149 = vector.shape_cast %get3A_1148 : vector<1x16xf32> to vector<16xf32>
      %max3A_1150 = arith.maximumf %max3A_1128, %get3A_1149 : vector<16xf32>
      %max3A_1151 = arith.maximumf %max3A_1129, %get3A_1149 : vector<16xf32>
      %min3A_1152 = arith.minimumf %max3A_1129, %get3A_1149 : vector<16xf32>
      %max3A_1153 = arith.maximumf %max3A_1131, %min3A_1152 : vector<16xf32>
      %min3A_1154 = arith.minimumf %max3A_1131, %min3A_1152 : vector<16xf32>
      %max3A_1155 = arith.maximumf %max3A_1133, %min3A_1154 : vector<16xf32>
      %min3A_1156 = arith.minimumf %max3A_1133, %min3A_1154 : vector<16xf32>
      %max3A_1157 = arith.maximumf %max3A_1135, %min3A_1156 : vector<16xf32>
      %min3A_1158 = arith.minimumf %max3A_1135, %min3A_1156 : vector<16xf32>
      %max3A_1159 = arith.maximumf %max3A_1137, %min3A_1158 : vector<16xf32>
      %min3A_1160 = arith.minimumf %max3A_1137, %min3A_1158 : vector<16xf32>
      %max3A_1161 = arith.maximumf %max3A_1139, %min3A_1160 : vector<16xf32>
      %min3A_1162 = arith.minimumf %max3A_1139, %min3A_1160 : vector<16xf32>
      %max3A_1163 = arith.maximumf %max3A_1141, %min3A_1162 : vector<16xf32>
      %min3A_1164 = arith.minimumf %max3A_1141, %min3A_1162 : vector<16xf32>
      %max3A_1165 = arith.maximumf %max3A_1143, %min3A_1164 : vector<16xf32>
      %min3A_1166 = arith.minimumf %max3A_1143, %min3A_1164 : vector<16xf32>
      %get3A_1167 = arith.constant 53 : i32
      %get3A_1168 = arith.index_cast %get3A_1167 : i32 to index
      %get3A_1169 = arith.constant 0 : index
      %get3A_1170 = tpu.vector_load %arg4[%get3A_1168, %get3A_1169] {strides = array<i32>} : memref<64x16xf32, #tpu.memory_space<vmem>>, vector<1x16xf32>,
      %get3A_1171 = vector.shape_cast %get3A_1170 : vector<1x16xf32> to vector<16xf32>
      %max3A_1172 = arith.maximumf %max3A_1150, %get3A_1171 : vector<16xf32>
      %max3A_1173 = arith.maximumf %max3A_1151, %get3A_1171 : vector<16xf32>
      %min3A_1174 = arith.minimumf %max3A_1151, %get3A_1171 : vector<16xf32>
      %max3A_1175 = arith.maximumf %max3A_1153, %min3A_1174 : vector<16xf32>
      %min3A_1176 = arith.minimumf %max3A_1153, %min3A_1174 : vector<16xf32>
      %max3A_1177 = arith.maximumf %max3A_1155, %min3A_1176 : vector<16xf32>
      %min3A_1178 = arith.minimumf %max3A_1155, %min3A_1176 : vector<16xf32>
      %max3A_1179 = arith.maximumf %max3A_1157, %min3A_1178 : vector<16xf32>
      %min3A_1180 = arith.minimumf %max3A_1157, %min3A_1178 : vector<16xf32>
      %max3A_1181 = arith.maximumf %max3A_1159, %min3A_1180 : vector<16xf32>
      %min3A_1182 = arith.minimumf %max3A_1159, %min3A_1180 : vector<16xf32>
      %max3A_1183 = arith.maximumf %max3A_1161, %min3A_1182 : vector<16xf32>
      %min3A_1184 = arith.minimumf %max3A_1161, %min3A_1182 : vector<16xf32>
      %max3A_1185 = arith.maximumf %max3A_1163, %min3A_1184 : vector<16xf32>
      %min3A_1186 = arith.minimumf %max3A_1163, %min3A_1184 : vector<16xf32>
      %max3A_1187 = arith.maximumf %max3A_1165, %min3A_1186 : vector<16xf32>
      %min3A_1188 = arith.minimumf %max3A_1165, %min3A_1186 : vector<16xf32>
      %get3A_1189 = arith.constant 54 : i32
      %get3A_1190 = arith.index_cast %get3A_1189 : i32 to index
      %get3A_1191 = arith.constant 0 : index
      %get3A_1192 = tpu.vector_load %arg4[%get3A_1190, %get3A_1191] {strides = array<i32>} : memref<64x16xf32, #tpu.memory_space<vmem>>, vector<1x16xf32>,
      %get3A_1193 = vector.shape_cast %get3A_1192 : vector<1x16xf32> to vector<16xf32>
      %max3A_1194 = arith.maximumf %max3A_1172, %get3A_1193 : vector<16xf32>
      %max3A_1195 = arith.maximumf %max3A_1173, %get3A_1193 : vector<16xf32>
      %min3A_1196 = arith.minimumf %max3A_1173, %get3A_1193 : vector<16xf32>
      %max3A_1197 = arith.maximumf %max3A_1175, %min3A_1196 : vector<16xf32>
      %min3A_1198 = arith.minimumf %max3A_1175, %min3A_1196 : vector<16xf32>
      %max3A_1199 = arith.maximumf %max3A_1177, %min3A_1198 : vector<16xf32>
      %min3A_1200 = arith.minimumf %max3A_1177, %min3A_1198 : vector<16xf32>
      %max3A_1201 = arith.maximumf %max3A_1179, %min3A_1200 : vector<16xf32>
      %min3A_1202 = arith.minimumf %max3A_1179, %min3A_1200 : vector<16xf32>
      %max3A_1203 = arith.maximumf %max3A_1181, %min3A_1202 : vector<16xf32>
      %min3A_1204 = arith.minimumf %max3A_1181, %min3A_1202 : vector<16xf32>
      %max3A_1205 = arith.maximumf %max3A_1183, %min3A_1204 : vector<16xf32>
      %min3A_1206 = arith.minimumf %max3A_1183, %min3A_1204 : vector<16xf32>
      %max3A_1207 = arith.maximumf %max3A_1185, %min3A_1206 : vector<16xf32>
      %min3A_1208 = arith.minimumf %max3A_1185, %min3A_1206 : vector<16xf32>
      %max3A_1209 = arith.maximumf %max3A_1187, %min3A_1208 : vector<16xf32>
      %min3A_1210 = arith.minimumf %max3A_1187, %min3A_1208 : vector<16xf32>
      %get3A_1211 = arith.constant 55 : i32
      %get3A_1212 = arith.index_cast %get3A_1211 : i32 to index
      %get3A_1213 = arith.constant 0 : index
      %get3A_1214 = tpu.vector_load %arg4[%get3A_1212, %get3A_1213] {strides = array<i32>} : memref<64x16xf32, #tpu.memory_space<vmem>>, vector<1x16xf32>,
      %get3A_1215 = vector.shape_cast %get3A_1214 : vector<1x16xf32> to vector<16xf32>
      %max3A_1216 = arith.maximumf %max3A_1194, %get3A_1215 : vector<16xf32>
      %max3A_1217 = arith.maximumf %max3A_1195, %get3A_1215 : vector<16xf32>
      %min3A_1218 = arith.minimumf %max3A_1195, %get3A_1215 : vector<16xf32>
      %max3A_1219 = arith.maximumf %max3A_1197, %min3A_1218 : vector<16xf32>
      %min3A_1220 = arith.minimumf %max3A_1197, %min3A_1218 : vector<16xf32>
      %max3A_1221 = arith.maximumf %max3A_1199, %min3A_1220 : vector<16xf32>
      %min3A_1222 = arith.minimumf %max3A_1199, %min3A_1220 : vector<16xf32>
      %max3A_1223 = arith.maximumf %max3A_1201, %min3A_1222 : vector<16xf32>
      %min3A_1224 = arith.minimumf %max3A_1201, %min3A_1222 : vector<16xf32>
      %max3A_1225 = arith.maximumf %max3A_1203, %min3A_1224 : vector<16xf32>
      %min3A_1226 = arith.minimumf %max3A_1203, %min3A_1224 : vector<16xf32>
      %max3A_1227 = arith.maximumf %max3A_1205, %min3A_1226 : vector<16xf32>
      %min3A_1228 = arith.minimumf %max3A_1205, %min3A_1226 : vector<16xf32>
      %max3A_1229 = arith.maximumf %max3A_1207, %min3A_1228 : vector<16xf32>
      %min3A_1230 = arith.minimumf %max3A_1207, %min3A_1228 : vector<16xf32>
      %max3A_1231 = arith.maximumf %max3A_1209, %min3A_1230 : vector<16xf32>
      %min3A_1232 = arith.minimumf %max3A_1209, %min3A_1230 : vector<16xf32>
      %get3A_1233 = arith.constant 56 : i32
      %get3A_1234 = arith.index_cast %get3A_1233 : i32 to index
      %get3A_1235 = arith.constant 0 : index
      %get3A_1236 = tpu.vector_load %arg4[%get3A_1234, %get3A_1235] {strides = array<i32>} : memref<64x16xf32, #tpu.memory_space<vmem>>, vector<1x16xf32>,
      %get3A_1237 = vector.shape_cast %get3A_1236 : vector<1x16xf32> to vector<16xf32>
      %max3A_1238 = arith.maximumf %max3A_1216, %get3A_1237 : vector<16xf32>
      %max3A_1239 = arith.maximumf %max3A_1217, %get3A_1237 : vector<16xf32>
      %min3A_1240 = arith.minimumf %max3A_1217, %get3A_1237 : vector<16xf32>
      %max3A_1241 = arith.maximumf %max3A_1219, %min3A_1240 : vector<16xf32>
      %min3A_1242 = arith.minimumf %max3A_1219, %min3A_1240 : vector<16xf32>
      %max3A_1243 = arith.maximumf %max3A_1221, %min3A_1242 : vector<16xf32>
      %min3A_1244 = arith.minimumf %max3A_1221, %min3A_1242 : vector<16xf32>
      %max3A_1245 = arith.maximumf %max3A_1223, %min3A_1244 : vector<16xf32>
      %min3A_1246 = arith.minimumf %max3A_1223, %min3A_1244 : vector<16xf32>
      %max3A_1247 = arith.maximumf %max3A_1225, %min3A_1246 : vector<16xf32>
      %min3A_1248 = arith.minimumf %max3A_1225, %min3A_1246 : vector<16xf32>
      %max3A_1249 = arith.maximumf %max3A_1227, %min3A_1248 : vector<16xf32>
      %min3A_1250 = arith.minimumf %max3A_1227, %min3A_1248 : vector<16xf32>
      %max3A_1251 = arith.maximumf %max3A_1229, %min3A_1250 : vector<16xf32>
      %min3A_1252 = arith.minimumf %max3A_1229, %min3A_1250 : vector<16xf32>
      %max3A_1253 = arith.maximumf %max3A_1231, %min3A_1252 : vector<16xf32>
      %min3A_1254 = arith.minimumf %max3A_1231, %min3A_1252 : vector<16xf32>
      %get3A_1255 = arith.constant 57 : i32
      %get3A_1256 = arith.index_cast %get3A_1255 : i32 to index
      %get3A_1257 = arith.constant 0 : index
      %get3A_1258 = tpu.vector_load %arg4[%get3A_1256, %get3A_1257] {strides = array<i32>} : memref<64x16xf32, #tpu.memory_space<vmem>>, vector<1x16xf32>,
      %get3A_1259 = vector.shape_cast %get3A_1258 : vector<1x16xf32> to vector<16xf32>
      %max3A_1260 = arith.maximumf %max3A_1238, %get3A_1259 : vector<16xf32>
      %max3A_1261 = arith.maximumf %max3A_1239, %get3A_1259 : vector<16xf32>
      %min3A_1262 = arith.minimumf %max3A_1239, %get3A_1259 : vector<16xf32>
      %max3A_1263 = arith.maximumf %max3A_1241, %min3A_1262 : vector<16xf32>
      %min3A_1264 = arith.minimumf %max3A_1241, %min3A_1262 : vector<16xf32>
      %max3A_1265 = arith.maximumf %max3A_1243, %min3A_1264 : vector<16xf32>
      %min3A_1266 = arith.minimumf %max3A_1243, %min3A_1264 : vector<16xf32>
      %max3A_1267 = arith.maximumf %max3A_1245, %min3A_1266 : vector<16xf32>
      %min3A_1268 = arith.minimumf %max3A_1245, %min3A_1266 : vector<16xf32>
      %max3A_1269 = arith.maximumf %max3A_1247, %min3A_1268 : vector<16xf32>
      %min3A_1270 = arith.minimumf %max3A_1247, %min3A_1268 : vector<16xf32>
      %max3A_1271 = arith.maximumf %max3A_1249, %min3A_1270 : vector<16xf32>
      %min3A_1272 = arith.minimumf %max3A_1249, %min3A_1270 : vector<16xf32>
      %max3A_1273 = arith.maximumf %max3A_1251, %min3A_1272 : vector<16xf32>
      %min3A_1274 = arith.minimumf %max3A_1251, %min3A_1272 : vector<16xf32>
      %max3A_1275 = arith.maximumf %max3A_1253, %min3A_1274 : vector<16xf32>
      %min3A_1276 = arith.minimumf %max3A_1253, %min3A_1274 : vector<16xf32>
      %get3A_1277 = arith.constant 58 : i32
      %get3A_1278 = arith.index_cast %get3A_1277 : i32 to index
      %get3A_1279 = arith.constant 0 : index
      %get3A_1280 = tpu.vector_load %arg4[%get3A_1278, %get3A_1279] {strides = array<i32>} : memref<64x16xf32, #tpu.memory_space<vmem>>, vector<1x16xf32>,
      %get3A_1281 = vector.shape_cast %get3A_1280 : vector<1x16xf32> to vector<16xf32>
      %max3A_1282 = arith.maximumf %max3A_1260, %get3A_1281 : vector<16xf32>
      %max3A_1283 = arith.maximumf %max3A_1261, %get3A_1281 : vector<16xf32>
      %min3A_1284 = arith.minimumf %max3A_1261, %get3A_1281 : vector<16xf32>
      %max3A_1285 = arith.maximumf %max3A_1263, %min3A_1284 : vector<16xf32>
      %min3A_1286 = arith.minimumf %max3A_1263, %min3A_1284 : vector<16xf32>
      %max3A_1287 = arith.maximumf %max3A_1265, %min3A_1286 : vector<16xf32>
      %min3A_1288 = arith.minimumf %max3A_1265, %min3A_1286 : vector<16xf32>
      %max3A_1289 = arith.maximumf %max3A_1267, %min3A_1288 : vector<16xf32>
      %min3A_1290 = arith.minimumf %max3A_1267, %min3A_1288 : vector<16xf32>
      %max3A_1291 = arith.maximumf %max3A_1269, %min3A_1290 : vector<16xf32>
      %min3A_1292 = arith.minimumf %max3A_1269, %min3A_1290 : vector<16xf32>
      %max3A_1293 = arith.maximumf %max3A_1271, %min3A_1292 : vector<16xf32>
      %min3A_1294 = arith.minimumf %max3A_1271, %min3A_1292 : vector<16xf32>
      %max3A_1295 = arith.maximumf %max3A_1273, %min3A_1294 : vector<16xf32>
      %min3A_1296 = arith.minimumf %max3A_1273, %min3A_1294 : vector<16xf32>
      %max3A_1297 = arith.maximumf %max3A_1275, %min3A_1296 : vector<16xf32>
      %min3A_1298 = arith.minimumf %max3A_1275, %min3A_1296 : vector<16xf32>
      %get3A_1299 = arith.constant 59 : i32
      %get3A_1300 = arith.index_cast %get3A_1299 : i32 to index
      %get3A_1301 = arith.constant 0 : index
      %get3A_1302 = tpu.vector_load %arg4[%get3A_1300, %get3A_1301] {strides = array<i32>} : memref<64x16xf32, #tpu.memory_space<vmem>>, vector<1x16xf32>,
      %get3A_1303 = vector.shape_cast %get3A_1302 : vector<1x16xf32> to vector<16xf32>
      %max3A_1304 = arith.maximumf %max3A_1282, %get3A_1303 : vector<16xf32>
      %max3A_1305 = arith.maximumf %max3A_1283, %get3A_1303 : vector<16xf32>
      %min3A_1306 = arith.minimumf %max3A_1283, %get3A_1303 : vector<16xf32>
      %max3A_1307 = arith.maximumf %max3A_1285, %min3A_1306 : vector<16xf32>
      %min3A_1308 = arith.minimumf %max3A_1285, %min3A_1306 : vector<16xf32>
      %max3A_1309 = arith.maximumf %max3A_1287, %min3A_1308 : vector<16xf32>
      %min3A_1310 = arith.minimumf %max3A_1287, %min3A_1308 : vector<16xf32>
      %max3A_1311 = arith.maximumf %max3A_1289, %min3A_1310 : vector<16xf32>
      %min3A_1312 = arith.minimumf %max3A_1289, %min3A_1310 : vector<16xf32>
      %max3A_1313 = arith.maximumf %max3A_1291, %min3A_1312 : vector<16xf32>
      %min3A_1314 = arith.minimumf %max3A_1291, %min3A_1312 : vector<16xf32>
      %max3A_1315 = arith.maximumf %max3A_1293, %min3A_1314 : vector<16xf32>
      %min3A_1316 = arith.minimumf %max3A_1293, %min3A_1314 : vector<16xf32>
      %max3A_1317 = arith.maximumf %max3A_1295, %min3A_1316 : vector<16xf32>
      %min3A_1318 = arith.minimumf %max3A_1295, %min3A_1316 : vector<16xf32>
      %max3A_1319 = arith.maximumf %max3A_1297, %min3A_1318 : vector<16xf32>
      %min3A_1320 = arith.minimumf %max3A_1297, %min3A_1318 : vector<16xf32>
      %get3A_1321 = arith.constant 60 : i32
      %get3A_1322 = arith.index_cast %get3A_1321 : i32 to index
      %get3A_1323 = arith.constant 0 : index
      %get3A_1324 = tpu.vector_load %arg4[%get3A_1322, %get3A_1323] {strides = array<i32>} : memref<64x16xf32, #tpu.memory_space<vmem>>, vector<1x16xf32>,
      %get3A_1325 = vector.shape_cast %get3A_1324 : vector<1x16xf32> to vector<16xf32>
      %max3A_1326 = arith.maximumf %max3A_1304, %get3A_1325 : vector<16xf32>
      %max3A_1327 = arith.maximumf %max3A_1305, %get3A_1325 : vector<16xf32>
      %min3A_1328 = arith.minimumf %max3A_1305, %get3A_1325 : vector<16xf32>
      %max3A_1329 = arith.maximumf %max3A_1307, %min3A_1328 : vector<16xf32>
      %min3A_1330 = arith.minimumf %max3A_1307, %min3A_1328 : vector<16xf32>
      %max3A_1331 = arith.maximumf %max3A_1309, %min3A_1330 : vector<16xf32>
      %min3A_1332 = arith.minimumf %max3A_1309, %min3A_1330 : vector<16xf32>
      %max3A_1333 = arith.maximumf %max3A_1311, %min3A_1332 : vector<16xf32>
      %min3A_1334 = arith.minimumf %max3A_1311, %min3A_1332 : vector<16xf32>
      %max3A_1335 = arith.maximumf %max3A_1313, %min3A_1334 : vector<16xf32>
      %min3A_1336 = arith.minimumf %max3A_1313, %min3A_1334 : vector<16xf32>
      %max3A_1337 = arith.maximumf %max3A_1315, %min3A_1336 : vector<16xf32>
      %min3A_1338 = arith.minimumf %max3A_1315, %min3A_1336 : vector<16xf32>
      %max3A_1339 = arith.maximumf %max3A_1317, %min3A_1338 : vector<16xf32>
      %min3A_1340 = arith.minimumf %max3A_1317, %min3A_1338 : vector<16xf32>
      %max3A_1341 = arith.maximumf %max3A_1319, %min3A_1340 : vector<16xf32>
      %min3A_1342 = arith.minimumf %max3A_1319, %min3A_1340 : vector<16xf32>
      %get3A_1343 = arith.constant 61 : i32
      %get3A_1344 = arith.index_cast %get3A_1343 : i32 to index
      %get3A_1345 = arith.constant 0 : index
      %get3A_1346 = tpu.vector_load %arg4[%get3A_1344, %get3A_1345] {strides = array<i32>} : memref<64x16xf32, #tpu.memory_space<vmem>>, vector<1x16xf32>,
      %get3A_1347 = vector.shape_cast %get3A_1346 : vector<1x16xf32> to vector<16xf32>
      %max3A_1348 = arith.maximumf %max3A_1326, %get3A_1347 : vector<16xf32>
      %max3A_1349 = arith.maximumf %max3A_1327, %get3A_1347 : vector<16xf32>
      %min3A_1350 = arith.minimumf %max3A_1327, %get3A_1347 : vector<16xf32>
      %max3A_1351 = arith.maximumf %max3A_1329, %min3A_1350 : vector<16xf32>
      %min3A_1352 = arith.minimumf %max3A_1329, %min3A_1350 : vector<16xf32>
      %max3A_1353 = arith.maximumf %max3A_1331, %min3A_1352 : vector<16xf32>
      %min3A_1354 = arith.minimumf %max3A_1331, %min3A_1352 : vector<16xf32>
      %max3A_1355 = arith.maximumf %max3A_1333, %min3A_1354 : vector<16xf32>
      %min3A_1356 = arith.minimumf %max3A_1333, %min3A_1354 : vector<16xf32>
      %max3A_1357 = arith.maximumf %max3A_1335, %min3A_1356 : vector<16xf32>
      %min3A_1358 = arith.minimumf %max3A_1335, %min3A_1356 : vector<16xf32>
      %max3A_1359 = arith.maximumf %max3A_1337, %min3A_1358 : vector<16xf32>
      %min3A_1360 = arith.minimumf %max3A_1337, %min3A_1358 : vector<16xf32>
      %max3A_1361 = arith.maximumf %max3A_1339, %min3A_1360 : vector<16xf32>
      %min3A_1362 = arith.minimumf %max3A_1339, %min3A_1360 : vector<16xf32>
      %max3A_1363 = arith.maximumf %max3A_1341, %min3A_1362 : vector<16xf32>
      %min3A_1364 = arith.minimumf %max3A_1341, %min3A_1362 : vector<16xf32>
      %get3A_1365 = arith.constant 62 : i32
      %get3A_1366 = arith.index_cast %get3A_1365 : i32 to index
      %get3A_1367 = arith.constant 0 : index
      %get3A_1368 = tpu.vector_load %arg4[%get3A_1366, %get3A_1367] {strides = array<i32>} : memref<64x16xf32, #tpu.memory_space<vmem>>, vector<1x16xf32>,
      %get3A_1369 = vector.shape_cast %get3A_1368 : vector<1x16xf32> to vector<16xf32>
      %max3A_1370 = arith.maximumf %max3A_1348, %get3A_1369 : vector<16xf32>
      %max3A_1371 = arith.maximumf %max3A_1349, %get3A_1369 : vector<16xf32>
      %min3A_1372 = arith.minimumf %max3A_1349, %get3A_1369 : vector<16xf32>
      %max3A_1373 = arith.maximumf %max3A_1351, %min3A_1372 : vector<16xf32>
      %min3A_1374 = arith.minimumf %max3A_1351, %min3A_1372 : vector<16xf32>
      %max3A_1375 = arith.maximumf %max3A_1353, %min3A_1374 : vector<16xf32>
      %min3A_1376 = arith.minimumf %max3A_1353, %min3A_1374 : vector<16xf32>
      %max3A_1377 = arith.maximumf %max3A_1355, %min3A_1376 : vector<16xf32>
      %min3A_1378 = arith.minimumf %max3A_1355, %min3A_1376 : vector<16xf32>
      %max3A_1379 = arith.maximumf %max3A_1357, %min3A_1378 : vector<16xf32>
      %min3A_1380 = arith.minimumf %max3A_1357, %min3A_1378 : vector<16xf32>
      %max3A_1381 = arith.maximumf %max3A_1359, %min3A_1380 : vector<16xf32>
      %min3A_1382 = arith.minimumf %max3A_1359, %min3A_1380 : vector<16xf32>
      %max3A_1383 = arith.maximumf %max3A_1361, %min3A_1382 : vector<16xf32>
      %min3A_1384 = arith.minimumf %max3A_1361, %min3A_1382 : vector<16xf32>
      %max3A_1385 = arith.maximumf %max3A_1363, %min3A_1384 : vector<16xf32>
      %min3A_1386 = arith.minimumf %max3A_1363, %min3A_1384 : vector<16xf32>
      %get3A_1387 = arith.constant 63 : i32
      %get3A_1388 = arith.index_cast %get3A_1387 : i32 to index
      %get3A_1389 = arith.constant 0 : index
      %get3A_1390 = tpu.vector_load %arg4[%get3A_1388, %get3A_1389] {strides = array<i32>} : memref<64x16xf32, #tpu.memory_space<vmem>>, vector<1x16xf32>,
      %get3A_1391 = vector.shape_cast %get3A_1390 : vector<1x16xf32> to vector<16xf32>
      %max3A_1392 = arith.maximumf %max3A_1370, %get3A_1391 : vector<16xf32>
      %max3A_1393 = arith.maximumf %max3A_1371, %get3A_1391 : vector<16xf32>
      %min3A_1394 = arith.minimumf %max3A_1371, %get3A_1391 : vector<16xf32>
      %max3A_1395 = arith.maximumf %max3A_1373, %min3A_1394 : vector<16xf32>
      %min3A_1396 = arith.minimumf %max3A_1373, %min3A_1394 : vector<16xf32>
      %max3A_1397 = arith.maximumf %max3A_1375, %min3A_1396 : vector<16xf32>
      %min3A_1398 = arith.minimumf %max3A_1375, %min3A_1396 : vector<16xf32>
      %max3A_1399 = arith.maximumf %max3A_1377, %min3A_1398 : vector<16xf32>
      %min3A_1400 = arith.minimumf %max3A_1377, %min3A_1398 : vector<16xf32>
      %max3A_1401 = arith.maximumf %max3A_1379, %min3A_1400 : vector<16xf32>
      %min3A_1402 = arith.minimumf %max3A_1379, %min3A_1400 : vector<16xf32>
      %max3A_1403 = arith.maximumf %max3A_1381, %min3A_1402 : vector<16xf32>
      %min3A_1404 = arith.minimumf %max3A_1381, %min3A_1402 : vector<16xf32>
      %max3A_1405 = arith.maximumf %max3A_1383, %min3A_1404 : vector<16xf32>
      %min3A_1406 = arith.minimumf %max3A_1383, %min3A_1404 : vector<16xf32>
      %max3A_1407 = arith.maximumf %max3A_1385, %min3A_1406 : vector<16xf32>
      %min3A_1408 = arith.minimumf %max3A_1385, %min3A_1406 : vector<16xf32>
      %broadcast_in_dim3A_1409 = arith.constant 0.000000e+00 : f32
      %broadcast_in_dim3A_1410 = vector.broadcast %broadcast_in_dim3A_1409 : f32 to vector<16xf32>
      %get3A_1411 = arith.constant 0 : i32
      %get3A_1412 = arith.index_cast %get3A_1411 : i32 to index
      %get3A_1413 = arith.constant 0 : index
      %get3A_1414 = tpu.vector_load %arg4[%get3A_1412, %get3A_1413] {strides = array<i32>} : memref<64x16xf32, #tpu.memory_space<vmem>>, vector<1x16xf32>,
      %get3A_1415 = vector.shape_cast %get3A_1414 : vector<1x16xf32> to vector<16xf32>
      %ge3A = arith.cmpf oge, %get3A_1415, %max3A_1407 : vector<16xf32>
      %sub3A = arith.subf %get3A_1415, %max3A_1392 : vector<16xf32>
      %exp3A = math.exp %sub3A : vector<16xf32>
      %jit3A = arith.constant 0.000000e+00 : f32
      %broadcast_in_dim3A_1416 = vector.broadcast %jit3A : f32 to vector<16xf32>
      %select_n3A = arith.select %ge3A, %exp3A, %broadcast_in_dim3A_1416 : vector<16xi1>, vector<16xf32>
      %add3A_1417 = arith.addf %broadcast_in_dim3A_1410, %select_n3A : vector<16xf32>
      %swap3A = arith.constant 0 : i32
      %swap3A_1418 = arith.index_cast %swap3A : i32 to index
      %swap3A_1419 = arith.constant 0 : index
      %swap3A_1420 = tpu.vector_load %arg5[%swap3A_1418, %swap3A_1419] {strides = array<i32>} : memref<64x16xf32, #tpu.memory_space<vmem>>, vector<1x16xf32>,
      %swap3A_1421 = vector.shape_cast %swap3A_1420 : vector<1x16xf32> to vector<16xf32>
      %swap3A_1422 = vector.shape_cast %select_n3A : vector<16xf32> to vector<1x16xf32>
      tpu.vector_store %arg5[%swap3A_1418, %swap3A_1419], %swap3A_1422 {strides = array<i32>} : memref<64x16xf32, #tpu.memory_space<vmem>>, vector<1x16xf32>,
      %get3A_1423 = arith.constant 1 : i32
      %get3A_1424 = arith.index_cast %get3A_1423 : i32 to index
      %get3A_1425 = arith.constant 0 : index
      %get3A_1426 = tpu.vector_load %arg4[%get3A_1424, %get3A_1425] {strides = array<i32>} : memref<64x16xf32, #tpu.memory_space<vmem>>, vector<1x16xf32>,
      %get3A_1427 = vector.shape_cast %get3A_1426 : vector<1x16xf32> to vector<16xf32>
      %ge3A_1428 = arith.cmpf oge, %get3A_1427, %max3A_1407 : vector<16xf32>
      %sub3A_1429 = arith.subf %get3A_1427, %max3A_1392 : vector<16xf32>
      %exp3A_1430 = math.exp %sub3A_1429 : vector<16xf32>
      %jit3A_1431 = arith.constant 0.000000e+00 : f32
      %broadcast_in_dim3A_1432 = vector.broadcast %jit3A_1431 : f32 to vector<16xf32>
      %select_n3A_1433 = arith.select %ge3A_1428, %exp3A_1430, %broadcast_in_dim3A_1432 : vector<16xi1>, vector<16xf32>
      %add3A_1434 = arith.addf %add3A_1417, %select_n3A_1433 : vector<16xf32>
      %swap3A_1435 = arith.constant 1 : i32
      %swap3A_1436 = arith.index_cast %swap3A_1435 : i32 to index
      %swap3A_1437 = arith.constant 0 : index
      %swap3A_1438 = tpu.vector_load %arg5[%swap3A_1436, %swap3A_1437] {strides = array<i32>} : memref<64x16xf32, #tpu.memory_space<vmem>>, vector<1x16xf32>,
      %swap3A_1439 = vector.shape_cast %swap3A_1438 : vector<1x16xf32> to vector<16xf32>
      %swap3A_1440 = vector.shape_cast %select_n3A_1433 : vector<16xf32> to vector<1x16xf32>
      tpu.vector_store %arg5[%swap3A_1436, %swap3A_1437], %swap3A_1440 {strides = array<i32>} : memref<64x16xf32, #tpu.memory_space<vmem>>, vector<1x16xf32>,
      %get3A_1441 = arith.constant 2 : i32
      %get3A_1442 = arith.index_cast %get3A_1441 : i32 to index
      %get3A_1443 = arith.constant 0 : index
      %get3A_1444 = tpu.vector_load %arg4[%get3A_1442, %get3A_1443] {strides = array<i32>} : memref<64x16xf32, #tpu.memory_space<vmem>>, vector<1x16xf32>,
      %get3A_1445 = vector.shape_cast %get3A_1444 : vector<1x16xf32> to vector<16xf32>
      %ge3A_1446 = arith.cmpf oge, %get3A_1445, %max3A_1407 : vector<16xf32>
      %sub3A_1447 = arith.subf %get3A_1445, %max3A_1392 : vector<16xf32>
      %exp3A_1448 = math.exp %sub3A_1447 : vector<16xf32>
      %jit3A_1449 = arith.constant 0.000000e+00 : f32
      %broadcast_in_dim3A_1450 = vector.broadcast %jit3A_1449 : f32 to vector<16xf32>
      %select_n3A_1451 = arith.select %ge3A_1446, %exp3A_1448, %broadcast_in_dim3A_1450 : vector<16xi1>, vector<16xf32>
      %add3A_1452 = arith.addf %add3A_1434, %select_n3A_1451 : vector<16xf32>
      %swap3A_1453 = arith.constant 2 : i32
      %swap3A_1454 = arith.index_cast %swap3A_1453 : i32 to index
      %swap3A_1455 = arith.constant 0 : index
      %swap3A_1456 = tpu.vector_load %arg5[%swap3A_1454, %swap3A_1455] {strides = array<i32>} : memref<64x16xf32, #tpu.memory_space<vmem>>, vector<1x16xf32>,
      %swap3A_1457 = vector.shape_cast %swap3A_1456 : vector<1x16xf32> to vector<16xf32>
      %swap3A_1458 = vector.shape_cast %select_n3A_1451 : vector<16xf32> to vector<1x16xf32>
      tpu.vector_store %arg5[%swap3A_1454, %swap3A_1455], %swap3A_1458 {strides = array<i32>} : memref<64x16xf32, #tpu.memory_space<vmem>>, vector<1x16xf32>,
      %get3A_1459 = arith.constant 3 : i32
      %get3A_1460 = arith.index_cast %get3A_1459 : i32 to index
      %get3A_1461 = arith.constant 0 : index
      %get3A_1462 = tpu.vector_load %arg4[%get3A_1460, %get3A_1461] {strides = array<i32>} : memref<64x16xf32, #tpu.memory_space<vmem>>, vector<1x16xf32>,
      %get3A_1463 = vector.shape_cast %get3A_1462 : vector<1x16xf32> to vector<16xf32>
      %ge3A_1464 = arith.cmpf oge, %get3A_1463, %max3A_1407 : vector<16xf32>
      %sub3A_1465 = arith.subf %get3A_1463, %max3A_1392 : vector<16xf32>
      %exp3A_1466 = math.exp %sub3A_1465 : vector<16xf32>
      %jit3A_1467 = arith.constant 0.000000e+00 : f32
      %broadcast_in_dim3A_1468 = vector.broadcast %jit3A_1467 : f32 to vector<16xf32>
      %select_n3A_1469 = arith.select %ge3A_1464, %exp3A_1466, %broadcast_in_dim3A_1468 : vector<16xi1>, vector<16xf32>
      %add3A_1470 = arith.addf %add3A_1452, %select_n3A_1469 : vector<16xf32>
      %swap3A_1471 = arith.constant 3 : i32
      %swap3A_1472 = arith.index_cast %swap3A_1471 : i32 to index
      %swap3A_1473 = arith.constant 0 : index
      %swap3A_1474 = tpu.vector_load %arg5[%swap3A_1472, %swap3A_1473] {strides = array<i32>} : memref<64x16xf32, #tpu.memory_space<vmem>>, vector<1x16xf32>,
      %swap3A_1475 = vector.shape_cast %swap3A_1474 : vector<1x16xf32> to vector<16xf32>
      %swap3A_1476 = vector.shape_cast %select_n3A_1469 : vector<16xf32> to vector<1x16xf32>
      tpu.vector_store %arg5[%swap3A_1472, %swap3A_1473], %swap3A_1476 {strides = array<i32>} : memref<64x16xf32, #tpu.memory_space<vmem>>, vector<1x16xf32>,
      %get3A_1477 = arith.constant 4 : i32
      %get3A_1478 = arith.index_cast %get3A_1477 : i32 to index
      %get3A_1479 = arith.constant 0 : index
      %get3A_1480 = tpu.vector_load %arg4[%get3A_1478, %get3A_1479] {strides = array<i32>} : memref<64x16xf32, #tpu.memory_space<vmem>>, vector<1x16xf32>,
      %get3A_1481 = vector.shape_cast %get3A_1480 : vector<1x16xf32> to vector<16xf32>
      %ge3A_1482 = arith.cmpf oge, %get3A_1481, %max3A_1407 : vector<16xf32>
      %sub3A_1483 = arith.subf %get3A_1481, %max3A_1392 : vector<16xf32>
      %exp3A_1484 = math.exp %sub3A_1483 : vector<16xf32>
      %jit3A_1485 = arith.constant 0.000000e+00 : f32
      %broadcast_in_dim3A_1486 = vector.broadcast %jit3A_1485 : f32 to vector<16xf32>
      %select_n3A_1487 = arith.select %ge3A_1482, %exp3A_1484, %broadcast_in_dim3A_1486 : vector<16xi1>, vector<16xf32>
      %add3A_1488 = arith.addf %add3A_1470, %select_n3A_1487 : vector<16xf32>
      %swap3A_1489 = arith.constant 4 : i32
      %swap3A_1490 = arith.index_cast %swap3A_1489 : i32 to index
      %swap3A_1491 = arith.constant 0 : index
      %swap3A_1492 = tpu.vector_load %arg5[%swap3A_1490, %swap3A_1491] {strides = array<i32>} : memref<64x16xf32, #tpu.memory_space<vmem>>, vector<1x16xf32>,
      %swap3A_1493 = vector.shape_cast %swap3A_1492 : vector<1x16xf32> to vector<16xf32>
      %swap3A_1494 = vector.shape_cast %select_n3A_1487 : vector<16xf32> to vector<1x16xf32>
      tpu.vector_store %arg5[%swap3A_1490, %swap3A_1491], %swap3A_1494 {strides = array<i32>} : memref<64x16xf32, #tpu.memory_space<vmem>>, vector<1x16xf32>,
      %get3A_1495 = arith.constant 5 : i32
      %get3A_1496 = arith.index_cast %get3A_1495 : i32 to index
      %get3A_1497 = arith.constant 0 : index
      %get3A_1498 = tpu.vector_load %arg4[%get3A_1496, %get3A_1497] {strides = array<i32>} : memref<64x16xf32, #tpu.memory_space<vmem>>, vector<1x16xf32>,
      %get3A_1499 = vector.shape_cast %get3A_1498 : vector<1x16xf32> to vector<16xf32>
      %ge3A_1500 = arith.cmpf oge, %get3A_1499, %max3A_1407 : vector<16xf32>
      %sub3A_1501 = arith.subf %get3A_1499, %max3A_1392 : vector<16xf32>
      %exp3A_1502 = math.exp %sub3A_1501 : vector<16xf32>
      %jit3A_1503 = arith.constant 0.000000e+00 : f32
      %broadcast_in_dim3A_1504 = vector.broadcast %jit3A_1503 : f32 to vector<16xf32>
      %select_n3A_1505 = arith.select %ge3A_1500, %exp3A_1502, %broadcast_in_dim3A_1504 : vector<16xi1>, vector<16xf32>
      %add3A_1506 = arith.addf %add3A_1488, %select_n3A_1505 : vector<16xf32>
      %swap3A_1507 = arith.constant 5 : i32
      %swap3A_1508 = arith.index_cast %swap3A_1507 : i32 to index
      %swap3A_1509 = arith.constant 0 : index
      %swap3A_1510 = tpu.vector_load %arg5[%swap3A_1508, %swap3A_1509] {strides = array<i32>} : memref<64x16xf32, #tpu.memory_space<vmem>>, vector<1x16xf32>,
      %swap3A_1511 = vector.shape_cast %swap3A_1510 : vector<1x16xf32> to vector<16xf32>
      %swap3A_1512 = vector.shape_cast %select_n3A_1505 : vector<16xf32> to vector<1x16xf32>
      tpu.vector_store %arg5[%swap3A_1508, %swap3A_1509], %swap3A_1512 {strides = array<i32>} : memref<64x16xf32, #tpu.memory_space<vmem>>, vector<1x16xf32>,
      %get3A_1513 = arith.constant 6 : i32
      %get3A_1514 = arith.index_cast %get3A_1513 : i32 to index
      %get3A_1515 = arith.constant 0 : index
      %get3A_1516 = tpu.vector_load %arg4[%get3A_1514, %get3A_1515] {strides = array<i32>} : memref<64x16xf32, #tpu.memory_space<vmem>>, vector<1x16xf32>,
      %get3A_1517 = vector.shape_cast %get3A_1516 : vector<1x16xf32> to vector<16xf32>
      %ge3A_1518 = arith.cmpf oge, %get3A_1517, %max3A_1407 : vector<16xf32>
      %sub3A_1519 = arith.subf %get3A_1517, %max3A_1392 : vector<16xf32>
      %exp3A_1520 = math.exp %sub3A_1519 : vector<16xf32>
      %jit3A_1521 = arith.constant 0.000000e+00 : f32
      %broadcast_in_dim3A_1522 = vector.broadcast %jit3A_1521 : f32 to vector<16xf32>
      %select_n3A_1523 = arith.select %ge3A_1518, %exp3A_1520, %broadcast_in_dim3A_1522 : vector<16xi1>, vector<16xf32>
      %add3A_1524 = arith.addf %add3A_1506, %select_n3A_1523 : vector<16xf32>
      %swap3A_1525 = arith.constant 6 : i32
      %swap3A_1526 = arith.index_cast %swap3A_1525 : i32 to index
      %swap3A_1527 = arith.constant 0 : index
      %swap3A_1528 = tpu.vector_load %arg5[%swap3A_1526, %swap3A_1527] {strides = array<i32>} : memref<64x16xf32, #tpu.memory_space<vmem>>, vector<1x16xf32>,
      %swap3A_1529 = vector.shape_cast %swap3A_1528 : vector<1x16xf32> to vector<16xf32>
      %swap3A_1530 = vector.shape_cast %select_n3A_1523 : vector<16xf32> to vector<1x16xf32>
      tpu.vector_store %arg5[%swap3A_1526, %swap3A_1527], %swap3A_1530 {strides = array<i32>} : memref<64x16xf32, #tpu.memory_space<vmem>>, vector<1x16xf32>,
      %get3A_1531 = arith.constant 7 : i32
      %get3A_1532 = arith.index_cast %get3A_1531 : i32 to index
      %get3A_1533 = arith.constant 0 : index
      %get3A_1534 = tpu.vector_load %arg4[%get3A_1532, %get3A_1533] {strides = array<i32>} : memref<64x16xf32, #tpu.memory_space<vmem>>, vector<1x16xf32>,
      %get3A_1535 = vector.shape_cast %get3A_1534 : vector<1x16xf32> to vector<16xf32>
      %ge3A_1536 = arith.cmpf oge, %get3A_1535, %max3A_1407 : vector<16xf32>
      %sub3A_1537 = arith.subf %get3A_1535, %max3A_1392 : vector<16xf32>
      %exp3A_1538 = math.exp %sub3A_1537 : vector<16xf32>
      %jit3A_1539 = arith.constant 0.000000e+00 : f32
      %broadcast_in_dim3A_1540 = vector.broadcast %jit3A_1539 : f32 to vector<16xf32>
      %select_n3A_1541 = arith.select %ge3A_1536, %exp3A_1538, %broadcast_in_dim3A_1540 : vector<16xi1>, vector<16xf32>
      %add3A_1542 = arith.addf %add3A_1524, %select_n3A_1541 : vector<16xf32>
      %swap3A_1543 = arith.constant 7 : i32
      %swap3A_1544 = arith.index_cast %swap3A_1543 : i32 to index
      %swap3A_1545 = arith.constant 0 : index
      %swap3A_1546 = tpu.vector_load %arg5[%swap3A_1544, %swap3A_1545] {strides = array<i32>} : memref<64x16xf32, #tpu.memory_space<vmem>>, vector<1x16xf32>,
      %swap3A_1547 = vector.shape_cast %swap3A_1546 : vector<1x16xf32> to vector<16xf32>
      %swap3A_1548 = vector.shape_cast %select_n3A_1541 : vector<16xf32> to vector<1x16xf32>
      tpu.vector_store %arg5[%swap3A_1544, %swap3A_1545], %swap3A_1548 {strides = array<i32>} : memref<64x16xf32, #tpu.memory_space<vmem>>, vector<1x16xf32>,
      %get3A_1549 = arith.constant 8 : i32
      %get3A_1550 = arith.index_cast %get3A_1549 : i32 to index
      %get3A_1551 = arith.constant 0 : index
      %get3A_1552 = tpu.vector_load %arg4[%get3A_1550, %get3A_1551] {strides = array<i32>} : memref<64x16xf32, #tpu.memory_space<vmem>>, vector<1x16xf32>,
      %get3A_1553 = vector.shape_cast %get3A_1552 : vector<1x16xf32> to vector<16xf32>
      %ge3A_1554 = arith.cmpf oge, %get3A_1553, %max3A_1407 : vector<16xf32>
      %sub3A_1555 = arith.subf %get3A_1553, %max3A_1392 : vector<16xf32>
      %exp3A_1556 = math.exp %sub3A_1555 : vector<16xf32>
      %jit3A_1557 = arith.constant 0.000000e+00 : f32
      %broadcast_in_dim3A_1558 = vector.broadcast %jit3A_1557 : f32 to vector<16xf32>
      %select_n3A_1559 = arith.select %ge3A_1554, %exp3A_1556, %broadcast_in_dim3A_1558 : vector<16xi1>, vector<16xf32>
      %add3A_1560 = arith.addf %add3A_1542, %select_n3A_1559 : vector<16xf32>
      %swap3A_1561 = arith.constant 8 : i32
      %swap3A_1562 = arith.index_cast %swap3A_1561 : i32 to index
      %swap3A_1563 = arith.constant 0 : index
      %swap3A_1564 = tpu.vector_load %arg5[%swap3A_1562, %swap3A_1563] {strides = array<i32>} : memref<64x16xf32, #tpu.memory_space<vmem>>, vector<1x16xf32>,
      %swap3A_1565 = vector.shape_cast %swap3A_1564 : vector<1x16xf32> to vector<16xf32>
      %swap3A_1566 = vector.shape_cast %select_n3A_1559 : vector<16xf32> to vector<1x16xf32>
      tpu.vector_store %arg5[%swap3A_1562, %swap3A_1563], %swap3A_1566 {strides = array<i32>} : memref<64x16xf32, #tpu.memory_space<vmem>>, vector<1x16xf32>,
      %get3A_1567 = arith.constant 9 : i32
      %get3A_1568 = arith.index_cast %get3A_1567 : i32 to index
      %get3A_1569 = arith.constant 0 : index
      %get3A_1570 = tpu.vector_load %arg4[%get3A_1568, %get3A_1569] {strides = array<i32>} : memref<64x16xf32, #tpu.memory_space<vmem>>, vector<1x16xf32>,
      %get3A_1571 = vector.shape_cast %get3A_1570 : vector<1x16xf32> to vector<16xf32>
      %ge3A_1572 = arith.cmpf oge, %get3A_1571, %max3A_1407 : vector<16xf32>
      %sub3A_1573 = arith.subf %get3A_1571, %max3A_1392 : vector<16xf32>
      %exp3A_1574 = math.exp %sub3A_1573 : vector<16xf32>
      %jit3A_1575 = arith.constant 0.000000e+00 : f32
      %broadcast_in_dim3A_1576 = vector.broadcast %jit3A_1575 : f32 to vector<16xf32>
      %select_n3A_1577 = arith.select %ge3A_1572, %exp3A_1574, %broadcast_in_dim3A_1576 : vector<16xi1>, vector<16xf32>
      %add3A_1578 = arith.addf %add3A_1560, %select_n3A_1577 : vector<16xf32>
      %swap3A_1579 = arith.constant 9 : i32
      %swap3A_1580 = arith.index_cast %swap3A_1579 : i32 to index
      %swap3A_1581 = arith.constant 0 : index
      %swap3A_1582 = tpu.vector_load %arg5[%swap3A_1580, %swap3A_1581] {strides = array<i32>} : memref<64x16xf32, #tpu.memory_space<vmem>>, vector<1x16xf32>,
      %swap3A_1583 = vector.shape_cast %swap3A_1582 : vector<1x16xf32> to vector<16xf32>
      %swap3A_1584 = vector.shape_cast %select_n3A_1577 : vector<16xf32> to vector<1x16xf32>
      tpu.vector_store %arg5[%swap3A_1580, %swap3A_1581], %swap3A_1584 {strides = array<i32>} : memref<64x16xf32, #tpu.memory_space<vmem>>, vector<1x16xf32>,
      %get3A_1585 = arith.constant 10 : i32
      %get3A_1586 = arith.index_cast %get3A_1585 : i32 to index
      %get3A_1587 = arith.constant 0 : index
      %get3A_1588 = tpu.vector_load %arg4[%get3A_1586, %get3A_1587] {strides = array<i32>} : memref<64x16xf32, #tpu.memory_space<vmem>>, vector<1x16xf32>,
      %get3A_1589 = vector.shape_cast %get3A_1588 : vector<1x16xf32> to vector<16xf32>
      %ge3A_1590 = arith.cmpf oge, %get3A_1589, %max3A_1407 : vector<16xf32>
      %sub3A_1591 = arith.subf %get3A_1589, %max3A_1392 : vector<16xf32>
      %exp3A_1592 = math.exp %sub3A_1591 : vector<16xf32>
      %jit3A_1593 = arith.constant 0.000000e+00 : f32
      %broadcast_in_dim3A_1594 = vector.broadcast %jit3A_1593 : f32 to vector<16xf32>
      %select_n3A_1595 = arith.select %ge3A_1590, %exp3A_1592, %broadcast_in_dim3A_1594 : vector<16xi1>, vector<16xf32>
      %add3A_1596 = arith.addf %add3A_1578, %select_n3A_1595 : vector<16xf32>
      %swap3A_1597 = arith.constant 10 : i32
      %swap3A_1598 = arith.index_cast %swap3A_1597 : i32 to index
      %swap3A_1599 = arith.constant 0 : index
      %swap3A_1600 = tpu.vector_load %arg5[%swap3A_1598, %swap3A_1599] {strides = array<i32>} : memref<64x16xf32, #tpu.memory_space<vmem>>, vector<1x16xf32>,
      %swap3A_1601 = vector.shape_cast %swap3A_1600 : vector<1x16xf32> to vector<16xf32>
      %swap3A_1602 = vector.shape_cast %select_n3A_1595 : vector<16xf32> to vector<1x16xf32>
      tpu.vector_store %arg5[%swap3A_1598, %swap3A_1599], %swap3A_1602 {strides = array<i32>} : memref<64x16xf32, #tpu.memory_space<vmem>>, vector<1x16xf32>,
      %get3A_1603 = arith.constant 11 : i32
      %get3A_1604 = arith.index_cast %get3A_1603 : i32 to index
      %get3A_1605 = arith.constant 0 : index
      %get3A_1606 = tpu.vector_load %arg4[%get3A_1604, %get3A_1605] {strides = array<i32>} : memref<64x16xf32, #tpu.memory_space<vmem>>, vector<1x16xf32>,
      %get3A_1607 = vector.shape_cast %get3A_1606 : vector<1x16xf32> to vector<16xf32>
      %ge3A_1608 = arith.cmpf oge, %get3A_1607, %max3A_1407 : vector<16xf32>
      %sub3A_1609 = arith.subf %get3A_1607, %max3A_1392 : vector<16xf32>
      %exp3A_1610 = math.exp %sub3A_1609 : vector<16xf32>
      %jit3A_1611 = arith.constant 0.000000e+00 : f32
      %broadcast_in_dim3A_1612 = vector.broadcast %jit3A_1611 : f32 to vector<16xf32>
      %select_n3A_1613 = arith.select %ge3A_1608, %exp3A_1610, %broadcast_in_dim3A_1612 : vector<16xi1>, vector<16xf32>
      %add3A_1614 = arith.addf %add3A_1596, %select_n3A_1613 : vector<16xf32>
      %swap3A_1615 = arith.constant 11 : i32
      %swap3A_1616 = arith.index_cast %swap3A_1615 : i32 to index
      %swap3A_1617 = arith.constant 0 : index
      %swap3A_1618 = tpu.vector_load %arg5[%swap3A_1616, %swap3A_1617] {strides = array<i32>} : memref<64x16xf32, #tpu.memory_space<vmem>>, vector<1x16xf32>,
      %swap3A_1619 = vector.shape_cast %swap3A_1618 : vector<1x16xf32> to vector<16xf32>
      %swap3A_1620 = vector.shape_cast %select_n3A_1613 : vector<16xf32> to vector<1x16xf32>
      tpu.vector_store %arg5[%swap3A_1616, %swap3A_1617], %swap3A_1620 {strides = array<i32>} : memref<64x16xf32, #tpu.memory_space<vmem>>, vector<1x16xf32>,
      %get3A_1621 = arith.constant 12 : i32
      %get3A_1622 = arith.index_cast %get3A_1621 : i32 to index
      %get3A_1623 = arith.constant 0 : index
      %get3A_1624 = tpu.vector_load %arg4[%get3A_1622, %get3A_1623] {strides = array<i32>} : memref<64x16xf32, #tpu.memory_space<vmem>>, vector<1x16xf32>,
      %get3A_1625 = vector.shape_cast %get3A_1624 : vector<1x16xf32> to vector<16xf32>
      %ge3A_1626 = arith.cmpf oge, %get3A_1625, %max3A_1407 : vector<16xf32>
      %sub3A_1627 = arith.subf %get3A_1625, %max3A_1392 : vector<16xf32>
      %exp3A_1628 = math.exp %sub3A_1627 : vector<16xf32>
      %jit3A_1629 = arith.constant 0.000000e+00 : f32
      %broadcast_in_dim3A_1630 = vector.broadcast %jit3A_1629 : f32 to vector<16xf32>
      %select_n3A_1631 = arith.select %ge3A_1626, %exp3A_1628, %broadcast_in_dim3A_1630 : vector<16xi1>, vector<16xf32>
      %add3A_1632 = arith.addf %add3A_1614, %select_n3A_1631 : vector<16xf32>
      %swap3A_1633 = arith.constant 12 : i32
      %swap3A_1634 = arith.index_cast %swap3A_1633 : i32 to index
      %swap3A_1635 = arith.constant 0 : index
      %swap3A_1636 = tpu.vector_load %arg5[%swap3A_1634, %swap3A_1635] {strides = array<i32>} : memref<64x16xf32, #tpu.memory_space<vmem>>, vector<1x16xf32>,
      %swap3A_1637 = vector.shape_cast %swap3A_1636 : vector<1x16xf32> to vector<16xf32>
      %swap3A_1638 = vector.shape_cast %select_n3A_1631 : vector<16xf32> to vector<1x16xf32>
      tpu.vector_store %arg5[%swap3A_1634, %swap3A_1635], %swap3A_1638 {strides = array<i32>} : memref<64x16xf32, #tpu.memory_space<vmem>>, vector<1x16xf32>,
      %get3A_1639 = arith.constant 13 : i32
      %get3A_1640 = arith.index_cast %get3A_1639 : i32 to index
      %get3A_1641 = arith.constant 0 : index
      %get3A_1642 = tpu.vector_load %arg4[%get3A_1640, %get3A_1641] {strides = array<i32>} : memref<64x16xf32, #tpu.memory_space<vmem>>, vector<1x16xf32>,
      %get3A_1643 = vector.shape_cast %get3A_1642 : vector<1x16xf32> to vector<16xf32>
      %ge3A_1644 = arith.cmpf oge, %get3A_1643, %max3A_1407 : vector<16xf32>
      %sub3A_1645 = arith.subf %get3A_1643, %max3A_1392 : vector<16xf32>
      %exp3A_1646 = math.exp %sub3A_1645 : vector<16xf32>
      %jit3A_1647 = arith.constant 0.000000e+00 : f32
      %broadcast_in_dim3A_1648 = vector.broadcast %jit3A_1647 : f32 to vector<16xf32>
      %select_n3A_1649 = arith.select %ge3A_1644, %exp3A_1646, %broadcast_in_dim3A_1648 : vector<16xi1>, vector<16xf32>
      %add3A_1650 = arith.addf %add3A_1632, %select_n3A_1649 : vector<16xf32>
      %swap3A_1651 = arith.constant 13 : i32
      %swap3A_1652 = arith.index_cast %swap3A_1651 : i32 to index
      %swap3A_1653 = arith.constant 0 : index
      %swap3A_1654 = tpu.vector_load %arg5[%swap3A_1652, %swap3A_1653] {strides = array<i32>} : memref<64x16xf32, #tpu.memory_space<vmem>>, vector<1x16xf32>,
      %swap3A_1655 = vector.shape_cast %swap3A_1654 : vector<1x16xf32> to vector<16xf32>
      %swap3A_1656 = vector.shape_cast %select_n3A_1649 : vector<16xf32> to vector<1x16xf32>
      tpu.vector_store %arg5[%swap3A_1652, %swap3A_1653], %swap3A_1656 {strides = array<i32>} : memref<64x16xf32, #tpu.memory_space<vmem>>, vector<1x16xf32>,
      %get3A_1657 = arith.constant 14 : i32
      %get3A_1658 = arith.index_cast %get3A_1657 : i32 to index
      %get3A_1659 = arith.constant 0 : index
      %get3A_1660 = tpu.vector_load %arg4[%get3A_1658, %get3A_1659] {strides = array<i32>} : memref<64x16xf32, #tpu.memory_space<vmem>>, vector<1x16xf32>,
      %get3A_1661 = vector.shape_cast %get3A_1660 : vector<1x16xf32> to vector<16xf32>
      %ge3A_1662 = arith.cmpf oge, %get3A_1661, %max3A_1407 : vector<16xf32>
      %sub3A_1663 = arith.subf %get3A_1661, %max3A_1392 : vector<16xf32>
      %exp3A_1664 = math.exp %sub3A_1663 : vector<16xf32>
      %jit3A_1665 = arith.constant 0.000000e+00 : f32
      %broadcast_in_dim3A_1666 = vector.broadcast %jit3A_1665 : f32 to vector<16xf32>
      %select_n3A_1667 = arith.select %ge3A_1662, %exp3A_1664, %broadcast_in_dim3A_1666 : vector<16xi1>, vector<16xf32>
      %add3A_1668 = arith.addf %add3A_1650, %select_n3A_1667 : vector<16xf32>
      %swap3A_1669 = arith.constant 14 : i32
      %swap3A_1670 = arith.index_cast %swap3A_1669 : i32 to index
      %swap3A_1671 = arith.constant 0 : index
      %swap3A_1672 = tpu.vector_load %arg5[%swap3A_1670, %swap3A_1671] {strides = array<i32>} : memref<64x16xf32, #tpu.memory_space<vmem>>, vector<1x16xf32>,
      %swap3A_1673 = vector.shape_cast %swap3A_1672 : vector<1x16xf32> to vector<16xf32>
      %swap3A_1674 = vector.shape_cast %select_n3A_1667 : vector<16xf32> to vector<1x16xf32>
      tpu.vector_store %arg5[%swap3A_1670, %swap3A_1671], %swap3A_1674 {strides = array<i32>} : memref<64x16xf32, #tpu.memory_space<vmem>>, vector<1x16xf32>,
      %get3A_1675 = arith.constant 15 : i32
      %get3A_1676 = arith.index_cast %get3A_1675 : i32 to index
      %get3A_1677 = arith.constant 0 : index
      %get3A_1678 = tpu.vector_load %arg4[%get3A_1676, %get3A_1677] {strides = array<i32>} : memref<64x16xf32, #tpu.memory_space<vmem>>, vector<1x16xf32>,
      %get3A_1679 = vector.shape_cast %get3A_1678 : vector<1x16xf32> to vector<16xf32>
      %ge3A_1680 = arith.cmpf oge, %get3A_1679, %max3A_1407 : vector<16xf32>
      %sub3A_1681 = arith.subf %get3A_1679, %max3A_1392 : vector<16xf32>
      %exp3A_1682 = math.exp %sub3A_1681 : vector<16xf32>
      %jit3A_1683 = arith.constant 0.000000e+00 : f32
      %broadcast_in_dim3A_1684 = vector.broadcast %jit3A_1683 : f32 to vector<16xf32>
      %select_n3A_1685 = arith.select %ge3A_1680, %exp3A_1682, %broadcast_in_dim3A_1684 : vector<16xi1>, vector<16xf32>
      %add3A_1686 = arith.addf %add3A_1668, %select_n3A_1685 : vector<16xf32>
      %swap3A_1687 = arith.constant 15 : i32
      %swap3A_1688 = arith.index_cast %swap3A_1687 : i32 to index
      %swap3A_1689 = arith.constant 0 : index
      %swap3A_1690 = tpu.vector_load %arg5[%swap3A_1688, %swap3A_1689] {strides = array<i32>} : memref<64x16xf32, #tpu.memory_space<vmem>>, vector<1x16xf32>,
      %swap3A_1691 = vector.shape_cast %swap3A_1690 : vector<1x16xf32> to vector<16xf32>
      %swap3A_1692 = vector.shape_cast %select_n3A_1685 : vector<16xf32> to vector<1x16xf32>
      tpu.vector_store %arg5[%swap3A_1688, %swap3A_1689], %swap3A_1692 {strides = array<i32>} : memref<64x16xf32, #tpu.memory_space<vmem>>, vector<1x16xf32>,
      %get3A_1693 = arith.constant 16 : i32
      %get3A_1694 = arith.index_cast %get3A_1693 : i32 to index
      %get3A_1695 = arith.constant 0 : index
      %get3A_1696 = tpu.vector_load %arg4[%get3A_1694, %get3A_1695] {strides = array<i32>} : memref<64x16xf32, #tpu.memory_space<vmem>>, vector<1x16xf32>,
      %get3A_1697 = vector.shape_cast %get3A_1696 : vector<1x16xf32> to vector<16xf32>
      %ge3A_1698 = arith.cmpf oge, %get3A_1697, %max3A_1407 : vector<16xf32>
      %sub3A_1699 = arith.subf %get3A_1697, %max3A_1392 : vector<16xf32>
      %exp3A_1700 = math.exp %sub3A_1699 : vector<16xf32>
      %jit3A_1701 = arith.constant 0.000000e+00 : f32
      %broadcast_in_dim3A_1702 = vector.broadcast %jit3A_1701 : f32 to vector<16xf32>
      %select_n3A_1703 = arith.select %ge3A_1698, %exp3A_1700, %broadcast_in_dim3A_1702 : vector<16xi1>, vector<16xf32>
      %add3A_1704 = arith.addf %add3A_1686, %select_n3A_1703 : vector<16xf32>
      %swap3A_1705 = arith.constant 16 : i32
      %swap3A_1706 = arith.index_cast %swap3A_1705 : i32 to index
      %swap3A_1707 = arith.constant 0 : index
      %swap3A_1708 = tpu.vector_load %arg5[%swap3A_1706, %swap3A_1707] {strides = array<i32>} : memref<64x16xf32, #tpu.memory_space<vmem>>, vector<1x16xf32>,
      %swap3A_1709 = vector.shape_cast %swap3A_1708 : vector<1x16xf32> to vector<16xf32>
      %swap3A_1710 = vector.shape_cast %select_n3A_1703 : vector<16xf32> to vector<1x16xf32>
      tpu.vector_store %arg5[%swap3A_1706, %swap3A_1707], %swap3A_1710 {strides = array<i32>} : memref<64x16xf32, #tpu.memory_space<vmem>>, vector<1x16xf32>,
      %get3A_1711 = arith.constant 17 : i32
      %get3A_1712 = arith.index_cast %get3A_1711 : i32 to index
      %get3A_1713 = arith.constant 0 : index
      %get3A_1714 = tpu.vector_load %arg4[%get3A_1712, %get3A_1713] {strides = array<i32>} : memref<64x16xf32, #tpu.memory_space<vmem>>, vector<1x16xf32>,
      %get3A_1715 = vector.shape_cast %get3A_1714 : vector<1x16xf32> to vector<16xf32>
      %ge3A_1716 = arith.cmpf oge, %get3A_1715, %max3A_1407 : vector<16xf32>
      %sub3A_1717 = arith.subf %get3A_1715, %max3A_1392 : vector<16xf32>
      %exp3A_1718 = math.exp %sub3A_1717 : vector<16xf32>
      %jit3A_1719 = arith.constant 0.000000e+00 : f32
      %broadcast_in_dim3A_1720 = vector.broadcast %jit3A_1719 : f32 to vector<16xf32>
      %select_n3A_1721 = arith.select %ge3A_1716, %exp3A_1718, %broadcast_in_dim3A_1720 : vector<16xi1>, vector<16xf32>
      %add3A_1722 = arith.addf %add3A_1704, %select_n3A_1721 : vector<16xf32>
      %swap3A_1723 = arith.constant 17 : i32
      %swap3A_1724 = arith.index_cast %swap3A_1723 : i32 to index
      %swap3A_1725 = arith.constant 0 : index
      %swap3A_1726 = tpu.vector_load %arg5[%swap3A_1724, %swap3A_1725] {strides = array<i32>} : memref<64x16xf32, #tpu.memory_space<vmem>>, vector<1x16xf32>,
      %swap3A_1727 = vector.shape_cast %swap3A_1726 : vector<1x16xf32> to vector<16xf32>
      %swap3A_1728 = vector.shape_cast %select_n3A_1721 : vector<16xf32> to vector<1x16xf32>
      tpu.vector_store %arg5[%swap3A_1724, %swap3A_1725], %swap3A_1728 {strides = array<i32>} : memref<64x16xf32, #tpu.memory_space<vmem>>, vector<1x16xf32>,
      %get3A_1729 = arith.constant 18 : i32
      %get3A_1730 = arith.index_cast %get3A_1729 : i32 to index
      %get3A_1731 = arith.constant 0 : index
      %get3A_1732 = tpu.vector_load %arg4[%get3A_1730, %get3A_1731] {strides = array<i32>} : memref<64x16xf32, #tpu.memory_space<vmem>>, vector<1x16xf32>,
      %get3A_1733 = vector.shape_cast %get3A_1732 : vector<1x16xf32> to vector<16xf32>
      %ge3A_1734 = arith.cmpf oge, %get3A_1733, %max3A_1407 : vector<16xf32>
      %sub3A_1735 = arith.subf %get3A_1733, %max3A_1392 : vector<16xf32>
      %exp3A_1736 = math.exp %sub3A_1735 : vector<16xf32>
      %jit3A_1737 = arith.constant 0.000000e+00 : f32
      %broadcast_in_dim3A_1738 = vector.broadcast %jit3A_1737 : f32 to vector<16xf32>
      %select_n3A_1739 = arith.select %ge3A_1734, %exp3A_1736, %broadcast_in_dim3A_1738 : vector<16xi1>, vector<16xf32>
      %add3A_1740 = arith.addf %add3A_1722, %select_n3A_1739 : vector<16xf32>
      %swap3A_1741 = arith.constant 18 : i32
      %swap3A_1742 = arith.index_cast %swap3A_1741 : i32 to index
      %swap3A_1743 = arith.constant 0 : index
      %swap3A_1744 = tpu.vector_load %arg5[%swap3A_1742, %swap3A_1743] {strides = array<i32>} : memref<64x16xf32, #tpu.memory_space<vmem>>, vector<1x16xf32>,
      %swap3A_1745 = vector.shape_cast %swap3A_1744 : vector<1x16xf32> to vector<16xf32>
      %swap3A_1746 = vector.shape_cast %select_n3A_1739 : vector<16xf32> to vector<1x16xf32>
      tpu.vector_store %arg5[%swap3A_1742, %swap3A_1743], %swap3A_1746 {strides = array<i32>} : memref<64x16xf32, #tpu.memory_space<vmem>>, vector<1x16xf32>,
      %get3A_1747 = arith.constant 19 : i32
      %get3A_1748 = arith.index_cast %get3A_1747 : i32 to index
      %get3A_1749 = arith.constant 0 : index
      %get3A_1750 = tpu.vector_load %arg4[%get3A_1748, %get3A_1749] {strides = array<i32>} : memref<64x16xf32, #tpu.memory_space<vmem>>, vector<1x16xf32>,
      %get3A_1751 = vector.shape_cast %get3A_1750 : vector<1x16xf32> to vector<16xf32>
      %ge3A_1752 = arith.cmpf oge, %get3A_1751, %max3A_1407 : vector<16xf32>
      %sub3A_1753 = arith.subf %get3A_1751, %max3A_1392 : vector<16xf32>
      %exp3A_1754 = math.exp %sub3A_1753 : vector<16xf32>
      %jit3A_1755 = arith.constant 0.000000e+00 : f32
      %broadcast_in_dim3A_1756 = vector.broadcast %jit3A_1755 : f32 to vector<16xf32>
      %select_n3A_1757 = arith.select %ge3A_1752, %exp3A_1754, %broadcast_in_dim3A_1756 : vector<16xi1>, vector<16xf32>
      %add3A_1758 = arith.addf %add3A_1740, %select_n3A_1757 : vector<16xf32>
      %swap3A_1759 = arith.constant 19 : i32
      %swap3A_1760 = arith.index_cast %swap3A_1759 : i32 to index
      %swap3A_1761 = arith.constant 0 : index
      %swap3A_1762 = tpu.vector_load %arg5[%swap3A_1760, %swap3A_1761] {strides = array<i32>} : memref<64x16xf32, #tpu.memory_space<vmem>>, vector<1x16xf32>,
      %swap3A_1763 = vector.shape_cast %swap3A_1762 : vector<1x16xf32> to vector<16xf32>
      %swap3A_1764 = vector.shape_cast %select_n3A_1757 : vector<16xf32> to vector<1x16xf32>
      tpu.vector_store %arg5[%swap3A_1760, %swap3A_1761], %swap3A_1764 {strides = array<i32>} : memref<64x16xf32, #tpu.memory_space<vmem>>, vector<1x16xf32>,
      %get3A_1765 = arith.constant 20 : i32
      %get3A_1766 = arith.index_cast %get3A_1765 : i32 to index
      %get3A_1767 = arith.constant 0 : index
      %get3A_1768 = tpu.vector_load %arg4[%get3A_1766, %get3A_1767] {strides = array<i32>} : memref<64x16xf32, #tpu.memory_space<vmem>>, vector<1x16xf32>,
      %get3A_1769 = vector.shape_cast %get3A_1768 : vector<1x16xf32> to vector<16xf32>
      %ge3A_1770 = arith.cmpf oge, %get3A_1769, %max3A_1407 : vector<16xf32>
      %sub3A_1771 = arith.subf %get3A_1769, %max3A_1392 : vector<16xf32>
      %exp3A_1772 = math.exp %sub3A_1771 : vector<16xf32>
      %jit3A_1773 = arith.constant 0.000000e+00 : f32
      %broadcast_in_dim3A_1774 = vector.broadcast %jit3A_1773 : f32 to vector<16xf32>
      %select_n3A_1775 = arith.select %ge3A_1770, %exp3A_1772, %broadcast_in_dim3A_1774 : vector<16xi1>, vector<16xf32>
      %add3A_1776 = arith.addf %add3A_1758, %select_n3A_1775 : vector<16xf32>
      %swap3A_1777 = arith.constant 20 : i32
      %swap3A_1778 = arith.index_cast %swap3A_1777 : i32 to index
      %swap3A_1779 = arith.constant 0 : index
      %swap3A_1780 = tpu.vector_load %arg5[%swap3A_1778, %swap3A_1779] {strides = array<i32>} : memref<64x16xf32, #tpu.memory_space<vmem>>, vector<1x16xf32>,
      %swap3A_1781 = vector.shape_cast %swap3A_1780 : vector<1x16xf32> to vector<16xf32>
      %swap3A_1782 = vector.shape_cast %select_n3A_1775 : vector<16xf32> to vector<1x16xf32>
      tpu.vector_store %arg5[%swap3A_1778, %swap3A_1779], %swap3A_1782 {strides = array<i32>} : memref<64x16xf32, #tpu.memory_space<vmem>>, vector<1x16xf32>,
      %get3A_1783 = arith.constant 21 : i32
      %get3A_1784 = arith.index_cast %get3A_1783 : i32 to index
      %get3A_1785 = arith.constant 0 : index
      %get3A_1786 = tpu.vector_load %arg4[%get3A_1784, %get3A_1785] {strides = array<i32>} : memref<64x16xf32, #tpu.memory_space<vmem>>, vector<1x16xf32>,
      %get3A_1787 = vector.shape_cast %get3A_1786 : vector<1x16xf32> to vector<16xf32>
      %ge3A_1788 = arith.cmpf oge, %get3A_1787, %max3A_1407 : vector<16xf32>
      %sub3A_1789 = arith.subf %get3A_1787, %max3A_1392 : vector<16xf32>
      %exp3A_1790 = math.exp %sub3A_1789 : vector<16xf32>
      %jit3A_1791 = arith.constant 0.000000e+00 : f32
      %broadcast_in_dim3A_1792 = vector.broadcast %jit3A_1791 : f32 to vector<16xf32>
      %select_n3A_1793 = arith.select %ge3A_1788, %exp3A_1790, %broadcast_in_dim3A_1792 : vector<16xi1>, vector<16xf32>
      %add3A_1794 = arith.addf %add3A_1776, %select_n3A_1793 : vector<16xf32>
      %swap3A_1795 = arith.constant 21 : i32
      %swap3A_1796 = arith.index_cast %swap3A_1795 : i32 to index
      %swap3A_1797 = arith.constant 0 : index
      %swap3A_1798 = tpu.vector_load %arg5[%swap3A_1796, %swap3A_1797] {strides = array<i32>} : memref<64x16xf32, #tpu.memory_space<vmem>>, vector<1x16xf32>,
      %swap3A_1799 = vector.shape_cast %swap3A_1798 : vector<1x16xf32> to vector<16xf32>
      %swap3A_1800 = vector.shape_cast %select_n3A_1793 : vector<16xf32> to vector<1x16xf32>
      tpu.vector_store %arg5[%swap3A_1796, %swap3A_1797], %swap3A_1800 {strides = array<i32>} : memref<64x16xf32, #tpu.memory_space<vmem>>, vector<1x16xf32>,
      %get3A_1801 = arith.constant 22 : i32
      %get3A_1802 = arith.index_cast %get3A_1801 : i32 to index
      %get3A_1803 = arith.constant 0 : index
      %get3A_1804 = tpu.vector_load %arg4[%get3A_1802, %get3A_1803] {strides = array<i32>} : memref<64x16xf32, #tpu.memory_space<vmem>>, vector<1x16xf32>,
      %get3A_1805 = vector.shape_cast %get3A_1804 : vector<1x16xf32> to vector<16xf32>
      %ge3A_1806 = arith.cmpf oge, %get3A_1805, %max3A_1407 : vector<16xf32>
      %sub3A_1807 = arith.subf %get3A_1805, %max3A_1392 : vector<16xf32>
      %exp3A_1808 = math.exp %sub3A_1807 : vector<16xf32>
      %jit3A_1809 = arith.constant 0.000000e+00 : f32
      %broadcast_in_dim3A_1810 = vector.broadcast %jit3A_1809 : f32 to vector<16xf32>
      %select_n3A_1811 = arith.select %ge3A_1806, %exp3A_1808, %broadcast_in_dim3A_1810 : vector<16xi1>, vector<16xf32>
      %add3A_1812 = arith.addf %add3A_1794, %select_n3A_1811 : vector<16xf32>
      %swap3A_1813 = arith.constant 22 : i32
      %swap3A_1814 = arith.index_cast %swap3A_1813 : i32 to index
      %swap3A_1815 = arith.constant 0 : index
      %swap3A_1816 = tpu.vector_load %arg5[%swap3A_1814, %swap3A_1815] {strides = array<i32>} : memref<64x16xf32, #tpu.memory_space<vmem>>, vector<1x16xf32>,
      %swap3A_1817 = vector.shape_cast %swap3A_1816 : vector<1x16xf32> to vector<16xf32>
      %swap3A_1818 = vector.shape_cast %select_n3A_1811 : vector<16xf32> to vector<1x16xf32>
      tpu.vector_store %arg5[%swap3A_1814, %swap3A_1815], %swap3A_1818 {strides = array<i32>} : memref<64x16xf32, #tpu.memory_space<vmem>>, vector<1x16xf32>,
      %get3A_1819 = arith.constant 23 : i32
      %get3A_1820 = arith.index_cast %get3A_1819 : i32 to index
      %get3A_1821 = arith.constant 0 : index
      %get3A_1822 = tpu.vector_load %arg4[%get3A_1820, %get3A_1821] {strides = array<i32>} : memref<64x16xf32, #tpu.memory_space<vmem>>, vector<1x16xf32>,
      %get3A_1823 = vector.shape_cast %get3A_1822 : vector<1x16xf32> to vector<16xf32>
      %ge3A_1824 = arith.cmpf oge, %get3A_1823, %max3A_1407 : vector<16xf32>
      %sub3A_1825 = arith.subf %get3A_1823, %max3A_1392 : vector<16xf32>
      %exp3A_1826 = math.exp %sub3A_1825 : vector<16xf32>
      %jit3A_1827 = arith.constant 0.000000e+00 : f32
      %broadcast_in_dim3A_1828 = vector.broadcast %jit3A_1827 : f32 to vector<16xf32>
      %select_n3A_1829 = arith.select %ge3A_1824, %exp3A_1826, %broadcast_in_dim3A_1828 : vector<16xi1>, vector<16xf32>
      %add3A_1830 = arith.addf %add3A_1812, %select_n3A_1829 : vector<16xf32>
      %swap3A_1831 = arith.constant 23 : i32
      %swap3A_1832 = arith.index_cast %swap3A_1831 : i32 to index
      %swap3A_1833 = arith.constant 0 : index
      %swap3A_1834 = tpu.vector_load %arg5[%swap3A_1832, %swap3A_1833] {strides = array<i32>} : memref<64x16xf32, #tpu.memory_space<vmem>>, vector<1x16xf32>,
      %swap3A_1835 = vector.shape_cast %swap3A_1834 : vector<1x16xf32> to vector<16xf32>
      %swap3A_1836 = vector.shape_cast %select_n3A_1829 : vector<16xf32> to vector<1x16xf32>
      tpu.vector_store %arg5[%swap3A_1832, %swap3A_1833], %swap3A_1836 {strides = array<i32>} : memref<64x16xf32, #tpu.memory_space<vmem>>, vector<1x16xf32>,
      %get3A_1837 = arith.constant 24 : i32
      %get3A_1838 = arith.index_cast %get3A_1837 : i32 to index
      %get3A_1839 = arith.constant 0 : index
      %get3A_1840 = tpu.vector_load %arg4[%get3A_1838, %get3A_1839] {strides = array<i32>} : memref<64x16xf32, #tpu.memory_space<vmem>>, vector<1x16xf32>,
      %get3A_1841 = vector.shape_cast %get3A_1840 : vector<1x16xf32> to vector<16xf32>
      %ge3A_1842 = arith.cmpf oge, %get3A_1841, %max3A_1407 : vector<16xf32>
      %sub3A_1843 = arith.subf %get3A_1841, %max3A_1392 : vector<16xf32>
      %exp3A_1844 = math.exp %sub3A_1843 : vector<16xf32>
      %jit3A_1845 = arith.constant 0.000000e+00 : f32
      %broadcast_in_dim3A_1846 = vector.broadcast %jit3A_1845 : f32 to vector<16xf32>
      %select_n3A_1847 = arith.select %ge3A_1842, %exp3A_1844, %broadcast_in_dim3A_1846 : vector<16xi1>, vector<16xf32>
      %add3A_1848 = arith.addf %add3A_1830, %select_n3A_1847 : vector<16xf32>
      %swap3A_1849 = arith.constant 24 : i32
      %swap3A_1850 = arith.index_cast %swap3A_1849 : i32 to index
      %swap3A_1851 = arith.constant 0 : index
      %swap3A_1852 = tpu.vector_load %arg5[%swap3A_1850, %swap3A_1851] {strides = array<i32>} : memref<64x16xf32, #tpu.memory_space<vmem>>, vector<1x16xf32>,
      %swap3A_1853 = vector.shape_cast %swap3A_1852 : vector<1x16xf32> to vector<16xf32>
      %swap3A_1854 = vector.shape_cast %select_n3A_1847 : vector<16xf32> to vector<1x16xf32>
      tpu.vector_store %arg5[%swap3A_1850, %swap3A_1851], %swap3A_1854 {strides = array<i32>} : memref<64x16xf32, #tpu.memory_space<vmem>>, vector<1x16xf32>,
      %get3A_1855 = arith.constant 25 : i32
      %get3A_1856 = arith.index_cast %get3A_1855 : i32 to index
      %get3A_1857 = arith.constant 0 : index
      %get3A_1858 = tpu.vector_load %arg4[%get3A_1856, %get3A_1857] {strides = array<i32>} : memref<64x16xf32, #tpu.memory_space<vmem>>, vector<1x16xf32>,
      %get3A_1859 = vector.shape_cast %get3A_1858 : vector<1x16xf32> to vector<16xf32>
      %ge3A_1860 = arith.cmpf oge, %get3A_1859, %max3A_1407 : vector<16xf32>
      %sub3A_1861 = arith.subf %get3A_1859, %max3A_1392 : vector<16xf32>
      %exp3A_1862 = math.exp %sub3A_1861 : vector<16xf32>
      %jit3A_1863 = arith.constant 0.000000e+00 : f32
      %broadcast_in_dim3A_1864 = vector.broadcast %jit3A_1863 : f32 to vector<16xf32>
      %select_n3A_1865 = arith.select %ge3A_1860, %exp3A_1862, %broadcast_in_dim3A_1864 : vector<16xi1>, vector<16xf32>
      %add3A_1866 = arith.addf %add3A_1848, %select_n3A_1865 : vector<16xf32>
      %swap3A_1867 = arith.constant 25 : i32
      %swap3A_1868 = arith.index_cast %swap3A_1867 : i32 to index
      %swap3A_1869 = arith.constant 0 : index
      %swap3A_1870 = tpu.vector_load %arg5[%swap3A_1868, %swap3A_1869] {strides = array<i32>} : memref<64x16xf32, #tpu.memory_space<vmem>>, vector<1x16xf32>,
      %swap3A_1871 = vector.shape_cast %swap3A_1870 : vector<1x16xf32> to vector<16xf32>
      %swap3A_1872 = vector.shape_cast %select_n3A_1865 : vector<16xf32> to vector<1x16xf32>
      tpu.vector_store %arg5[%swap3A_1868, %swap3A_1869], %swap3A_1872 {strides = array<i32>} : memref<64x16xf32, #tpu.memory_space<vmem>>, vector<1x16xf32>,
      %get3A_1873 = arith.constant 26 : i32
      %get3A_1874 = arith.index_cast %get3A_1873 : i32 to index
      %get3A_1875 = arith.constant 0 : index
      %get3A_1876 = tpu.vector_load %arg4[%get3A_1874, %get3A_1875] {strides = array<i32>} : memref<64x16xf32, #tpu.memory_space<vmem>>, vector<1x16xf32>,
      %get3A_1877 = vector.shape_cast %get3A_1876 : vector<1x16xf32> to vector<16xf32>
      %ge3A_1878 = arith.cmpf oge, %get3A_1877, %max3A_1407 : vector<16xf32>
      %sub3A_1879 = arith.subf %get3A_1877, %max3A_1392 : vector<16xf32>
      %exp3A_1880 = math.exp %sub3A_1879 : vector<16xf32>
      %jit3A_1881 = arith.constant 0.000000e+00 : f32
      %broadcast_in_dim3A_1882 = vector.broadcast %jit3A_1881 : f32 to vector<16xf32>
      %select_n3A_1883 = arith.select %ge3A_1878, %exp3A_1880, %broadcast_in_dim3A_1882 : vector<16xi1>, vector<16xf32>
      %add3A_1884 = arith.addf %add3A_1866, %select_n3A_1883 : vector<16xf32>
      %swap3A_1885 = arith.constant 26 : i32
      %swap3A_1886 = arith.index_cast %swap3A_1885 : i32 to index
      %swap3A_1887 = arith.constant 0 : index
      %swap3A_1888 = tpu.vector_load %arg5[%swap3A_1886, %swap3A_1887] {strides = array<i32>} : memref<64x16xf32, #tpu.memory_space<vmem>>, vector<1x16xf32>,
      %swap3A_1889 = vector.shape_cast %swap3A_1888 : vector<1x16xf32> to vector<16xf32>
      %swap3A_1890 = vector.shape_cast %select_n3A_1883 : vector<16xf32> to vector<1x16xf32>
      tpu.vector_store %arg5[%swap3A_1886, %swap3A_1887], %swap3A_1890 {strides = array<i32>} : memref<64x16xf32, #tpu.memory_space<vmem>>, vector<1x16xf32>,
      %get3A_1891 = arith.constant 27 : i32
      %get3A_1892 = arith.index_cast %get3A_1891 : i32 to index
      %get3A_1893 = arith.constant 0 : index
      %get3A_1894 = tpu.vector_load %arg4[%get3A_1892, %get3A_1893] {strides = array<i32>} : memref<64x16xf32, #tpu.memory_space<vmem>>, vector<1x16xf32>,
      %get3A_1895 = vector.shape_cast %get3A_1894 : vector<1x16xf32> to vector<16xf32>
      %ge3A_1896 = arith.cmpf oge, %get3A_1895, %max3A_1407 : vector<16xf32>
      %sub3A_1897 = arith.subf %get3A_1895, %max3A_1392 : vector<16xf32>
      %exp3A_1898 = math.exp %sub3A_1897 : vector<16xf32>
      %jit3A_1899 = arith.constant 0.000000e+00 : f32
      %broadcast_in_dim3A_1900 = vector.broadcast %jit3A_1899 : f32 to vector<16xf32>
      %select_n3A_1901 = arith.select %ge3A_1896, %exp3A_1898, %broadcast_in_dim3A_1900 : vector<16xi1>, vector<16xf32>
      %add3A_1902 = arith.addf %add3A_1884, %select_n3A_1901 : vector<16xf32>
      %swap3A_1903 = arith.constant 27 : i32
      %swap3A_1904 = arith.index_cast %swap3A_1903 : i32 to index
      %swap3A_1905 = arith.constant 0 : index
      %swap3A_1906 = tpu.vector_load %arg5[%swap3A_1904, %swap3A_1905] {strides = array<i32>} : memref<64x16xf32, #tpu.memory_space<vmem>>, vector<1x16xf32>,
      %swap3A_1907 = vector.shape_cast %swap3A_1906 : vector<1x16xf32> to vector<16xf32>
      %swap3A_1908 = vector.shape_cast %select_n3A_1901 : vector<16xf32> to vector<1x16xf32>
      tpu.vector_store %arg5[%swap3A_1904, %swap3A_1905], %swap3A_1908 {strides = array<i32>} : memref<64x16xf32, #tpu.memory_space<vmem>>, vector<1x16xf32>,
      %get3A_1909 = arith.constant 28 : i32
      %get3A_1910 = arith.index_cast %get3A_1909 : i32 to index
      %get3A_1911 = arith.constant 0 : index
      %get3A_1912 = tpu.vector_load %arg4[%get3A_1910, %get3A_1911] {strides = array<i32>} : memref<64x16xf32, #tpu.memory_space<vmem>>, vector<1x16xf32>,
      %get3A_1913 = vector.shape_cast %get3A_1912 : vector<1x16xf32> to vector<16xf32>
      %ge3A_1914 = arith.cmpf oge, %get3A_1913, %max3A_1407 : vector<16xf32>
      %sub3A_1915 = arith.subf %get3A_1913, %max3A_1392 : vector<16xf32>
      %exp3A_1916 = math.exp %sub3A_1915 : vector<16xf32>
      %jit3A_1917 = arith.constant 0.000000e+00 : f32
      %broadcast_in_dim3A_1918 = vector.broadcast %jit3A_1917 : f32 to vector<16xf32>
      %select_n3A_1919 = arith.select %ge3A_1914, %exp3A_1916, %broadcast_in_dim3A_1918 : vector<16xi1>, vector<16xf32>
      %add3A_1920 = arith.addf %add3A_1902, %select_n3A_1919 : vector<16xf32>
      %swap3A_1921 = arith.constant 28 : i32
      %swap3A_1922 = arith.index_cast %swap3A_1921 : i32 to index
      %swap3A_1923 = arith.constant 0 : index
      %swap3A_1924 = tpu.vector_load %arg5[%swap3A_1922, %swap3A_1923] {strides = array<i32>} : memref<64x16xf32, #tpu.memory_space<vmem>>, vector<1x16xf32>,
      %swap3A_1925 = vector.shape_cast %swap3A_1924 : vector<1x16xf32> to vector<16xf32>
      %swap3A_1926 = vector.shape_cast %select_n3A_1919 : vector<16xf32> to vector<1x16xf32>
      tpu.vector_store %arg5[%swap3A_1922, %swap3A_1923], %swap3A_1926 {strides = array<i32>} : memref<64x16xf32, #tpu.memory_space<vmem>>, vector<1x16xf32>,
      %get3A_1927 = arith.constant 29 : i32
      %get3A_1928 = arith.index_cast %get3A_1927 : i32 to index
      %get3A_1929 = arith.constant 0 : index
      %get3A_1930 = tpu.vector_load %arg4[%get3A_1928, %get3A_1929] {strides = array<i32>} : memref<64x16xf32, #tpu.memory_space<vmem>>, vector<1x16xf32>,
      %get3A_1931 = vector.shape_cast %get3A_1930 : vector<1x16xf32> to vector<16xf32>
      %ge3A_1932 = arith.cmpf oge, %get3A_1931, %max3A_1407 : vector<16xf32>
      %sub3A_1933 = arith.subf %get3A_1931, %max3A_1392 : vector<16xf32>
      %exp3A_1934 = math.exp %sub3A_1933 : vector<16xf32>
      %jit3A_1935 = arith.constant 0.000000e+00 : f32
      %broadcast_in_dim3A_1936 = vector.broadcast %jit3A_1935 : f32 to vector<16xf32>
      %select_n3A_1937 = arith.select %ge3A_1932, %exp3A_1934, %broadcast_in_dim3A_1936 : vector<16xi1>, vector<16xf32>
      %add3A_1938 = arith.addf %add3A_1920, %select_n3A_1937 : vector<16xf32>
      %swap3A_1939 = arith.constant 29 : i32
      %swap3A_1940 = arith.index_cast %swap3A_1939 : i32 to index
      %swap3A_1941 = arith.constant 0 : index
      %swap3A_1942 = tpu.vector_load %arg5[%swap3A_1940, %swap3A_1941] {strides = array<i32>} : memref<64x16xf32, #tpu.memory_space<vmem>>, vector<1x16xf32>,
      %swap3A_1943 = vector.shape_cast %swap3A_1942 : vector<1x16xf32> to vector<16xf32>
      %swap3A_1944 = vector.shape_cast %select_n3A_1937 : vector<16xf32> to vector<1x16xf32>
      tpu.vector_store %arg5[%swap3A_1940, %swap3A_1941], %swap3A_1944 {strides = array<i32>} : memref<64x16xf32, #tpu.memory_space<vmem>>, vector<1x16xf32>,
      %get3A_1945 = arith.constant 30 : i32
      %get3A_1946 = arith.index_cast %get3A_1945 : i32 to index
      %get3A_1947 = arith.constant 0 : index
      %get3A_1948 = tpu.vector_load %arg4[%get3A_1946, %get3A_1947] {strides = array<i32>} : memref<64x16xf32, #tpu.memory_space<vmem>>, vector<1x16xf32>,
      %get3A_1949 = vector.shape_cast %get3A_1948 : vector<1x16xf32> to vector<16xf32>
      %ge3A_1950 = arith.cmpf oge, %get3A_1949, %max3A_1407 : vector<16xf32>
      %sub3A_1951 = arith.subf %get3A_1949, %max3A_1392 : vector<16xf32>
      %exp3A_1952 = math.exp %sub3A_1951 : vector<16xf32>
      %jit3A_1953 = arith.constant 0.000000e+00 : f32
      %broadcast_in_dim3A_1954 = vector.broadcast %jit3A_1953 : f32 to vector<16xf32>
      %select_n3A_1955 = arith.select %ge3A_1950, %exp3A_1952, %broadcast_in_dim3A_1954 : vector<16xi1>, vector<16xf32>
      %add3A_1956 = arith.addf %add3A_1938, %select_n3A_1955 : vector<16xf32>
      %swap3A_1957 = arith.constant 30 : i32
      %swap3A_1958 = arith.index_cast %swap3A_1957 : i32 to index
      %swap3A_1959 = arith.constant 0 : index
      %swap3A_1960 = tpu.vector_load %arg5[%swap3A_1958, %swap3A_1959] {strides = array<i32>} : memref<64x16xf32, #tpu.memory_space<vmem>>, vector<1x16xf32>,
      %swap3A_1961 = vector.shape_cast %swap3A_1960 : vector<1x16xf32> to vector<16xf32>
      %swap3A_1962 = vector.shape_cast %select_n3A_1955 : vector<16xf32> to vector<1x16xf32>
      tpu.vector_store %arg5[%swap3A_1958, %swap3A_1959], %swap3A_1962 {strides = array<i32>} : memref<64x16xf32, #tpu.memory_space<vmem>>, vector<1x16xf32>,
      %get3A_1963 = arith.constant 31 : i32
      %get3A_1964 = arith.index_cast %get3A_1963 : i32 to index
      %get3A_1965 = arith.constant 0 : index
      %get3A_1966 = tpu.vector_load %arg4[%get3A_1964, %get3A_1965] {strides = array<i32>} : memref<64x16xf32, #tpu.memory_space<vmem>>, vector<1x16xf32>,
      %get3A_1967 = vector.shape_cast %get3A_1966 : vector<1x16xf32> to vector<16xf32>
      %ge3A_1968 = arith.cmpf oge, %get3A_1967, %max3A_1407 : vector<16xf32>
      %sub3A_1969 = arith.subf %get3A_1967, %max3A_1392 : vector<16xf32>
      %exp3A_1970 = math.exp %sub3A_1969 : vector<16xf32>
      %jit3A_1971 = arith.constant 0.000000e+00 : f32
      %broadcast_in_dim3A_1972 = vector.broadcast %jit3A_1971 : f32 to vector<16xf32>
      %select_n3A_1973 = arith.select %ge3A_1968, %exp3A_1970, %broadcast_in_dim3A_1972 : vector<16xi1>, vector<16xf32>
      %add3A_1974 = arith.addf %add3A_1956, %select_n3A_1973 : vector<16xf32>
      %swap3A_1975 = arith.constant 31 : i32
      %swap3A_1976 = arith.index_cast %swap3A_1975 : i32 to index
      %swap3A_1977 = arith.constant 0 : index
      %swap3A_1978 = tpu.vector_load %arg5[%swap3A_1976, %swap3A_1977] {strides = array<i32>} : memref<64x16xf32, #tpu.memory_space<vmem>>, vector<1x16xf32>,
      %swap3A_1979 = vector.shape_cast %swap3A_1978 : vector<1x16xf32> to vector<16xf32>
      %swap3A_1980 = vector.shape_cast %select_n3A_1973 : vector<16xf32> to vector<1x16xf32>
      tpu.vector_store %arg5[%swap3A_1976, %swap3A_1977], %swap3A_1980 {strides = array<i32>} : memref<64x16xf32, #tpu.memory_space<vmem>>, vector<1x16xf32>,
      %get3A_1981 = arith.constant 32 : i32
      %get3A_1982 = arith.index_cast %get3A_1981 : i32 to index
      %get3A_1983 = arith.constant 0 : index
      %get3A_1984 = tpu.vector_load %arg4[%get3A_1982, %get3A_1983] {strides = array<i32>} : memref<64x16xf32, #tpu.memory_space<vmem>>, vector<1x16xf32>,
      %get3A_1985 = vector.shape_cast %get3A_1984 : vector<1x16xf32> to vector<16xf32>
      %ge3A_1986 = arith.cmpf oge, %get3A_1985, %max3A_1407 : vector<16xf32>
      %sub3A_1987 = arith.subf %get3A_1985, %max3A_1392 : vector<16xf32>
      %exp3A_1988 = math.exp %sub3A_1987 : vector<16xf32>
      %jit3A_1989 = arith.constant 0.000000e+00 : f32
      %broadcast_in_dim3A_1990 = vector.broadcast %jit3A_1989 : f32 to vector<16xf32>
      %select_n3A_1991 = arith.select %ge3A_1986, %exp3A_1988, %broadcast_in_dim3A_1990 : vector<16xi1>, vector<16xf32>
      %add3A_1992 = arith.addf %add3A_1974, %select_n3A_1991 : vector<16xf32>
      %swap3A_1993 = arith.constant 32 : i32
      %swap3A_1994 = arith.index_cast %swap3A_1993 : i32 to index
      %swap3A_1995 = arith.constant 0 : index
      %swap3A_1996 = tpu.vector_load %arg5[%swap3A_1994, %swap3A_1995] {strides = array<i32>} : memref<64x16xf32, #tpu.memory_space<vmem>>, vector<1x16xf32>,
      %swap3A_1997 = vector.shape_cast %swap3A_1996 : vector<1x16xf32> to vector<16xf32>
      %swap3A_1998 = vector.shape_cast %select_n3A_1991 : vector<16xf32> to vector<1x16xf32>
      tpu.vector_store %arg5[%swap3A_1994, %swap3A_1995], %swap3A_1998 {strides = array<i32>} : memref<64x16xf32, #tpu.memory_space<vmem>>, vector<1x16xf32>,
      %get3A_1999 = arith.constant 33 : i32
      %get3A_2000 = arith.index_cast %get3A_1999 : i32 to index
      %get3A_2001 = arith.constant 0 : index
      %get3A_2002 = tpu.vector_load %arg4[%get3A_2000, %get3A_2001] {strides = array<i32>} : memref<64x16xf32, #tpu.memory_space<vmem>>, vector<1x16xf32>,
      %get3A_2003 = vector.shape_cast %get3A_2002 : vector<1x16xf32> to vector<16xf32>
      %ge3A_2004 = arith.cmpf oge, %get3A_2003, %max3A_1407 : vector<16xf32>
      %sub3A_2005 = arith.subf %get3A_2003, %max3A_1392 : vector<16xf32>
      %exp3A_2006 = math.exp %sub3A_2005 : vector<16xf32>
      %jit3A_2007 = arith.constant 0.000000e+00 : f32
      %broadcast_in_dim3A_2008 = vector.broadcast %jit3A_2007 : f32 to vector<16xf32>
      %select_n3A_2009 = arith.select %ge3A_2004, %exp3A_2006, %broadcast_in_dim3A_2008 : vector<16xi1>, vector<16xf32>
      %add3A_2010 = arith.addf %add3A_1992, %select_n3A_2009 : vector<16xf32>
      %swap3A_2011 = arith.constant 33 : i32
      %swap3A_2012 = arith.index_cast %swap3A_2011 : i32 to index
      %swap3A_2013 = arith.constant 0 : index
      %swap3A_2014 = tpu.vector_load %arg5[%swap3A_2012, %swap3A_2013] {strides = array<i32>} : memref<64x16xf32, #tpu.memory_space<vmem>>, vector<1x16xf32>,
      %swap3A_2015 = vector.shape_cast %swap3A_2014 : vector<1x16xf32> to vector<16xf32>
      %swap3A_2016 = vector.shape_cast %select_n3A_2009 : vector<16xf32> to vector<1x16xf32>
      tpu.vector_store %arg5[%swap3A_2012, %swap3A_2013], %swap3A_2016 {strides = array<i32>} : memref<64x16xf32, #tpu.memory_space<vmem>>, vector<1x16xf32>,
      %get3A_2017 = arith.constant 34 : i32
      %get3A_2018 = arith.index_cast %get3A_2017 : i32 to index
      %get3A_2019 = arith.constant 0 : index
      %get3A_2020 = tpu.vector_load %arg4[%get3A_2018, %get3A_2019] {strides = array<i32>} : memref<64x16xf32, #tpu.memory_space<vmem>>, vector<1x16xf32>,
      %get3A_2021 = vector.shape_cast %get3A_2020 : vector<1x16xf32> to vector<16xf32>
      %ge3A_2022 = arith.cmpf oge, %get3A_2021, %max3A_1407 : vector<16xf32>
      %sub3A_2023 = arith.subf %get3A_2021, %max3A_1392 : vector<16xf32>
      %exp3A_2024 = math.exp %sub3A_2023 : vector<16xf32>
      %jit3A_2025 = arith.constant 0.000000e+00 : f32
      %broadcast_in_dim3A_2026 = vector.broadcast %jit3A_2025 : f32 to vector<16xf32>
      %select_n3A_2027 = arith.select %ge3A_2022, %exp3A_2024, %broadcast_in_dim3A_2026 : vector<16xi1>, vector<16xf32>
      %add3A_2028 = arith.addf %add3A_2010, %select_n3A_2027 : vector<16xf32>
      %swap3A_2029 = arith.constant 34 : i32
      %swap3A_2030 = arith.index_cast %swap3A_2029 : i32 to index
      %swap3A_2031 = arith.constant 0 : index
      %swap3A_2032 = tpu.vector_load %arg5[%swap3A_2030, %swap3A_2031] {strides = array<i32>} : memref<64x16xf32, #tpu.memory_space<vmem>>, vector<1x16xf32>,
      %swap3A_2033 = vector.shape_cast %swap3A_2032 : vector<1x16xf32> to vector<16xf32>
      %swap3A_2034 = vector.shape_cast %select_n3A_2027 : vector<16xf32> to vector<1x16xf32>
      tpu.vector_store %arg5[%swap3A_2030, %swap3A_2031], %swap3A_2034 {strides = array<i32>} : memref<64x16xf32, #tpu.memory_space<vmem>>, vector<1x16xf32>,
      %get3A_2035 = arith.constant 35 : i32
      %get3A_2036 = arith.index_cast %get3A_2035 : i32 to index
      %get3A_2037 = arith.constant 0 : index
      %get3A_2038 = tpu.vector_load %arg4[%get3A_2036, %get3A_2037] {strides = array<i32>} : memref<64x16xf32, #tpu.memory_space<vmem>>, vector<1x16xf32>,
      %get3A_2039 = vector.shape_cast %get3A_2038 : vector<1x16xf32> to vector<16xf32>
      %ge3A_2040 = arith.cmpf oge, %get3A_2039, %max3A_1407 : vector<16xf32>
      %sub3A_2041 = arith.subf %get3A_2039, %max3A_1392 : vector<16xf32>
      %exp3A_2042 = math.exp %sub3A_2041 : vector<16xf32>
      %jit3A_2043 = arith.constant 0.000000e+00 : f32
      %broadcast_in_dim3A_2044 = vector.broadcast %jit3A_2043 : f32 to vector<16xf32>
      %select_n3A_2045 = arith.select %ge3A_2040, %exp3A_2042, %broadcast_in_dim3A_2044 : vector<16xi1>, vector<16xf32>
      %add3A_2046 = arith.addf %add3A_2028, %select_n3A_2045 : vector<16xf32>
      %swap3A_2047 = arith.constant 35 : i32
      %swap3A_2048 = arith.index_cast %swap3A_2047 : i32 to index
      %swap3A_2049 = arith.constant 0 : index
      %swap3A_2050 = tpu.vector_load %arg5[%swap3A_2048, %swap3A_2049] {strides = array<i32>} : memref<64x16xf32, #tpu.memory_space<vmem>>, vector<1x16xf32>,
      %swap3A_2051 = vector.shape_cast %swap3A_2050 : vector<1x16xf32> to vector<16xf32>
      %swap3A_2052 = vector.shape_cast %select_n3A_2045 : vector<16xf32> to vector<1x16xf32>
      tpu.vector_store %arg5[%swap3A_2048, %swap3A_2049], %swap3A_2052 {strides = array<i32>} : memref<64x16xf32, #tpu.memory_space<vmem>>, vector<1x16xf32>,
      %get3A_2053 = arith.constant 36 : i32
      %get3A_2054 = arith.index_cast %get3A_2053 : i32 to index
      %get3A_2055 = arith.constant 0 : index
      %get3A_2056 = tpu.vector_load %arg4[%get3A_2054, %get3A_2055] {strides = array<i32>} : memref<64x16xf32, #tpu.memory_space<vmem>>, vector<1x16xf32>,
      %get3A_2057 = vector.shape_cast %get3A_2056 : vector<1x16xf32> to vector<16xf32>
      %ge3A_2058 = arith.cmpf oge, %get3A_2057, %max3A_1407 : vector<16xf32>
      %sub3A_2059 = arith.subf %get3A_2057, %max3A_1392 : vector<16xf32>
      %exp3A_2060 = math.exp %sub3A_2059 : vector<16xf32>
      %jit3A_2061 = arith.constant 0.000000e+00 : f32
      %broadcast_in_dim3A_2062 = vector.broadcast %jit3A_2061 : f32 to vector<16xf32>
      %select_n3A_2063 = arith.select %ge3A_2058, %exp3A_2060, %broadcast_in_dim3A_2062 : vector<16xi1>, vector<16xf32>
      %add3A_2064 = arith.addf %add3A_2046, %select_n3A_2063 : vector<16xf32>
      %swap3A_2065 = arith.constant 36 : i32
      %swap3A_2066 = arith.index_cast %swap3A_2065 : i32 to index
      %swap3A_2067 = arith.constant 0 : index
      %swap3A_2068 = tpu.vector_load %arg5[%swap3A_2066, %swap3A_2067] {strides = array<i32>} : memref<64x16xf32, #tpu.memory_space<vmem>>, vector<1x16xf32>,
      %swap3A_2069 = vector.shape_cast %swap3A_2068 : vector<1x16xf32> to vector<16xf32>
      %swap3A_2070 = vector.shape_cast %select_n3A_2063 : vector<16xf32> to vector<1x16xf32>
      tpu.vector_store %arg5[%swap3A_2066, %swap3A_2067], %swap3A_2070 {strides = array<i32>} : memref<64x16xf32, #tpu.memory_space<vmem>>, vector<1x16xf32>,
      %get3A_2071 = arith.constant 37 : i32
      %get3A_2072 = arith.index_cast %get3A_2071 : i32 to index
      %get3A_2073 = arith.constant 0 : index
      %get3A_2074 = tpu.vector_load %arg4[%get3A_2072, %get3A_2073] {strides = array<i32>} : memref<64x16xf32, #tpu.memory_space<vmem>>, vector<1x16xf32>,
      %get3A_2075 = vector.shape_cast %get3A_2074 : vector<1x16xf32> to vector<16xf32>
      %ge3A_2076 = arith.cmpf oge, %get3A_2075, %max3A_1407 : vector<16xf32>
      %sub3A_2077 = arith.subf %get3A_2075, %max3A_1392 : vector<16xf32>
      %exp3A_2078 = math.exp %sub3A_2077 : vector<16xf32>
      %jit3A_2079 = arith.constant 0.000000e+00 : f32
      %broadcast_in_dim3A_2080 = vector.broadcast %jit3A_2079 : f32 to vector<16xf32>
      %select_n3A_2081 = arith.select %ge3A_2076, %exp3A_2078, %broadcast_in_dim3A_2080 : vector<16xi1>, vector<16xf32>
      %add3A_2082 = arith.addf %add3A_2064, %select_n3A_2081 : vector<16xf32>
      %swap3A_2083 = arith.constant 37 : i32
      %swap3A_2084 = arith.index_cast %swap3A_2083 : i32 to index
      %swap3A_2085 = arith.constant 0 : index
      %swap3A_2086 = tpu.vector_load %arg5[%swap3A_2084, %swap3A_2085] {strides = array<i32>} : memref<64x16xf32, #tpu.memory_space<vmem>>, vector<1x16xf32>,
      %swap3A_2087 = vector.shape_cast %swap3A_2086 : vector<1x16xf32> to vector<16xf32>
      %swap3A_2088 = vector.shape_cast %select_n3A_2081 : vector<16xf32> to vector<1x16xf32>
      tpu.vector_store %arg5[%swap3A_2084, %swap3A_2085], %swap3A_2088 {strides = array<i32>} : memref<64x16xf32, #tpu.memory_space<vmem>>, vector<1x16xf32>,
      %get3A_2089 = arith.constant 38 : i32
      %get3A_2090 = arith.index_cast %get3A_2089 : i32 to index
      %get3A_2091 = arith.constant 0 : index
      %get3A_2092 = tpu.vector_load %arg4[%get3A_2090, %get3A_2091] {strides = array<i32>} : memref<64x16xf32, #tpu.memory_space<vmem>>, vector<1x16xf32>,
      %get3A_2093 = vector.shape_cast %get3A_2092 : vector<1x16xf32> to vector<16xf32>
      %ge3A_2094 = arith.cmpf oge, %get3A_2093, %max3A_1407 : vector<16xf32>
      %sub3A_2095 = arith.subf %get3A_2093, %max3A_1392 : vector<16xf32>
      %exp3A_2096 = math.exp %sub3A_2095 : vector<16xf32>
      %jit3A_2097 = arith.constant 0.000000e+00 : f32
      %broadcast_in_dim3A_2098 = vector.broadcast %jit3A_2097 : f32 to vector<16xf32>
      %select_n3A_2099 = arith.select %ge3A_2094, %exp3A_2096, %broadcast_in_dim3A_2098 : vector<16xi1>, vector<16xf32>
      %add3A_2100 = arith.addf %add3A_2082, %select_n3A_2099 : vector<16xf32>
      %swap3A_2101 = arith.constant 38 : i32
      %swap3A_2102 = arith.index_cast %swap3A_2101 : i32 to index
      %swap3A_2103 = arith.constant 0 : index
      %swap3A_2104 = tpu.vector_load %arg5[%swap3A_2102, %swap3A_2103] {strides = array<i32>} : memref<64x16xf32, #tpu.memory_space<vmem>>, vector<1x16xf32>,
      %swap3A_2105 = vector.shape_cast %swap3A_2104 : vector<1x16xf32> to vector<16xf32>
      %swap3A_2106 = vector.shape_cast %select_n3A_2099 : vector<16xf32> to vector<1x16xf32>
      tpu.vector_store %arg5[%swap3A_2102, %swap3A_2103], %swap3A_2106 {strides = array<i32>} : memref<64x16xf32, #tpu.memory_space<vmem>>, vector<1x16xf32>,
      %get3A_2107 = arith.constant 39 : i32
      %get3A_2108 = arith.index_cast %get3A_2107 : i32 to index
      %get3A_2109 = arith.constant 0 : index
      %get3A_2110 = tpu.vector_load %arg4[%get3A_2108, %get3A_2109] {strides = array<i32>} : memref<64x16xf32, #tpu.memory_space<vmem>>, vector<1x16xf32>,
      %get3A_2111 = vector.shape_cast %get3A_2110 : vector<1x16xf32> to vector<16xf32>
      %ge3A_2112 = arith.cmpf oge, %get3A_2111, %max3A_1407 : vector<16xf32>
      %sub3A_2113 = arith.subf %get3A_2111, %max3A_1392 : vector<16xf32>
      %exp3A_2114 = math.exp %sub3A_2113 : vector<16xf32>
      %jit3A_2115 = arith.constant 0.000000e+00 : f32
      %broadcast_in_dim3A_2116 = vector.broadcast %jit3A_2115 : f32 to vector<16xf32>
      %select_n3A_2117 = arith.select %ge3A_2112, %exp3A_2114, %broadcast_in_dim3A_2116 : vector<16xi1>, vector<16xf32>
      %add3A_2118 = arith.addf %add3A_2100, %select_n3A_2117 : vector<16xf32>
      %swap3A_2119 = arith.constant 39 : i32
      %swap3A_2120 = arith.index_cast %swap3A_2119 : i32 to index
      %swap3A_2121 = arith.constant 0 : index
      %swap3A_2122 = tpu.vector_load %arg5[%swap3A_2120, %swap3A_2121] {strides = array<i32>} : memref<64x16xf32, #tpu.memory_space<vmem>>, vector<1x16xf32>,
      %swap3A_2123 = vector.shape_cast %swap3A_2122 : vector<1x16xf32> to vector<16xf32>
      %swap3A_2124 = vector.shape_cast %select_n3A_2117 : vector<16xf32> to vector<1x16xf32>
      tpu.vector_store %arg5[%swap3A_2120, %swap3A_2121], %swap3A_2124 {strides = array<i32>} : memref<64x16xf32, #tpu.memory_space<vmem>>, vector<1x16xf32>,
      %get3A_2125 = arith.constant 40 : i32
      %get3A_2126 = arith.index_cast %get3A_2125 : i32 to index
      %get3A_2127 = arith.constant 0 : index
      %get3A_2128 = tpu.vector_load %arg4[%get3A_2126, %get3A_2127] {strides = array<i32>} : memref<64x16xf32, #tpu.memory_space<vmem>>, vector<1x16xf32>,
      %get3A_2129 = vector.shape_cast %get3A_2128 : vector<1x16xf32> to vector<16xf32>
      %ge3A_2130 = arith.cmpf oge, %get3A_2129, %max3A_1407 : vector<16xf32>
      %sub3A_2131 = arith.subf %get3A_2129, %max3A_1392 : vector<16xf32>
      %exp3A_2132 = math.exp %sub3A_2131 : vector<16xf32>
      %jit3A_2133 = arith.constant 0.000000e+00 : f32
      %broadcast_in_dim3A_2134 = vector.broadcast %jit3A_2133 : f32 to vector<16xf32>
      %select_n3A_2135 = arith.select %ge3A_2130, %exp3A_2132, %broadcast_in_dim3A_2134 : vector<16xi1>, vector<16xf32>
      %add3A_2136 = arith.addf %add3A_2118, %select_n3A_2135 : vector<16xf32>
      %swap3A_2137 = arith.constant 40 : i32
      %swap3A_2138 = arith.index_cast %swap3A_2137 : i32 to index
      %swap3A_2139 = arith.constant 0 : index
      %swap3A_2140 = tpu.vector_load %arg5[%swap3A_2138, %swap3A_2139] {strides = array<i32>} : memref<64x16xf32, #tpu.memory_space<vmem>>, vector<1x16xf32>,
      %swap3A_2141 = vector.shape_cast %swap3A_2140 : vector<1x16xf32> to vector<16xf32>
      %swap3A_2142 = vector.shape_cast %select_n3A_2135 : vector<16xf32> to vector<1x16xf32>
      tpu.vector_store %arg5[%swap3A_2138, %swap3A_2139], %swap3A_2142 {strides = array<i32>} : memref<64x16xf32, #tpu.memory_space<vmem>>, vector<1x16xf32>,
      %get3A_2143 = arith.constant 41 : i32
      %get3A_2144 = arith.index_cast %get3A_2143 : i32 to index
      %get3A_2145 = arith.constant 0 : index
      %get3A_2146 = tpu.vector_load %arg4[%get3A_2144, %get3A_2145] {strides = array<i32>} : memref<64x16xf32, #tpu.memory_space<vmem>>, vector<1x16xf32>,
      %get3A_2147 = vector.shape_cast %get3A_2146 : vector<1x16xf32> to vector<16xf32>
      %ge3A_2148 = arith.cmpf oge, %get3A_2147, %max3A_1407 : vector<16xf32>
      %sub3A_2149 = arith.subf %get3A_2147, %max3A_1392 : vector<16xf32>
      %exp3A_2150 = math.exp %sub3A_2149 : vector<16xf32>
      %jit3A_2151 = arith.constant 0.000000e+00 : f32
      %broadcast_in_dim3A_2152 = vector.broadcast %jit3A_2151 : f32 to vector<16xf32>
      %select_n3A_2153 = arith.select %ge3A_2148, %exp3A_2150, %broadcast_in_dim3A_2152 : vector<16xi1>, vector<16xf32>
      %add3A_2154 = arith.addf %add3A_2136, %select_n3A_2153 : vector<16xf32>
      %swap3A_2155 = arith.constant 41 : i32
      %swap3A_2156 = arith.index_cast %swap3A_2155 : i32 to index
      %swap3A_2157 = arith.constant 0 : index
      %swap3A_2158 = tpu.vector_load %arg5[%swap3A_2156, %swap3A_2157] {strides = array<i32>} : memref<64x16xf32, #tpu.memory_space<vmem>>, vector<1x16xf32>,
      %swap3A_2159 = vector.shape_cast %swap3A_2158 : vector<1x16xf32> to vector<16xf32>
      %swap3A_2160 = vector.shape_cast %select_n3A_2153 : vector<16xf32> to vector<1x16xf32>
      tpu.vector_store %arg5[%swap3A_2156, %swap3A_2157], %swap3A_2160 {strides = array<i32>} : memref<64x16xf32, #tpu.memory_space<vmem>>, vector<1x16xf32>,
      %get3A_2161 = arith.constant 42 : i32
      %get3A_2162 = arith.index_cast %get3A_2161 : i32 to index
      %get3A_2163 = arith.constant 0 : index
      %get3A_2164 = tpu.vector_load %arg4[%get3A_2162, %get3A_2163] {strides = array<i32>} : memref<64x16xf32, #tpu.memory_space<vmem>>, vector<1x16xf32>,
      %get3A_2165 = vector.shape_cast %get3A_2164 : vector<1x16xf32> to vector<16xf32>
      %ge3A_2166 = arith.cmpf oge, %get3A_2165, %max3A_1407 : vector<16xf32>
      %sub3A_2167 = arith.subf %get3A_2165, %max3A_1392 : vector<16xf32>
      %exp3A_2168 = math.exp %sub3A_2167 : vector<16xf32>
      %jit3A_2169 = arith.constant 0.000000e+00 : f32
      %broadcast_in_dim3A_2170 = vector.broadcast %jit3A_2169 : f32 to vector<16xf32>
      %select_n3A_2171 = arith.select %ge3A_2166, %exp3A_2168, %broadcast_in_dim3A_2170 : vector<16xi1>, vector<16xf32>
      %add3A_2172 = arith.addf %add3A_2154, %select_n3A_2171 : vector<16xf32>
      %swap3A_2173 = arith.constant 42 : i32
      %swap3A_2174 = arith.index_cast %swap3A_2173 : i32 to index
      %swap3A_2175 = arith.constant 0 : index
      %swap3A_2176 = tpu.vector_load %arg5[%swap3A_2174, %swap3A_2175] {strides = array<i32>} : memref<64x16xf32, #tpu.memory_space<vmem>>, vector<1x16xf32>,
      %swap3A_2177 = vector.shape_cast %swap3A_2176 : vector<1x16xf32> to vector<16xf32>
      %swap3A_2178 = vector.shape_cast %select_n3A_2171 : vector<16xf32> to vector<1x16xf32>
      tpu.vector_store %arg5[%swap3A_2174, %swap3A_2175], %swap3A_2178 {strides = array<i32>} : memref<64x16xf32, #tpu.memory_space<vmem>>, vector<1x16xf32>,
      %get3A_2179 = arith.constant 43 : i32
      %get3A_2180 = arith.index_cast %get3A_2179 : i32 to index
      %get3A_2181 = arith.constant 0 : index
      %get3A_2182 = tpu.vector_load %arg4[%get3A_2180, %get3A_2181] {strides = array<i32>} : memref<64x16xf32, #tpu.memory_space<vmem>>, vector<1x16xf32>,
      %get3A_2183 = vector.shape_cast %get3A_2182 : vector<1x16xf32> to vector<16xf32>
      %ge3A_2184 = arith.cmpf oge, %get3A_2183, %max3A_1407 : vector<16xf32>
      %sub3A_2185 = arith.subf %get3A_2183, %max3A_1392 : vector<16xf32>
      %exp3A_2186 = math.exp %sub3A_2185 : vector<16xf32>
      %jit3A_2187 = arith.constant 0.000000e+00 : f32
      %broadcast_in_dim3A_2188 = vector.broadcast %jit3A_2187 : f32 to vector<16xf32>
      %select_n3A_2189 = arith.select %ge3A_2184, %exp3A_2186, %broadcast_in_dim3A_2188 : vector<16xi1>, vector<16xf32>
      %add3A_2190 = arith.addf %add3A_2172, %select_n3A_2189 : vector<16xf32>
      %swap3A_2191 = arith.constant 43 : i32
      %swap3A_2192 = arith.index_cast %swap3A_2191 : i32 to index
      %swap3A_2193 = arith.constant 0 : index
      %swap3A_2194 = tpu.vector_load %arg5[%swap3A_2192, %swap3A_2193] {strides = array<i32>} : memref<64x16xf32, #tpu.memory_space<vmem>>, vector<1x16xf32>,
      %swap3A_2195 = vector.shape_cast %swap3A_2194 : vector<1x16xf32> to vector<16xf32>
      %swap3A_2196 = vector.shape_cast %select_n3A_2189 : vector<16xf32> to vector<1x16xf32>
      tpu.vector_store %arg5[%swap3A_2192, %swap3A_2193], %swap3A_2196 {strides = array<i32>} : memref<64x16xf32, #tpu.memory_space<vmem>>, vector<1x16xf32>,
      %get3A_2197 = arith.constant 44 : i32
      %get3A_2198 = arith.index_cast %get3A_2197 : i32 to index
      %get3A_2199 = arith.constant 0 : index
      %get3A_2200 = tpu.vector_load %arg4[%get3A_2198, %get3A_2199] {strides = array<i32>} : memref<64x16xf32, #tpu.memory_space<vmem>>, vector<1x16xf32>,
      %get3A_2201 = vector.shape_cast %get3A_2200 : vector<1x16xf32> to vector<16xf32>
      %ge3A_2202 = arith.cmpf oge, %get3A_2201, %max3A_1407 : vector<16xf32>
      %sub3A_2203 = arith.subf %get3A_2201, %max3A_1392 : vector<16xf32>
      %exp3A_2204 = math.exp %sub3A_2203 : vector<16xf32>
      %jit3A_2205 = arith.constant 0.000000e+00 : f32
      %broadcast_in_dim3A_2206 = vector.broadcast %jit3A_2205 : f32 to vector<16xf32>
      %select_n3A_2207 = arith.select %ge3A_2202, %exp3A_2204, %broadcast_in_dim3A_2206 : vector<16xi1>, vector<16xf32>
      %add3A_2208 = arith.addf %add3A_2190, %select_n3A_2207 : vector<16xf32>
      %swap3A_2209 = arith.constant 44 : i32
      %swap3A_2210 = arith.index_cast %swap3A_2209 : i32 to index
      %swap3A_2211 = arith.constant 0 : index
      %swap3A_2212 = tpu.vector_load %arg5[%swap3A_2210, %swap3A_2211] {strides = array<i32>} : memref<64x16xf32, #tpu.memory_space<vmem>>, vector<1x16xf32>,
      %swap3A_2213 = vector.shape_cast %swap3A_2212 : vector<1x16xf32> to vector<16xf32>
      %swap3A_2214 = vector.shape_cast %select_n3A_2207 : vector<16xf32> to vector<1x16xf32>
      tpu.vector_store %arg5[%swap3A_2210, %swap3A_2211], %swap3A_2214 {strides = array<i32>} : memref<64x16xf32, #tpu.memory_space<vmem>>, vector<1x16xf32>,
      %get3A_2215 = arith.constant 45 : i32
      %get3A_2216 = arith.index_cast %get3A_2215 : i32 to index
      %get3A_2217 = arith.constant 0 : index
      %get3A_2218 = tpu.vector_load %arg4[%get3A_2216, %get3A_2217] {strides = array<i32>} : memref<64x16xf32, #tpu.memory_space<vmem>>, vector<1x16xf32>,
      %get3A_2219 = vector.shape_cast %get3A_2218 : vector<1x16xf32> to vector<16xf32>
      %ge3A_2220 = arith.cmpf oge, %get3A_2219, %max3A_1407 : vector<16xf32>
      %sub3A_2221 = arith.subf %get3A_2219, %max3A_1392 : vector<16xf32>
      %exp3A_2222 = math.exp %sub3A_2221 : vector<16xf32>
      %jit3A_2223 = arith.constant 0.000000e+00 : f32
      %broadcast_in_dim3A_2224 = vector.broadcast %jit3A_2223 : f32 to vector<16xf32>
      %select_n3A_2225 = arith.select %ge3A_2220, %exp3A_2222, %broadcast_in_dim3A_2224 : vector<16xi1>, vector<16xf32>
      %add3A_2226 = arith.addf %add3A_2208, %select_n3A_2225 : vector<16xf32>
      %swap3A_2227 = arith.constant 45 : i32
      %swap3A_2228 = arith.index_cast %swap3A_2227 : i32 to index
      %swap3A_2229 = arith.constant 0 : index
      %swap3A_2230 = tpu.vector_load %arg5[%swap3A_2228, %swap3A_2229] {strides = array<i32>} : memref<64x16xf32, #tpu.memory_space<vmem>>, vector<1x16xf32>,
      %swap3A_2231 = vector.shape_cast %swap3A_2230 : vector<1x16xf32> to vector<16xf32>
      %swap3A_2232 = vector.shape_cast %select_n3A_2225 : vector<16xf32> to vector<1x16xf32>
      tpu.vector_store %arg5[%swap3A_2228, %swap3A_2229], %swap3A_2232 {strides = array<i32>} : memref<64x16xf32, #tpu.memory_space<vmem>>, vector<1x16xf32>,
      %get3A_2233 = arith.constant 46 : i32
      %get3A_2234 = arith.index_cast %get3A_2233 : i32 to index
      %get3A_2235 = arith.constant 0 : index
      %get3A_2236 = tpu.vector_load %arg4[%get3A_2234, %get3A_2235] {strides = array<i32>} : memref<64x16xf32, #tpu.memory_space<vmem>>, vector<1x16xf32>,
      %get3A_2237 = vector.shape_cast %get3A_2236 : vector<1x16xf32> to vector<16xf32>
      %ge3A_2238 = arith.cmpf oge, %get3A_2237, %max3A_1407 : vector<16xf32>
      %sub3A_2239 = arith.subf %get3A_2237, %max3A_1392 : vector<16xf32>
      %exp3A_2240 = math.exp %sub3A_2239 : vector<16xf32>
      %jit3A_2241 = arith.constant 0.000000e+00 : f32
      %broadcast_in_dim3A_2242 = vector.broadcast %jit3A_2241 : f32 to vector<16xf32>
      %select_n3A_2243 = arith.select %ge3A_2238, %exp3A_2240, %broadcast_in_dim3A_2242 : vector<16xi1>, vector<16xf32>
      %add3A_2244 = arith.addf %add3A_2226, %select_n3A_2243 : vector<16xf32>
      %swap3A_2245 = arith.constant 46 : i32
      %swap3A_2246 = arith.index_cast %swap3A_2245 : i32 to index
      %swap3A_2247 = arith.constant 0 : index
      %swap3A_2248 = tpu.vector_load %arg5[%swap3A_2246, %swap3A_2247] {strides = array<i32>} : memref<64x16xf32, #tpu.memory_space<vmem>>, vector<1x16xf32>,
      %swap3A_2249 = vector.shape_cast %swap3A_2248 : vector<1x16xf32> to vector<16xf32>
      %swap3A_2250 = vector.shape_cast %select_n3A_2243 : vector<16xf32> to vector<1x16xf32>
      tpu.vector_store %arg5[%swap3A_2246, %swap3A_2247], %swap3A_2250 {strides = array<i32>} : memref<64x16xf32, #tpu.memory_space<vmem>>, vector<1x16xf32>,
      %get3A_2251 = arith.constant 47 : i32
      %get3A_2252 = arith.index_cast %get3A_2251 : i32 to index
      %get3A_2253 = arith.constant 0 : index
      %get3A_2254 = tpu.vector_load %arg4[%get3A_2252, %get3A_2253] {strides = array<i32>} : memref<64x16xf32, #tpu.memory_space<vmem>>, vector<1x16xf32>,
      %get3A_2255 = vector.shape_cast %get3A_2254 : vector<1x16xf32> to vector<16xf32>
      %ge3A_2256 = arith.cmpf oge, %get3A_2255, %max3A_1407 : vector<16xf32>
      %sub3A_2257 = arith.subf %get3A_2255, %max3A_1392 : vector<16xf32>
      %exp3A_2258 = math.exp %sub3A_2257 : vector<16xf32>
      %jit3A_2259 = arith.constant 0.000000e+00 : f32
      %broadcast_in_dim3A_2260 = vector.broadcast %jit3A_2259 : f32 to vector<16xf32>
      %select_n3A_2261 = arith.select %ge3A_2256, %exp3A_2258, %broadcast_in_dim3A_2260 : vector<16xi1>, vector<16xf32>
      %add3A_2262 = arith.addf %add3A_2244, %select_n3A_2261 : vector<16xf32>
      %swap3A_2263 = arith.constant 47 : i32
      %swap3A_2264 = arith.index_cast %swap3A_2263 : i32 to index
      %swap3A_2265 = arith.constant 0 : index
      %swap3A_2266 = tpu.vector_load %arg5[%swap3A_2264, %swap3A_2265] {strides = array<i32>} : memref<64x16xf32, #tpu.memory_space<vmem>>, vector<1x16xf32>,
      %swap3A_2267 = vector.shape_cast %swap3A_2266 : vector<1x16xf32> to vector<16xf32>
      %swap3A_2268 = vector.shape_cast %select_n3A_2261 : vector<16xf32> to vector<1x16xf32>
      tpu.vector_store %arg5[%swap3A_2264, %swap3A_2265], %swap3A_2268 {strides = array<i32>} : memref<64x16xf32, #tpu.memory_space<vmem>>, vector<1x16xf32>,
      %get3A_2269 = arith.constant 48 : i32
      %get3A_2270 = arith.index_cast %get3A_2269 : i32 to index
      %get3A_2271 = arith.constant 0 : index
      %get3A_2272 = tpu.vector_load %arg4[%get3A_2270, %get3A_2271] {strides = array<i32>} : memref<64x16xf32, #tpu.memory_space<vmem>>, vector<1x16xf32>,
      %get3A_2273 = vector.shape_cast %get3A_2272 : vector<1x16xf32> to vector<16xf32>
      %ge3A_2274 = arith.cmpf oge, %get3A_2273, %max3A_1407 : vector<16xf32>
      %sub3A_2275 = arith.subf %get3A_2273, %max3A_1392 : vector<16xf32>
      %exp3A_2276 = math.exp %sub3A_2275 : vector<16xf32>
      %jit3A_2277 = arith.constant 0.000000e+00 : f32
      %broadcast_in_dim3A_2278 = vector.broadcast %jit3A_2277 : f32 to vector<16xf32>
      %select_n3A_2279 = arith.select %ge3A_2274, %exp3A_2276, %broadcast_in_dim3A_2278 : vector<16xi1>, vector<16xf32>
      %add3A_2280 = arith.addf %add3A_2262, %select_n3A_2279 : vector<16xf32>
      %swap3A_2281 = arith.constant 48 : i32
      %swap3A_2282 = arith.index_cast %swap3A_2281 : i32 to index
      %swap3A_2283 = arith.constant 0 : index
      %swap3A_2284 = tpu.vector_load %arg5[%swap3A_2282, %swap3A_2283] {strides = array<i32>} : memref<64x16xf32, #tpu.memory_space<vmem>>, vector<1x16xf32>,
      %swap3A_2285 = vector.shape_cast %swap3A_2284 : vector<1x16xf32> to vector<16xf32>
      %swap3A_2286 = vector.shape_cast %select_n3A_2279 : vector<16xf32> to vector<1x16xf32>
      tpu.vector_store %arg5[%swap3A_2282, %swap3A_2283], %swap3A_2286 {strides = array<i32>} : memref<64x16xf32, #tpu.memory_space<vmem>>, vector<1x16xf32>,
      %get3A_2287 = arith.constant 49 : i32
      %get3A_2288 = arith.index_cast %get3A_2287 : i32 to index
      %get3A_2289 = arith.constant 0 : index
      %get3A_2290 = tpu.vector_load %arg4[%get3A_2288, %get3A_2289] {strides = array<i32>} : memref<64x16xf32, #tpu.memory_space<vmem>>, vector<1x16xf32>,
      %get3A_2291 = vector.shape_cast %get3A_2290 : vector<1x16xf32> to vector<16xf32>
      %ge3A_2292 = arith.cmpf oge, %get3A_2291, %max3A_1407 : vector<16xf32>
      %sub3A_2293 = arith.subf %get3A_2291, %max3A_1392 : vector<16xf32>
      %exp3A_2294 = math.exp %sub3A_2293 : vector<16xf32>
      %jit3A_2295 = arith.constant 0.000000e+00 : f32
      %broadcast_in_dim3A_2296 = vector.broadcast %jit3A_2295 : f32 to vector<16xf32>
      %select_n3A_2297 = arith.select %ge3A_2292, %exp3A_2294, %broadcast_in_dim3A_2296 : vector<16xi1>, vector<16xf32>
      %add3A_2298 = arith.addf %add3A_2280, %select_n3A_2297 : vector<16xf32>
      %swap3A_2299 = arith.constant 49 : i32
      %swap3A_2300 = arith.index_cast %swap3A_2299 : i32 to index
      %swap3A_2301 = arith.constant 0 : index
      %swap3A_2302 = tpu.vector_load %arg5[%swap3A_2300, %swap3A_2301] {strides = array<i32>} : memref<64x16xf32, #tpu.memory_space<vmem>>, vector<1x16xf32>,
      %swap3A_2303 = vector.shape_cast %swap3A_2302 : vector<1x16xf32> to vector<16xf32>
      %swap3A_2304 = vector.shape_cast %select_n3A_2297 : vector<16xf32> to vector<1x16xf32>
      tpu.vector_store %arg5[%swap3A_2300, %swap3A_2301], %swap3A_2304 {strides = array<i32>} : memref<64x16xf32, #tpu.memory_space<vmem>>, vector<1x16xf32>,
      %get3A_2305 = arith.constant 50 : i32
      %get3A_2306 = arith.index_cast %get3A_2305 : i32 to index
      %get3A_2307 = arith.constant 0 : index
      %get3A_2308 = tpu.vector_load %arg4[%get3A_2306, %get3A_2307] {strides = array<i32>} : memref<64x16xf32, #tpu.memory_space<vmem>>, vector<1x16xf32>,
      %get3A_2309 = vector.shape_cast %get3A_2308 : vector<1x16xf32> to vector<16xf32>
      %ge3A_2310 = arith.cmpf oge, %get3A_2309, %max3A_1407 : vector<16xf32>
      %sub3A_2311 = arith.subf %get3A_2309, %max3A_1392 : vector<16xf32>
      %exp3A_2312 = math.exp %sub3A_2311 : vector<16xf32>
      %jit3A_2313 = arith.constant 0.000000e+00 : f32
      %broadcast_in_dim3A_2314 = vector.broadcast %jit3A_2313 : f32 to vector<16xf32>
      %select_n3A_2315 = arith.select %ge3A_2310, %exp3A_2312, %broadcast_in_dim3A_2314 : vector<16xi1>, vector<16xf32>
      %add3A_2316 = arith.addf %add3A_2298, %select_n3A_2315 : vector<16xf32>
      %swap3A_2317 = arith.constant 50 : i32
      %swap3A_2318 = arith.index_cast %swap3A_2317 : i32 to index
      %swap3A_2319 = arith.constant 0 : index
      %swap3A_2320 = tpu.vector_load %arg5[%swap3A_2318, %swap3A_2319] {strides = array<i32>} : memref<64x16xf32, #tpu.memory_space<vmem>>, vector<1x16xf32>,
      %swap3A_2321 = vector.shape_cast %swap3A_2320 : vector<1x16xf32> to vector<16xf32>
      %swap3A_2322 = vector.shape_cast %select_n3A_2315 : vector<16xf32> to vector<1x16xf32>
      tpu.vector_store %arg5[%swap3A_2318, %swap3A_2319], %swap3A_2322 {strides = array<i32>} : memref<64x16xf32, #tpu.memory_space<vmem>>, vector<1x16xf32>,
      %get3A_2323 = arith.constant 51 : i32
      %get3A_2324 = arith.index_cast %get3A_2323 : i32 to index
      %get3A_2325 = arith.constant 0 : index
      %get3A_2326 = tpu.vector_load %arg4[%get3A_2324, %get3A_2325] {strides = array<i32>} : memref<64x16xf32, #tpu.memory_space<vmem>>, vector<1x16xf32>,
      %get3A_2327 = vector.shape_cast %get3A_2326 : vector<1x16xf32> to vector<16xf32>
      %ge3A_2328 = arith.cmpf oge, %get3A_2327, %max3A_1407 : vector<16xf32>
      %sub3A_2329 = arith.subf %get3A_2327, %max3A_1392 : vector<16xf32>
      %exp3A_2330 = math.exp %sub3A_2329 : vector<16xf32>
      %jit3A_2331 = arith.constant 0.000000e+00 : f32
      %broadcast_in_dim3A_2332 = vector.broadcast %jit3A_2331 : f32 to vector<16xf32>
      %select_n3A_2333 = arith.select %ge3A_2328, %exp3A_2330, %broadcast_in_dim3A_2332 : vector<16xi1>, vector<16xf32>
      %add3A_2334 = arith.addf %add3A_2316, %select_n3A_2333 : vector<16xf32>
      %swap3A_2335 = arith.constant 51 : i32
      %swap3A_2336 = arith.index_cast %swap3A_2335 : i32 to index
      %swap3A_2337 = arith.constant 0 : index
      %swap3A_2338 = tpu.vector_load %arg5[%swap3A_2336, %swap3A_2337] {strides = array<i32>} : memref<64x16xf32, #tpu.memory_space<vmem>>, vector<1x16xf32>,
      %swap3A_2339 = vector.shape_cast %swap3A_2338 : vector<1x16xf32> to vector<16xf32>
      %swap3A_2340 = vector.shape_cast %select_n3A_2333 : vector<16xf32> to vector<1x16xf32>
      tpu.vector_store %arg5[%swap3A_2336, %swap3A_2337], %swap3A_2340 {strides = array<i32>} : memref<64x16xf32, #tpu.memory_space<vmem>>, vector<1x16xf32>,
      %get3A_2341 = arith.constant 52 : i32
      %get3A_2342 = arith.index_cast %get3A_2341 : i32 to index
      %get3A_2343 = arith.constant 0 : index
      %get3A_2344 = tpu.vector_load %arg4[%get3A_2342, %get3A_2343] {strides = array<i32>} : memref<64x16xf32, #tpu.memory_space<vmem>>, vector<1x16xf32>,
      %get3A_2345 = vector.shape_cast %get3A_2344 : vector<1x16xf32> to vector<16xf32>
      %ge3A_2346 = arith.cmpf oge, %get3A_2345, %max3A_1407 : vector<16xf32>
      %sub3A_2347 = arith.subf %get3A_2345, %max3A_1392 : vector<16xf32>
      %exp3A_2348 = math.exp %sub3A_2347 : vector<16xf32>
      %jit3A_2349 = arith.constant 0.000000e+00 : f32
      %broadcast_in_dim3A_2350 = vector.broadcast %jit3A_2349 : f32 to vector<16xf32>
      %select_n3A_2351 = arith.select %ge3A_2346, %exp3A_2348, %broadcast_in_dim3A_2350 : vector<16xi1>, vector<16xf32>
      %add3A_2352 = arith.addf %add3A_2334, %select_n3A_2351 : vector<16xf32>
      %swap3A_2353 = arith.constant 52 : i32
      %swap3A_2354 = arith.index_cast %swap3A_2353 : i32 to index
      %swap3A_2355 = arith.constant 0 : index
      %swap3A_2356 = tpu.vector_load %arg5[%swap3A_2354, %swap3A_2355] {strides = array<i32>} : memref<64x16xf32, #tpu.memory_space<vmem>>, vector<1x16xf32>,
      %swap3A_2357 = vector.shape_cast %swap3A_2356 : vector<1x16xf32> to vector<16xf32>
      %swap3A_2358 = vector.shape_cast %select_n3A_2351 : vector<16xf32> to vector<1x16xf32>
      tpu.vector_store %arg5[%swap3A_2354, %swap3A_2355], %swap3A_2358 {strides = array<i32>} : memref<64x16xf32, #tpu.memory_space<vmem>>, vector<1x16xf32>,
      %get3A_2359 = arith.constant 53 : i32
      %get3A_2360 = arith.index_cast %get3A_2359 : i32 to index
      %get3A_2361 = arith.constant 0 : index
      %get3A_2362 = tpu.vector_load %arg4[%get3A_2360, %get3A_2361] {strides = array<i32>} : memref<64x16xf32, #tpu.memory_space<vmem>>, vector<1x16xf32>,
      %get3A_2363 = vector.shape_cast %get3A_2362 : vector<1x16xf32> to vector<16xf32>
      %ge3A_2364 = arith.cmpf oge, %get3A_2363, %max3A_1407 : vector<16xf32>
      %sub3A_2365 = arith.subf %get3A_2363, %max3A_1392 : vector<16xf32>
      %exp3A_2366 = math.exp %sub3A_2365 : vector<16xf32>
      %jit3A_2367 = arith.constant 0.000000e+00 : f32
      %broadcast_in_dim3A_2368 = vector.broadcast %jit3A_2367 : f32 to vector<16xf32>
      %select_n3A_2369 = arith.select %ge3A_2364, %exp3A_2366, %broadcast_in_dim3A_2368 : vector<16xi1>, vector<16xf32>
      %add3A_2370 = arith.addf %add3A_2352, %select_n3A_2369 : vector<16xf32>
      %swap3A_2371 = arith.constant 53 : i32
      %swap3A_2372 = arith.index_cast %swap3A_2371 : i32 to index
      %swap3A_2373 = arith.constant 0 : index
      %swap3A_2374 = tpu.vector_load %arg5[%swap3A_2372, %swap3A_2373] {strides = array<i32>} : memref<64x16xf32, #tpu.memory_space<vmem>>, vector<1x16xf32>,
      %swap3A_2375 = vector.shape_cast %swap3A_2374 : vector<1x16xf32> to vector<16xf32>
      %swap3A_2376 = vector.shape_cast %select_n3A_2369 : vector<16xf32> to vector<1x16xf32>
      tpu.vector_store %arg5[%swap3A_2372, %swap3A_2373], %swap3A_2376 {strides = array<i32>} : memref<64x16xf32, #tpu.memory_space<vmem>>, vector<1x16xf32>,
      %get3A_2377 = arith.constant 54 : i32
      %get3A_2378 = arith.index_cast %get3A_2377 : i32 to index
      %get3A_2379 = arith.constant 0 : index
      %get3A_2380 = tpu.vector_load %arg4[%get3A_2378, %get3A_2379] {strides = array<i32>} : memref<64x16xf32, #tpu.memory_space<vmem>>, vector<1x16xf32>,
      %get3A_2381 = vector.shape_cast %get3A_2380 : vector<1x16xf32> to vector<16xf32>
      %ge3A_2382 = arith.cmpf oge, %get3A_2381, %max3A_1407 : vector<16xf32>
      %sub3A_2383 = arith.subf %get3A_2381, %max3A_1392 : vector<16xf32>
      %exp3A_2384 = math.exp %sub3A_2383 : vector<16xf32>
      %jit3A_2385 = arith.constant 0.000000e+00 : f32
      %broadcast_in_dim3A_2386 = vector.broadcast %jit3A_2385 : f32 to vector<16xf32>
      %select_n3A_2387 = arith.select %ge3A_2382, %exp3A_2384, %broadcast_in_dim3A_2386 : vector<16xi1>, vector<16xf32>
      %add3A_2388 = arith.addf %add3A_2370, %select_n3A_2387 : vector<16xf32>
      %swap3A_2389 = arith.constant 54 : i32
      %swap3A_2390 = arith.index_cast %swap3A_2389 : i32 to index
      %swap3A_2391 = arith.constant 0 : index
      %swap3A_2392 = tpu.vector_load %arg5[%swap3A_2390, %swap3A_2391] {strides = array<i32>} : memref<64x16xf32, #tpu.memory_space<vmem>>, vector<1x16xf32>,
      %swap3A_2393 = vector.shape_cast %swap3A_2392 : vector<1x16xf32> to vector<16xf32>
      %swap3A_2394 = vector.shape_cast %select_n3A_2387 : vector<16xf32> to vector<1x16xf32>
      tpu.vector_store %arg5[%swap3A_2390, %swap3A_2391], %swap3A_2394 {strides = array<i32>} : memref<64x16xf32, #tpu.memory_space<vmem>>, vector<1x16xf32>,
      %get3A_2395 = arith.constant 55 : i32
      %get3A_2396 = arith.index_cast %get3A_2395 : i32 to index
      %get3A_2397 = arith.constant 0 : index
      %get3A_2398 = tpu.vector_load %arg4[%get3A_2396, %get3A_2397] {strides = array<i32>} : memref<64x16xf32, #tpu.memory_space<vmem>>, vector<1x16xf32>,
      %get3A_2399 = vector.shape_cast %get3A_2398 : vector<1x16xf32> to vector<16xf32>
      %ge3A_2400 = arith.cmpf oge, %get3A_2399, %max3A_1407 : vector<16xf32>
      %sub3A_2401 = arith.subf %get3A_2399, %max3A_1392 : vector<16xf32>
      %exp3A_2402 = math.exp %sub3A_2401 : vector<16xf32>
      %jit3A_2403 = arith.constant 0.000000e+00 : f32
      %broadcast_in_dim3A_2404 = vector.broadcast %jit3A_2403 : f32 to vector<16xf32>
      %select_n3A_2405 = arith.select %ge3A_2400, %exp3A_2402, %broadcast_in_dim3A_2404 : vector<16xi1>, vector<16xf32>
      %add3A_2406 = arith.addf %add3A_2388, %select_n3A_2405 : vector<16xf32>
      %swap3A_2407 = arith.constant 55 : i32
      %swap3A_2408 = arith.index_cast %swap3A_2407 : i32 to index
      %swap3A_2409 = arith.constant 0 : index
      %swap3A_2410 = tpu.vector_load %arg5[%swap3A_2408, %swap3A_2409] {strides = array<i32>} : memref<64x16xf32, #tpu.memory_space<vmem>>, vector<1x16xf32>,
      %swap3A_2411 = vector.shape_cast %swap3A_2410 : vector<1x16xf32> to vector<16xf32>
      %swap3A_2412 = vector.shape_cast %select_n3A_2405 : vector<16xf32> to vector<1x16xf32>
      tpu.vector_store %arg5[%swap3A_2408, %swap3A_2409], %swap3A_2412 {strides = array<i32>} : memref<64x16xf32, #tpu.memory_space<vmem>>, vector<1x16xf32>,
      %get3A_2413 = arith.constant 56 : i32
      %get3A_2414 = arith.index_cast %get3A_2413 : i32 to index
      %get3A_2415 = arith.constant 0 : index
      %get3A_2416 = tpu.vector_load %arg4[%get3A_2414, %get3A_2415] {strides = array<i32>} : memref<64x16xf32, #tpu.memory_space<vmem>>, vector<1x16xf32>,
      %get3A_2417 = vector.shape_cast %get3A_2416 : vector<1x16xf32> to vector<16xf32>
      %ge3A_2418 = arith.cmpf oge, %get3A_2417, %max3A_1407 : vector<16xf32>
      %sub3A_2419 = arith.subf %get3A_2417, %max3A_1392 : vector<16xf32>
      %exp3A_2420 = math.exp %sub3A_2419 : vector<16xf32>
      %jit3A_2421 = arith.constant 0.000000e+00 : f32
      %broadcast_in_dim3A_2422 = vector.broadcast %jit3A_2421 : f32 to vector<16xf32>
      %select_n3A_2423 = arith.select %ge3A_2418, %exp3A_2420, %broadcast_in_dim3A_2422 : vector<16xi1>, vector<16xf32>
      %add3A_2424 = arith.addf %add3A_2406, %select_n3A_2423 : vector<16xf32>
      %swap3A_2425 = arith.constant 56 : i32
      %swap3A_2426 = arith.index_cast %swap3A_2425 : i32 to index
      %swap3A_2427 = arith.constant 0 : index
      %swap3A_2428 = tpu.vector_load %arg5[%swap3A_2426, %swap3A_2427] {strides = array<i32>} : memref<64x16xf32, #tpu.memory_space<vmem>>, vector<1x16xf32>,
      %swap3A_2429 = vector.shape_cast %swap3A_2428 : vector<1x16xf32> to vector<16xf32>
      %swap3A_2430 = vector.shape_cast %select_n3A_2423 : vector<16xf32> to vector<1x16xf32>
      tpu.vector_store %arg5[%swap3A_2426, %swap3A_2427], %swap3A_2430 {strides = array<i32>} : memref<64x16xf32, #tpu.memory_space<vmem>>, vector<1x16xf32>,
      %get3A_2431 = arith.constant 57 : i32
      %get3A_2432 = arith.index_cast %get3A_2431 : i32 to index
      %get3A_2433 = arith.constant 0 : index
      %get3A_2434 = tpu.vector_load %arg4[%get3A_2432, %get3A_2433] {strides = array<i32>} : memref<64x16xf32, #tpu.memory_space<vmem>>, vector<1x16xf32>,
      %get3A_2435 = vector.shape_cast %get3A_2434 : vector<1x16xf32> to vector<16xf32>
      %ge3A_2436 = arith.cmpf oge, %get3A_2435, %max3A_1407 : vector<16xf32>
      %sub3A_2437 = arith.subf %get3A_2435, %max3A_1392 : vector<16xf32>
      %exp3A_2438 = math.exp %sub3A_2437 : vector<16xf32>
      %jit3A_2439 = arith.constant 0.000000e+00 : f32
      %broadcast_in_dim3A_2440 = vector.broadcast %jit3A_2439 : f32 to vector<16xf32>
      %select_n3A_2441 = arith.select %ge3A_2436, %exp3A_2438, %broadcast_in_dim3A_2440 : vector<16xi1>, vector<16xf32>
      %add3A_2442 = arith.addf %add3A_2424, %select_n3A_2441 : vector<16xf32>
      %swap3A_2443 = arith.constant 57 : i32
      %swap3A_2444 = arith.index_cast %swap3A_2443 : i32 to index
      %swap3A_2445 = arith.constant 0 : index
      %swap3A_2446 = tpu.vector_load %arg5[%swap3A_2444, %swap3A_2445] {strides = array<i32>} : memref<64x16xf32, #tpu.memory_space<vmem>>, vector<1x16xf32>,
      %swap3A_2447 = vector.shape_cast %swap3A_2446 : vector<1x16xf32> to vector<16xf32>
      %swap3A_2448 = vector.shape_cast %select_n3A_2441 : vector<16xf32> to vector<1x16xf32>
      tpu.vector_store %arg5[%swap3A_2444, %swap3A_2445], %swap3A_2448 {strides = array<i32>} : memref<64x16xf32, #tpu.memory_space<vmem>>, vector<1x16xf32>,
      %get3A_2449 = arith.constant 58 : i32
      %get3A_2450 = arith.index_cast %get3A_2449 : i32 to index
      %get3A_2451 = arith.constant 0 : index
      %get3A_2452 = tpu.vector_load %arg4[%get3A_2450, %get3A_2451] {strides = array<i32>} : memref<64x16xf32, #tpu.memory_space<vmem>>, vector<1x16xf32>,
      %get3A_2453 = vector.shape_cast %get3A_2452 : vector<1x16xf32> to vector<16xf32>
      %ge3A_2454 = arith.cmpf oge, %get3A_2453, %max3A_1407 : vector<16xf32>
      %sub3A_2455 = arith.subf %get3A_2453, %max3A_1392 : vector<16xf32>
      %exp3A_2456 = math.exp %sub3A_2455 : vector<16xf32>
      %jit3A_2457 = arith.constant 0.000000e+00 : f32
      %broadcast_in_dim3A_2458 = vector.broadcast %jit3A_2457 : f32 to vector<16xf32>
      %select_n3A_2459 = arith.select %ge3A_2454, %exp3A_2456, %broadcast_in_dim3A_2458 : vector<16xi1>, vector<16xf32>
      %add3A_2460 = arith.addf %add3A_2442, %select_n3A_2459 : vector<16xf32>
      %swap3A_2461 = arith.constant 58 : i32
      %swap3A_2462 = arith.index_cast %swap3A_2461 : i32 to index
      %swap3A_2463 = arith.constant 0 : index
      %swap3A_2464 = tpu.vector_load %arg5[%swap3A_2462, %swap3A_2463] {strides = array<i32>} : memref<64x16xf32, #tpu.memory_space<vmem>>, vector<1x16xf32>,
      %swap3A_2465 = vector.shape_cast %swap3A_2464 : vector<1x16xf32> to vector<16xf32>
      %swap3A_2466 = vector.shape_cast %select_n3A_2459 : vector<16xf32> to vector<1x16xf32>
      tpu.vector_store %arg5[%swap3A_2462, %swap3A_2463], %swap3A_2466 {strides = array<i32>} : memref<64x16xf32, #tpu.memory_space<vmem>>, vector<1x16xf32>,
      %get3A_2467 = arith.constant 59 : i32
      %get3A_2468 = arith.index_cast %get3A_2467 : i32 to index
      %get3A_2469 = arith.constant 0 : index
      %get3A_2470 = tpu.vector_load %arg4[%get3A_2468, %get3A_2469] {strides = array<i32>} : memref<64x16xf32, #tpu.memory_space<vmem>>, vector<1x16xf32>,
      %get3A_2471 = vector.shape_cast %get3A_2470 : vector<1x16xf32> to vector<16xf32>
      %ge3A_2472 = arith.cmpf oge, %get3A_2471, %max3A_1407 : vector<16xf32>
      %sub3A_2473 = arith.subf %get3A_2471, %max3A_1392 : vector<16xf32>
      %exp3A_2474 = math.exp %sub3A_2473 : vector<16xf32>
      %jit3A_2475 = arith.constant 0.000000e+00 : f32
      %broadcast_in_dim3A_2476 = vector.broadcast %jit3A_2475 : f32 to vector<16xf32>
      %select_n3A_2477 = arith.select %ge3A_2472, %exp3A_2474, %broadcast_in_dim3A_2476 : vector<16xi1>, vector<16xf32>
      %add3A_2478 = arith.addf %add3A_2460, %select_n3A_2477 : vector<16xf32>
      %swap3A_2479 = arith.constant 59 : i32
      %swap3A_2480 = arith.index_cast %swap3A_2479 : i32 to index
      %swap3A_2481 = arith.constant 0 : index
      %swap3A_2482 = tpu.vector_load %arg5[%swap3A_2480, %swap3A_2481] {strides = array<i32>} : memref<64x16xf32, #tpu.memory_space<vmem>>, vector<1x16xf32>,
      %swap3A_2483 = vector.shape_cast %swap3A_2482 : vector<1x16xf32> to vector<16xf32>
      %swap3A_2484 = vector.shape_cast %select_n3A_2477 : vector<16xf32> to vector<1x16xf32>
      tpu.vector_store %arg5[%swap3A_2480, %swap3A_2481], %swap3A_2484 {strides = array<i32>} : memref<64x16xf32, #tpu.memory_space<vmem>>, vector<1x16xf32>,
      %get3A_2485 = arith.constant 60 : i32
      %get3A_2486 = arith.index_cast %get3A_2485 : i32 to index
      %get3A_2487 = arith.constant 0 : index
      %get3A_2488 = tpu.vector_load %arg4[%get3A_2486, %get3A_2487] {strides = array<i32>} : memref<64x16xf32, #tpu.memory_space<vmem>>, vector<1x16xf32>,
      %get3A_2489 = vector.shape_cast %get3A_2488 : vector<1x16xf32> to vector<16xf32>
      %ge3A_2490 = arith.cmpf oge, %get3A_2489, %max3A_1407 : vector<16xf32>
      %sub3A_2491 = arith.subf %get3A_2489, %max3A_1392 : vector<16xf32>
      %exp3A_2492 = math.exp %sub3A_2491 : vector<16xf32>
      %jit3A_2493 = arith.constant 0.000000e+00 : f32
      %broadcast_in_dim3A_2494 = vector.broadcast %jit3A_2493 : f32 to vector<16xf32>
      %select_n3A_2495 = arith.select %ge3A_2490, %exp3A_2492, %broadcast_in_dim3A_2494 : vector<16xi1>, vector<16xf32>
      %add3A_2496 = arith.addf %add3A_2478, %select_n3A_2495 : vector<16xf32>
      %swap3A_2497 = arith.constant 60 : i32
      %swap3A_2498 = arith.index_cast %swap3A_2497 : i32 to index
      %swap3A_2499 = arith.constant 0 : index
      %swap3A_2500 = tpu.vector_load %arg5[%swap3A_2498, %swap3A_2499] {strides = array<i32>} : memref<64x16xf32, #tpu.memory_space<vmem>>, vector<1x16xf32>,
      %swap3A_2501 = vector.shape_cast %swap3A_2500 : vector<1x16xf32> to vector<16xf32>
      %swap3A_2502 = vector.shape_cast %select_n3A_2495 : vector<16xf32> to vector<1x16xf32>
      tpu.vector_store %arg5[%swap3A_2498, %swap3A_2499], %swap3A_2502 {strides = array<i32>} : memref<64x16xf32, #tpu.memory_space<vmem>>, vector<1x16xf32>,
      %get3A_2503 = arith.constant 61 : i32
      %get3A_2504 = arith.index_cast %get3A_2503 : i32 to index
      %get3A_2505 = arith.constant 0 : index
      %get3A_2506 = tpu.vector_load %arg4[%get3A_2504, %get3A_2505] {strides = array<i32>} : memref<64x16xf32, #tpu.memory_space<vmem>>, vector<1x16xf32>,
      %get3A_2507 = vector.shape_cast %get3A_2506 : vector<1x16xf32> to vector<16xf32>
      %ge3A_2508 = arith.cmpf oge, %get3A_2507, %max3A_1407 : vector<16xf32>
      %sub3A_2509 = arith.subf %get3A_2507, %max3A_1392 : vector<16xf32>
      %exp3A_2510 = math.exp %sub3A_2509 : vector<16xf32>
      %jit3A_2511 = arith.constant 0.000000e+00 : f32
      %broadcast_in_dim3A_2512 = vector.broadcast %jit3A_2511 : f32 to vector<16xf32>
      %select_n3A_2513 = arith.select %ge3A_2508, %exp3A_2510, %broadcast_in_dim3A_2512 : vector<16xi1>, vector<16xf32>
      %add3A_2514 = arith.addf %add3A_2496, %select_n3A_2513 : vector<16xf32>
      %swap3A_2515 = arith.constant 61 : i32
      %swap3A_2516 = arith.index_cast %swap3A_2515 : i32 to index
      %swap3A_2517 = arith.constant 0 : index
      %swap3A_2518 = tpu.vector_load %arg5[%swap3A_2516, %swap3A_2517] {strides = array<i32>} : memref<64x16xf32, #tpu.memory_space<vmem>>, vector<1x16xf32>,
      %swap3A_2519 = vector.shape_cast %swap3A_2518 : vector<1x16xf32> to vector<16xf32>
      %swap3A_2520 = vector.shape_cast %select_n3A_2513 : vector<16xf32> to vector<1x16xf32>
      tpu.vector_store %arg5[%swap3A_2516, %swap3A_2517], %swap3A_2520 {strides = array<i32>} : memref<64x16xf32, #tpu.memory_space<vmem>>, vector<1x16xf32>,
      %get3A_2521 = arith.constant 62 : i32
      %get3A_2522 = arith.index_cast %get3A_2521 : i32 to index
      %get3A_2523 = arith.constant 0 : index
      %get3A_2524 = tpu.vector_load %arg4[%get3A_2522, %get3A_2523] {strides = array<i32>} : memref<64x16xf32, #tpu.memory_space<vmem>>, vector<1x16xf32>,
      %get3A_2525 = vector.shape_cast %get3A_2524 : vector<1x16xf32> to vector<16xf32>
      %ge3A_2526 = arith.cmpf oge, %get3A_2525, %max3A_1407 : vector<16xf32>
      %sub3A_2527 = arith.subf %get3A_2525, %max3A_1392 : vector<16xf32>
      %exp3A_2528 = math.exp %sub3A_2527 : vector<16xf32>
      %jit3A_2529 = arith.constant 0.000000e+00 : f32
      %broadcast_in_dim3A_2530 = vector.broadcast %jit3A_2529 : f32 to vector<16xf32>
      %select_n3A_2531 = arith.select %ge3A_2526, %exp3A_2528, %broadcast_in_dim3A_2530 : vector<16xi1>, vector<16xf32>
      %add3A_2532 = arith.addf %add3A_2514, %select_n3A_2531 : vector<16xf32>
      %swap3A_2533 = arith.constant 62 : i32
      %swap3A_2534 = arith.index_cast %swap3A_2533 : i32 to index
      %swap3A_2535 = arith.constant 0 : index
      %swap3A_2536 = tpu.vector_load %arg5[%swap3A_2534, %swap3A_2535] {strides = array<i32>} : memref<64x16xf32, #tpu.memory_space<vmem>>, vector<1x16xf32>,
      %swap3A_2537 = vector.shape_cast %swap3A_2536 : vector<1x16xf32> to vector<16xf32>
      %swap3A_2538 = vector.shape_cast %select_n3A_2531 : vector<16xf32> to vector<1x16xf32>
      tpu.vector_store %arg5[%swap3A_2534, %swap3A_2535], %swap3A_2538 {strides = array<i32>} : memref<64x16xf32, #tpu.memory_space<vmem>>, vector<1x16xf32>,
      %get3A_2539 = arith.constant 63 : i32
      %get3A_2540 = arith.index_cast %get3A_2539 : i32 to index
      %get3A_2541 = arith.constant 0 : index
      %get3A_2542 = tpu.vector_load %arg4[%get3A_2540, %get3A_2541] {strides = array<i32>} : memref<64x16xf32, #tpu.memory_space<vmem>>, vector<1x16xf32>,
      %get3A_2543 = vector.shape_cast %get3A_2542 : vector<1x16xf32> to vector<16xf32>
      %ge3A_2544 = arith.cmpf oge, %get3A_2543, %max3A_1407 : vector<16xf32>
      %sub3A_2545 = arith.subf %get3A_2543, %max3A_1392 : vector<16xf32>
      %exp3A_2546 = math.exp %sub3A_2545 : vector<16xf32>
      %jit3A_2547 = arith.constant 0.000000e+00 : f32
      %broadcast_in_dim3A_2548 = vector.broadcast %jit3A_2547 : f32 to vector<16xf32>
      %select_n3A_2549 = arith.select %ge3A_2544, %exp3A_2546, %broadcast_in_dim3A_2548 : vector<16xi1>, vector<16xf32>
      %add3A_2550 = arith.addf %add3A_2532, %select_n3A_2549 : vector<16xf32>
      %swap3A_2551 = arith.constant 63 : i32
      %swap3A_2552 = arith.index_cast %swap3A_2551 : i32 to index
      %swap3A_2553 = arith.constant 0 : index
      %swap3A_2554 = tpu.vector_load %arg5[%swap3A_2552, %swap3A_2553] {strides = array<i32>} : memref<64x16xf32, #tpu.memory_space<vmem>>, vector<1x16xf32>,
      %swap3A_2555 = vector.shape_cast %swap3A_2554 : vector<1x16xf32> to vector<16xf32>
      %swap3A_2556 = vector.shape_cast %select_n3A_2549 : vector<16xf32> to vector<1x16xf32>
      tpu.vector_store %arg5[%swap3A_2552, %swap3A_2553], %swap3A_2556 {strides = array<i32>} : memref<64x16xf32, #tpu.memory_space<vmem>>, vector<1x16xf32>,
      %div3A = arith.constant 1.000000e+00 : f32
      %div3A_2557 = vector.broadcast %div3A : f32 to vector<16xf32>
      %div3A_2558 = arith.divf %div3A_2557, %add3A_2550 : vector<16xf32>
      %get3A_2559 = arith.constant 0 : i32
      %get3A_2560 = arith.index_cast %get3A_2559 : i32 to index
      %get3A_2561 = arith.constant 0 : index
      %get3A_2562 = tpu.vector_load %arg5[%get3A_2560, %get3A_2561] {strides = array<i32>} : memref<64x16xf32, #tpu.memory_space<vmem>>, vector<1x16xf32>,
      %get3A_2563 = vector.shape_cast %get3A_2562 : vector<1x16xf32> to vector<16xf32>
      %mul3A_2564 = arith.mulf %get3A_2563, %div3A_2558 : vector<16xf32>
      %swap3A_2565 = arith.constant 0 : i32
      %swap3A_2566 = arith.index_cast %swap3A_2565 : i32 to index
      %swap3A_2567 = arith.constant 0 : index
      %swap3A_2568 = tpu.vector_load %arg5[%swap3A_2566, %swap3A_2567] {strides = array<i32>} : memref<64x16xf32, #tpu.memory_space<vmem>>, vector<1x16xf32>,
      %swap3A_2569 = vector.shape_cast %swap3A_2568 : vector<1x16xf32> to vector<16xf32>
      %swap3A_2570 = vector.shape_cast %mul3A_2564 : vector<16xf32> to vector<1x16xf32>
      tpu.vector_store %arg5[%swap3A_2566, %swap3A_2567], %swap3A_2570 {strides = array<i32>} : memref<64x16xf32, #tpu.memory_space<vmem>>, vector<1x16xf32>,
      %get3A_2571 = arith.constant 1 : i32
      %get3A_2572 = arith.index_cast %get3A_2571 : i32 to index
      %get3A_2573 = arith.constant 0 : index
      %get3A_2574 = tpu.vector_load %arg5[%get3A_2572, %get3A_2573] {strides = array<i32>} : memref<64x16xf32, #tpu.memory_space<vmem>>, vector<1x16xf32>,
      %get3A_2575 = vector.shape_cast %get3A_2574 : vector<1x16xf32> to vector<16xf32>
      %mul3A_2576 = arith.mulf %get3A_2575, %div3A_2558 : vector<16xf32>
      %swap3A_2577 = arith.constant 1 : i32
      %swap3A_2578 = arith.index_cast %swap3A_2577 : i32 to index
      %swap3A_2579 = arith.constant 0 : index
      %swap3A_2580 = tpu.vector_load %arg5[%swap3A_2578, %swap3A_2579] {strides = array<i32>} : memref<64x16xf32, #tpu.memory_space<vmem>>, vector<1x16xf32>,
      %swap3A_2581 = vector.shape_cast %swap3A_2580 : vector<1x16xf32> to vector<16xf32>
      %swap3A_2582 = vector.shape_cast %mul3A_2576 : vector<16xf32> to vector<1x16xf32>
      tpu.vector_store %arg5[%swap3A_2578, %swap3A_2579], %swap3A_2582 {strides = array<i32>} : memref<64x16xf32, #tpu.memory_space<vmem>>, vector<1x16xf32>,
      %get3A_2583 = arith.constant 2 : i32
      %get3A_2584 = arith.index_cast %get3A_2583 : i32 to index
      %get3A_2585 = arith.constant 0 : index
      %get3A_2586 = tpu.vector_load %arg5[%get3A_2584, %get3A_2585] {strides = array<i32>} : memref<64x16xf32, #tpu.memory_space<vmem>>, vector<1x16xf32>,
      %get3A_2587 = vector.shape_cast %get3A_2586 : vector<1x16xf32> to vector<16xf32>
      %mul3A_2588 = arith.mulf %get3A_2587, %div3A_2558 : vector<16xf32>
      %swap3A_2589 = arith.constant 2 : i32
      %swap3A_2590 = arith.index_cast %swap3A_2589 : i32 to index
      %swap3A_2591 = arith.constant 0 : index
      %swap3A_2592 = tpu.vector_load %arg5[%swap3A_2590, %swap3A_2591] {strides = array<i32>} : memref<64x16xf32, #tpu.memory_space<vmem>>, vector<1x16xf32>,
      %swap3A_2593 = vector.shape_cast %swap3A_2592 : vector<1x16xf32> to vector<16xf32>
      %swap3A_2594 = vector.shape_cast %mul3A_2588 : vector<16xf32> to vector<1x16xf32>
      tpu.vector_store %arg5[%swap3A_2590, %swap3A_2591], %swap3A_2594 {strides = array<i32>} : memref<64x16xf32, #tpu.memory_space<vmem>>, vector<1x16xf32>,
      %get3A_2595 = arith.constant 3 : i32
      %get3A_2596 = arith.index_cast %get3A_2595 : i32 to index
      %get3A_2597 = arith.constant 0 : index
      %get3A_2598 = tpu.vector_load %arg5[%get3A_2596, %get3A_2597] {strides = array<i32>} : memref<64x16xf32, #tpu.memory_space<vmem>>, vector<1x16xf32>,
      %get3A_2599 = vector.shape_cast %get3A_2598 : vector<1x16xf32> to vector<16xf32>
      %mul3A_2600 = arith.mulf %get3A_2599, %div3A_2558 : vector<16xf32>
      %swap3A_2601 = arith.constant 3 : i32
      %swap3A_2602 = arith.index_cast %swap3A_2601 : i32 to index
      %swap3A_2603 = arith.constant 0 : index
      %swap3A_2604 = tpu.vector_load %arg5[%swap3A_2602, %swap3A_2603] {strides = array<i32>} : memref<64x16xf32, #tpu.memory_space<vmem>>, vector<1x16xf32>,
      %swap3A_2605 = vector.shape_cast %swap3A_2604 : vector<1x16xf32> to vector<16xf32>
      %swap3A_2606 = vector.shape_cast %mul3A_2600 : vector<16xf32> to vector<1x16xf32>
      tpu.vector_store %arg5[%swap3A_2602, %swap3A_2603], %swap3A_2606 {strides = array<i32>} : memref<64x16xf32, #tpu.memory_space<vmem>>, vector<1x16xf32>,
      %get3A_2607 = arith.constant 4 : i32
      %get3A_2608 = arith.index_cast %get3A_2607 : i32 to index
      %get3A_2609 = arith.constant 0 : index
      %get3A_2610 = tpu.vector_load %arg5[%get3A_2608, %get3A_2609] {strides = array<i32>} : memref<64x16xf32, #tpu.memory_space<vmem>>, vector<1x16xf32>,
      %get3A_2611 = vector.shape_cast %get3A_2610 : vector<1x16xf32> to vector<16xf32>
      %mul3A_2612 = arith.mulf %get3A_2611, %div3A_2558 : vector<16xf32>
      %swap3A_2613 = arith.constant 4 : i32
      %swap3A_2614 = arith.index_cast %swap3A_2613 : i32 to index
      %swap3A_2615 = arith.constant 0 : index
      %swap3A_2616 = tpu.vector_load %arg5[%swap3A_2614, %swap3A_2615] {strides = array<i32>} : memref<64x16xf32, #tpu.memory_space<vmem>>, vector<1x16xf32>,
      %swap3A_2617 = vector.shape_cast %swap3A_2616 : vector<1x16xf32> to vector<16xf32>
      %swap3A_2618 = vector.shape_cast %mul3A_2612 : vector<16xf32> to vector<1x16xf32>
      tpu.vector_store %arg5[%swap3A_2614, %swap3A_2615], %swap3A_2618 {strides = array<i32>} : memref<64x16xf32, #tpu.memory_space<vmem>>, vector<1x16xf32>,
      %get3A_2619 = arith.constant 5 : i32
      %get3A_2620 = arith.index_cast %get3A_2619 : i32 to index
      %get3A_2621 = arith.constant 0 : index
      %get3A_2622 = tpu.vector_load %arg5[%get3A_2620, %get3A_2621] {strides = array<i32>} : memref<64x16xf32, #tpu.memory_space<vmem>>, vector<1x16xf32>,
      %get3A_2623 = vector.shape_cast %get3A_2622 : vector<1x16xf32> to vector<16xf32>
      %mul3A_2624 = arith.mulf %get3A_2623, %div3A_2558 : vector<16xf32>
      %swap3A_2625 = arith.constant 5 : i32
      %swap3A_2626 = arith.index_cast %swap3A_2625 : i32 to index
      %swap3A_2627 = arith.constant 0 : index
      %swap3A_2628 = tpu.vector_load %arg5[%swap3A_2626, %swap3A_2627] {strides = array<i32>} : memref<64x16xf32, #tpu.memory_space<vmem>>, vector<1x16xf32>,
      %swap3A_2629 = vector.shape_cast %swap3A_2628 : vector<1x16xf32> to vector<16xf32>
      %swap3A_2630 = vector.shape_cast %mul3A_2624 : vector<16xf32> to vector<1x16xf32>
      tpu.vector_store %arg5[%swap3A_2626, %swap3A_2627], %swap3A_2630 {strides = array<i32>} : memref<64x16xf32, #tpu.memory_space<vmem>>, vector<1x16xf32>,
      %get3A_2631 = arith.constant 6 : i32
      %get3A_2632 = arith.index_cast %get3A_2631 : i32 to index
      %get3A_2633 = arith.constant 0 : index
      %get3A_2634 = tpu.vector_load %arg5[%get3A_2632, %get3A_2633] {strides = array<i32>} : memref<64x16xf32, #tpu.memory_space<vmem>>, vector<1x16xf32>,
      %get3A_2635 = vector.shape_cast %get3A_2634 : vector<1x16xf32> to vector<16xf32>
      %mul3A_2636 = arith.mulf %get3A_2635, %div3A_2558 : vector<16xf32>
      %swap3A_2637 = arith.constant 6 : i32
      %swap3A_2638 = arith.index_cast %swap3A_2637 : i32 to index
      %swap3A_2639 = arith.constant 0 : index
      %swap3A_2640 = tpu.vector_load %arg5[%swap3A_2638, %swap3A_2639] {strides = array<i32>} : memref<64x16xf32, #tpu.memory_space<vmem>>, vector<1x16xf32>,
      %swap3A_2641 = vector.shape_cast %swap3A_2640 : vector<1x16xf32> to vector<16xf32>
      %swap3A_2642 = vector.shape_cast %mul3A_2636 : vector<16xf32> to vector<1x16xf32>
      tpu.vector_store %arg5[%swap3A_2638, %swap3A_2639], %swap3A_2642 {strides = array<i32>} : memref<64x16xf32, #tpu.memory_space<vmem>>, vector<1x16xf32>,
      %get3A_2643 = arith.constant 7 : i32
      %get3A_2644 = arith.index_cast %get3A_2643 : i32 to index
      %get3A_2645 = arith.constant 0 : index
      %get3A_2646 = tpu.vector_load %arg5[%get3A_2644, %get3A_2645] {strides = array<i32>} : memref<64x16xf32, #tpu.memory_space<vmem>>, vector<1x16xf32>,
      %get3A_2647 = vector.shape_cast %get3A_2646 : vector<1x16xf32> to vector<16xf32>
      %mul3A_2648 = arith.mulf %get3A_2647, %div3A_2558 : vector<16xf32>
      %swap3A_2649 = arith.constant 7 : i32
      %swap3A_2650 = arith.index_cast %swap3A_2649 : i32 to index
      %swap3A_2651 = arith.constant 0 : index
      %swap3A_2652 = tpu.vector_load %arg5[%swap3A_2650, %swap3A_2651] {strides = array<i32>} : memref<64x16xf32, #tpu.memory_space<vmem>>, vector<1x16xf32>,
      %swap3A_2653 = vector.shape_cast %swap3A_2652 : vector<1x16xf32> to vector<16xf32>
      %swap3A_2654 = vector.shape_cast %mul3A_2648 : vector<16xf32> to vector<1x16xf32>
      tpu.vector_store %arg5[%swap3A_2650, %swap3A_2651], %swap3A_2654 {strides = array<i32>} : memref<64x16xf32, #tpu.memory_space<vmem>>, vector<1x16xf32>,
      %get3A_2655 = arith.constant 8 : i32
      %get3A_2656 = arith.index_cast %get3A_2655 : i32 to index
      %get3A_2657 = arith.constant 0 : index
      %get3A_2658 = tpu.vector_load %arg5[%get3A_2656, %get3A_2657] {strides = array<i32>} : memref<64x16xf32, #tpu.memory_space<vmem>>, vector<1x16xf32>,
      %get3A_2659 = vector.shape_cast %get3A_2658 : vector<1x16xf32> to vector<16xf32>
      %mul3A_2660 = arith.mulf %get3A_2659, %div3A_2558 : vector<16xf32>
      %swap3A_2661 = arith.constant 8 : i32
      %swap3A_2662 = arith.index_cast %swap3A_2661 : i32 to index
      %swap3A_2663 = arith.constant 0 : index
      %swap3A_2664 = tpu.vector_load %arg5[%swap3A_2662, %swap3A_2663] {strides = array<i32>} : memref<64x16xf32, #tpu.memory_space<vmem>>, vector<1x16xf32>,
      %swap3A_2665 = vector.shape_cast %swap3A_2664 : vector<1x16xf32> to vector<16xf32>
      %swap3A_2666 = vector.shape_cast %mul3A_2660 : vector<16xf32> to vector<1x16xf32>
      tpu.vector_store %arg5[%swap3A_2662, %swap3A_2663], %swap3A_2666 {strides = array<i32>} : memref<64x16xf32, #tpu.memory_space<vmem>>, vector<1x16xf32>,
      %get3A_2667 = arith.constant 9 : i32
      %get3A_2668 = arith.index_cast %get3A_2667 : i32 to index
      %get3A_2669 = arith.constant 0 : index
      %get3A_2670 = tpu.vector_load %arg5[%get3A_2668, %get3A_2669] {strides = array<i32>} : memref<64x16xf32, #tpu.memory_space<vmem>>, vector<1x16xf32>,
      %get3A_2671 = vector.shape_cast %get3A_2670 : vector<1x16xf32> to vector<16xf32>
      %mul3A_2672 = arith.mulf %get3A_2671, %div3A_2558 : vector<16xf32>
      %swap3A_2673 = arith.constant 9 : i32
      %swap3A_2674 = arith.index_cast %swap3A_2673 : i32 to index
      %swap3A_2675 = arith.constant 0 : index
      %swap3A_2676 = tpu.vector_load %arg5[%swap3A_2674, %swap3A_2675] {strides = array<i32>} : memref<64x16xf32, #tpu.memory_space<vmem>>, vector<1x16xf32>,
      %swap3A_2677 = vector.shape_cast %swap3A_2676 : vector<1x16xf32> to vector<16xf32>
      %swap3A_2678 = vector.shape_cast %mul3A_2672 : vector<16xf32> to vector<1x16xf32>
      tpu.vector_store %arg5[%swap3A_2674, %swap3A_2675], %swap3A_2678 {strides = array<i32>} : memref<64x16xf32, #tpu.memory_space<vmem>>, vector<1x16xf32>,
      %get3A_2679 = arith.constant 10 : i32
      %get3A_2680 = arith.index_cast %get3A_2679 : i32 to index
      %get3A_2681 = arith.constant 0 : index
      %get3A_2682 = tpu.vector_load %arg5[%get3A_2680, %get3A_2681] {strides = array<i32>} : memref<64x16xf32, #tpu.memory_space<vmem>>, vector<1x16xf32>,
      %get3A_2683 = vector.shape_cast %get3A_2682 : vector<1x16xf32> to vector<16xf32>
      %mul3A_2684 = arith.mulf %get3A_2683, %div3A_2558 : vector<16xf32>
      %swap3A_2685 = arith.constant 10 : i32
      %swap3A_2686 = arith.index_cast %swap3A_2685 : i32 to index
      %swap3A_2687 = arith.constant 0 : index
      %swap3A_2688 = tpu.vector_load %arg5[%swap3A_2686, %swap3A_2687] {strides = array<i32>} : memref<64x16xf32, #tpu.memory_space<vmem>>, vector<1x16xf32>,
      %swap3A_2689 = vector.shape_cast %swap3A_2688 : vector<1x16xf32> to vector<16xf32>
      %swap3A_2690 = vector.shape_cast %mul3A_2684 : vector<16xf32> to vector<1x16xf32>
      tpu.vector_store %arg5[%swap3A_2686, %swap3A_2687], %swap3A_2690 {strides = array<i32>} : memref<64x16xf32, #tpu.memory_space<vmem>>, vector<1x16xf32>,
      %get3A_2691 = arith.constant 11 : i32
      %get3A_2692 = arith.index_cast %get3A_2691 : i32 to index
      %get3A_2693 = arith.constant 0 : index
      %get3A_2694 = tpu.vector_load %arg5[%get3A_2692, %get3A_2693] {strides = array<i32>} : memref<64x16xf32, #tpu.memory_space<vmem>>, vector<1x16xf32>,
      %get3A_2695 = vector.shape_cast %get3A_2694 : vector<1x16xf32> to vector<16xf32>
      %mul3A_2696 = arith.mulf %get3A_2695, %div3A_2558 : vector<16xf32>
      %swap3A_2697 = arith.constant 11 : i32
      %swap3A_2698 = arith.index_cast %swap3A_2697 : i32 to index
      %swap3A_2699 = arith.constant 0 : index
      %swap3A_2700 = tpu.vector_load %arg5[%swap3A_2698, %swap3A_2699] {strides = array<i32>} : memref<64x16xf32, #tpu.memory_space<vmem>>, vector<1x16xf32>,
      %swap3A_2701 = vector.shape_cast %swap3A_2700 : vector<1x16xf32> to vector<16xf32>
      %swap3A_2702 = vector.shape_cast %mul3A_2696 : vector<16xf32> to vector<1x16xf32>
      tpu.vector_store %arg5[%swap3A_2698, %swap3A_2699], %swap3A_2702 {strides = array<i32>} : memref<64x16xf32, #tpu.memory_space<vmem>>, vector<1x16xf32>,
      %get3A_2703 = arith.constant 12 : i32
      %get3A_2704 = arith.index_cast %get3A_2703 : i32 to index
      %get3A_2705 = arith.constant 0 : index
      %get3A_2706 = tpu.vector_load %arg5[%get3A_2704, %get3A_2705] {strides = array<i32>} : memref<64x16xf32, #tpu.memory_space<vmem>>, vector<1x16xf32>,
      %get3A_2707 = vector.shape_cast %get3A_2706 : vector<1x16xf32> to vector<16xf32>
      %mul3A_2708 = arith.mulf %get3A_2707, %div3A_2558 : vector<16xf32>
      %swap3A_2709 = arith.constant 12 : i32
      %swap3A_2710 = arith.index_cast %swap3A_2709 : i32 to index
      %swap3A_2711 = arith.constant 0 : index
      %swap3A_2712 = tpu.vector_load %arg5[%swap3A_2710, %swap3A_2711] {strides = array<i32>} : memref<64x16xf32, #tpu.memory_space<vmem>>, vector<1x16xf32>,
      %swap3A_2713 = vector.shape_cast %swap3A_2712 : vector<1x16xf32> to vector<16xf32>
      %swap3A_2714 = vector.shape_cast %mul3A_2708 : vector<16xf32> to vector<1x16xf32>
      tpu.vector_store %arg5[%swap3A_2710, %swap3A_2711], %swap3A_2714 {strides = array<i32>} : memref<64x16xf32, #tpu.memory_space<vmem>>, vector<1x16xf32>,
      %get3A_2715 = arith.constant 13 : i32
      %get3A_2716 = arith.index_cast %get3A_2715 : i32 to index
      %get3A_2717 = arith.constant 0 : index
      %get3A_2718 = tpu.vector_load %arg5[%get3A_2716, %get3A_2717] {strides = array<i32>} : memref<64x16xf32, #tpu.memory_space<vmem>>, vector<1x16xf32>,
      %get3A_2719 = vector.shape_cast %get3A_2718 : vector<1x16xf32> to vector<16xf32>
      %mul3A_2720 = arith.mulf %get3A_2719, %div3A_2558 : vector<16xf32>
      %swap3A_2721 = arith.constant 13 : i32
      %swap3A_2722 = arith.index_cast %swap3A_2721 : i32 to index
      %swap3A_2723 = arith.constant 0 : index
      %swap3A_2724 = tpu.vector_load %arg5[%swap3A_2722, %swap3A_2723] {strides = array<i32>} : memref<64x16xf32, #tpu.memory_space<vmem>>, vector<1x16xf32>,
      %swap3A_2725 = vector.shape_cast %swap3A_2724 : vector<1x16xf32> to vector<16xf32>
      %swap3A_2726 = vector.shape_cast %mul3A_2720 : vector<16xf32> to vector<1x16xf32>
      tpu.vector_store %arg5[%swap3A_2722, %swap3A_2723], %swap3A_2726 {strides = array<i32>} : memref<64x16xf32, #tpu.memory_space<vmem>>, vector<1x16xf32>,
      %get3A_2727 = arith.constant 14 : i32
      %get3A_2728 = arith.index_cast %get3A_2727 : i32 to index
      %get3A_2729 = arith.constant 0 : index
      %get3A_2730 = tpu.vector_load %arg5[%get3A_2728, %get3A_2729] {strides = array<i32>} : memref<64x16xf32, #tpu.memory_space<vmem>>, vector<1x16xf32>,
      %get3A_2731 = vector.shape_cast %get3A_2730 : vector<1x16xf32> to vector<16xf32>
      %mul3A_2732 = arith.mulf %get3A_2731, %div3A_2558 : vector<16xf32>
      %swap3A_2733 = arith.constant 14 : i32
      %swap3A_2734 = arith.index_cast %swap3A_2733 : i32 to index
      %swap3A_2735 = arith.constant 0 : index
      %swap3A_2736 = tpu.vector_load %arg5[%swap3A_2734, %swap3A_2735] {strides = array<i32>} : memref<64x16xf32, #tpu.memory_space<vmem>>, vector<1x16xf32>,
      %swap3A_2737 = vector.shape_cast %swap3A_2736 : vector<1x16xf32> to vector<16xf32>
      %swap3A_2738 = vector.shape_cast %mul3A_2732 : vector<16xf32> to vector<1x16xf32>
      tpu.vector_store %arg5[%swap3A_2734, %swap3A_2735], %swap3A_2738 {strides = array<i32>} : memref<64x16xf32, #tpu.memory_space<vmem>>, vector<1x16xf32>,
      %get3A_2739 = arith.constant 15 : i32
      %get3A_2740 = arith.index_cast %get3A_2739 : i32 to index
      %get3A_2741 = arith.constant 0 : index
      %get3A_2742 = tpu.vector_load %arg5[%get3A_2740, %get3A_2741] {strides = array<i32>} : memref<64x16xf32, #tpu.memory_space<vmem>>, vector<1x16xf32>,
      %get3A_2743 = vector.shape_cast %get3A_2742 : vector<1x16xf32> to vector<16xf32>
      %mul3A_2744 = arith.mulf %get3A_2743, %div3A_2558 : vector<16xf32>
      %swap3A_2745 = arith.constant 15 : i32
      %swap3A_2746 = arith.index_cast %swap3A_2745 : i32 to index
      %swap3A_2747 = arith.constant 0 : index
      %swap3A_2748 = tpu.vector_load %arg5[%swap3A_2746, %swap3A_2747] {strides = array<i32>} : memref<64x16xf32, #tpu.memory_space<vmem>>, vector<1x16xf32>,
      %swap3A_2749 = vector.shape_cast %swap3A_2748 : vector<1x16xf32> to vector<16xf32>
      %swap3A_2750 = vector.shape_cast %mul3A_2744 : vector<16xf32> to vector<1x16xf32>
      tpu.vector_store %arg5[%swap3A_2746, %swap3A_2747], %swap3A_2750 {strides = array<i32>} : memref<64x16xf32, #tpu.memory_space<vmem>>, vector<1x16xf32>,
      %get3A_2751 = arith.constant 16 : i32
      %get3A_2752 = arith.index_cast %get3A_2751 : i32 to index
      %get3A_2753 = arith.constant 0 : index
      %get3A_2754 = tpu.vector_load %arg5[%get3A_2752, %get3A_2753] {strides = array<i32>} : memref<64x16xf32, #tpu.memory_space<vmem>>, vector<1x16xf32>,
      %get3A_2755 = vector.shape_cast %get3A_2754 : vector<1x16xf32> to vector<16xf32>
      %mul3A_2756 = arith.mulf %get3A_2755, %div3A_2558 : vector<16xf32>
      %swap3A_2757 = arith.constant 16 : i32
      %swap3A_2758 = arith.index_cast %swap3A_2757 : i32 to index
      %swap3A_2759 = arith.constant 0 : index
      %swap3A_2760 = tpu.vector_load %arg5[%swap3A_2758, %swap3A_2759] {strides = array<i32>} : memref<64x16xf32, #tpu.memory_space<vmem>>, vector<1x16xf32>,
      %swap3A_2761 = vector.shape_cast %swap3A_2760 : vector<1x16xf32> to vector<16xf32>
      %swap3A_2762 = vector.shape_cast %mul3A_2756 : vector<16xf32> to vector<1x16xf32>
      tpu.vector_store %arg5[%swap3A_2758, %swap3A_2759], %swap3A_2762 {strides = array<i32>} : memref<64x16xf32, #tpu.memory_space<vmem>>, vector<1x16xf32>,
      %get3A_2763 = arith.constant 17 : i32
      %get3A_2764 = arith.index_cast %get3A_2763 : i32 to index
      %get3A_2765 = arith.constant 0 : index
      %get3A_2766 = tpu.vector_load %arg5[%get3A_2764, %get3A_2765] {strides = array<i32>} : memref<64x16xf32, #tpu.memory_space<vmem>>, vector<1x16xf32>,
      %get3A_2767 = vector.shape_cast %get3A_2766 : vector<1x16xf32> to vector<16xf32>
      %mul3A_2768 = arith.mulf %get3A_2767, %div3A_2558 : vector<16xf32>
      %swap3A_2769 = arith.constant 17 : i32
      %swap3A_2770 = arith.index_cast %swap3A_2769 : i32 to index
      %swap3A_2771 = arith.constant 0 : index
      %swap3A_2772 = tpu.vector_load %arg5[%swap3A_2770, %swap3A_2771] {strides = array<i32>} : memref<64x16xf32, #tpu.memory_space<vmem>>, vector<1x16xf32>,
      %swap3A_2773 = vector.shape_cast %swap3A_2772 : vector<1x16xf32> to vector<16xf32>
      %swap3A_2774 = vector.shape_cast %mul3A_2768 : vector<16xf32> to vector<1x16xf32>
      tpu.vector_store %arg5[%swap3A_2770, %swap3A_2771], %swap3A_2774 {strides = array<i32>} : memref<64x16xf32, #tpu.memory_space<vmem>>, vector<1x16xf32>,
      %get3A_2775 = arith.constant 18 : i32
      %get3A_2776 = arith.index_cast %get3A_2775 : i32 to index
      %get3A_2777 = arith.constant 0 : index
      %get3A_2778 = tpu.vector_load %arg5[%get3A_2776, %get3A_2777] {strides = array<i32>} : memref<64x16xf32, #tpu.memory_space<vmem>>, vector<1x16xf32>,
      %get3A_2779 = vector.shape_cast %get3A_2778 : vector<1x16xf32> to vector<16xf32>
      %mul3A_2780 = arith.mulf %get3A_2779, %div3A_2558 : vector<16xf32>
      %swap3A_2781 = arith.constant 18 : i32
      %swap3A_2782 = arith.index_cast %swap3A_2781 : i32 to index
      %swap3A_2783 = arith.constant 0 : index
      %swap3A_2784 = tpu.vector_load %arg5[%swap3A_2782, %swap3A_2783] {strides = array<i32>} : memref<64x16xf32, #tpu.memory_space<vmem>>, vector<1x16xf32>,
      %swap3A_2785 = vector.shape_cast %swap3A_2784 : vector<1x16xf32> to vector<16xf32>
      %swap3A_2786 = vector.shape_cast %mul3A_2780 : vector<16xf32> to vector<1x16xf32>
      tpu.vector_store %arg5[%swap3A_2782, %swap3A_2783], %swap3A_2786 {strides = array<i32>} : memref<64x16xf32, #tpu.memory_space<vmem>>, vector<1x16xf32>,
      %get3A_2787 = arith.constant 19 : i32
      %get3A_2788 = arith.index_cast %get3A_2787 : i32 to index
      %get3A_2789 = arith.constant 0 : index
      %get3A_2790 = tpu.vector_load %arg5[%get3A_2788, %get3A_2789] {strides = array<i32>} : memref<64x16xf32, #tpu.memory_space<vmem>>, vector<1x16xf32>,
      %get3A_2791 = vector.shape_cast %get3A_2790 : vector<1x16xf32> to vector<16xf32>
      %mul3A_2792 = arith.mulf %get3A_2791, %div3A_2558 : vector<16xf32>
      %swap3A_2793 = arith.constant 19 : i32
      %swap3A_2794 = arith.index_cast %swap3A_2793 : i32 to index
      %swap3A_2795 = arith.constant 0 : index
      %swap3A_2796 = tpu.vector_load %arg5[%swap3A_2794, %swap3A_2795] {strides = array<i32>} : memref<64x16xf32, #tpu.memory_space<vmem>>, vector<1x16xf32>,
      %swap3A_2797 = vector.shape_cast %swap3A_2796 : vector<1x16xf32> to vector<16xf32>
      %swap3A_2798 = vector.shape_cast %mul3A_2792 : vector<16xf32> to vector<1x16xf32>
      tpu.vector_store %arg5[%swap3A_2794, %swap3A_2795], %swap3A_2798 {strides = array<i32>} : memref<64x16xf32, #tpu.memory_space<vmem>>, vector<1x16xf32>,
      %get3A_2799 = arith.constant 20 : i32
      %get3A_2800 = arith.index_cast %get3A_2799 : i32 to index
      %get3A_2801 = arith.constant 0 : index
      %get3A_2802 = tpu.vector_load %arg5[%get3A_2800, %get3A_2801] {strides = array<i32>} : memref<64x16xf32, #tpu.memory_space<vmem>>, vector<1x16xf32>,
      %get3A_2803 = vector.shape_cast %get3A_2802 : vector<1x16xf32> to vector<16xf32>
      %mul3A_2804 = arith.mulf %get3A_2803, %div3A_2558 : vector<16xf32>
      %swap3A_2805 = arith.constant 20 : i32
      %swap3A_2806 = arith.index_cast %swap3A_2805 : i32 to index
      %swap3A_2807 = arith.constant 0 : index
      %swap3A_2808 = tpu.vector_load %arg5[%swap3A_2806, %swap3A_2807] {strides = array<i32>} : memref<64x16xf32, #tpu.memory_space<vmem>>, vector<1x16xf32>,
      %swap3A_2809 = vector.shape_cast %swap3A_2808 : vector<1x16xf32> to vector<16xf32>
      %swap3A_2810 = vector.shape_cast %mul3A_2804 : vector<16xf32> to vector<1x16xf32>
      tpu.vector_store %arg5[%swap3A_2806, %swap3A_2807], %swap3A_2810 {strides = array<i32>} : memref<64x16xf32, #tpu.memory_space<vmem>>, vector<1x16xf32>,
      %get3A_2811 = arith.constant 21 : i32
      %get3A_2812 = arith.index_cast %get3A_2811 : i32 to index
      %get3A_2813 = arith.constant 0 : index
      %get3A_2814 = tpu.vector_load %arg5[%get3A_2812, %get3A_2813] {strides = array<i32>} : memref<64x16xf32, #tpu.memory_space<vmem>>, vector<1x16xf32>,
      %get3A_2815 = vector.shape_cast %get3A_2814 : vector<1x16xf32> to vector<16xf32>
      %mul3A_2816 = arith.mulf %get3A_2815, %div3A_2558 : vector<16xf32>
      %swap3A_2817 = arith.constant 21 : i32
      %swap3A_2818 = arith.index_cast %swap3A_2817 : i32 to index
      %swap3A_2819 = arith.constant 0 : index
      %swap3A_2820 = tpu.vector_load %arg5[%swap3A_2818, %swap3A_2819] {strides = array<i32>} : memref<64x16xf32, #tpu.memory_space<vmem>>, vector<1x16xf32>,
      %swap3A_2821 = vector.shape_cast %swap3A_2820 : vector<1x16xf32> to vector<16xf32>
      %swap3A_2822 = vector.shape_cast %mul3A_2816 : vector<16xf32> to vector<1x16xf32>
      tpu.vector_store %arg5[%swap3A_2818, %swap3A_2819], %swap3A_2822 {strides = array<i32>} : memref<64x16xf32, #tpu.memory_space<vmem>>, vector<1x16xf32>,
      %get3A_2823 = arith.constant 22 : i32
      %get3A_2824 = arith.index_cast %get3A_2823 : i32 to index
      %get3A_2825 = arith.constant 0 : index
      %get3A_2826 = tpu.vector_load %arg5[%get3A_2824, %get3A_2825] {strides = array<i32>} : memref<64x16xf32, #tpu.memory_space<vmem>>, vector<1x16xf32>,
      %get3A_2827 = vector.shape_cast %get3A_2826 : vector<1x16xf32> to vector<16xf32>
      %mul3A_2828 = arith.mulf %get3A_2827, %div3A_2558 : vector<16xf32>
      %swap3A_2829 = arith.constant 22 : i32
      %swap3A_2830 = arith.index_cast %swap3A_2829 : i32 to index
      %swap3A_2831 = arith.constant 0 : index
      %swap3A_2832 = tpu.vector_load %arg5[%swap3A_2830, %swap3A_2831] {strides = array<i32>} : memref<64x16xf32, #tpu.memory_space<vmem>>, vector<1x16xf32>,
      %swap3A_2833 = vector.shape_cast %swap3A_2832 : vector<1x16xf32> to vector<16xf32>
      %swap3A_2834 = vector.shape_cast %mul3A_2828 : vector<16xf32> to vector<1x16xf32>
      tpu.vector_store %arg5[%swap3A_2830, %swap3A_2831], %swap3A_2834 {strides = array<i32>} : memref<64x16xf32, #tpu.memory_space<vmem>>, vector<1x16xf32>,
      %get3A_2835 = arith.constant 23 : i32
      %get3A_2836 = arith.index_cast %get3A_2835 : i32 to index
      %get3A_2837 = arith.constant 0 : index
      %get3A_2838 = tpu.vector_load %arg5[%get3A_2836, %get3A_2837] {strides = array<i32>} : memref<64x16xf32, #tpu.memory_space<vmem>>, vector<1x16xf32>,
      %get3A_2839 = vector.shape_cast %get3A_2838 : vector<1x16xf32> to vector<16xf32>
      %mul3A_2840 = arith.mulf %get3A_2839, %div3A_2558 : vector<16xf32>
      %swap3A_2841 = arith.constant 23 : i32
      %swap3A_2842 = arith.index_cast %swap3A_2841 : i32 to index
      %swap3A_2843 = arith.constant 0 : index
      %swap3A_2844 = tpu.vector_load %arg5[%swap3A_2842, %swap3A_2843] {strides = array<i32>} : memref<64x16xf32, #tpu.memory_space<vmem>>, vector<1x16xf32>,
      %swap3A_2845 = vector.shape_cast %swap3A_2844 : vector<1x16xf32> to vector<16xf32>
      %swap3A_2846 = vector.shape_cast %mul3A_2840 : vector<16xf32> to vector<1x16xf32>
      tpu.vector_store %arg5[%swap3A_2842, %swap3A_2843], %swap3A_2846 {strides = array<i32>} : memref<64x16xf32, #tpu.memory_space<vmem>>, vector<1x16xf32>,
      %get3A_2847 = arith.constant 24 : i32
      %get3A_2848 = arith.index_cast %get3A_2847 : i32 to index
      %get3A_2849 = arith.constant 0 : index
      %get3A_2850 = tpu.vector_load %arg5[%get3A_2848, %get3A_2849] {strides = array<i32>} : memref<64x16xf32, #tpu.memory_space<vmem>>, vector<1x16xf32>,
      %get3A_2851 = vector.shape_cast %get3A_2850 : vector<1x16xf32> to vector<16xf32>
      %mul3A_2852 = arith.mulf %get3A_2851, %div3A_2558 : vector<16xf32>
      %swap3A_2853 = arith.constant 24 : i32
      %swap3A_2854 = arith.index_cast %swap3A_2853 : i32 to index
      %swap3A_2855 = arith.constant 0 : index
      %swap3A_2856 = tpu.vector_load %arg5[%swap3A_2854, %swap3A_2855] {strides = array<i32>} : memref<64x16xf32, #tpu.memory_space<vmem>>, vector<1x16xf32>,
      %swap3A_2857 = vector.shape_cast %swap3A_2856 : vector<1x16xf32> to vector<16xf32>
      %swap3A_2858 = vector.shape_cast %mul3A_2852 : vector<16xf32> to vector<1x16xf32>
      tpu.vector_store %arg5[%swap3A_2854, %swap3A_2855], %swap3A_2858 {strides = array<i32>} : memref<64x16xf32, #tpu.memory_space<vmem>>, vector<1x16xf32>,
      %get3A_2859 = arith.constant 25 : i32
      %get3A_2860 = arith.index_cast %get3A_2859 : i32 to index
      %get3A_2861 = arith.constant 0 : index
      %get3A_2862 = tpu.vector_load %arg5[%get3A_2860, %get3A_2861] {strides = array<i32>} : memref<64x16xf32, #tpu.memory_space<vmem>>, vector<1x16xf32>,
      %get3A_2863 = vector.shape_cast %get3A_2862 : vector<1x16xf32> to vector<16xf32>
      %mul3A_2864 = arith.mulf %get3A_2863, %div3A_2558 : vector<16xf32>
      %swap3A_2865 = arith.constant 25 : i32
      %swap3A_2866 = arith.index_cast %swap3A_2865 : i32 to index
      %swap3A_2867 = arith.constant 0 : index
      %swap3A_2868 = tpu.vector_load %arg5[%swap3A_2866, %swap3A_2867] {strides = array<i32>} : memref<64x16xf32, #tpu.memory_space<vmem>>, vector<1x16xf32>,
      %swap3A_2869 = vector.shape_cast %swap3A_2868 : vector<1x16xf32> to vector<16xf32>
      %swap3A_2870 = vector.shape_cast %mul3A_2864 : vector<16xf32> to vector<1x16xf32>
      tpu.vector_store %arg5[%swap3A_2866, %swap3A_2867], %swap3A_2870 {strides = array<i32>} : memref<64x16xf32, #tpu.memory_space<vmem>>, vector<1x16xf32>,
      %get3A_2871 = arith.constant 26 : i32
      %get3A_2872 = arith.index_cast %get3A_2871 : i32 to index
      %get3A_2873 = arith.constant 0 : index
      %get3A_2874 = tpu.vector_load %arg5[%get3A_2872, %get3A_2873] {strides = array<i32>} : memref<64x16xf32, #tpu.memory_space<vmem>>, vector<1x16xf32>,
      %get3A_2875 = vector.shape_cast %get3A_2874 : vector<1x16xf32> to vector<16xf32>
      %mul3A_2876 = arith.mulf %get3A_2875, %div3A_2558 : vector<16xf32>
      %swap3A_2877 = arith.constant 26 : i32
      %swap3A_2878 = arith.index_cast %swap3A_2877 : i32 to index
      %swap3A_2879 = arith.constant 0 : index
      %swap3A_2880 = tpu.vector_load %arg5[%swap3A_2878, %swap3A_2879] {strides = array<i32>} : memref<64x16xf32, #tpu.memory_space<vmem>>, vector<1x16xf32>,
      %swap3A_2881 = vector.shape_cast %swap3A_2880 : vector<1x16xf32> to vector<16xf32>
      %swap3A_2882 = vector.shape_cast %mul3A_2876 : vector<16xf32> to vector<1x16xf32>
      tpu.vector_store %arg5[%swap3A_2878, %swap3A_2879], %swap3A_2882 {strides = array<i32>} : memref<64x16xf32, #tpu.memory_space<vmem>>, vector<1x16xf32>,
      %get3A_2883 = arith.constant 27 : i32
      %get3A_2884 = arith.index_cast %get3A_2883 : i32 to index
      %get3A_2885 = arith.constant 0 : index
      %get3A_2886 = tpu.vector_load %arg5[%get3A_2884, %get3A_2885] {strides = array<i32>} : memref<64x16xf32, #tpu.memory_space<vmem>>, vector<1x16xf32>,
      %get3A_2887 = vector.shape_cast %get3A_2886 : vector<1x16xf32> to vector<16xf32>
      %mul3A_2888 = arith.mulf %get3A_2887, %div3A_2558 : vector<16xf32>
      %swap3A_2889 = arith.constant 27 : i32
      %swap3A_2890 = arith.index_cast %swap3A_2889 : i32 to index
      %swap3A_2891 = arith.constant 0 : index
      %swap3A_2892 = tpu.vector_load %arg5[%swap3A_2890, %swap3A_2891] {strides = array<i32>} : memref<64x16xf32, #tpu.memory_space<vmem>>, vector<1x16xf32>,
      %swap3A_2893 = vector.shape_cast %swap3A_2892 : vector<1x16xf32> to vector<16xf32>
      %swap3A_2894 = vector.shape_cast %mul3A_2888 : vector<16xf32> to vector<1x16xf32>
      tpu.vector_store %arg5[%swap3A_2890, %swap3A_2891], %swap3A_2894 {strides = array<i32>} : memref<64x16xf32, #tpu.memory_space<vmem>>, vector<1x16xf32>,
      %get3A_2895 = arith.constant 28 : i32
      %get3A_2896 = arith.index_cast %get3A_2895 : i32 to index
      %get3A_2897 = arith.constant 0 : index
      %get3A_2898 = tpu.vector_load %arg5[%get3A_2896, %get3A_2897] {strides = array<i32>} : memref<64x16xf32, #tpu.memory_space<vmem>>, vector<1x16xf32>,
      %get3A_2899 = vector.shape_cast %get3A_2898 : vector<1x16xf32> to vector<16xf32>
      %mul3A_2900 = arith.mulf %get3A_2899, %div3A_2558 : vector<16xf32>
      %swap3A_2901 = arith.constant 28 : i32
      %swap3A_2902 = arith.index_cast %swap3A_2901 : i32 to index
      %swap3A_2903 = arith.constant 0 : index
      %swap3A_2904 = tpu.vector_load %arg5[%swap3A_2902, %swap3A_2903] {strides = array<i32>} : memref<64x16xf32, #tpu.memory_space<vmem>>, vector<1x16xf32>,
      %swap3A_2905 = vector.shape_cast %swap3A_2904 : vector<1x16xf32> to vector<16xf32>
      %swap3A_2906 = vector.shape_cast %mul3A_2900 : vector<16xf32> to vector<1x16xf32>
      tpu.vector_store %arg5[%swap3A_2902, %swap3A_2903], %swap3A_2906 {strides = array<i32>} : memref<64x16xf32, #tpu.memory_space<vmem>>, vector<1x16xf32>,
      %get3A_2907 = arith.constant 29 : i32
      %get3A_2908 = arith.index_cast %get3A_2907 : i32 to index
      %get3A_2909 = arith.constant 0 : index
      %get3A_2910 = tpu.vector_load %arg5[%get3A_2908, %get3A_2909] {strides = array<i32>} : memref<64x16xf32, #tpu.memory_space<vmem>>, vector<1x16xf32>,
      %get3A_2911 = vector.shape_cast %get3A_2910 : vector<1x16xf32> to vector<16xf32>
      %mul3A_2912 = arith.mulf %get3A_2911, %div3A_2558 : vector<16xf32>
      %swap3A_2913 = arith.constant 29 : i32
      %swap3A_2914 = arith.index_cast %swap3A_2913 : i32 to index
      %swap3A_2915 = arith.constant 0 : index
      %swap3A_2916 = tpu.vector_load %arg5[%swap3A_2914, %swap3A_2915] {strides = array<i32>} : memref<64x16xf32, #tpu.memory_space<vmem>>, vector<1x16xf32>,
      %swap3A_2917 = vector.shape_cast %swap3A_2916 : vector<1x16xf32> to vector<16xf32>
      %swap3A_2918 = vector.shape_cast %mul3A_2912 : vector<16xf32> to vector<1x16xf32>
      tpu.vector_store %arg5[%swap3A_2914, %swap3A_2915], %swap3A_2918 {strides = array<i32>} : memref<64x16xf32, #tpu.memory_space<vmem>>, vector<1x16xf32>,
      %get3A_2919 = arith.constant 30 : i32
      %get3A_2920 = arith.index_cast %get3A_2919 : i32 to index
      %get3A_2921 = arith.constant 0 : index
      %get3A_2922 = tpu.vector_load %arg5[%get3A_2920, %get3A_2921] {strides = array<i32>} : memref<64x16xf32, #tpu.memory_space<vmem>>, vector<1x16xf32>,
      %get3A_2923 = vector.shape_cast %get3A_2922 : vector<1x16xf32> to vector<16xf32>
      %mul3A_2924 = arith.mulf %get3A_2923, %div3A_2558 : vector<16xf32>
      %swap3A_2925 = arith.constant 30 : i32
      %swap3A_2926 = arith.index_cast %swap3A_2925 : i32 to index
      %swap3A_2927 = arith.constant 0 : index
      %swap3A_2928 = tpu.vector_load %arg5[%swap3A_2926, %swap3A_2927] {strides = array<i32>} : memref<64x16xf32, #tpu.memory_space<vmem>>, vector<1x16xf32>,
      %swap3A_2929 = vector.shape_cast %swap3A_2928 : vector<1x16xf32> to vector<16xf32>
      %swap3A_2930 = vector.shape_cast %mul3A_2924 : vector<16xf32> to vector<1x16xf32>
      tpu.vector_store %arg5[%swap3A_2926, %swap3A_2927], %swap3A_2930 {strides = array<i32>} : memref<64x16xf32, #tpu.memory_space<vmem>>, vector<1x16xf32>,
      %get3A_2931 = arith.constant 31 : i32
      %get3A_2932 = arith.index_cast %get3A_2931 : i32 to index
      %get3A_2933 = arith.constant 0 : index
      %get3A_2934 = tpu.vector_load %arg5[%get3A_2932, %get3A_2933] {strides = array<i32>} : memref<64x16xf32, #tpu.memory_space<vmem>>, vector<1x16xf32>,
      %get3A_2935 = vector.shape_cast %get3A_2934 : vector<1x16xf32> to vector<16xf32>
      %mul3A_2936 = arith.mulf %get3A_2935, %div3A_2558 : vector<16xf32>
      %swap3A_2937 = arith.constant 31 : i32
      %swap3A_2938 = arith.index_cast %swap3A_2937 : i32 to index
      %swap3A_2939 = arith.constant 0 : index
      %swap3A_2940 = tpu.vector_load %arg5[%swap3A_2938, %swap3A_2939] {strides = array<i32>} : memref<64x16xf32, #tpu.memory_space<vmem>>, vector<1x16xf32>,
      %swap3A_2941 = vector.shape_cast %swap3A_2940 : vector<1x16xf32> to vector<16xf32>
      %swap3A_2942 = vector.shape_cast %mul3A_2936 : vector<16xf32> to vector<1x16xf32>
      tpu.vector_store %arg5[%swap3A_2938, %swap3A_2939], %swap3A_2942 {strides = array<i32>} : memref<64x16xf32, #tpu.memory_space<vmem>>, vector<1x16xf32>,
      %get3A_2943 = arith.constant 32 : i32
      %get3A_2944 = arith.index_cast %get3A_2943 : i32 to index
      %get3A_2945 = arith.constant 0 : index
      %get3A_2946 = tpu.vector_load %arg5[%get3A_2944, %get3A_2945] {strides = array<i32>} : memref<64x16xf32, #tpu.memory_space<vmem>>, vector<1x16xf32>,
      %get3A_2947 = vector.shape_cast %get3A_2946 : vector<1x16xf32> to vector<16xf32>
      %mul3A_2948 = arith.mulf %get3A_2947, %div3A_2558 : vector<16xf32>
      %swap3A_2949 = arith.constant 32 : i32
      %swap3A_2950 = arith.index_cast %swap3A_2949 : i32 to index
      %swap3A_2951 = arith.constant 0 : index
      %swap3A_2952 = tpu.vector_load %arg5[%swap3A_2950, %swap3A_2951] {strides = array<i32>} : memref<64x16xf32, #tpu.memory_space<vmem>>, vector<1x16xf32>,
      %swap3A_2953 = vector.shape_cast %swap3A_2952 : vector<1x16xf32> to vector<16xf32>
      %swap3A_2954 = vector.shape_cast %mul3A_2948 : vector<16xf32> to vector<1x16xf32>
      tpu.vector_store %arg5[%swap3A_2950, %swap3A_2951], %swap3A_2954 {strides = array<i32>} : memref<64x16xf32, #tpu.memory_space<vmem>>, vector<1x16xf32>,
      %get3A_2955 = arith.constant 33 : i32
      %get3A_2956 = arith.index_cast %get3A_2955 : i32 to index
      %get3A_2957 = arith.constant 0 : index
      %get3A_2958 = tpu.vector_load %arg5[%get3A_2956, %get3A_2957] {strides = array<i32>} : memref<64x16xf32, #tpu.memory_space<vmem>>, vector<1x16xf32>,
      %get3A_2959 = vector.shape_cast %get3A_2958 : vector<1x16xf32> to vector<16xf32>
      %mul3A_2960 = arith.mulf %get3A_2959, %div3A_2558 : vector<16xf32>
      %swap3A_2961 = arith.constant 33 : i32
      %swap3A_2962 = arith.index_cast %swap3A_2961 : i32 to index
      %swap3A_2963 = arith.constant 0 : index
      %swap3A_2964 = tpu.vector_load %arg5[%swap3A_2962, %swap3A_2963] {strides = array<i32>} : memref<64x16xf32, #tpu.memory_space<vmem>>, vector<1x16xf32>,
      %swap3A_2965 = vector.shape_cast %swap3A_2964 : vector<1x16xf32> to vector<16xf32>
      %swap3A_2966 = vector.shape_cast %mul3A_2960 : vector<16xf32> to vector<1x16xf32>
      tpu.vector_store %arg5[%swap3A_2962, %swap3A_2963], %swap3A_2966 {strides = array<i32>} : memref<64x16xf32, #tpu.memory_space<vmem>>, vector<1x16xf32>,
      %get3A_2967 = arith.constant 34 : i32
      %get3A_2968 = arith.index_cast %get3A_2967 : i32 to index
      %get3A_2969 = arith.constant 0 : index
      %get3A_2970 = tpu.vector_load %arg5[%get3A_2968, %get3A_2969] {strides = array<i32>} : memref<64x16xf32, #tpu.memory_space<vmem>>, vector<1x16xf32>,
      %get3A_2971 = vector.shape_cast %get3A_2970 : vector<1x16xf32> to vector<16xf32>
      %mul3A_2972 = arith.mulf %get3A_2971, %div3A_2558 : vector<16xf32>
      %swap3A_2973 = arith.constant 34 : i32
      %swap3A_2974 = arith.index_cast %swap3A_2973 : i32 to index
      %swap3A_2975 = arith.constant 0 : index
      %swap3A_2976 = tpu.vector_load %arg5[%swap3A_2974, %swap3A_2975] {strides = array<i32>} : memref<64x16xf32, #tpu.memory_space<vmem>>, vector<1x16xf32>,
      %swap3A_2977 = vector.shape_cast %swap3A_2976 : vector<1x16xf32> to vector<16xf32>
      %swap3A_2978 = vector.shape_cast %mul3A_2972 : vector<16xf32> to vector<1x16xf32>
      tpu.vector_store %arg5[%swap3A_2974, %swap3A_2975], %swap3A_2978 {strides = array<i32>} : memref<64x16xf32, #tpu.memory_space<vmem>>, vector<1x16xf32>,
      %get3A_2979 = arith.constant 35 : i32
      %get3A_2980 = arith.index_cast %get3A_2979 : i32 to index
      %get3A_2981 = arith.constant 0 : index
      %get3A_2982 = tpu.vector_load %arg5[%get3A_2980, %get3A_2981] {strides = array<i32>} : memref<64x16xf32, #tpu.memory_space<vmem>>, vector<1x16xf32>,
      %get3A_2983 = vector.shape_cast %get3A_2982 : vector<1x16xf32> to vector<16xf32>
      %mul3A_2984 = arith.mulf %get3A_2983, %div3A_2558 : vector<16xf32>
      %swap3A_2985 = arith.constant 35 : i32
      %swap3A_2986 = arith.index_cast %swap3A_2985 : i32 to index
      %swap3A_2987 = arith.constant 0 : index
      %swap3A_2988 = tpu.vector_load %arg5[%swap3A_2986, %swap3A_2987] {strides = array<i32>} : memref<64x16xf32, #tpu.memory_space<vmem>>, vector<1x16xf32>,
      %swap3A_2989 = vector.shape_cast %swap3A_2988 : vector<1x16xf32> to vector<16xf32>
      %swap3A_2990 = vector.shape_cast %mul3A_2984 : vector<16xf32> to vector<1x16xf32>
      tpu.vector_store %arg5[%swap3A_2986, %swap3A_2987], %swap3A_2990 {strides = array<i32>} : memref<64x16xf32, #tpu.memory_space<vmem>>, vector<1x16xf32>,
      %get3A_2991 = arith.constant 36 : i32
      %get3A_2992 = arith.index_cast %get3A_2991 : i32 to index
      %get3A_2993 = arith.constant 0 : index
      %get3A_2994 = tpu.vector_load %arg5[%get3A_2992, %get3A_2993] {strides = array<i32>} : memref<64x16xf32, #tpu.memory_space<vmem>>, vector<1x16xf32>,
      %get3A_2995 = vector.shape_cast %get3A_2994 : vector<1x16xf32> to vector<16xf32>
      %mul3A_2996 = arith.mulf %get3A_2995, %div3A_2558 : vector<16xf32>
      %swap3A_2997 = arith.constant 36 : i32
      %swap3A_2998 = arith.index_cast %swap3A_2997 : i32 to index
      %swap3A_2999 = arith.constant 0 : index
      %swap3A_3000 = tpu.vector_load %arg5[%swap3A_2998, %swap3A_2999] {strides = array<i32>} : memref<64x16xf32, #tpu.memory_space<vmem>>, vector<1x16xf32>,
      %swap3A_3001 = vector.shape_cast %swap3A_3000 : vector<1x16xf32> to vector<16xf32>
      %swap3A_3002 = vector.shape_cast %mul3A_2996 : vector<16xf32> to vector<1x16xf32>
      tpu.vector_store %arg5[%swap3A_2998, %swap3A_2999], %swap3A_3002 {strides = array<i32>} : memref<64x16xf32, #tpu.memory_space<vmem>>, vector<1x16xf32>,
      %get3A_3003 = arith.constant 37 : i32
      %get3A_3004 = arith.index_cast %get3A_3003 : i32 to index
      %get3A_3005 = arith.constant 0 : index
      %get3A_3006 = tpu.vector_load %arg5[%get3A_3004, %get3A_3005] {strides = array<i32>} : memref<64x16xf32, #tpu.memory_space<vmem>>, vector<1x16xf32>,
      %get3A_3007 = vector.shape_cast %get3A_3006 : vector<1x16xf32> to vector<16xf32>
      %mul3A_3008 = arith.mulf %get3A_3007, %div3A_2558 : vector<16xf32>
      %swap3A_3009 = arith.constant 37 : i32
      %swap3A_3010 = arith.index_cast %swap3A_3009 : i32 to index
      %swap3A_3011 = arith.constant 0 : index
      %swap3A_3012 = tpu.vector_load %arg5[%swap3A_3010, %swap3A_3011] {strides = array<i32>} : memref<64x16xf32, #tpu.memory_space<vmem>>, vector<1x16xf32>,
      %swap3A_3013 = vector.shape_cast %swap3A_3012 : vector<1x16xf32> to vector<16xf32>
      %swap3A_3014 = vector.shape_cast %mul3A_3008 : vector<16xf32> to vector<1x16xf32>
      tpu.vector_store %arg5[%swap3A_3010, %swap3A_3011], %swap3A_3014 {strides = array<i32>} : memref<64x16xf32, #tpu.memory_space<vmem>>, vector<1x16xf32>,
      %get3A_3015 = arith.constant 38 : i32
      %get3A_3016 = arith.index_cast %get3A_3015 : i32 to index
      %get3A_3017 = arith.constant 0 : index
      %get3A_3018 = tpu.vector_load %arg5[%get3A_3016, %get3A_3017] {strides = array<i32>} : memref<64x16xf32, #tpu.memory_space<vmem>>, vector<1x16xf32>,
      %get3A_3019 = vector.shape_cast %get3A_3018 : vector<1x16xf32> to vector<16xf32>
      %mul3A_3020 = arith.mulf %get3A_3019, %div3A_2558 : vector<16xf32>
      %swap3A_3021 = arith.constant 38 : i32
      %swap3A_3022 = arith.index_cast %swap3A_3021 : i32 to index
      %swap3A_3023 = arith.constant 0 : index
      %swap3A_3024 = tpu.vector_load %arg5[%swap3A_3022, %swap3A_3023] {strides = array<i32>} : memref<64x16xf32, #tpu.memory_space<vmem>>, vector<1x16xf32>,
      %swap3A_3025 = vector.shape_cast %swap3A_3024 : vector<1x16xf32> to vector<16xf32>
      %swap3A_3026 = vector.shape_cast %mul3A_3020 : vector<16xf32> to vector<1x16xf32>
      tpu.vector_store %arg5[%swap3A_3022, %swap3A_3023], %swap3A_3026 {strides = array<i32>} : memref<64x16xf32, #tpu.memory_space<vmem>>, vector<1x16xf32>,
      %get3A_3027 = arith.constant 39 : i32
      %get3A_3028 = arith.index_cast %get3A_3027 : i32 to index
      %get3A_3029 = arith.constant 0 : index
      %get3A_3030 = tpu.vector_load %arg5[%get3A_3028, %get3A_3029] {strides = array<i32>} : memref<64x16xf32, #tpu.memory_space<vmem>>, vector<1x16xf32>,
      %get3A_3031 = vector.shape_cast %get3A_3030 : vector<1x16xf32> to vector<16xf32>
      %mul3A_3032 = arith.mulf %get3A_3031, %div3A_2558 : vector<16xf32>
      %swap3A_3033 = arith.constant 39 : i32
      %swap3A_3034 = arith.index_cast %swap3A_3033 : i32 to index
      %swap3A_3035 = arith.constant 0 : index
      %swap3A_3036 = tpu.vector_load %arg5[%swap3A_3034, %swap3A_3035] {strides = array<i32>} : memref<64x16xf32, #tpu.memory_space<vmem>>, vector<1x16xf32>,
      %swap3A_3037 = vector.shape_cast %swap3A_3036 : vector<1x16xf32> to vector<16xf32>
      %swap3A_3038 = vector.shape_cast %mul3A_3032 : vector<16xf32> to vector<1x16xf32>
      tpu.vector_store %arg5[%swap3A_3034, %swap3A_3035], %swap3A_3038 {strides = array<i32>} : memref<64x16xf32, #tpu.memory_space<vmem>>, vector<1x16xf32>,
      %get3A_3039 = arith.constant 40 : i32
      %get3A_3040 = arith.index_cast %get3A_3039 : i32 to index
      %get3A_3041 = arith.constant 0 : index
      %get3A_3042 = tpu.vector_load %arg5[%get3A_3040, %get3A_3041] {strides = array<i32>} : memref<64x16xf32, #tpu.memory_space<vmem>>, vector<1x16xf32>,
      %get3A_3043 = vector.shape_cast %get3A_3042 : vector<1x16xf32> to vector<16xf32>
      %mul3A_3044 = arith.mulf %get3A_3043, %div3A_2558 : vector<16xf32>
      %swap3A_3045 = arith.constant 40 : i32
      %swap3A_3046 = arith.index_cast %swap3A_3045 : i32 to index
      %swap3A_3047 = arith.constant 0 : index
      %swap3A_3048 = tpu.vector_load %arg5[%swap3A_3046, %swap3A_3047] {strides = array<i32>} : memref<64x16xf32, #tpu.memory_space<vmem>>, vector<1x16xf32>,
      %swap3A_3049 = vector.shape_cast %swap3A_3048 : vector<1x16xf32> to vector<16xf32>
      %swap3A_3050 = vector.shape_cast %mul3A_3044 : vector<16xf32> to vector<1x16xf32>
      tpu.vector_store %arg5[%swap3A_3046, %swap3A_3047], %swap3A_3050 {strides = array<i32>} : memref<64x16xf32, #tpu.memory_space<vmem>>, vector<1x16xf32>,
      %get3A_3051 = arith.constant 41 : i32
      %get3A_3052 = arith.index_cast %get3A_3051 : i32 to index
      %get3A_3053 = arith.constant 0 : index
      %get3A_3054 = tpu.vector_load %arg5[%get3A_3052, %get3A_3053] {strides = array<i32>} : memref<64x16xf32, #tpu.memory_space<vmem>>, vector<1x16xf32>,
      %get3A_3055 = vector.shape_cast %get3A_3054 : vector<1x16xf32> to vector<16xf32>
      %mul3A_3056 = arith.mulf %get3A_3055, %div3A_2558 : vector<16xf32>
      %swap3A_3057 = arith.constant 41 : i32
      %swap3A_3058 = arith.index_cast %swap3A_3057 : i32 to index
      %swap3A_3059 = arith.constant 0 : index
      %swap3A_3060 = tpu.vector_load %arg5[%swap3A_3058, %swap3A_3059] {strides = array<i32>} : memref<64x16xf32, #tpu.memory_space<vmem>>, vector<1x16xf32>,
      %swap3A_3061 = vector.shape_cast %swap3A_3060 : vector<1x16xf32> to vector<16xf32>
      %swap3A_3062 = vector.shape_cast %mul3A_3056 : vector<16xf32> to vector<1x16xf32>
      tpu.vector_store %arg5[%swap3A_3058, %swap3A_3059], %swap3A_3062 {strides = array<i32>} : memref<64x16xf32, #tpu.memory_space<vmem>>, vector<1x16xf32>,
      %get3A_3063 = arith.constant 42 : i32
      %get3A_3064 = arith.index_cast %get3A_3063 : i32 to index
      %get3A_3065 = arith.constant 0 : index
      %get3A_3066 = tpu.vector_load %arg5[%get3A_3064, %get3A_3065] {strides = array<i32>} : memref<64x16xf32, #tpu.memory_space<vmem>>, vector<1x16xf32>,
      %get3A_3067 = vector.shape_cast %get3A_3066 : vector<1x16xf32> to vector<16xf32>
      %mul3A_3068 = arith.mulf %get3A_3067, %div3A_2558 : vector<16xf32>
      %swap3A_3069 = arith.constant 42 : i32
      %swap3A_3070 = arith.index_cast %swap3A_3069 : i32 to index
      %swap3A_3071 = arith.constant 0 : index
      %swap3A_3072 = tpu.vector_load %arg5[%swap3A_3070, %swap3A_3071] {strides = array<i32>} : memref<64x16xf32, #tpu.memory_space<vmem>>, vector<1x16xf32>,
      %swap3A_3073 = vector.shape_cast %swap3A_3072 : vector<1x16xf32> to vector<16xf32>
      %swap3A_3074 = vector.shape_cast %mul3A_3068 : vector<16xf32> to vector<1x16xf32>
      tpu.vector_store %arg5[%swap3A_3070, %swap3A_3071], %swap3A_3074 {strides = array<i32>} : memref<64x16xf32, #tpu.memory_space<vmem>>, vector<1x16xf32>,
      %get3A_3075 = arith.constant 43 : i32
      %get3A_3076 = arith.index_cast %get3A_3075 : i32 to index
      %get3A_3077 = arith.constant 0 : index
      %get3A_3078 = tpu.vector_load %arg5[%get3A_3076, %get3A_3077] {strides = array<i32>} : memref<64x16xf32, #tpu.memory_space<vmem>>, vector<1x16xf32>,
      %get3A_3079 = vector.shape_cast %get3A_3078 : vector<1x16xf32> to vector<16xf32>
      %mul3A_3080 = arith.mulf %get3A_3079, %div3A_2558 : vector<16xf32>
      %swap3A_3081 = arith.constant 43 : i32
      %swap3A_3082 = arith.index_cast %swap3A_3081 : i32 to index
      %swap3A_3083 = arith.constant 0 : index
      %swap3A_3084 = tpu.vector_load %arg5[%swap3A_3082, %swap3A_3083] {strides = array<i32>} : memref<64x16xf32, #tpu.memory_space<vmem>>, vector<1x16xf32>,
      %swap3A_3085 = vector.shape_cast %swap3A_3084 : vector<1x16xf32> to vector<16xf32>
      %swap3A_3086 = vector.shape_cast %mul3A_3080 : vector<16xf32> to vector<1x16xf32>
      tpu.vector_store %arg5[%swap3A_3082, %swap3A_3083], %swap3A_3086 {strides = array<i32>} : memref<64x16xf32, #tpu.memory_space<vmem>>, vector<1x16xf32>,
      %get3A_3087 = arith.constant 44 : i32
      %get3A_3088 = arith.index_cast %get3A_3087 : i32 to index
      %get3A_3089 = arith.constant 0 : index
      %get3A_3090 = tpu.vector_load %arg5[%get3A_3088, %get3A_3089] {strides = array<i32>} : memref<64x16xf32, #tpu.memory_space<vmem>>, vector<1x16xf32>,
      %get3A_3091 = vector.shape_cast %get3A_3090 : vector<1x16xf32> to vector<16xf32>
      %mul3A_3092 = arith.mulf %get3A_3091, %div3A_2558 : vector<16xf32>
      %swap3A_3093 = arith.constant 44 : i32
      %swap3A_3094 = arith.index_cast %swap3A_3093 : i32 to index
      %swap3A_3095 = arith.constant 0 : index
      %swap3A_3096 = tpu.vector_load %arg5[%swap3A_3094, %swap3A_3095] {strides = array<i32>} : memref<64x16xf32, #tpu.memory_space<vmem>>, vector<1x16xf32>,
      %swap3A_3097 = vector.shape_cast %swap3A_3096 : vector<1x16xf32> to vector<16xf32>
      %swap3A_3098 = vector.shape_cast %mul3A_3092 : vector<16xf32> to vector<1x16xf32>
      tpu.vector_store %arg5[%swap3A_3094, %swap3A_3095], %swap3A_3098 {strides = array<i32>} : memref<64x16xf32, #tpu.memory_space<vmem>>, vector<1x16xf32>,
      %get3A_3099 = arith.constant 45 : i32
      %get3A_3100 = arith.index_cast %get3A_3099 : i32 to index
      %get3A_3101 = arith.constant 0 : index
      %get3A_3102 = tpu.vector_load %arg5[%get3A_3100, %get3A_3101] {strides = array<i32>} : memref<64x16xf32, #tpu.memory_space<vmem>>, vector<1x16xf32>,
      %get3A_3103 = vector.shape_cast %get3A_3102 : vector<1x16xf32> to vector<16xf32>
      %mul3A_3104 = arith.mulf %get3A_3103, %div3A_2558 : vector<16xf32>
      %swap3A_3105 = arith.constant 45 : i32
      %swap3A_3106 = arith.index_cast %swap3A_3105 : i32 to index
      %swap3A_3107 = arith.constant 0 : index
      %swap3A_3108 = tpu.vector_load %arg5[%swap3A_3106, %swap3A_3107] {strides = array<i32>} : memref<64x16xf32, #tpu.memory_space<vmem>>, vector<1x16xf32>,
      %swap3A_3109 = vector.shape_cast %swap3A_3108 : vector<1x16xf32> to vector<16xf32>
      %swap3A_3110 = vector.shape_cast %mul3A_3104 : vector<16xf32> to vector<1x16xf32>
      tpu.vector_store %arg5[%swap3A_3106, %swap3A_3107], %swap3A_3110 {strides = array<i32>} : memref<64x16xf32, #tpu.memory_space<vmem>>, vector<1x16xf32>,
      %get3A_3111 = arith.constant 46 : i32
      %get3A_3112 = arith.index_cast %get3A_3111 : i32 to index
      %get3A_3113 = arith.constant 0 : index
      %get3A_3114 = tpu.vector_load %arg5[%get3A_3112, %get3A_3113] {strides = array<i32>} : memref<64x16xf32, #tpu.memory_space<vmem>>, vector<1x16xf32>,
      %get3A_3115 = vector.shape_cast %get3A_3114 : vector<1x16xf32> to vector<16xf32>
      %mul3A_3116 = arith.mulf %get3A_3115, %div3A_2558 : vector<16xf32>
      %swap3A_3117 = arith.constant 46 : i32
      %swap3A_3118 = arith.index_cast %swap3A_3117 : i32 to index
      %swap3A_3119 = arith.constant 0 : index
      %swap3A_3120 = tpu.vector_load %arg5[%swap3A_3118, %swap3A_3119] {strides = array<i32>} : memref<64x16xf32, #tpu.memory_space<vmem>>, vector<1x16xf32>,
      %swap3A_3121 = vector.shape_cast %swap3A_3120 : vector<1x16xf32> to vector<16xf32>
      %swap3A_3122 = vector.shape_cast %mul3A_3116 : vector<16xf32> to vector<1x16xf32>
      tpu.vector_store %arg5[%swap3A_3118, %swap3A_3119], %swap3A_3122 {strides = array<i32>} : memref<64x16xf32, #tpu.memory_space<vmem>>, vector<1x16xf32>,
      %get3A_3123 = arith.constant 47 : i32
      %get3A_3124 = arith.index_cast %get3A_3123 : i32 to index
      %get3A_3125 = arith.constant 0 : index
      %get3A_3126 = tpu.vector_load %arg5[%get3A_3124, %get3A_3125] {strides = array<i32>} : memref<64x16xf32, #tpu.memory_space<vmem>>, vector<1x16xf32>,
      %get3A_3127 = vector.shape_cast %get3A_3126 : vector<1x16xf32> to vector<16xf32>
      %mul3A_3128 = arith.mulf %get3A_3127, %div3A_2558 : vector<16xf32>
      %swap3A_3129 = arith.constant 47 : i32
      %swap3A_3130 = arith.index_cast %swap3A_3129 : i32 to index
      %swap3A_3131 = arith.constant 0 : index
      %swap3A_3132 = tpu.vector_load %arg5[%swap3A_3130, %swap3A_3131] {strides = array<i32>} : memref<64x16xf32, #tpu.memory_space<vmem>>, vector<1x16xf32>,
      %swap3A_3133 = vector.shape_cast %swap3A_3132 : vector<1x16xf32> to vector<16xf32>
      %swap3A_3134 = vector.shape_cast %mul3A_3128 : vector<16xf32> to vector<1x16xf32>
      tpu.vector_store %arg5[%swap3A_3130, %swap3A_3131], %swap3A_3134 {strides = array<i32>} : memref<64x16xf32, #tpu.memory_space<vmem>>, vector<1x16xf32>,
      %get3A_3135 = arith.constant 48 : i32
      %get3A_3136 = arith.index_cast %get3A_3135 : i32 to index
      %get3A_3137 = arith.constant 0 : index
      %get3A_3138 = tpu.vector_load %arg5[%get3A_3136, %get3A_3137] {strides = array<i32>} : memref<64x16xf32, #tpu.memory_space<vmem>>, vector<1x16xf32>,
      %get3A_3139 = vector.shape_cast %get3A_3138 : vector<1x16xf32> to vector<16xf32>
      %mul3A_3140 = arith.mulf %get3A_3139, %div3A_2558 : vector<16xf32>
      %swap3A_3141 = arith.constant 48 : i32
      %swap3A_3142 = arith.index_cast %swap3A_3141 : i32 to index
      %swap3A_3143 = arith.constant 0 : index
      %swap3A_3144 = tpu.vector_load %arg5[%swap3A_3142, %swap3A_3143] {strides = array<i32>} : memref<64x16xf32, #tpu.memory_space<vmem>>, vector<1x16xf32>,
      %swap3A_3145 = vector.shape_cast %swap3A_3144 : vector<1x16xf32> to vector<16xf32>
      %swap3A_3146 = vector.shape_cast %mul3A_3140 : vector<16xf32> to vector<1x16xf32>
      tpu.vector_store %arg5[%swap3A_3142, %swap3A_3143], %swap3A_3146 {strides = array<i32>} : memref<64x16xf32, #tpu.memory_space<vmem>>, vector<1x16xf32>,
      %get3A_3147 = arith.constant 49 : i32
      %get3A_3148 = arith.index_cast %get3A_3147 : i32 to index
      %get3A_3149 = arith.constant 0 : index
      %get3A_3150 = tpu.vector_load %arg5[%get3A_3148, %get3A_3149] {strides = array<i32>} : memref<64x16xf32, #tpu.memory_space<vmem>>, vector<1x16xf32>,
      %get3A_3151 = vector.shape_cast %get3A_3150 : vector<1x16xf32> to vector<16xf32>
      %mul3A_3152 = arith.mulf %get3A_3151, %div3A_2558 : vector<16xf32>
      %swap3A_3153 = arith.constant 49 : i32
      %swap3A_3154 = arith.index_cast %swap3A_3153 : i32 to index
      %swap3A_3155 = arith.constant 0 : index
      %swap3A_3156 = tpu.vector_load %arg5[%swap3A_3154, %swap3A_3155] {strides = array<i32>} : memref<64x16xf32, #tpu.memory_space<vmem>>, vector<1x16xf32>,
      %swap3A_3157 = vector.shape_cast %swap3A_3156 : vector<1x16xf32> to vector<16xf32>
      %swap3A_3158 = vector.shape_cast %mul3A_3152 : vector<16xf32> to vector<1x16xf32>
      tpu.vector_store %arg5[%swap3A_3154, %swap3A_3155], %swap3A_3158 {strides = array<i32>} : memref<64x16xf32, #tpu.memory_space<vmem>>, vector<1x16xf32>,
      %get3A_3159 = arith.constant 50 : i32
      %get3A_3160 = arith.index_cast %get3A_3159 : i32 to index
      %get3A_3161 = arith.constant 0 : index
      %get3A_3162 = tpu.vector_load %arg5[%get3A_3160, %get3A_3161] {strides = array<i32>} : memref<64x16xf32, #tpu.memory_space<vmem>>, vector<1x16xf32>,
      %get3A_3163 = vector.shape_cast %get3A_3162 : vector<1x16xf32> to vector<16xf32>
      %mul3A_3164 = arith.mulf %get3A_3163, %div3A_2558 : vector<16xf32>
      %swap3A_3165 = arith.constant 50 : i32
      %swap3A_3166 = arith.index_cast %swap3A_3165 : i32 to index
      %swap3A_3167 = arith.constant 0 : index
      %swap3A_3168 = tpu.vector_load %arg5[%swap3A_3166, %swap3A_3167] {strides = array<i32>} : memref<64x16xf32, #tpu.memory_space<vmem>>, vector<1x16xf32>,
      %swap3A_3169 = vector.shape_cast %swap3A_3168 : vector<1x16xf32> to vector<16xf32>
      %swap3A_3170 = vector.shape_cast %mul3A_3164 : vector<16xf32> to vector<1x16xf32>
      tpu.vector_store %arg5[%swap3A_3166, %swap3A_3167], %swap3A_3170 {strides = array<i32>} : memref<64x16xf32, #tpu.memory_space<vmem>>, vector<1x16xf32>,
      %get3A_3171 = arith.constant 51 : i32
      %get3A_3172 = arith.index_cast %get3A_3171 : i32 to index
      %get3A_3173 = arith.constant 0 : index
      %get3A_3174 = tpu.vector_load %arg5[%get3A_3172, %get3A_3173] {strides = array<i32>} : memref<64x16xf32, #tpu.memory_space<vmem>>, vector<1x16xf32>,
      %get3A_3175 = vector.shape_cast %get3A_3174 : vector<1x16xf32> to vector<16xf32>
      %mul3A_3176 = arith.mulf %get3A_3175, %div3A_2558 : vector<16xf32>
      %swap3A_3177 = arith.constant 51 : i32
      %swap3A_3178 = arith.index_cast %swap3A_3177 : i32 to index
      %swap3A_3179 = arith.constant 0 : index
      %swap3A_3180 = tpu.vector_load %arg5[%swap3A_3178, %swap3A_3179] {strides = array<i32>} : memref<64x16xf32, #tpu.memory_space<vmem>>, vector<1x16xf32>,
      %swap3A_3181 = vector.shape_cast %swap3A_3180 : vector<1x16xf32> to vector<16xf32>
      %swap3A_3182 = vector.shape_cast %mul3A_3176 : vector<16xf32> to vector<1x16xf32>
      tpu.vector_store %arg5[%swap3A_3178, %swap3A_3179], %swap3A_3182 {strides = array<i32>} : memref<64x16xf32, #tpu.memory_space<vmem>>, vector<1x16xf32>,
      %get3A_3183 = arith.constant 52 : i32
      %get3A_3184 = arith.index_cast %get3A_3183 : i32 to index
      %get3A_3185 = arith.constant 0 : index
      %get3A_3186 = tpu.vector_load %arg5[%get3A_3184, %get3A_3185] {strides = array<i32>} : memref<64x16xf32, #tpu.memory_space<vmem>>, vector<1x16xf32>,
      %get3A_3187 = vector.shape_cast %get3A_3186 : vector<1x16xf32> to vector<16xf32>
      %mul3A_3188 = arith.mulf %get3A_3187, %div3A_2558 : vector<16xf32>
      %swap3A_3189 = arith.constant 52 : i32
      %swap3A_3190 = arith.index_cast %swap3A_3189 : i32 to index
      %swap3A_3191 = arith.constant 0 : index
      %swap3A_3192 = tpu.vector_load %arg5[%swap3A_3190, %swap3A_3191] {strides = array<i32>} : memref<64x16xf32, #tpu.memory_space<vmem>>, vector<1x16xf32>,
      %swap3A_3193 = vector.shape_cast %swap3A_3192 : vector<1x16xf32> to vector<16xf32>
      %swap3A_3194 = vector.shape_cast %mul3A_3188 : vector<16xf32> to vector<1x16xf32>
      tpu.vector_store %arg5[%swap3A_3190, %swap3A_3191], %swap3A_3194 {strides = array<i32>} : memref<64x16xf32, #tpu.memory_space<vmem>>, vector<1x16xf32>,
      %get3A_3195 = arith.constant 53 : i32
      %get3A_3196 = arith.index_cast %get3A_3195 : i32 to index
      %get3A_3197 = arith.constant 0 : index
      %get3A_3198 = tpu.vector_load %arg5[%get3A_3196, %get3A_3197] {strides = array<i32>} : memref<64x16xf32, #tpu.memory_space<vmem>>, vector<1x16xf32>,
      %get3A_3199 = vector.shape_cast %get3A_3198 : vector<1x16xf32> to vector<16xf32>
      %mul3A_3200 = arith.mulf %get3A_3199, %div3A_2558 : vector<16xf32>
      %swap3A_3201 = arith.constant 53 : i32
      %swap3A_3202 = arith.index_cast %swap3A_3201 : i32 to index
      %swap3A_3203 = arith.constant 0 : index
      %swap3A_3204 = tpu.vector_load %arg5[%swap3A_3202, %swap3A_3203] {strides = array<i32>} : memref<64x16xf32, #tpu.memory_space<vmem>>, vector<1x16xf32>,
      %swap3A_3205 = vector.shape_cast %swap3A_3204 : vector<1x16xf32> to vector<16xf32>
      %swap3A_3206 = vector.shape_cast %mul3A_3200 : vector<16xf32> to vector<1x16xf32>
      tpu.vector_store %arg5[%swap3A_3202, %swap3A_3203], %swap3A_3206 {strides = array<i32>} : memref<64x16xf32, #tpu.memory_space<vmem>>, vector<1x16xf32>,
      %get3A_3207 = arith.constant 54 : i32
      %get3A_3208 = arith.index_cast %get3A_3207 : i32 to index
      %get3A_3209 = arith.constant 0 : index
      %get3A_3210 = tpu.vector_load %arg5[%get3A_3208, %get3A_3209] {strides = array<i32>} : memref<64x16xf32, #tpu.memory_space<vmem>>, vector<1x16xf32>,
      %get3A_3211 = vector.shape_cast %get3A_3210 : vector<1x16xf32> to vector<16xf32>
      %mul3A_3212 = arith.mulf %get3A_3211, %div3A_2558 : vector<16xf32>
      %swap3A_3213 = arith.constant 54 : i32
      %swap3A_3214 = arith.index_cast %swap3A_3213 : i32 to index
      %swap3A_3215 = arith.constant 0 : index
      %swap3A_3216 = tpu.vector_load %arg5[%swap3A_3214, %swap3A_3215] {strides = array<i32>} : memref<64x16xf32, #tpu.memory_space<vmem>>, vector<1x16xf32>,
      %swap3A_3217 = vector.shape_cast %swap3A_3216 : vector<1x16xf32> to vector<16xf32>
      %swap3A_3218 = vector.shape_cast %mul3A_3212 : vector<16xf32> to vector<1x16xf32>
      tpu.vector_store %arg5[%swap3A_3214, %swap3A_3215], %swap3A_3218 {strides = array<i32>} : memref<64x16xf32, #tpu.memory_space<vmem>>, vector<1x16xf32>,
      %get3A_3219 = arith.constant 55 : i32
      %get3A_3220 = arith.index_cast %get3A_3219 : i32 to index
      %get3A_3221 = arith.constant 0 : index
      %get3A_3222 = tpu.vector_load %arg5[%get3A_3220, %get3A_3221] {strides = array<i32>} : memref<64x16xf32, #tpu.memory_space<vmem>>, vector<1x16xf32>,
      %get3A_3223 = vector.shape_cast %get3A_3222 : vector<1x16xf32> to vector<16xf32>
      %mul3A_3224 = arith.mulf %get3A_3223, %div3A_2558 : vector<16xf32>
      %swap3A_3225 = arith.constant 55 : i32
      %swap3A_3226 = arith.index_cast %swap3A_3225 : i32 to index
      %swap3A_3227 = arith.constant 0 : index
      %swap3A_3228 = tpu.vector_load %arg5[%swap3A_3226, %swap3A_3227] {strides = array<i32>} : memref<64x16xf32, #tpu.memory_space<vmem>>, vector<1x16xf32>,
      %swap3A_3229 = vector.shape_cast %swap3A_3228 : vector<1x16xf32> to vector<16xf32>
      %swap3A_3230 = vector.shape_cast %mul3A_3224 : vector<16xf32> to vector<1x16xf32>
      tpu.vector_store %arg5[%swap3A_3226, %swap3A_3227], %swap3A_3230 {strides = array<i32>} : memref<64x16xf32, #tpu.memory_space<vmem>>, vector<1x16xf32>,
      %get3A_3231 = arith.constant 56 : i32
      %get3A_3232 = arith.index_cast %get3A_3231 : i32 to index
      %get3A_3233 = arith.constant 0 : index
      %get3A_3234 = tpu.vector_load %arg5[%get3A_3232, %get3A_3233] {strides = array<i32>} : memref<64x16xf32, #tpu.memory_space<vmem>>, vector<1x16xf32>,
      %get3A_3235 = vector.shape_cast %get3A_3234 : vector<1x16xf32> to vector<16xf32>
      %mul3A_3236 = arith.mulf %get3A_3235, %div3A_2558 : vector<16xf32>
      %swap3A_3237 = arith.constant 56 : i32
      %swap3A_3238 = arith.index_cast %swap3A_3237 : i32 to index
      %swap3A_3239 = arith.constant 0 : index
      %swap3A_3240 = tpu.vector_load %arg5[%swap3A_3238, %swap3A_3239] {strides = array<i32>} : memref<64x16xf32, #tpu.memory_space<vmem>>, vector<1x16xf32>,
      %swap3A_3241 = vector.shape_cast %swap3A_3240 : vector<1x16xf32> to vector<16xf32>
      %swap3A_3242 = vector.shape_cast %mul3A_3236 : vector<16xf32> to vector<1x16xf32>
      tpu.vector_store %arg5[%swap3A_3238, %swap3A_3239], %swap3A_3242 {strides = array<i32>} : memref<64x16xf32, #tpu.memory_space<vmem>>, vector<1x16xf32>,
      %get3A_3243 = arith.constant 57 : i32
      %get3A_3244 = arith.index_cast %get3A_3243 : i32 to index
      %get3A_3245 = arith.constant 0 : index
      %get3A_3246 = tpu.vector_load %arg5[%get3A_3244, %get3A_3245] {strides = array<i32>} : memref<64x16xf32, #tpu.memory_space<vmem>>, vector<1x16xf32>,
      %get3A_3247 = vector.shape_cast %get3A_3246 : vector<1x16xf32> to vector<16xf32>
      %mul3A_3248 = arith.mulf %get3A_3247, %div3A_2558 : vector<16xf32>
      %swap3A_3249 = arith.constant 57 : i32
      %swap3A_3250 = arith.index_cast %swap3A_3249 : i32 to index
      %swap3A_3251 = arith.constant 0 : index
      %swap3A_3252 = tpu.vector_load %arg5[%swap3A_3250, %swap3A_3251] {strides = array<i32>} : memref<64x16xf32, #tpu.memory_space<vmem>>, vector<1x16xf32>,
      %swap3A_3253 = vector.shape_cast %swap3A_3252 : vector<1x16xf32> to vector<16xf32>
      %swap3A_3254 = vector.shape_cast %mul3A_3248 : vector<16xf32> to vector<1x16xf32>
      tpu.vector_store %arg5[%swap3A_3250, %swap3A_3251], %swap3A_3254 {strides = array<i32>} : memref<64x16xf32, #tpu.memory_space<vmem>>, vector<1x16xf32>,
      %get3A_3255 = arith.constant 58 : i32
      %get3A_3256 = arith.index_cast %get3A_3255 : i32 to index
      %get3A_3257 = arith.constant 0 : index
      %get3A_3258 = tpu.vector_load %arg5[%get3A_3256, %get3A_3257] {strides = array<i32>} : memref<64x16xf32, #tpu.memory_space<vmem>>, vector<1x16xf32>,
      %get3A_3259 = vector.shape_cast %get3A_3258 : vector<1x16xf32> to vector<16xf32>
      %mul3A_3260 = arith.mulf %get3A_3259, %div3A_2558 : vector<16xf32>
      %swap3A_3261 = arith.constant 58 : i32
      %swap3A_3262 = arith.index_cast %swap3A_3261 : i32 to index
      %swap3A_3263 = arith.constant 0 : index
      %swap3A_3264 = tpu.vector_load %arg5[%swap3A_3262, %swap3A_3263] {strides = array<i32>} : memref<64x16xf32, #tpu.memory_space<vmem>>, vector<1x16xf32>,
      %swap3A_3265 = vector.shape_cast %swap3A_3264 : vector<1x16xf32> to vector<16xf32>
      %swap3A_3266 = vector.shape_cast %mul3A_3260 : vector<16xf32> to vector<1x16xf32>
      tpu.vector_store %arg5[%swap3A_3262, %swap3A_3263], %swap3A_3266 {strides = array<i32>} : memref<64x16xf32, #tpu.memory_space<vmem>>, vector<1x16xf32>,
      %get3A_3267 = arith.constant 59 : i32
      %get3A_3268 = arith.index_cast %get3A_3267 : i32 to index
      %get3A_3269 = arith.constant 0 : index
      %get3A_3270 = tpu.vector_load %arg5[%get3A_3268, %get3A_3269] {strides = array<i32>} : memref<64x16xf32, #tpu.memory_space<vmem>>, vector<1x16xf32>,
      %get3A_3271 = vector.shape_cast %get3A_3270 : vector<1x16xf32> to vector<16xf32>
      %mul3A_3272 = arith.mulf %get3A_3271, %div3A_2558 : vector<16xf32>
      %swap3A_3273 = arith.constant 59 : i32
      %swap3A_3274 = arith.index_cast %swap3A_3273 : i32 to index
      %swap3A_3275 = arith.constant 0 : index
      %swap3A_3276 = tpu.vector_load %arg5[%swap3A_3274, %swap3A_3275] {strides = array<i32>} : memref<64x16xf32, #tpu.memory_space<vmem>>, vector<1x16xf32>,
      %swap3A_3277 = vector.shape_cast %swap3A_3276 : vector<1x16xf32> to vector<16xf32>
      %swap3A_3278 = vector.shape_cast %mul3A_3272 : vector<16xf32> to vector<1x16xf32>
      tpu.vector_store %arg5[%swap3A_3274, %swap3A_3275], %swap3A_3278 {strides = array<i32>} : memref<64x16xf32, #tpu.memory_space<vmem>>, vector<1x16xf32>,
      %get3A_3279 = arith.constant 60 : i32
      %get3A_3280 = arith.index_cast %get3A_3279 : i32 to index
      %get3A_3281 = arith.constant 0 : index
      %get3A_3282 = tpu.vector_load %arg5[%get3A_3280, %get3A_3281] {strides = array<i32>} : memref<64x16xf32, #tpu.memory_space<vmem>>, vector<1x16xf32>,
      %get3A_3283 = vector.shape_cast %get3A_3282 : vector<1x16xf32> to vector<16xf32>
      %mul3A_3284 = arith.mulf %get3A_3283, %div3A_2558 : vector<16xf32>
      %swap3A_3285 = arith.constant 60 : i32
      %swap3A_3286 = arith.index_cast %swap3A_3285 : i32 to index
      %swap3A_3287 = arith.constant 0 : index
      %swap3A_3288 = tpu.vector_load %arg5[%swap3A_3286, %swap3A_3287] {strides = array<i32>} : memref<64x16xf32, #tpu.memory_space<vmem>>, vector<1x16xf32>,
      %swap3A_3289 = vector.shape_cast %swap3A_3288 : vector<1x16xf32> to vector<16xf32>
      %swap3A_3290 = vector.shape_cast %mul3A_3284 : vector<16xf32> to vector<1x16xf32>
      tpu.vector_store %arg5[%swap3A_3286, %swap3A_3287], %swap3A_3290 {strides = array<i32>} : memref<64x16xf32, #tpu.memory_space<vmem>>, vector<1x16xf32>,
      %get3A_3291 = arith.constant 61 : i32
      %get3A_3292 = arith.index_cast %get3A_3291 : i32 to index
      %get3A_3293 = arith.constant 0 : index
      %get3A_3294 = tpu.vector_load %arg5[%get3A_3292, %get3A_3293] {strides = array<i32>} : memref<64x16xf32, #tpu.memory_space<vmem>>, vector<1x16xf32>,
      %get3A_3295 = vector.shape_cast %get3A_3294 : vector<1x16xf32> to vector<16xf32>
      %mul3A_3296 = arith.mulf %get3A_3295, %div3A_2558 : vector<16xf32>
      %swap3A_3297 = arith.constant 61 : i32
      %swap3A_3298 = arith.index_cast %swap3A_3297 : i32 to index
      %swap3A_3299 = arith.constant 0 : index
      %swap3A_3300 = tpu.vector_load %arg5[%swap3A_3298, %swap3A_3299] {strides = array<i32>} : memref<64x16xf32, #tpu.memory_space<vmem>>, vector<1x16xf32>,
      %swap3A_3301 = vector.shape_cast %swap3A_3300 : vector<1x16xf32> to vector<16xf32>
      %swap3A_3302 = vector.shape_cast %mul3A_3296 : vector<16xf32> to vector<1x16xf32>
      tpu.vector_store %arg5[%swap3A_3298, %swap3A_3299], %swap3A_3302 {strides = array<i32>} : memref<64x16xf32, #tpu.memory_space<vmem>>, vector<1x16xf32>,
      %get3A_3303 = arith.constant 62 : i32
      %get3A_3304 = arith.index_cast %get3A_3303 : i32 to index
      %get3A_3305 = arith.constant 0 : index
      %get3A_3306 = tpu.vector_load %arg5[%get3A_3304, %get3A_3305] {strides = array<i32>} : memref<64x16xf32, #tpu.memory_space<vmem>>, vector<1x16xf32>,
      %get3A_3307 = vector.shape_cast %get3A_3306 : vector<1x16xf32> to vector<16xf32>
      %mul3A_3308 = arith.mulf %get3A_3307, %div3A_2558 : vector<16xf32>
      %swap3A_3309 = arith.constant 62 : i32
      %swap3A_3310 = arith.index_cast %swap3A_3309 : i32 to index
      %swap3A_3311 = arith.constant 0 : index
      %swap3A_3312 = tpu.vector_load %arg5[%swap3A_3310, %swap3A_3311] {strides = array<i32>} : memref<64x16xf32, #tpu.memory_space<vmem>>, vector<1x16xf32>,
      %swap3A_3313 = vector.shape_cast %swap3A_3312 : vector<1x16xf32> to vector<16xf32>
      %swap3A_3314 = vector.shape_cast %mul3A_3308 : vector<16xf32> to vector<1x16xf32>
      tpu.vector_store %arg5[%swap3A_3310, %swap3A_3311], %swap3A_3314 {strides = array<i32>} : memref<64x16xf32, #tpu.memory_space<vmem>>, vector<1x16xf32>,
      %get3A_3315 = arith.constant 63 : i32
      %get3A_3316 = arith.index_cast %get3A_3315 : i32 to index
      %get3A_3317 = arith.constant 0 : index
      %get3A_3318 = tpu.vector_load %arg5[%get3A_3316, %get3A_3317] {strides = array<i32>} : memref<64x16xf32, #tpu.memory_space<vmem>>, vector<1x16xf32>,
      %get3A_3319 = vector.shape_cast %get3A_3318 : vector<1x16xf32> to vector<16xf32>
      %mul3A_3320 = arith.mulf %get3A_3319, %div3A_2558 : vector<16xf32>
      %swap3A_3321 = arith.constant 63 : i32
      %swap3A_3322 = arith.index_cast %swap3A_3321 : i32 to index
      %swap3A_3323 = arith.constant 0 : index
      %swap3A_3324 = tpu.vector_load %arg5[%swap3A_3322, %swap3A_3323] {strides = array<i32>} : memref<64x16xf32, #tpu.memory_space<vmem>>, vector<1x16xf32>,
      %swap3A_3325 = vector.shape_cast %swap3A_3324 : vector<1x16xf32> to vector<16xf32>
      %swap3A_3326 = vector.shape_cast %mul3A_3320 : vector<16xf32> to vector<1x16xf32>
      tpu.vector_store %arg5[%swap3A_3322, %swap3A_3323], %swap3A_3326 {strides = array<i32>} : memref<64x16xf32, #tpu.memory_space<vmem>>, vector<1x16xf32>,
      "tpu.region"() ({
        %run_scoped3A = tpu.sem_alloc : memref<!tpu.dma_semaphore, #tpu.memory_space<semaphore_mem>>
        %dma_start3A = arith.constant 0 : i32
        %dma_start3A_3327 = arith.constant 0 : i32
        %dma_start3A_3328 = tpu.memref_slice %arg3[%add3A, %dma_start3A, %dma_start3A_3327] : memref<4x64x16xf32, #tpu.memory_space<hbm>> -> memref<1x64x16xf32, #tpu.memory_space<hbm>>
        %dma_start3A_3329 = tpu.memref_squeeze %dma_start3A_3328 : memref<1x64x16xf32, #tpu.memory_space<hbm>> -> memref<64x16xf32, #tpu.memory_space<hbm>>
        %dma_start3A_3330 = arith.constant 0 : i32
        %dma_start3A_3331 = arith.constant 0 : i32
        %dma_start3A_3332 = tpu.memref_slice %arg3[%add3A, %dma_start3A_3330, %dma_start3A_3331] : memref<4x64x16xf32, #tpu.memory_space<hbm>> -> memref<1x64x16xf32, #tpu.memory_space<hbm>>
        %dma_start3A_3333 = tpu.memref_squeeze %dma_start3A_3332 : memref<1x64x16xf32, #tpu.memory_space<hbm>> -> memref<64x16xf32, #tpu.memory_space<hbm>>
        tpu.enqueue_dma source(%arg5 : memref<64x16xf32, #tpu.memory_space<vmem>>) target(%dma_start3A_3333 : memref<64x16xf32, #tpu.memory_space<hbm>>) target_semaphore(%run_scoped3A : memref<!tpu.dma_semaphore, #tpu.memory_space<semaphore_mem>>)
        %dma_wait3A = arith.constant 0 : i32
        %dma_wait3A_3334 = arith.constant 0 : i32
        %dma_wait3A_3335 = tpu.memref_slice %arg3[%add3A, %dma_wait3A, %dma_wait3A_3334] : memref<4x64x16xf32, #tpu.memory_space<hbm>> -> memref<1x64x16xf32, #tpu.memory_space<hbm>>
        %dma_wait3A_3336 = tpu.memref_squeeze %dma_wait3A_3335 : memref<1x64x16xf32, #tpu.memory_space<hbm>> -> memref<64x16xf32, #tpu.memory_space<hbm>>
        %dma_wait3A_3337 = arith.constant 0 : i32
        %dma_wait3A_3338 = arith.constant 0 : i32
        %dma_wait3A_3339 = tpu.memref_slice %arg3[%add3A, %dma_wait3A_3337, %dma_wait3A_3338] : memref<4x64x16xf32, #tpu.memory_space<hbm>> -> memref<1x64x16xf32, #tpu.memory_space<hbm>>
        %dma_wait3A_3340 = tpu.memref_squeeze %dma_wait3A_3339 : memref<1x64x16xf32, #tpu.memory_space<hbm>> -> memref<64x16xf32, #tpu.memory_space<hbm>>
        tpu.wait_dma2 semaphore(%run_scoped3A : memref<!tpu.dma_semaphore, #tpu.memory_space<semaphore_mem>>) src(%arg5 : memref<64x16xf32, #tpu.memory_space<vmem>>) dst(%dma_wait3A_3340 : memref<64x16xf32, #tpu.memory_space<hbm>>)
        tpu.yield
      }) : () -> ()
    } else {
    }
    return
  }
}

module attributes {stable_mosaic.version = 14 : i64} {
  func.func @_shared_body(%arg0: i32, %arg1: memref<2048x64xf32, #tpu.memory_space<vmem>>, %arg2: memref<2048x64xbf16, #tpu.memory_space<vmem>>, %arg3: memref<512x2048xf32, #tpu.memory_space<vmem>>, %arg4: memref<512x2048xf32, #tpu.memory_space<vmem>>, %arg5: memref<2048x512xf32, #tpu.memory_space<vmem>>, %arg6: memref<1x2048xf32, #tpu.memory_space<vmem>>, %arg7: memref<64x64xf32, #tpu.memory_space<vmem>>, %arg8: memref<2048x64xf32, #tpu.memory_space<vmem>>) attributes {dimension_semantics = [#tpu.dimension_semantics<arbitrary>], iteration_bounds = array<i64: 1>, scalar_prefetch = 0 : i64, scratch_operands = 0 : i64, tpu.core_type = #tpu.core_type<tc>, window_params = [{pipeline_mode = #tpu.pipeline_mode<synchronous>, transform_indices = @transform_0, window_bounds = array<i64: 2048, 64>}, {pipeline_mode = #tpu.pipeline_mode<synchronous>, transform_indices = @transform_1, window_bounds = array<i64: 2048, 64>}, {pipeline_mode = #tpu.pipeline_mode<synchronous>, transform_indices = @transform_2, window_bounds = array<i64: 512, 2048>}, {pipeline_mode = #tpu.pipeline_mode<synchronous>, transform_indices = @transform_3, window_bounds = array<i64: 512, 2048>}, {pipeline_mode = #tpu.pipeline_mode<synchronous>, transform_indices = @transform_4, window_bounds = array<i64: 2048, 512>}, {pipeline_mode = #tpu.pipeline_mode<synchronous>, transform_indices = @transform_5, window_bounds = array<i64: 1, 2048>}, {pipeline_mode = #tpu.pipeline_mode<synchronous>, transform_indices = @transform_6, window_bounds = array<i64: 64, 64>}, {pipeline_mode = #tpu.pipeline_mode<synchronous>, transform_indices = @transform_7, window_bounds = array<i64: 2048, 64>}]} {
    %get3A = arith.constant 0 : index
    %get3A_0 = arith.constant 0 : index
    %get3A_1 = vector.load %arg2[%get3A, %get3A_0] : memref<2048x64xbf16, #tpu.memory_space<vmem>>, vector<2048x64xbf16>
    %get3A_2 = arith.constant 0 : index
    %get3A_3 = arith.constant 0 : index
    %get3A_4 = vector.load %arg3[%get3A_2, %get3A_3] : memref<512x2048xf32, #tpu.memory_space<vmem>>, vector<512x2048xf32>
    %convert_element_type3A = arith.truncf %get3A_4 : vector<512x2048xf32> to vector<512x2048xbf16>
    %dot_general3A = arith.constant dense<0.000000e+00> : vector<512x64xf32>
    %dot_general3A_5 = tpu.matmul %convert_element_type3A, %get3A_1, %dot_general3A {dimension_numbers = #tpu.dot_dimension_numbers<[1], [0], [0], [1], [0, 0, 1, 1], [], []>, transpose_lhs_hint = false} : vector<512x2048xbf16>, vector<2048x64xbf16>, vector<512x64xf32> -> vector<512x64xf32>
    %get3A_6 = arith.constant 0 : index
    %get3A_7 = arith.constant 0 : index
    %get3A_8 = vector.load %arg4[%get3A_6, %get3A_7] : memref<512x2048xf32, #tpu.memory_space<vmem>>, vector<512x2048xf32>
    %convert_element_type3A_9 = arith.truncf %get3A_8 : vector<512x2048xf32> to vector<512x2048xbf16>
    %dot_general3A_10 = arith.constant dense<0.000000e+00> : vector<512x64xf32>
    %dot_general3A_11 = tpu.matmul %convert_element_type3A_9, %get3A_1, %dot_general3A_10 {dimension_numbers = #tpu.dot_dimension_numbers<[1], [0], [0], [1], [0, 0, 1, 1], [], []>, transpose_lhs_hint = false} : vector<512x2048xbf16>, vector<2048x64xbf16>, vector<512x64xf32> -> vector<512x64xf32>
    %logistic3A = arith.negf %dot_general3A_5 : vector<512x64xf32>
    %logistic3A_12 = math.exp %logistic3A : vector<512x64xf32>
    %logistic3A_13 = arith.constant 1.000000e+00 : f32
    %logistic3A_14 = vector.broadcast %logistic3A_13 : f32 to vector<512x64xf32>
    %logistic3A_15 = arith.addf %logistic3A_14, %logistic3A_12 : vector<512x64xf32>
    %logistic3A_16 = arith.divf %logistic3A_14, %logistic3A_15 : vector<512x64xf32>
    %mul3A = arith.mulf %dot_general3A_5, %logistic3A_16 : vector<512x64xf32>
    %mul3A_17 = arith.mulf %mul3A, %dot_general3A_11 : vector<512x64xf32>
    %get3A_18 = arith.constant 0 : index
    %get3A_19 = arith.constant 0 : index
    %get3A_20 = vector.load %arg5[%get3A_18, %get3A_19] : memref<2048x512xf32, #tpu.memory_space<vmem>>, vector<2048x512xf32>
    %convert_element_type3A_21 = arith.truncf %get3A_20 : vector<2048x512xf32> to vector<2048x512xbf16>
    %convert_element_type3A_22 = arith.truncf %mul3A_17 : vector<512x64xf32> to vector<512x64xbf16>
    %dot_general3A_23 = arith.constant dense<0.000000e+00> : vector<2048x64xf32>
    %dot_general3A_24 = tpu.matmul %convert_element_type3A_21, %convert_element_type3A_22, %dot_general3A_23 {dimension_numbers = #tpu.dot_dimension_numbers<[1], [0], [0], [1], [0, 0, 1, 1], [], []>, transpose_lhs_hint = false} : vector<2048x512xbf16>, vector<512x64xbf16>, vector<2048x64xf32> -> vector<2048x64xf32>
    %get3A_25 = arith.constant 0 : index
    %get3A_26 = arith.constant 0 : index
    %get3A_27 = vector.load %arg6[%get3A_25, %get3A_26] : memref<1x2048xf32, #tpu.memory_space<vmem>>, vector<1x2048xf32>
    %get3A_28 = arith.constant 0 : index
    %get3A_29 = arith.constant 0 : index
    %get3A_30 = vector.load %arg1[%get3A_28, %get3A_29] : memref<2048x64xf32, #tpu.memory_space<vmem>>, vector<2048x64xf32>
    %dot_general3A_31 = arith.constant dense<0.000000e+00> : vector<1x64xf32>
    %dot_general3A_32 = tpu.matmul %get3A_27, %get3A_30, %dot_general3A_31 {dimension_numbers = #tpu.dot_dimension_numbers<[1], [0], [0], [1], [0, 0, 1, 1], [], []>, transpose_lhs_hint = false} : vector<1x2048xf32>, vector<2048x64xf32>, vector<1x64xf32> -> vector<1x64xf32>
    %logistic3A_33 = arith.negf %dot_general3A_32 : vector<1x64xf32>
    %logistic3A_34 = math.exp %logistic3A_33 : vector<1x64xf32>
    %logistic3A_35 = arith.constant 1.000000e+00 : f32
    %logistic3A_36 = vector.broadcast %logistic3A_35 : f32 to vector<1x64xf32>
    %logistic3A_37 = arith.addf %logistic3A_36, %logistic3A_34 : vector<1x64xf32>
    %logistic3A_38 = arith.divf %logistic3A_36, %logistic3A_37 : vector<1x64xf32>
    %mul3A_39 = vector.broadcast %logistic3A_38 : vector<1x64xf32> to vector<2048x64xf32>
    %mul3A_40 = arith.mulf %dot_general3A_24, %mul3A_39 : vector<2048x64xf32>
    %get3A_41 = arith.constant 0 : index
    %get3A_42 = arith.constant 0 : index
    %get3A_43 = vector.load %arg7[%get3A_41, %get3A_42] : memref<64x64xf32, #tpu.memory_space<vmem>>, vector<1x64xf32>
    %mul3A_44 = arith.constant 0.000000e+00 : f32
    %mul3A_45 = vector.broadcast %mul3A_44 : f32 to vector<1x64xf32>
    %mul3A_46 = arith.mulf %mul3A_45, %get3A_43 : vector<1x64xf32>
    %add3A = vector.broadcast %mul3A_46 : vector<1x64xf32> to vector<2048x64xf32>
    %add3A_47 = arith.addf %mul3A_40, %add3A : vector<2048x64xf32>
    %swap3A = arith.constant 0 : index
    %swap3A_48 = arith.constant 0 : index
    %swap3A_49 = vector.load %arg8[%swap3A, %swap3A_48] : memref<2048x64xf32, #tpu.memory_space<vmem>>, vector<2048x64xf32>
    tpu.vector_store %arg8[%swap3A, %swap3A_48], %add3A_47 {strides = array<i32>} : memref<2048x64xf32, #tpu.memory_space<vmem>>, vector<2048x64xf32>,
    return
  }
  func.func @transform_0(%arg0: i32) -> (i32, i32) {
    %c0_i32 = arith.constant 0 : i32
    %c0_i32_0 = arith.constant 0 : i32
    %c0_i32_1 = arith.constant 0 : i32
    return %c0_i32, %c0_i32_0 : i32, i32
  }
  func.func @transform_1(%arg0: i32) -> (i32, i32) {
    %c0_i32 = arith.constant 0 : i32
    %c0_i32_0 = arith.constant 0 : i32
    %c0_i32_1 = arith.constant 0 : i32
    return %c0_i32, %c0_i32_0 : i32, i32
  }
  func.func @transform_2(%arg0: i32) -> (i32, i32) {
    %c0_i32 = arith.constant 0 : i32
    %c0_i32_0 = arith.constant 0 : i32
    %c0_i32_1 = arith.constant 0 : i32
    return %c0_i32, %c0_i32_0 : i32, i32
  }
  func.func @transform_3(%arg0: i32) -> (i32, i32) {
    %c0_i32 = arith.constant 0 : i32
    %c0_i32_0 = arith.constant 0 : i32
    %c0_i32_1 = arith.constant 0 : i32
    return %c0_i32, %c0_i32_0 : i32, i32
  }
  func.func @transform_4(%arg0: i32) -> (i32, i32) {
    %c0_i32 = arith.constant 0 : i32
    %c0_i32_0 = arith.constant 0 : i32
    %c0_i32_1 = arith.constant 0 : i32
    return %c0_i32, %c0_i32_0 : i32, i32
  }
  func.func @transform_5(%arg0: i32) -> (i32, i32) {
    %c0_i32 = arith.constant 0 : i32
    %c0_i32_0 = arith.constant 0 : i32
    %c0_i32_1 = arith.constant 0 : i32
    return %c0_i32, %c0_i32_0 : i32, i32
  }
  func.func @transform_6(%arg0: i32) -> (i32, i32) {
    %c0_i32 = arith.constant 0 : i32
    %c0_i32_0 = arith.constant 0 : i32
    %c0_i32_1 = arith.constant 0 : i32
    return %c0_i32, %c0_i32_0 : i32, i32
  }
  func.func @transform_7(%arg0: i32) -> (i32, i32) {
    %c0_i32 = arith.constant 0 : i32
    %c0_i32_0 = arith.constant 0 : i32
    %c0_i32_1 = arith.constant 0 : i32
    return %c0_i32, %c0_i32_0 : i32, i32
  }
}

module attributes {stable_mosaic.version = 14 : i64} {
  func.func @_logits_body(%arg0: i32, %arg1: memref<64x2048xf32, #tpu.memory_space<vmem>>, %arg2: memref<2048x64xf32, #tpu.memory_space<vmem>>, %arg3: memref<64x64xf32, #tpu.memory_space<vmem>>, %arg4: memref<4x64x16xf32, #tpu.memory_space<vmem>>) attributes {dimension_semantics = [#tpu.dimension_semantics<arbitrary>], iteration_bounds = array<i64: 1>, scalar_prefetch = 0 : i64, scratch_operands = 0 : i64, tpu.core_type = #tpu.core_type<tc>, window_params = [{pipeline_mode = #tpu.pipeline_mode<synchronous>, transform_indices = @transform_0, window_bounds = array<i64: 64, 2048>}, {pipeline_mode = #tpu.pipeline_mode<synchronous>, transform_indices = @transform_1, window_bounds = array<i64: 2048, 64>}, {pipeline_mode = #tpu.pipeline_mode<synchronous>, transform_indices = @transform_2, window_bounds = array<i64: 64, 64>}, {pipeline_mode = #tpu.pipeline_mode<synchronous>, transform_indices = @transform_3, window_bounds = array<i64: 4, 64, 16>}]} {
    %get3A = arith.constant 0 : index
    %get3A_0 = arith.constant 0 : index
    %get3A_1 = vector.load %arg1[%get3A, %get3A_0] : memref<64x2048xf32, #tpu.memory_space<vmem>>, vector<64x2048xf32>
    %get3A_2 = arith.constant 0 : index
    %get3A_3 = arith.constant 0 : index
    %get3A_4 = vector.load %arg2[%get3A_2, %get3A_3] : memref<2048x64xf32, #tpu.memory_space<vmem>>, vector<2048x64xf32>
    %dot_general3A = arith.constant dense<0.000000e+00> : vector<64x64xf32>
    %dot_general3A_5 = tpu.matmul %get3A_1, %get3A_4, %dot_general3A {dimension_numbers = #tpu.dot_dimension_numbers<[1], [0], [0], [1], [0, 0, 1, 1], [], []>, transpose_lhs_hint = false} : vector<64x2048xf32>, vector<2048x64xf32>, vector<64x64xf32> -> vector<64x64xf32>
    %swap3A = arith.constant 0 : index
    %swap3A_6 = arith.constant 0 : index
    %swap3A_7 = vector.load %arg3[%swap3A, %swap3A_6] : memref<64x64xf32, #tpu.memory_space<vmem>>, vector<64x64xf32>
    tpu.vector_store %arg3[%swap3A, %swap3A_6], %dot_general3A_5 {strides = array<i32>} : memref<64x64xf32, #tpu.memory_space<vmem>>, vector<64x64xf32>,
    %slice3A = vector.extract_strided_slice %dot_general3A_5 {offsets = [0, 0], sizes = [64, 16], strides = [1, 1]} : vector<64x64xf32> to vector<64x16xf32>
    %swap3A_8 = arith.constant 0 : index
    %swap3A_9 = arith.constant 0 : index
    %swap3A_10 = arith.constant 0 : index
    %swap3A_11 = vector.load %arg4[%swap3A_8, %swap3A_9, %swap3A_10] : memref<4x64x16xf32, #tpu.memory_space<vmem>>, vector<1x64x16xf32>
    %swap3A_12 = vector.shape_cast %swap3A_11 : vector<1x64x16xf32> to vector<64x16xf32>
    %swap3A_13 = vector.shape_cast %slice3A : vector<64x16xf32> to vector<1x64x16xf32>
    tpu.vector_store %arg4[%swap3A_8, %swap3A_9, %swap3A_10], %swap3A_13 {strides = array<i32>} : memref<4x64x16xf32, #tpu.memory_space<vmem>>, vector<1x64x16xf32>,
    %slice3A_14 = vector.extract_strided_slice %dot_general3A_5 {offsets = [0, 16], sizes = [64, 16], strides = [1, 1]} : vector<64x64xf32> to vector<64x16xf32>
    %swap3A_15 = arith.constant 1 : index
    %swap3A_16 = arith.constant 0 : index
    %swap3A_17 = arith.constant 0 : index
    %swap3A_18 = vector.load %arg4[%swap3A_15, %swap3A_16, %swap3A_17] : memref<4x64x16xf32, #tpu.memory_space<vmem>>, vector<1x64x16xf32>
    %swap3A_19 = vector.shape_cast %swap3A_18 : vector<1x64x16xf32> to vector<64x16xf32>
    %swap3A_20 = vector.shape_cast %slice3A_14 : vector<64x16xf32> to vector<1x64x16xf32>
    tpu.vector_store %arg4[%swap3A_15, %swap3A_16, %swap3A_17], %swap3A_20 {strides = array<i32>} : memref<4x64x16xf32, #tpu.memory_space<vmem>>, vector<1x64x16xf32>,
    %slice3A_21 = vector.extract_strided_slice %dot_general3A_5 {offsets = [0, 32], sizes = [64, 16], strides = [1, 1]} : vector<64x64xf32> to vector<64x16xf32>
    %swap3A_22 = arith.constant 2 : index
    %swap3A_23 = arith.constant 0 : index
    %swap3A_24 = arith.constant 0 : index
    %swap3A_25 = vector.load %arg4[%swap3A_22, %swap3A_23, %swap3A_24] : memref<4x64x16xf32, #tpu.memory_space<vmem>>, vector<1x64x16xf32>
    %swap3A_26 = vector.shape_cast %swap3A_25 : vector<1x64x16xf32> to vector<64x16xf32>
    %swap3A_27 = vector.shape_cast %slice3A_21 : vector<64x16xf32> to vector<1x64x16xf32>
    tpu.vector_store %arg4[%swap3A_22, %swap3A_23, %swap3A_24], %swap3A_27 {strides = array<i32>} : memref<4x64x16xf32, #tpu.memory_space<vmem>>, vector<1x64x16xf32>,
    %slice3A_28 = vector.extract_strided_slice %dot_general3A_5 {offsets = [0, 48], sizes = [64, 16], strides = [1, 1]} : vector<64x64xf32> to vector<64x16xf32>
    %swap3A_29 = arith.constant 3 : index
    %swap3A_30 = arith.constant 0 : index
    %swap3A_31 = arith.constant 0 : index
    %swap3A_32 = vector.load %arg4[%swap3A_29, %swap3A_30, %swap3A_31] : memref<4x64x16xf32, #tpu.memory_space<vmem>>, vector<1x64x16xf32>
    %swap3A_33 = vector.shape_cast %swap3A_32 : vector<1x64x16xf32> to vector<64x16xf32>
    %swap3A_34 = vector.shape_cast %slice3A_28 : vector<64x16xf32> to vector<1x64x16xf32>
    tpu.vector_store %arg4[%swap3A_29, %swap3A_30, %swap3A_31], %swap3A_34 {strides = array<i32>} : memref<4x64x16xf32, #tpu.memory_space<vmem>>, vector<1x64x16xf32>,
    return
  }
  func.func @transform_0(%arg0: i32) -> (i32, i32) {
    %c0_i32 = arith.constant 0 : i32
    %c0_i32_0 = arith.constant 0 : i32
    %c0_i32_1 = arith.constant 0 : i32
    return %c0_i32, %c0_i32_0 : i32, i32
  }
  func.func @transform_1(%arg0: i32) -> (i32, i32) {
    %c0_i32 = arith.constant 0 : i32
    %c0_i32_0 = arith.constant 0 : i32
    %c0_i32_1 = arith.constant 0 : i32
    return %c0_i32, %c0_i32_0 : i32, i32
  }
  func.func @transform_2(%arg0: i32) -> (i32, i32) {
    %c0_i32 = arith.constant 0 : i32
    %c0_i32_0 = arith.constant 0 : i32
    %c0_i32_1 = arith.constant 0 : i32
    return %c0_i32, %c0_i32_0 : i32, i32
  }
  func.func @transform_3(%arg0: i32) -> (i32, i32, i32) {
    %c0_i32 = arith.constant 0 : i32
    %c0_i32_0 = arith.constant 0 : i32
    %c0_i32_1 = arith.constant 0 : i32
    %c0_i32_2 = arith.constant 0 : i32
    return %c0_i32, %c0_i32_0, %c0_i32_1 : i32, i32, i32
  }
}

module attributes {stable_mosaic.version = 14 : i64} {
  func.func @_moe_body(%arg0: i32, %arg1: memref<2048x64xbf16, #tpu.memory_space<vmem>>, %arg2: memref<4x64x16xf32, #tpu.memory_space<vmem>>, %arg3: memref<2048x64xf32, #tpu.memory_space<vmem>>, %arg4: memref<1x512x2048xf32, #tpu.memory_space<vmem>>, %arg5: memref<1x512x2048xf32, #tpu.memory_space<vmem>>, %arg6: memref<1x2048x512xf32, #tpu.memory_space<vmem>>, %arg7: memref<2048x64xf32, #tpu.memory_space<vmem>>) attributes {dimension_semantics = [#tpu.dimension_semantics<arbitrary>], iteration_bounds = array<i64: 64>, scalar_prefetch = 0 : i64, scratch_operands = 0 : i64, tpu.core_type = #tpu.core_type<tc>, window_params = [{pipeline_mode = #tpu.pipeline_mode<synchronous>, transform_indices = @transform_0, window_bounds = array<i64: 2048, 64>}, {pipeline_mode = #tpu.pipeline_mode<synchronous>, transform_indices = @transform_1, window_bounds = array<i64: 4, 64, 16>}, {pipeline_mode = #tpu.pipeline_mode<synchronous>, transform_indices = @transform_2, window_bounds = array<i64: 2048, 64>}, {transform_indices = @transform_3, window_bounds = array<i64: 1, 512, 2048>}, {transform_indices = @transform_4, window_bounds = array<i64: 1, 512, 2048>}, {transform_indices = @transform_5, window_bounds = array<i64: 1, 2048, 512>}, {pipeline_mode = #tpu.pipeline_mode<synchronous>, transform_indices = @transform_6, window_bounds = array<i64: 2048, 64>}]} {
    %eq3A = arith.constant 0 : i32
    %eq3A_0 = arith.cmpi eq, %arg0, %eq3A : i32
    %convert_element_type3A = arith.extui %eq3A_0 : i1 to i32
    %cond3A = arith.constant 0 : i32
    %cond3A_1 = arith.cmpi ne, %convert_element_type3A, %cond3A : i32
    scf.if %cond3A_1 {
      %get3A_61 = arith.constant 0 : index
      %get3A_62 = arith.constant 0 : index
      %get3A_63 = vector.load %arg3[%get3A_61, %get3A_62] : memref<2048x64xf32, #tpu.memory_space<vmem>>, vector<2048x64xf32>
      %swap3A_64 = arith.constant 0 : index
      %swap3A_65 = arith.constant 0 : index
      %swap3A_66 = vector.load %arg7[%swap3A_64, %swap3A_65] : memref<2048x64xf32, #tpu.memory_space<vmem>>, vector<2048x64xf32>
      tpu.vector_store %arg7[%swap3A_64, %swap3A_65], %get3A_63 {strides = array<i32>} : memref<2048x64xf32, #tpu.memory_space<vmem>>, vector<2048x64xf32>,
    } else {
    }
    %get3A = arith.constant 0 : index
    %get3A_2 = arith.constant 0 : index
    %get3A_3 = vector.load %arg1[%get3A, %get3A_2] : memref<2048x64xbf16, #tpu.memory_space<vmem>>, vector<2048x64xbf16>
    %get3A_4 = arith.constant 0 : index
    %get3A_5 = arith.index_cast %arg0 : i32 to index
    %get3A_6 = arith.constant 0 : index
    %get3A_7 = vector.load %arg2[%get3A_4, %get3A_5, %get3A_6] : memref<4x64x16xf32, #tpu.memory_space<vmem>>, vector<1x1x16xf32>
    %get3A_8 = vector.shape_cast %get3A_7 : vector<1x1x16xf32> to vector<1x16xf32>
    %get3A_9 = arith.constant 1 : index
    %get3A_10 = arith.index_cast %arg0 : i32 to index
    %get3A_11 = arith.constant 0 : index
    %get3A_12 = vector.load %arg2[%get3A_9, %get3A_10, %get3A_11] : memref<4x64x16xf32, #tpu.memory_space<vmem>>, vector<1x1x16xf32>
    %get3A_13 = vector.shape_cast %get3A_12 : vector<1x1x16xf32> to vector<1x16xf32>
    %get3A_14 = arith.constant 2 : index
    %get3A_15 = arith.index_cast %arg0 : i32 to index
    %get3A_16 = arith.constant 0 : index
    %get3A_17 = vector.load %arg2[%get3A_14, %get3A_15, %get3A_16] : memref<4x64x16xf32, #tpu.memory_space<vmem>>, vector<1x1x16xf32>
    %get3A_18 = vector.shape_cast %get3A_17 : vector<1x1x16xf32> to vector<1x16xf32>
    %get3A_19 = arith.constant 3 : index
    %get3A_20 = arith.index_cast %arg0 : i32 to index
    %get3A_21 = arith.constant 0 : index
    %get3A_22 = vector.load %arg2[%get3A_19, %get3A_20, %get3A_21] : memref<4x64x16xf32, #tpu.memory_space<vmem>>, vector<1x1x16xf32>
    %get3A_23 = vector.shape_cast %get3A_22 : vector<1x1x16xf32> to vector<1x16xf32>
    %concatenate3A = tpu.concatenate %get3A_8, %get3A_13, %get3A_18, %get3A_23 in 1 : vector<1x16xf32>, vector<1x16xf32>, vector<1x16xf32>, vector<1x16xf32> -> vector<1x64xf32>
    %get3A_24 = arith.constant 0 : index
    %get3A_25 = arith.constant 0 : index
    %get3A_26 = arith.constant 0 : index
    %get3A_27 = vector.load %arg4[%get3A_24, %get3A_25, %get3A_26] : memref<1x512x2048xf32, #tpu.memory_space<vmem>>, vector<1x512x2048xf32>
    %get3A_28 = vector.shape_cast %get3A_27 : vector<1x512x2048xf32> to vector<512x2048xf32>
    %convert_element_type3A_29 = arith.truncf %get3A_28 : vector<512x2048xf32> to vector<512x2048xbf16>
    %dot_general3A = arith.constant dense<0.000000e+00> : vector<512x64xf32>
    %dot_general3A_30 = tpu.matmul %convert_element_type3A_29, %get3A_3, %dot_general3A {dimension_numbers = #tpu.dot_dimension_numbers<[1], [0], [0], [1], [0, 0, 1, 1], [], []>, transpose_lhs_hint = false} : vector<512x2048xbf16>, vector<2048x64xbf16>, vector<512x64xf32> -> vector<512x64xf32>
    %get3A_31 = arith.constant 0 : index
    %get3A_32 = arith.constant 0 : index
    %get3A_33 = arith.constant 0 : index
    %get3A_34 = vector.load %arg5[%get3A_31, %get3A_32, %get3A_33] : memref<1x512x2048xf32, #tpu.memory_space<vmem>>, vector<1x512x2048xf32>
    %get3A_35 = vector.shape_cast %get3A_34 : vector<1x512x2048xf32> to vector<512x2048xf32>
    %convert_element_type3A_36 = arith.truncf %get3A_35 : vector<512x2048xf32> to vector<512x2048xbf16>
    %dot_general3A_37 = arith.constant dense<0.000000e+00> : vector<512x64xf32>
    %dot_general3A_38 = tpu.matmul %convert_element_type3A_36, %get3A_3, %dot_general3A_37 {dimension_numbers = #tpu.dot_dimension_numbers<[1], [0], [0], [1], [0, 0, 1, 1], [], []>, transpose_lhs_hint = false} : vector<512x2048xbf16>, vector<2048x64xbf16>, vector<512x64xf32> -> vector<512x64xf32>
    %logistic3A = arith.negf %dot_general3A_30 : vector<512x64xf32>
    %logistic3A_39 = math.exp %logistic3A : vector<512x64xf32>
    %logistic3A_40 = arith.constant 1.000000e+00 : f32
    %logistic3A_41 = vector.broadcast %logistic3A_40 : f32 to vector<512x64xf32>
    %logistic3A_42 = arith.addf %logistic3A_41, %logistic3A_39 : vector<512x64xf32>
    %logistic3A_43 = arith.divf %logistic3A_41, %logistic3A_42 : vector<512x64xf32>
    %mul3A = arith.mulf %dot_general3A_30, %logistic3A_43 : vector<512x64xf32>
    %mul3A_44 = arith.mulf %mul3A, %dot_general3A_38 : vector<512x64xf32>
    %mul3A_45 = vector.broadcast %concatenate3A : vector<1x64xf32> to vector<512x64xf32>
    %mul3A_46 = arith.mulf %mul3A_44, %mul3A_45 : vector<512x64xf32>
    %get3A_47 = arith.constant 0 : index
    %get3A_48 = arith.constant 0 : index
    %get3A_49 = arith.constant 0 : index
    %get3A_50 = vector.load %arg6[%get3A_47, %get3A_48, %get3A_49] : memref<1x2048x512xf32, #tpu.memory_space<vmem>>, vector<1x2048x512xf32>
    %get3A_51 = vector.shape_cast %get3A_50 : vector<1x2048x512xf32> to vector<2048x512xf32>
    %convert_element_type3A_52 = arith.truncf %get3A_51 : vector<2048x512xf32> to vector<2048x512xbf16>
    %convert_element_type3A_53 = arith.truncf %mul3A_46 : vector<512x64xf32> to vector<512x64xbf16>
    %dot_general3A_54 = arith.constant dense<0.000000e+00> : vector<2048x64xf32>
    %dot_general3A_55 = tpu.matmul %convert_element_type3A_52, %convert_element_type3A_53, %dot_general3A_54 {dimension_numbers = #tpu.dot_dimension_numbers<[1], [0], [0], [1], [0, 0, 1, 1], [], []>, transpose_lhs_hint = false} : vector<2048x512xbf16>, vector<512x64xbf16>, vector<2048x64xf32> -> vector<2048x64xf32>
    %get3A_56 = arith.constant 0 : index
    %get3A_57 = arith.constant 0 : index
    %get3A_58 = vector.load %arg7[%get3A_56, %get3A_57] : memref<2048x64xf32, #tpu.memory_space<vmem>>, vector<2048x64xf32>
    %add3A = arith.addf %get3A_58, %dot_general3A_55 : vector<2048x64xf32>
    %swap3A = arith.constant 0 : index
    %swap3A_59 = arith.constant 0 : index
    %swap3A_60 = vector.load %arg7[%swap3A, %swap3A_59] : memref<2048x64xf32, #tpu.memory_space<vmem>>, vector<2048x64xf32>
    tpu.vector_store %arg7[%swap3A, %swap3A_59], %add3A {strides = array<i32>} : memref<2048x64xf32, #tpu.memory_space<vmem>>, vector<2048x64xf32>,
    return
  }
  func.func @transform_0(%arg0: i32) -> (i32, i32) {
    %c0_i32 = arith.constant 0 : i32
    %c0_i32_0 = arith.constant 0 : i32
    %c0_i32_1 = arith.constant 0 : i32
    return %c0_i32, %c0_i32_0 : i32, i32
  }
  func.func @transform_1(%arg0: i32) -> (i32, i32, i32) {
    %c0_i32 = arith.constant 0 : i32
    %c0_i32_0 = arith.constant 0 : i32
    %c0_i32_1 = arith.constant 0 : i32
    %c0_i32_2 = arith.constant 0 : i32
    return %c0_i32, %c0_i32_0, %c0_i32_1 : i32, i32, i32
  }
  func.func @transform_2(%arg0: i32) -> (i32, i32) {
    %c0_i32 = arith.constant 0 : i32
    %c0_i32_0 = arith.constant 0 : i32
    %c0_i32_1 = arith.constant 0 : i32
    return %c0_i32, %c0_i32_0 : i32, i32
  }
  func.func @transform_3(%arg0: i32) -> (i32, i32, i32) {
    %c0_i32 = arith.constant 0 : i32
    %c0_i32_0 = arith.constant 0 : i32
    %c0_i32_1 = arith.constant 0 : i32
    return %arg0, %c0_i32, %c0_i32_0 : i32, i32, i32
  }
  func.func @transform_4(%arg0: i32) -> (i32, i32, i32) {
    %c0_i32 = arith.constant 0 : i32
    %c0_i32_0 = arith.constant 0 : i32
    %c0_i32_1 = arith.constant 0 : i32
    return %arg0, %c0_i32, %c0_i32_0 : i32, i32, i32
  }
  func.func @transform_5(%arg0: i32) -> (i32, i32, i32) {
    %c0_i32 = arith.constant 0 : i32
    %c0_i32_0 = arith.constant 0 : i32
    %c0_i32_1 = arith.constant 0 : i32
    return %arg0, %c0_i32, %c0_i32_0 : i32, i32, i32
  }
  func.func @transform_6(%arg0: i32) -> (i32, i32) {
    %c0_i32 = arith.constant 0 : i32
    %c0_i32_0 = arith.constant 0 : i32
    %c0_i32_1 = arith.constant 0 : i32
    return %c0_i32, %c0_i32_0 : i32, i32
  }
}

</mosaic_0001>

<sc_bundles>
// kernel: kernel.6.cloned.1.call-start
scs
__scs_entry_jumppad:
0x0: {  	(pc) =	sbr.rel $0x88, $3  }
0x1: {  	(tag) =	ssettag $0x0;
	lr =	simm.s32 $0x1  }
0x2: {  	[smem:$0x3F98] =	sst lr;
	_ =	strace $0xD0000000  }
0x3: {  	_ = 	snop  }
0x4: {  	_ = 	snop  }
0x5: {  	_ = 	snop  }
0x6: {  	_ = 	snop  }
0x7: {  	_ = 	snop  }
__scs_overlays_trampoline_lowered:
0x8: {  	[smem:$0x3FA7] =	sst s0  }
0x9: {  	[smem:$0x3FA8] =	sst s1  }
0xa: {  	[smem:$0x3FA9] =	sst s2  }
0xb: {  	[smem:$0x3FAA] =	sst s3  }
0xc: {  	[smem:$0x3FAB] =	sst s4  }
0xd: {  	[smem:$0x3FAC] =	sst s5  }
0xe: {  	[smem:$0x3FAD] =	sst s6  }
0xf: {  	[smem:$0x3FAE] =	sst s7  }
0x10: {  	[smem:$0x3FAF] =	sst s8  }
0x11: {  	[smem:$0x3FB0] =	sst s9;
	s0 =	simm.s32 @!p0 $0x0  }
0x12: {  	s1 =	sld [smem:$0x3F96];
	s0 =	simm.s32 @p0 $0x1  }
0x13: {  	[smem:$0x3FB1] =	sst s0;
	s0 =	simm.s32 @!p1 $0x0  }
0x14: {  	s2 =	sld [smem:$0x3F95];
	s0 =	simm.s32 @p1 $0x1  }
0x15: {  	[smem:$0x3FB2] =	sst s0;
	s0 =	simm.s32 @!p2 $0x0  }
0x16: {  	s3 =	sld [smem:$0x3FDB];
	s0 =	simm.s32 @p2 $0x1  }
0x17: {  	s4 =	simm.s32 $0x1BF5;
	[smem:$0x3FB4] =	sst s0  }
0x18: {  	s0 =	sld [smem:$0x3F97];
	_ =	swait.ge [sflag:s4], $0x0  }
0x19: {  	s7 =	sld [smem:$0x3F98]  }
0x1a: {  	s8 =	sadd.s32 $0xFFFFE003, lr  }
0x1b: {  	s9 =	sadd.s32 $0xFFFFFEF7, lr;
	s5 =	simm.s32 $0xFFFFFFFF;
	p2 =	slt.u32 s8, $0xFFFFF086  }
0x1c: {  	p1 =	slt.u32 s9, $0xF7A;
	s5 =	simm.s32 @!p2 $0x0  }
0x1d: {  	s5 =	simm.s32 @p1 $0x1;
	p0 =	seq.s32 s7, s2  }
0x1e: {  	s7 =	smul.u32 @!p0 $0xF7A, s2;
	p2 =	seq.s32 @!p0 s5, $0x0  }
0x1f: {  	s9 =	smul.u32 $0xF7A, s1;
	s8 =	simm.s32 @!p0 $0x1BF5;
	p2 =	por !p2, p0  }
0x20: {  	[sflag:s8] =	ssyncset.s32 @!p0 $0xFFFFF086;
	s6 =	sadd.s32 @!p0 s3, s7;
	s7 =	simm.s32 @!p0 $0x108  }
0x21: {  	s3 =	sadd.s32 s3, s9;
	s6 =	sadd.s32 @!p0 $0x88, s6;
	s7 =	simm.s32 @p2 $0x1082  }
0x22: {  	[simem:s7], [sflag:s8] =	dma.local @!p0 [hbm:s6], $0xF7A  }
0x23: {  	s9 =	sor.u32 $0xD0000000, s2;
	s6 =	simm.s32 $0x108;
	_ =	swait.ge @!p0 [sflag:s8], $0x0  }
0x24: {  	s3 =	sadd.s32 $0x88, s3;
	s6 =	simm.s32 @!p1 $0x1082;
	[sflag:s4] =	ssyncset.s32 $0xFFFFF086  }
0x25: {  	[simem:s6], [sflag:s4] =	dma.local [hbm:s3], $0xF7A  }
0x26: {  	[smem:$0x3F98] =	sst s1;
	(tag) =	ssettag s2;
	_ =	strace s9  }
0x27: {  	s1 =	sld [smem:$0x3FA8]  }
0x28: {  	s2 =	sld [smem:$0x3FA9]  }
0x29: {  	s4 =	sld [smem:$0x3FAB]  }
0x2a: {  	p0 =	seq.s32 s5, $0x0;
	s5 =	sld [smem:$0x3FAC]  }
0x2b: {  	s6 =	sld [smem:$0x3FAD]  }
0x2c: {  	s7 =	sld [smem:$0x3FAE]  }
0x2d: {  	s3 =	simm.s32 $0x108;
	s8 =	sld [smem:$0x3FAF]  }
0x2e: {  	s3 =	simm.s32 @!p0 $0x1082;
	s9 =	sld [smem:$0x3FB0]  }
0x2f: {  	lr =	sadd.s32 s0, s3;
	s0 =	sld [smem:$0x3FA7]  }
0x30: {  	s3 =	sld [smem:$0x3FAA]  }
0x31: {  	[smem:$0x3FB3] =	sst s10  }
0x32: {  	s10 =	sld [smem:$0x3FB1];
	_ =	sdelay $0x3  }
0x33: {  	p0 =	seq.s32 s10, $0x1;
	s10 =	sld [smem:$0x3FB3];
	_ =	sdelay $0x3  }
0x34: {  	[smem:$0x3FB3] =	sst s10  }
0x35: {  	s10 =	sld [smem:$0x3FB2];
	_ =	sdelay $0x3  }
0x36: {  	p1 =	seq.s32 s10, $0x1;
	s10 =	sld [smem:$0x3FB3];
	_ =	sdelay $0x3  }
0x37: {  	[smem:$0x3FB3] =	sst s10  }
0x38: {  	s10 =	sld [smem:$0x3FB4]  }
0x39: {  	_ = 	snop;
	(pc) =	sbr.ind lr, $3  }
0x3a: {  	_ = 	snop  }
0x3b: {  	_ = 	snop  }
0x3c: {  	p2 =	seq.s32 s10, $0x1;
	s10 =	sld [smem:$0x3FB3]  }
0x3d: {  	_ =	shalt  }
0x3e: {  	_ =	shalt  }
0x3f: {  	_ =	shalt  }
0x40: {  	_ =	shalt  }
0x41: {  	_ =	shalt  }
0x42: {  	_ =	shalt  }
0x43: {  	_ =	shalt  }
0x44: {  	_ =	shalt  }
0x45: {  	_ =	shalt  }
0x46: {  	_ =	shalt  }
0x47: {  	_ =	shalt  }
0x48: {  	_ =	shalt  }
0x49: {  	_ =	shalt  }
0x4a: {  	_ =	shalt  }
0x4b: {  	_ =	shalt  }
0x4c: {  	_ =	shalt  }
0x4d: {  	_ =	shalt  }
0x4e: {  	_ =	shalt  }
0x4f: {  	_ =	shalt  }
0x50: {  	_ =	shalt  }
0x51: {  	_ =	shalt  }
0x52: {  	_ =	shalt  }
0x53: {  	_ =	shalt  }
0x54: {  	_ =	shalt  }
0x55: {  	_ =	shalt  }
0x56: {  	_ =	shalt  }
0x57: {  	_ =	shalt  }
0x58: {  	_ =	shalt  }
0x59: {  	_ =	shalt  }
0x5a: {  	_ =	shalt  }
0x5b: {  	_ =	shalt  }
0x5c: {  	_ =	shalt  }
0x5d: {  	_ =	shalt  }
0x5e: {  	_ =	shalt  }
0x5f: {  	_ =	shalt  }
0x60: {  	_ =	shalt  }
0x61: {  	_ =	shalt  }
0x62: {  	_ =	shalt  }
0x63: {  	_ =	shalt  }
0x64: {  	_ =	shalt  }
0x65: {  	_ =	shalt  }
0x66: {  	_ =	shalt  }
0x67: {  	_ =	shalt  }
0x68: {  	_ =	shalt  }
0x69: {  	_ =	shalt  }
0x6a: {  	_ =	shalt  }
0x6b: {  	_ =	shalt  }
0x6c: {  	_ =	shalt  }
0x6d: {  	_ =	shalt  }
0x6e: {  	_ =	shalt  }
0x6f: {  	_ =	shalt  }
0x70: {  	_ =	shalt  }
0x71: {  	_ =	shalt  }
0x72: {  	_ =	shalt  }
0x73: {  	_ =	shalt  }
0x74: {  	_ =	shalt  }
0x75: {  	_ =	shalt  }
0x76: {  	_ =	shalt  }
0x77: {  	_ =	shalt  }
0x78: {  	_ =	shalt  }
0x79: {  	_ =	shalt  }
0x7a: {  	_ =	shalt  }
0x7b: {  	_ =	shalt  }
0x7c: {  	_ =	shalt  }
0x7d: {  	_ =	shalt  }
0x7e: {  	_ =	shalt  }
0x7f: {  	_ =	shalt  }
0x80: {  	_ =	shalt  }
0x81: {  	_ =	shalt  }
0x82: {  	_ =	shalt  }
0x83: {  	_ =	shalt  }
0x84: {  	_ =	shalt  }
0x85: {  	_ =	shalt  }
0x86: {  	_ =	shalt  }
0x87: {  	_ =	shalt  }
.Lfunc_end0:
.L_simem_size_0:
called_computation_lowered:
.L_overlay_start_0:
0x88: {  	s2 =	sld [smem:$0x3FD9]  }
0x89: {  	s3 =	sld [smem:$0x3FFE];
	_ =	sdelay $0x1  }
0x8a: {  	s1 =	srdreg.scid  }
0x8b: {  	s0 =	sand.u32 $0x1, s1  }
0x8c: {  	s14 =	sshll.u32 s0, $0xA;
	s2 =	sadd.s32 s3, s2  }
0x8d: {  	s2 =	sadd.s32 s2, s14  }
0x8e: {  	[smem:$0x3FBF] =	sst s2  }
0x8f: {  	_ = 	snop  }
0x90: {  	s2 =	sld [smem:$0x3FD0];
	_ =	sdelay $0x2  }
0x91: {  	s15 =	simm.s32 $0xA;
	s4 =	simm.s32 $0x10  }
0x92: {  	[smem:s4], [sflag:s15] =	dma.local [hbm:s2], $0x1  }
0x93: {  	_ =	swait.eq [sflag:s15], $0x1  }
0x94: {  	[sflag:s15] =	ssyncset.done $0x0  }
0x95: {  	[sflag:s15] =	ssyncadd.s32 $0xFFFFFFFF  }
0x96: {  	s16 =	sld [smem:$0x10];
	(tm) =	ssettm $0x1  }
0x97: {  	s17 =	sld [smem:$0x3FFB];
	_ =	sdelay $0x3  }
0x98: {  	_ =	strace s17  }
0x99: {  	s3 =	sld [smem:$0x3FFC];
	_ =	sdelay $0x3  }
0x9a: {  	_ =	strace s3  }
0x9b: {  	s3 =	sld [smem:$0x3FFD];
	_ =	sdelay $0x3  }
0x9c: {  	_ =	strace s3  }
0x9d: {  	_ =	strace $0x8FFFFFFF  }
0x9e: {  	s18 =	sld [smem:$0x3FDB];
	_ =	sdelay $0x1  }
0x9f: {  	s19 =	simm.s32 $_scs_section_size  }
0xa0: {  	s5 =	simm.s32 $_size__tile_overlayer_lowered;
	s6 =	simm.s32 $_tile_overlayer_lowered  }
0xa1: {  	s22 =	simm.s32 $0x1BFF;
	s21 =	sshll.u32 s6, $0x1;
	s3 =	sadd.s32 s19, s18  }
0xa2: {  	s7 =	simm.s32 $0x0;
	s20 =	sshll.u32 s5, $0x1;
	s5 =	sadd.s32 s21, s3  }
0xa3: {  	[timem:s7], [sflag:s22] =	dma.local [hbm:s5], s20  }
0xa4: {  	_ =	swait.ge [sflag:s22], s20  }
0xa5: {  	s4 =	ssub.s32 $0x0, s20;
	[sflag:s22] =	ssyncset.done $0x0  }
0xa6: {  	[sflag:s22] =	ssyncadd.s32 s4;
	_ =	sdelay $0x1  }
0xa7: {  	s23 =	simm.s32 $0x1B8B  }
0xa8: {  	_ =	swait.ge [sflag:s23], $0x1  }
0xa9: {  	[sflag:s23] =	ssyncset.done $0x0  }
0xaa: {  	s25 =	simm.s32 $0x1B8E;
	s24 =	sld [smem:$0x3FFE];
	[sflag:s23] =	ssyncadd.s32 $0xFFFFFFFF  }
0xab: {  	s26 =	simm.s32 $execute0_lowered;
	[smem:$0x3FD2] =	sst s25  }
0xac: {  	s5 =	sshll.u32 s26, $0x1;
	_ =	strace $0x80000046;
	[dreg:$0x1] =	wrdreg $0xFFFFFFFF  }
0xad: {  	s28 =	simm.s32 $_size_execute0_lowered;
	s3 =	sadd.s32 s3, s5;
	[dreg:$0x0] =	wrdreg $0x0  }
0xae: {  	s5 =	sshll.u32 s28, $0x1;
	[dreg:$0x2] =	wrdreg s3  }
0xaf: {  	[dreg:$0x3] =	wrdreg s5  }
0xb0: {  	[dreg:$0x4] =	wrdreg $0xC0  }
0xb1: {  	_ =	task [dreg:s7], $0x5FFFF  }
0xb2: {  	[dreg:$0x1] =	wrdreg $0xFFFFFFFF  }
0xb3: {  	[dreg:$0x0] =	wrdreg $0x60  }
0xb4: {  	[dreg:$0x2] =	wrdreg s16  }
0xb5: {  	[dreg:$0x3] =	wrdreg s24  }
0xb6: {  	[dreg:$0x4] =	wrdreg $0x9  }
0xb7: {  	_ =	task.clear_ibuf [dreg:s7], $0x5FFFF;
	_ =	strace $0x90000046  }
0xb8: {  	s29 =	simm.s32 $0x9;
	_ =	strace $0x80000048  }
0xb9: {  	_ =	swait.ge [sflag:s29], $0x1  }
0xba: {  	[sflag:s29] =	ssyncadd.s32 $0xFFFFFFFF  }
0xbb: {  	_ =	strace $0x90000048  }
0xbc: {  	_ =	sfence  }
0xbd: {  	s30 =	sld [smem:$0x0];
	_ =	sdelay $0x2  }
0xbe: {  	s31 =	sshll.u32 s1, $0xD;
	s1 =	sshrl.u32 s1, $0x2  }
0xbf: {  	s3 =	sand.u32 $0x4000, s31;
	s1 =	sadd.s32 s1, s30  }
0xc0: {  	s0 =	sor.u32 s3, s0;
	s1 =	sshll.u32 s1, $0x11  }
0xc1: {  	s0 =	sor.u32 s1, s0  }
0xc2: {  	s0 =	sadd.s32 $0x8F2B, s0  }
0xc3: {  	[sflag:s0] =	ssyncadd.remote.s32 $0x1  }
0xc4: {  	_ =	sfence.sel $0xFFFF  }
0xc5: {  	[dreg:$0x0] =	wrdreg $0xFFFFFFFF;
	(pc) =	sbr.abs _section_cstart, $3  }
0xc6: {  	[dreg:$0x1] =	wrdreg $0xFFFFFFFF  }
0xc7: {  	_ =	task.clear_ibuf [dreg:s7], $0x2FFFF;
	_ =	strace $0x9FFFFFFF  }
0xc8: {  	(tm) =	ssettm $0x7FFFFFFF  }
0xc9: {  	_ =	shalt  }
tec
execute0_lowered:
.L_overlay_start_1:
0x0: {  	(tag) =	ssettag $0x1  }
0x1: {  	s1 =	stileid.u32  }
0x2: {  	p0 =	sgt.u32 s1, $0x1  }
.Ltmp0:
0x3: {  	_ = 	snop;
	(pc) =	sbr.rel @p0 .LBB2_3-.Ltmp0, $4  }
0x4: {  	s4 =	rddreg [dreg:$0x0]  }
0x5: {  	s3 =	rddreg [dreg:$0x1];
	s2 =	simm.s32 $0x0  }
0x6: {  	[smem:$0x7FF] =	sst s2  }
0x7: {  	s0 =	rddreg [dreg:$0x2];
	_ =	strace $0x80000047  }
0x8: {  	s5 =	srdreg.scid  }
0x9: {  	s5 =	sand.u32 $0x1, s5  }
0xa: {  	s6 =	sshll.u32 s1, $0xB;
	s7 =	sshll.u32 s5, $0xA;
	s5 =	ssub.s32 $0x2, s5  }
0xb: {  	s6 =	sor.u32 s7, s6;
	s31 =	sshrl.u32 s5, $0x1;
	s7 =	simm.s32 $0x2000  }
0xc: {  	s3 =	sadd.s32 s6, s3;
	s5 =	ssub.s32 s5, s31;
	s4 =	sadd.s32 s4, s6  }
0xd: {  	s6 =	simm.s32 $0x1;
	s3 =	sadd.s32 $0x1400, s3;
	s5 =	smax.u32 s5, $0x1  }
.LBB2_2:
0xe: {  	[tilespmem:s2], [sflag:$0x1] =	stream.linear.gather [hbm4b:s4+s2], $0x2000, $0x38;
	[tilespmem:$0x4000] =	vst v63  }
0xf: {  	_ =	swait.ge [sflag:s6], $0x2000  }
0x10: {  	[sflag:s6] =	ssyncset.done $0x0  }
0x11: {  	[sflag:s6] =	ssyncadd.s32 $0xFFFFE000  }
0x12: {  	v0 =	vld [tilespmem:$0x0]  }
0x13: {  	v1 =	vld [tilespmem:$0x80];
	_ =	sdelay $0x1  }
0x14: {  	v2 =	vld [tilespmem:$0x100];
	_ =	sdelay $0x1  }
0x15: {  	v3 =	vld [tilespmem:$0x180]  }
0x16: {  	v4 =	vmin.f32 v0, $-Inf;
	v5 =	vmax.f32 v0, v1;
	v1 =	vmin.f32 v0, v1  }
0x17: {  	v8 =	vld [tilespmem:$0x200];
	v6 =	vmax.f32 v4, v1  }
0x18: {  	v1 =	vmin.f32 v4, v1;
	v7 =	vmin.f32 v5, v2;
	v2 =	vmax.f32 v5, v2  }
0x19: {  	v9 =	vld [tilespmem:$0x280];
	v1 =	vmax.f32 v4, v1;
	v62 =	vmin.f32 v6, v7;
	v63 =	vmax.f32 v6, v7  }
0x1a: {  	v13 =	vmin.f32 v2, v3;
	v2 =	vmax.f32 v2, v3;
	v12 =	vmin.f32 v1, v62  }
0x1b: {  	v4 =	vmax.f32 v1, v62;
	v14 =	vmin.f32 v63, v13;
	v15 =	vmax.f32 v63, v13  }
0x1c: {  	v10 =	vld [tilespmem:$0x300];
	v18 =	vmin.f32 v2, v8;
	v2 =	vmax.f32 v2, v8;
	v1 =	vmax.f32 v1, v12  }
0x1d: {  	v16 =	vmin.f32 v4, v14;
	v4 =	vmax.f32 v4, v14;
	v19 =	vmin.f32 v15, v18  }
0x1e: {  	v3 =	vmax.f32 v15, v18;
	v8 =	vmin.f32 v2, v9;
	v2 =	vmax.f32 v2, v9  }
0x1f: {  	v26 =	vld [tilespmem:$0x380];
	v17 =	vmin.f32 v1, v16;
	v5 =	vmax.f32 v1, v16;
	v20 =	vmin.f32 v4, v19  }
0x20: {  	v4 =	vmax.f32 v4, v19;
	v11 =	vmin.f32 v3, v8;
	v3 =	vmax.f32 v3, v8  }
0x21: {  	v28 =	vmin.f32 v2, v10;
	v2 =	vmax.f32 v2, v10;
	v1 =	vmax.f32 v1, v17  }
0x22: {  	v21 =	vmin.f32 v5, v20;
	v5 =	vmax.f32 v5, v20;
	v23 =	vmin.f32 v4, v11  }
0x23: {  	v4 =	vmax.f32 v4, v11;
	v29 =	vmin.f32 v3, v28;
	v3 =	vmax.f32 v3, v28  }
0x24: {  	v32 =	vmin.f32 v2, v26;
	v2 =	vmax.f32 v2, v26;
	v22 =	vmin.f32 v1, v21  }
0x25: {  	v6 =	vmax.f32 v1, v21;
	v24 =	vmin.f32 v5, v23;
	v5 =	vmax.f32 v5, v23  }
0x26: {  	v12 =	vld [tilespmem:$0x400];
	v30 =	vmin.f32 v4, v29;
	v4 =	vmax.f32 v4, v29;
	v34 =	vmin.f32 v3, v32  }
0x27: {  	v3 =	vmax.f32 v3, v32;
	v1 =	vmax.f32 v1, v22;
	v25 =	vmin.f32 v6, v24  }
0x28: {  	v6 =	vmax.f32 v6, v24;
	v31 =	vmax.f32 v5, v30;
	v5 =	vmin.f32 v5, v30  }
0x29: {  	v39 =	vld [tilespmem:$0x480];
	v14 =	vmin.f32 v4, v34;
	v4 =	vmax.f32 v4, v34;
	v27 =	vmin.f32 v1, v25  }
0x2a: {  	v7 =	vmax.f32 v1, v25;
	v10 =	vmax.f32 v6, v5;
	v5 =	vmin.f32 v6, v5  }
0x2b: {  	v35 =	vmin.f32 v31, v14;
	v37 =	vmax.f32 v31, v14;
	v41 =	vmin.f32 v2, v12  }
0x2c: {  	v48 =	vld [tilespmem:$0x500];
	v2 =	vmax.f32 v2, v12;
	v1 =	vmax.f32 v1, v27;
	v33 =	vmax.f32 v7, v5  }
0x2d: {  	v5 =	vmin.f32 v7, v5;
	v36 =	vmin.f32 v10, v35;
	v42 =	vmin.f32 v3, v41  }
0x2e: {  	v3 =	vmax.f32 v3, v41;
	v45 =	vmin.f32 v2, v39;
	v2 =	vmax.f32 v2, v39  }
0x2f: {  	v13 =	vmax.f32 v1, v5;
	v5 =	vmin.f32 v1, v5;
	v38 =	vmin.f32 v33, v36  }
0x30: {  	v55 =	vld [tilespmem:$0x580];
	v6 =	vmax.f32 v33, v36;
	v43 =	vmin.f32 v4, v42;
	v4 =	vmax.f32 v4, v42  }
0x31: {  	v47 =	vmin.f32 v3, v45;
	v3 =	vmax.f32 v3, v45;
	v57 =	vmin.f32 v2, v48  }
0x32: {  	v2 =	vmax.f32 v2, v48;
	v1 =	vmax.f32 v1, v5;
	v5 =	vmax.f32 v10, v35  }
0x33: {  	v40 =	vmin.f32 v13, v38;
	v8 =	vmax.f32 v13, v38;
	v44 =	vmax.f32 v37, v43  }
0x34: {  	v63 =	vld [tilespmem:$0x600];
	v7 =	vmin.f32 v37, v43;
	v50 =	vmin.f32 v4, v47;
	v4 =	vmax.f32 v4, v47  }
0x35: {  	v58 =	vmin.f32 v3, v57;
	v3 =	vmax.f32 v3, v57;
	v61 =	vmin.f32 v2, v55  }
0x36: {  	v2 =	vmax.f32 v2, v55;
	v1 =	vmax.f32 v1, v40;
	v11 =	vmax.f32 v5, v7  }
0x37: {  	v5 =	vmin.f32 v5, v7;
	v51 =	vmin.f32 v44, v50;
	v53 =	vmax.f32 v44, v50  }
0x38: {  	v21 =	vld [tilespmem:$0x680];
	v59 =	vmin.f32 v4, v58;
	v4 =	vmax.f32 v4, v58;
	v62 =	vmin.f32 v3, v61  }
0x39: {  	v3 =	vmax.f32 v3, v61;
	v23 =	vmin.f32 v2, v63;
	v2 =	vmax.f32 v2, v63  }
0x3a: {  	v46 =	vmax.f32 v6, v5;
	v5 =	vmin.f32 v6, v5;
	v52 =	vmin.f32 v11, v51  }
0x3b: {  	v60 =	vmax.f32 v53, v59;
	v7 =	vmin.f32 v53, v59;
	v16 =	vmin.f32 v4, v62  }
0x3c: {  	v29 =	vld [tilespmem:$0x700];
	v4 =	vmax.f32 v4, v62;
	v24 =	vmin.f32 v3, v23;
	v3 =	vmax.f32 v3, v23  }
0x3d: {  	v27 =	vmin.f32 v2, v21;
	v2 =	vmax.f32 v2, v21;
	v49 =	vmax.f32 v8, v5  }
0x3e: {  	v5 =	vmin.f32 v8, v5;
	v54 =	vmin.f32 v46, v52;
	v6 =	vmax.f32 v46, v52  }
0x3f: {  	v17 =	vmin.f32 v60, v16;
	v19 =	vmax.f32 v60, v16;
	v25 =	vmin.f32 v4, v24  }
0x40: {  	v4 =	vmax.f32 v4, v24;
	v28 =	vmin.f32 v3, v27;
	v3 =	vmax.f32 v3, v27  }
0x41: {  	v37 =	vmin.f32 v2, v29;
	v2 =	vmax.f32 v2, v29;
	v1 =	vmax.f32 v1, v5  }
0x42: {  	v35 =	vld [tilespmem:$0x780];
	v5 =	vmax.f32 v11, v51;
	v56 =	vmin.f32 v49, v54;
	v8 =	vmax.f32 v49, v54  }
0x43: {  	v26 =	vmax.f32 v19, v25;
	v30 =	vmin.f32 v4, v28;
	v4 =	vmax.f32 v4, v28  }
0x44: {  	v38 =	vmin.f32 v3, v37;
	v3 =	vmax.f32 v3, v37;
	v1 =	vmax.f32 v1, v56  }
0x45: {  	v43 =	vld [tilespmem:$0x800];
	v11 =	vmax.f32 v5, v7;
	v5 =	vmin.f32 v5, v7;
	v7 =	vmin.f32 v19, v25  }
0x46: {  	v31 =	vmin.f32 v26, v30;
	v33 =	vmax.f32 v26, v30;
	v39 =	vmin.f32 v4, v38  }
0x47: {  	v4 =	vmax.f32 v4, v38;
	v41 =	vmin.f32 v2, v35;
	v2 =	vmax.f32 v2, v35  }
0x48: {  	v12 =	vmax.f32 v6, v5;
	v5 =	vmin.f32 v6, v5;
	v18 =	vmin.f32 v11, v17  }
0x49: {  	v40 =	vmax.f32 v33, v39;
	v42 =	vmin.f32 v3, v41;
	v3 =	vmax.f32 v3, v41  }
0x4a: {  	v51 =	vmin.f32 v2, v43;
	v2 =	vmax.f32 v2, v43;
	v14 =	vmax.f32 v8, v5  }
0x4b: {  	v5 =	vmin.f32 v8, v5;
	v20 =	vmin.f32 v12, v18;
	v6 =	vmax.f32 v12, v18  }
0x4c: {  	v49 =	vld [tilespmem:$0x880];
	v44 =	vmin.f32 v4, v42;
	v4 =	vmax.f32 v4, v42;
	v52 =	vmin.f32 v3, v51  }
0x4d: {  	v3 =	vmax.f32 v3, v51;
	v1 =	vmax.f32 v1, v5;
	v5 =	vmax.f32 v11, v17  }
0x4e: {  	v22 =	vmin.f32 v14, v20;
	v8 =	vmax.f32 v14, v20;
	v45 =	vmin.f32 v40, v44  }
0x4f: {  	v57 =	vld [tilespmem:$0x900];
	v47 =	vmax.f32 v40, v44;
	v53 =	vmin.f32 v4, v52;
	v4 =	vmax.f32 v4, v52  }
0x50: {  	v1 =	vmax.f32 v1, v22;
	v11 =	vmax.f32 v5, v7;
	v5 =	vmin.f32 v5, v7  }
0x51: {  	v7 =	vmin.f32 v33, v39;
	v54 =	vmax.f32 v47, v53;
	v55 =	vmin.f32 v2, v49  }
0x52: {  	v63 =	vld [tilespmem:$0x980];
	v2 =	vmax.f32 v2, v49;
	v12 =	vmax.f32 v6, v5;
	v5 =	vmin.f32 v6, v5  }
0x53: {  	v32 =	vmin.f32 v11, v31;
	v56 =	vmin.f32 v3, v55;
	v3 =	vmax.f32 v3, v55  }
0x54: {  	v15 =	vmin.f32 v2, v57;
	v2 =	vmax.f32 v2, v57;
	v14 =	vmax.f32 v8, v5  }
0x55: {  	v5 =	vmin.f32 v8, v5;
	v34 =	vmin.f32 v12, v32;
	v6 =	vmax.f32 v12, v32  }
0x56: {  	v21 =	vld [tilespmem:$0xA00];
	v58 =	vmin.f32 v4, v56;
	v4 =	vmax.f32 v4, v56;
	v16 =	vmin.f32 v3, v15  }
0x57: {  	v3 =	vmax.f32 v3, v15;
	v19 =	vmin.f32 v2, v63;
	v2 =	vmax.f32 v2, v63  }
0x58: {  	v1 =	vmax.f32 v1, v5;
	v5 =	vmax.f32 v11, v31;
	v36 =	vmin.f32 v14, v34  }
0x59: {  	v8 =	vmax.f32 v14, v34;
	v59 =	vmin.f32 v54, v58;
	v61 =	vmax.f32 v54, v58  }
0x5a: {  	v27 =	vld [tilespmem:$0xA80];
	v17 =	vmin.f32 v4, v16;
	v4 =	vmax.f32 v4, v16;
	v20 =	vmin.f32 v3, v19  }
0x5b: {  	v3 =	vmax.f32 v3, v19;
	v29 =	vmin.f32 v2, v21;
	v2 =	vmax.f32 v2, v21  }
0x5c: {  	v1 =	vmax.f32 v1, v36;
	v11 =	vmax.f32 v5, v7;
	v5 =	vmin.f32 v5, v7  }
0x5d: {  	v35 =	vld [tilespmem:$0xB00];
	v7 =	vmin.f32 v47, v53;
	v18 =	vmax.f32 v61, v17;
	v22 =	vmin.f32 v4, v20  }
0x5e: {  	v4 =	vmax.f32 v4, v20;
	v30 =	vmin.f32 v3, v29;
	v3 =	vmax.f32 v3, v29  }
0x5f: {  	v33 =	vmin.f32 v2, v27;
	v2 =	vmax.f32 v2, v27;
	v12 =	vmax.f32 v6, v5  }
0x60: {  	v5 =	vmin.f32 v6, v5;
	v46 =	vmin.f32 v11, v45;
	v23 =	vmin.f32 v18, v22  }
0x61: {  	v41 =	vld [tilespmem:$0xB80];
	v25 =	vmax.f32 v18, v22;
	v31 =	vmin.f32 v4, v30;
	v4 =	vmax.f32 v4, v30  }
0x62: {  	v34 =	vmin.f32 v3, v33;
	v3 =	vmax.f32 v3, v33;
	v43 =	vmin.f32 v2, v35  }
0x63: {  	v2 =	vmax.f32 v2, v35;
	v14 =	vmax.f32 v8, v5;
	v5 =	vmin.f32 v8, v5  }
0x64: {  	v48 =	vmin.f32 v12, v46;
	v6 =	vmax.f32 v12, v46;
	v32 =	vmax.f32 v25, v31  }
0x65: {  	v49 =	vld [tilespmem:$0xC00];
	v36 =	vmin.f32 v4, v34;
	v4 =	vmax.f32 v4, v34;
	v44 =	vmin.f32 v3, v43  }
0x66: {  	v3 =	vmax.f32 v3, v43;
	v47 =	vmin.f32 v2, v41;
	v2 =	vmax.f32 v2, v41  }
0x67: {  	v1 =	vmax.f32 v1, v5;
	v5 =	vmax.f32 v11, v45;
	v50 =	vmin.f32 v14, v48  }
0x68: {  	v8 =	vmax.f32 v14, v48;
	v37 =	vmin.f32 v32, v36;
	v39 =	vmax.f32 v32, v36  }
0x69: {  	v55 =	vld [tilespmem:$0xC80];
	v45 =	vmin.f32 v4, v44;
	v4 =	vmax.f32 v4, v44;
	v48 =	vmin.f32 v3, v47  }
0x6a: {  	v3 =	vmax.f32 v3, v47;
	v57 =	vmin.f32 v2, v49;
	v2 =	vmax.f32 v2, v49  }
0x6b: {  	v1 =	vmax.f32 v1, v50;
	v11 =	vmax.f32 v5, v7;
	v5 =	vmin.f32 v5, v7  }
0x6c: {  	v7 =	vmin.f32 v61, v17;
	v46 =	vmax.f32 v39, v45;
	v50 =	vmin.f32 v4, v48  }
0x6d: {  	v4 =	vmax.f32 v4, v48;
	v58 =	vmin.f32 v3, v57;
	v3 =	vmax.f32 v3, v57  }
0x6e: {  	v61 =	vmin.f32 v2, v55;
	v2 =	vmax.f32 v2, v55;
	v12 =	vmax.f32 v6, v5  }
0x6f: {  	v5 =	vmin.f32 v6, v5;
	v60 =	vmin.f32 v11, v59;
	v51 =	vmin.f32 v46, v50  }
0x70: {  	v53 =	vmax.f32 v46, v50;
	v14 =	vmax.f32 v8, v5;
	v5 =	vmin.f32 v8, v5  }
0x71: {  	v62 =	vmin.f32 v12, v60;
	v6 =	vmax.f32 v12, v60;
	v1 =	vmax.f32 v1, v5  }
0x72: {  	v5 =	vmax.f32 v11, v59;
	v12 =	vmin.f32 v14, v62;
	v8 =	vmax.f32 v14, v62  }
0x73: {  	v59 =	vmin.f32 v4, v58;
	v4 =	vmax.f32 v4, v58;
	v62 =	vmin.f32 v3, v61  }
0x74: {  	v3 =	vmax.f32 v3, v61;
	v1 =	vmax.f32 v1, v12;
	v11 =	vmax.f32 v5, v7  }
0x75: {  	v5 =	vmin.f32 v5, v7;
	v7 =	vmin.f32 v25, v31;
	v60 =	vmax.f32 v53, v59  }
0x76: {  	v63 =	vld [tilespmem:$0xD00];
	v16 =	vmin.f32 v4, v62;
	v4 =	vmax.f32 v4, v62;
	v12 =	vmax.f32 v6, v5  }
0x77: {  	v5 =	vmin.f32 v6, v5;
	v24 =	vmin.f32 v11, v23;
	v17 =	vmin.f32 v60, v16  }
0x78: {  	v21 =	vld [tilespmem:$0xD80];
	v19 =	vmax.f32 v60, v16;
	v14 =	vmax.f32 v8, v5;
	v5 =	vmin.f32 v8, v5  }
0x79: {  	v26 =	vmin.f32 v12, v24;
	v6 =	vmax.f32 v12, v24;
	v1 =	vmax.f32 v1, v5  }
0x7a: {  	v5 =	vmax.f32 v11, v23;
	v28 =	vmin.f32 v14, v26;
	v8 =	vmax.f32 v14, v26  }
0x7b: {  	v23 =	vmin.f32 v2, v63;
	v2 =	vmax.f32 v2, v63;
	v1 =	vmax.f32 v1, v28  }
0x7c: {  	v11 =	vmax.f32 v5, v7;
	v5 =	vmin.f32 v5, v7;
	v7 =	vmin.f32 v39, v45  }
0x7d: {  	v24 =	vmin.f32 v3, v23;
	v3 =	vmax.f32 v3, v23;
	v27 =	vmin.f32 v2, v21  }
0x7e: {  	v2 =	vmax.f32 v2, v21;
	v12 =	vmax.f32 v6, v5;
	v5 =	vmin.f32 v6, v5  }
0x7f: {  	v38 =	vmin.f32 v11, v37;
	v25 =	vmin.f32 v4, v24;
	v4 =	vmax.f32 v4, v24  }
0x80: {  	v29 =	vld [tilespmem:$0xE00];
	v28 =	vmin.f32 v3, v27;
	v3 =	vmax.f32 v3, v27;
	v14 =	vmax.f32 v8, v5  }
0x81: {  	v5 =	vmin.f32 v8, v5;
	v40 =	vmin.f32 v12, v38;
	v6 =	vmax.f32 v12, v38  }
0x82: {  	v35 =	vld [tilespmem:$0xE80];
	v26 =	vmax.f32 v19, v25;
	v30 =	vmin.f32 v4, v28;
	v4 =	vmax.f32 v4, v28  }
0x83: {  	v1 =	vmax.f32 v1, v5;
	v5 =	vmax.f32 v11, v37;
	v42 =	vmin.f32 v14, v40  }
0x84: {  	v8 =	vmax.f32 v14, v40;
	v31 =	vmin.f32 v26, v30;
	v33 =	vmax.f32 v26, v30  }
0x85: {  	v37 =	vmin.f32 v2, v29;
	v2 =	vmax.f32 v2, v29;
	v1 =	vmax.f32 v1, v42  }
0x86: {  	v11 =	vmax.f32 v5, v7;
	v5 =	vmin.f32 v5, v7;
	v7 =	vmin.f32 v53, v59  }
0x87: {  	v38 =	vmin.f32 v3, v37;
	v3 =	vmax.f32 v3, v37;
	v41 =	vmin.f32 v2, v35  }
0x88: {  	v2 =	vmax.f32 v2, v35;
	v12 =	vmax.f32 v6, v5;
	v5 =	vmin.f32 v6, v5  }
0x89: {  	v52 =	vmin.f32 v11, v51;
	v39 =	vmin.f32 v4, v38;
	v4 =	vmax.f32 v4, v38  }
0x8a: {  	v43 =	vld [tilespmem:$0xF00];
	v42 =	vmin.f32 v3, v41;
	v3 =	vmax.f32 v3, v41;
	v14 =	vmax.f32 v8, v5  }
0x8b: {  	v5 =	vmin.f32 v8, v5;
	v54 =	vmin.f32 v12, v52;
	v6 =	vmax.f32 v12, v52  }
0x8c: {  	v49 =	vld [tilespmem:$0xF80];
	v40 =	vmax.f32 v33, v39;
	v44 =	vmin.f32 v4, v42;
	v4 =	vmax.f32 v4, v42  }
0x8d: {  	v1 =	vmax.f32 v1, v5;
	v5 =	vmax.f32 v11, v51;
	v56 =	vmin.f32 v14, v54  }
0x8e: {  	v8 =	vmax.f32 v14, v54;
	v45 =	vmin.f32 v40, v44;
	v47 =	vmax.f32 v40, v44  }
0x8f: {  	v57 =	vld [tilespmem:$0x1000];
	v51 =	vmin.f32 v2, v43;
	v2 =	vmax.f32 v2, v43;
	v1 =	vmax.f32 v1, v56  }
0x90: {  	v11 =	vmax.f32 v5, v7;
	v5 =	vmin.f32 v5, v7;
	v7 =	vmin.f32 v19, v25  }
0x91: {  	v52 =	vmin.f32 v3, v51;
	v3 =	vmax.f32 v3, v51;
	v55 =	vmin.f32 v2, v49  }
0x92: {  	v2 =	vmax.f32 v2, v49;
	v12 =	vmax.f32 v6, v5;
	v5 =	vmin.f32 v6, v5  }
0x93: {  	v63 =	vld [tilespmem:$0x1080];
	v18 =	vmin.f32 v11, v17;
	v53 =	vmin.f32 v4, v52;
	v4 =	vmax.f32 v4, v52  }
0x94: {  	v56 =	vmin.f32 v3, v55;
	v3 =	vmax.f32 v3, v55;
	v15 =	vmin.f32 v2, v57  }
0x95: {  	v2 =	vmax.f32 v2, v57;
	v14 =	vmax.f32 v8, v5;
	v5 =	vmin.f32 v8, v5  }
0x96: {  	v20 =	vmin.f32 v12, v18;
	v6 =	vmax.f32 v12, v18;
	v54 =	vmax.f32 v47, v53  }
0x97: {  	v21 =	vld [tilespmem:$0x1100];
	v58 =	vmin.f32 v4, v56;
	v4 =	vmax.f32 v4, v56;
	v16 =	vmin.f32 v3, v15  }
0x98: {  	v3 =	vmax.f32 v3, v15;
	v19 =	vmin.f32 v2, v63;
	v2 =	vmax.f32 v2, v63  }
0x99: {  	v1 =	vmax.f32 v1, v5;
	v5 =	vmax.f32 v11, v17;
	v22 =	vmin.f32 v14, v20  }
0x9a: {  	v8 =	vmax.f32 v14, v20;
	v59 =	vmin.f32 v54, v58;
	v61 =	vmax.f32 v54, v58  }
0x9b: {  	v27 =	vld [tilespmem:$0x1180];
	v17 =	vmin.f32 v4, v16;
	v4 =	vmax.f32 v4, v16;
	v20 =	vmin.f32 v3, v19  }
0x9c: {  	v3 =	vmax.f32 v3, v19;
	v29 =	vmin.f32 v2, v21;
	v2 =	vmax.f32 v2, v21  }
0x9d: {  	v35 =	vld [tilespmem:$0x1200];
	v1 =	vmax.f32 v1, v22;
	v11 =	vmax.f32 v5, v7;
	v5 =	vmin.f32 v5, v7  }
0x9e: {  	v7 =	vmin.f32 v33, v39;
	v18 =	vmax.f32 v61, v17;
	v22 =	vmin.f32 v4, v20  }
0x9f: {  	v4 =	vmax.f32 v4, v20;
	v30 =	vmin.f32 v3, v29;
	v3 =	vmax.f32 v3, v29  }
0xa0: {  	v33 =	vmin.f32 v2, v27;
	v2 =	vmax.f32 v2, v27;
	v12 =	vmax.f32 v6, v5  }
0xa1: {  	v5 =	vmin.f32 v6, v5;
	v32 =	vmin.f32 v11, v31;
	v23 =	vmin.f32 v18, v22  }
0xa2: {  	v25 =	vmax.f32 v18, v22;
	v43 =	vmin.f32 v2, v35;
	v2 =	vmax.f32 v2, v35  }
0xa3: {  	v14 =	vmax.f32 v8, v5;
	v5 =	vmin.f32 v8, v5;
	v34 =	vmin.f32 v12, v32  }
0xa4: {  	v6 =	vmax.f32 v12, v32;
	v1 =	vmax.f32 v1, v5;
	v5 =	vmax.f32 v11, v31  }
0xa5: {  	v41 =	vld [tilespmem:$0x1280];
	v36 =	vmin.f32 v14, v34;
	v8 =	vmax.f32 v14, v34;
	v31 =	vmin.f32 v4, v30  }
0xa6: {  	v4 =	vmax.f32 v4, v30;
	v34 =	vmin.f32 v3, v33;
	v3 =	vmax.f32 v3, v33  }
0xa7: {  	v49 =	vld [tilespmem:$0x1300];
	v1 =	vmax.f32 v1, v36;
	v11 =	vmax.f32 v5, v7;
	v5 =	vmin.f32 v5, v7  }
0xa8: {  	v7 =	vmin.f32 v47, v53;
	v32 =	vmax.f32 v25, v31;
	v36 =	vmin.f32 v4, v34  }
0xa9: {  	v4 =	vmax.f32 v4, v34;
	v44 =	vmin.f32 v3, v43;
	v3 =	vmax.f32 v3, v43  }
0xaa: {  	v47 =	vmin.f32 v2, v41;
	v2 =	vmax.f32 v2, v41;
	v12 =	vmax.f32 v6, v5  }
0xab: {  	v5 =	vmin.f32 v6, v5;
	v46 =	vmin.f32 v11, v45;
	v37 =	vmin.f32 v32, v36  }
0xac: {  	v39 =	vmax.f32 v32, v36;
	v57 =	vmin.f32 v2, v49;
	v2 =	vmax.f32 v2, v49  }
0xad: {  	v14 =	vmax.f32 v8, v5;
	v5 =	vmin.f32 v8, v5;
	v48 =	vmin.f32 v12, v46  }
0xae: {  	v6 =	vmax.f32 v12, v46;
	v1 =	vmax.f32 v1, v5;
	v5 =	vmax.f32 v11, v45  }
0xaf: {  	v55 =	vld [tilespmem:$0x1380];
	v50 =	vmin.f32 v14, v48;
	v8 =	vmax.f32 v14, v48;
	v45 =	vmin.f32 v4, v44  }
0xb0: {  	v4 =	vmax.f32 v4, v44;
	v48 =	vmin.f32 v3, v47;
	v3 =	vmax.f32 v3, v47  }
0xb1: {  	v1 =	vmax.f32 v1, v50;
	v11 =	vmax.f32 v5, v7;
	v5 =	vmin.f32 v5, v7  }
0xb2: {  	v7 =	vmin.f32 v61, v17;
	v46 =	vmax.f32 v39, v45;
	v50 =	vmin.f32 v4, v48  }
0xb3: {  	v4 =	vmax.f32 v4, v48;
	v58 =	vmin.f32 v3, v57;
	v3 =	vmax.f32 v3, v57  }
0xb4: {  	v61 =	vmin.f32 v2, v55;
	v2 =	vmax.f32 v2, v55;
	v12 =	vmax.f32 v6, v5  }
0xb5: {  	v5 =	vmin.f32 v6, v5;
	v60 =	vmin.f32 v11, v59;
	v51 =	vmin.f32 v46, v50  }
0xb6: {  	v53 =	vmax.f32 v46, v50;
	v14 =	vmax.f32 v8, v5;
	v5 =	vmin.f32 v8, v5  }
0xb7: {  	v62 =	vmin.f32 v12, v60;
	v6 =	vmax.f32 v12, v60;
	v1 =	vmax.f32 v1, v5  }
0xb8: {  	v5 =	vmax.f32 v11, v59;
	v12 =	vmin.f32 v14, v62;
	v8 =	vmax.f32 v14, v62  }
0xb9: {  	v59 =	vmin.f32 v4, v58;
	v4 =	vmax.f32 v4, v58;
	v62 =	vmin.f32 v3, v61  }
0xba: {  	v3 =	vmax.f32 v3, v61;
	v1 =	vmax.f32 v1, v12;
	v11 =	vmax.f32 v5, v7  }
0xbb: {  	v5 =	vmin.f32 v5, v7;
	v7 =	vmin.f32 v25, v31;
	v60 =	vmax.f32 v53, v59  }
0xbc: {  	v63 =	vld [tilespmem:$0x1400];
	v16 =	vmin.f32 v4, v62;
	v4 =	vmax.f32 v4, v62;
	v12 =	vmax.f32 v6, v5  }
0xbd: {  	v5 =	vmin.f32 v6, v5;
	v24 =	vmin.f32 v11, v23;
	v17 =	vmin.f32 v60, v16  }
0xbe: {  	v21 =	vld [tilespmem:$0x1480];
	v19 =	vmax.f32 v60, v16;
	v14 =	vmax.f32 v8, v5;
	v5 =	vmin.f32 v8, v5  }
0xbf: {  	v26 =	vmin.f32 v12, v24;
	v6 =	vmax.f32 v12, v24;
	v1 =	vmax.f32 v1, v5  }
0xc0: {  	v5 =	vmax.f32 v11, v23;
	v28 =	vmin.f32 v14, v26;
	v8 =	vmax.f32 v14, v26  }
0xc1: {  	v23 =	vmin.f32 v2, v63;
	v2 =	vmax.f32 v2, v63;
	v1 =	vmax.f32 v1, v28  }
0xc2: {  	v11 =	vmax.f32 v5, v7;
	v5 =	vmin.f32 v5, v7;
	v7 =	vmin.f32 v39, v45  }
0xc3: {  	v24 =	vmin.f32 v3, v23;
	v3 =	vmax.f32 v3, v23;
	v27 =	vmin.f32 v2, v21  }
0xc4: {  	v2 =	vmax.f32 v2, v21;
	v12 =	vmax.f32 v6, v5;
	v5 =	vmin.f32 v6, v5  }
0xc5: {  	v38 =	vmin.f32 v11, v37;
	v25 =	vmin.f32 v4, v24;
	v4 =	vmax.f32 v4, v24  }
0xc6: {  	v29 =	vld [tilespmem:$0x1500];
	v28 =	vmin.f32 v3, v27;
	v3 =	vmax.f32 v3, v27;
	v14 =	vmax.f32 v8, v5  }
0xc7: {  	v5 =	vmin.f32 v8, v5;
	v40 =	vmin.f32 v12, v38;
	v6 =	vmax.f32 v12, v38  }
0xc8: {  	v35 =	vld [tilespmem:$0x1580];
	v26 =	vmax.f32 v19, v25;
	v30 =	vmin.f32 v4, v28;
	v4 =	vmax.f32 v4, v28  }
0xc9: {  	v1 =	vmax.f32 v1, v5;
	v5 =	vmax.f32 v11, v37;
	v42 =	vmin.f32 v14, v40  }
0xca: {  	v8 =	vmax.f32 v14, v40;
	v31 =	vmin.f32 v26, v30;
	v33 =	vmax.f32 v26, v30  }
0xcb: {  	v37 =	vmin.f32 v2, v29;
	v2 =	vmax.f32 v2, v29;
	v1 =	vmax.f32 v1, v42  }
0xcc: {  	v11 =	vmax.f32 v5, v7;
	v5 =	vmin.f32 v5, v7;
	v7 =	vmin.f32 v53, v59  }
0xcd: {  	v38 =	vmin.f32 v3, v37;
	v3 =	vmax.f32 v3, v37;
	v41 =	vmin.f32 v2, v35  }
0xce: {  	v2 =	vmax.f32 v2, v35;
	v12 =	vmax.f32 v6, v5;
	v5 =	vmin.f32 v6, v5  }
0xcf: {  	v52 =	vmin.f32 v11, v51;
	v39 =	vmin.f32 v4, v38;
	v4 =	vmax.f32 v4, v38  }
0xd0: {  	v43 =	vld [tilespmem:$0x1600];
	v42 =	vmin.f32 v3, v41;
	v3 =	vmax.f32 v3, v41;
	v14 =	vmax.f32 v8, v5  }
0xd1: {  	v5 =	vmin.f32 v8, v5;
	v54 =	vmin.f32 v12, v52;
	v6 =	vmax.f32 v12, v52  }
0xd2: {  	v49 =	vld [tilespmem:$0x1680];
	v40 =	vmax.f32 v33, v39;
	v44 =	vmin.f32 v4, v42;
	v4 =	vmax.f32 v4, v42  }
0xd3: {  	v1 =	vmax.f32 v1, v5;
	v5 =	vmax.f32 v11, v51;
	v56 =	vmin.f32 v14, v54  }
0xd4: {  	v8 =	vmax.f32 v14, v54;
	v45 =	vmin.f32 v40, v44;
	v47 =	vmax.f32 v40, v44  }
0xd5: {  	v57 =	vld [tilespmem:$0x1700];
	v51 =	vmin.f32 v2, v43;
	v2 =	vmax.f32 v2, v43;
	v1 =	vmax.f32 v1, v56  }
0xd6: {  	v11 =	vmax.f32 v5, v7;
	v5 =	vmin.f32 v5, v7;
	v7 =	vmin.f32 v19, v25  }
0xd7: {  	v52 =	vmin.f32 v3, v51;
	v3 =	vmax.f32 v3, v51;
	v55 =	vmin.f32 v2, v49  }
0xd8: {  	v2 =	vmax.f32 v2, v49;
	v12 =	vmax.f32 v6, v5;
	v5 =	vmin.f32 v6, v5  }
0xd9: {  	v63 =	vld [tilespmem:$0x1780];
	v18 =	vmin.f32 v11, v17;
	v53 =	vmin.f32 v4, v52;
	v4 =	vmax.f32 v4, v52  }
0xda: {  	v56 =	vmin.f32 v3, v55;
	v3 =	vmax.f32 v3, v55;
	v15 =	vmin.f32 v2, v57  }
0xdb: {  	v2 =	vmax.f32 v2, v57;
	v14 =	vmax.f32 v8, v5;
	v5 =	vmin.f32 v8, v5  }
0xdc: {  	v20 =	vmin.f32 v12, v18;
	v6 =	vmax.f32 v12, v18;
	v54 =	vmax.f32 v47, v53  }
0xdd: {  	v21 =	vld [tilespmem:$0x1800];
	v58 =	vmin.f32 v4, v56;
	v4 =	vmax.f32 v4, v56;
	v16 =	vmin.f32 v3, v15  }
0xde: {  	v3 =	vmax.f32 v3, v15;
	v19 =	vmin.f32 v2, v63;
	v2 =	vmax.f32 v2, v63  }
0xdf: {  	v1 =	vmax.f32 v1, v5;
	v5 =	vmax.f32 v11, v17;
	v22 =	vmin.f32 v14, v20  }
0xe0: {  	v8 =	vmax.f32 v14, v20;
	v59 =	vmin.f32 v54, v58;
	v61 =	vmax.f32 v54, v58  }
0xe1: {  	v27 =	vld [tilespmem:$0x1880];
	v17 =	vmin.f32 v4, v16;
	v4 =	vmax.f32 v4, v16;
	v20 =	vmin.f32 v3, v19  }
0xe2: {  	v3 =	vmax.f32 v3, v19;
	v29 =	vmin.f32 v2, v21;
	v2 =	vmax.f32 v2, v21  }
0xe3: {  	v35 =	vld [tilespmem:$0x1900];
	v1 =	vmax.f32 v1, v22;
	v11 =	vmax.f32 v5, v7;
	v5 =	vmin.f32 v5, v7  }
0xe4: {  	v7 =	vmin.f32 v33, v39;
	v18 =	vmax.f32 v61, v17;
	v22 =	vmin.f32 v4, v20  }
0xe5: {  	v4 =	vmax.f32 v4, v20;
	v30 =	vmin.f32 v3, v29;
	v3 =	vmax.f32 v3, v29  }
0xe6: {  	v33 =	vmin.f32 v2, v27;
	v2 =	vmax.f32 v2, v27;
	v12 =	vmax.f32 v6, v5  }
0xe7: {  	v5 =	vmin.f32 v6, v5;
	v32 =	vmin.f32 v11, v31;
	v23 =	vmin.f32 v18, v22  }
0xe8: {  	v25 =	vmax.f32 v18, v22;
	v43 =	vmin.f32 v2, v35;
	v2 =	vmax.f32 v2, v35  }
0xe9: {  	v14 =	vmax.f32 v8, v5;
	v5 =	vmin.f32 v8, v5;
	v34 =	vmin.f32 v12, v32  }
0xea: {  	v6 =	vmax.f32 v12, v32;
	v1 =	vmax.f32 v1, v5;
	v5 =	vmax.f32 v11, v31  }
0xeb: {  	v41 =	vld [tilespmem:$0x1980];
	v36 =	vmin.f32 v14, v34;
	v8 =	vmax.f32 v14, v34;
	v31 =	vmin.f32 v4, v30  }
0xec: {  	v4 =	vmax.f32 v4, v30;
	v34 =	vmin.f32 v3, v33;
	v3 =	vmax.f32 v3, v33  }
0xed: {  	v49 =	vld [tilespmem:$0x1A00];
	v1 =	vmax.f32 v1, v36;
	v11 =	vmax.f32 v5, v7;
	v5 =	vmin.f32 v5, v7  }
0xee: {  	v7 =	vmin.f32 v47, v53;
	v32 =	vmax.f32 v25, v31;
	v36 =	vmin.f32 v4, v34  }
0xef: {  	v4 =	vmax.f32 v4, v34;
	v44 =	vmin.f32 v3, v43;
	v3 =	vmax.f32 v3, v43  }
0xf0: {  	v47 =	vmin.f32 v2, v41;
	v2 =	vmax.f32 v2, v41;
	v12 =	vmax.f32 v6, v5  }
0xf1: {  	v5 =	vmin.f32 v6, v5;
	v46 =	vmin.f32 v11, v45;
	v37 =	vmin.f32 v32, v36  }
0xf2: {  	v39 =	vmax.f32 v32, v36;
	v57 =	vmin.f32 v2, v49;
	v2 =	vmax.f32 v2, v49  }
0xf3: {  	v14 =	vmax.f32 v8, v5;
	v5 =	vmin.f32 v8, v5;
	v48 =	vmin.f32 v12, v46  }
0xf4: {  	v6 =	vmax.f32 v12, v46;
	v1 =	vmax.f32 v1, v5;
	v5 =	vmax.f32 v11, v45  }
0xf5: {  	v55 =	vld [tilespmem:$0x1A80];
	v50 =	vmin.f32 v14, v48;
	v8 =	vmax.f32 v14, v48;
	v45 =	vmin.f32 v4, v44  }
0xf6: {  	v4 =	vmax.f32 v4, v44;
	v48 =	vmin.f32 v3, v47;
	v3 =	vmax.f32 v3, v47  }
0xf7: {  	v1 =	vmax.f32 v1, v50;
	v11 =	vmax.f32 v5, v7;
	v5 =	vmin.f32 v5, v7  }
0xf8: {  	v7 =	vmin.f32 v61, v17;
	v46 =	vmax.f32 v39, v45;
	v50 =	vmin.f32 v4, v48  }
0xf9: {  	v4 =	vmax.f32 v4, v48;
	v58 =	vmin.f32 v3, v57;
	v3 =	vmax.f32 v3, v57  }
0xfa: {  	v61 =	vmin.f32 v2, v55;
	v2 =	vmax.f32 v2, v55;
	v12 =	vmax.f32 v6, v5  }
0xfb: {  	v5 =	vmin.f32 v6, v5;
	v60 =	vmin.f32 v11, v59;
	v51 =	vmin.f32 v46, v50  }
0xfc: {  	v53 =	vmax.f32 v46, v50;
	v14 =	vmax.f32 v8, v5;
	v5 =	vmin.f32 v8, v5  }
0xfd: {  	v62 =	vmin.f32 v12, v60;
	v6 =	vmax.f32 v12, v60;
	v1 =	vmax.f32 v1, v5  }
0xfe: {  	v5 =	vmax.f32 v11, v59;
	v12 =	vmin.f32 v14, v62;
	v8 =	vmax.f32 v14, v62  }
0xff: {  	v59 =	vmin.f32 v4, v58;
	v4 =	vmax.f32 v4, v58;
	v62 =	vmin.f32 v3, v61  }
0x100: {  	v3 =	vmax.f32 v3, v61;
	v1 =	vmax.f32 v1, v12;
	v11 =	vmax.f32 v5, v7  }
0x101: {  	v5 =	vmin.f32 v5, v7;
	v7 =	vmin.f32 v25, v31;
	v60 =	vmax.f32 v53, v59  }
0x102: {  	v63 =	vld [tilespmem:$0x1B00];
	v16 =	vmin.f32 v4, v62;
	v4 =	vmax.f32 v4, v62;
	v12 =	vmax.f32 v6, v5  }
0x103: {  	v5 =	vmin.f32 v6, v5;
	v24 =	vmin.f32 v11, v23;
	v17 =	vmin.f32 v60, v16  }
0x104: {  	v21 =	vld [tilespmem:$0x1B80];
	v19 =	vmax.f32 v60, v16;
	v14 =	vmax.f32 v8, v5;
	v5 =	vmin.f32 v8, v5  }
0x105: {  	v26 =	vmin.f32 v12, v24;
	v6 =	vmax.f32 v12, v24;
	v1 =	vmax.f32 v1, v5  }
0x106: {  	v5 =	vmax.f32 v11, v23;
	v28 =	vmin.f32 v14, v26;
	v8 =	vmax.f32 v14, v26  }
0x107: {  	v23 =	vmin.f32 v2, v63;
	v2 =	vmax.f32 v2, v63;
	v1 =	vmax.f32 v1, v28  }
0x108: {  	v11 =	vmax.f32 v5, v7;
	v5 =	vmin.f32 v5, v7;
	v7 =	vmin.f32 v39, v45  }
0x109: {  	v24 =	vmin.f32 v3, v23;
	v3 =	vmax.f32 v3, v23;
	v27 =	vmin.f32 v2, v21  }
0x10a: {  	v2 =	vmax.f32 v2, v21;
	v12 =	vmax.f32 v6, v5;
	v5 =	vmin.f32 v6, v5  }
0x10b: {  	v38 =	vmin.f32 v11, v37;
	v25 =	vmin.f32 v4, v24;
	v4 =	vmax.f32 v4, v24  }
0x10c: {  	v29 =	vld [tilespmem:$0x1C00];
	v28 =	vmin.f32 v3, v27;
	v3 =	vmax.f32 v3, v27;
	v14 =	vmax.f32 v8, v5  }
0x10d: {  	v5 =	vmin.f32 v8, v5;
	v40 =	vmin.f32 v12, v38;
	v6 =	vmax.f32 v12, v38  }
0x10e: {  	v35 =	vld [tilespmem:$0x1C80];
	v26 =	vmax.f32 v19, v25;
	v30 =	vmin.f32 v4, v28;
	v4 =	vmax.f32 v4, v28  }
0x10f: {  	v1 =	vmax.f32 v1, v5;
	v5 =	vmax.f32 v11, v37;
	v42 =	vmin.f32 v14, v40  }
0x110: {  	v8 =	vmax.f32 v14, v40;
	v31 =	vmin.f32 v26, v30;
	v33 =	vmax.f32 v26, v30  }
0x111: {  	v37 =	vmin.f32 v2, v29;
	v2 =	vmax.f32 v2, v29;
	v1 =	vmax.f32 v1, v42  }
0x112: {  	v11 =	vmax.f32 v5, v7;
	v5 =	vmin.f32 v5, v7;
	v7 =	vmin.f32 v53, v59  }
0x113: {  	v38 =	vmin.f32 v3, v37;
	v3 =	vmax.f32 v3, v37;
	v41 =	vmin.f32 v2, v35  }
0x114: {  	v2 =	vmax.f32 v2, v35;
	v12 =	vmax.f32 v6, v5;
	v5 =	vmin.f32 v6, v5  }
0x115: {  	v52 =	vmin.f32 v11, v51;
	v39 =	vmin.f32 v4, v38;
	v4 =	vmax.f32 v4, v38  }
0x116: {  	v43 =	vld [tilespmem:$0x1D00];
	v42 =	vmin.f32 v3, v41;
	v3 =	vmax.f32 v3, v41;
	v14 =	vmax.f32 v8, v5  }
0x117: {  	v5 =	vmin.f32 v8, v5;
	v54 =	vmin.f32 v12, v52;
	v6 =	vmax.f32 v12, v52  }
0x118: {  	v49 =	vld [tilespmem:$0x1D80];
	v40 =	vmax.f32 v33, v39;
	v44 =	vmin.f32 v4, v42;
	v4 =	vmax.f32 v4, v42  }
0x119: {  	v1 =	vmax.f32 v1, v5;
	v5 =	vmax.f32 v11, v51;
	v56 =	vmin.f32 v14, v54  }
0x11a: {  	v8 =	vmax.f32 v14, v54;
	v45 =	vmin.f32 v40, v44;
	v47 =	vmax.f32 v40, v44  }
0x11b: {  	v51 =	vmin.f32 v2, v43;
	v2 =	vmax.f32 v2, v43;
	v1 =	vmax.f32 v1, v56  }
0x11c: {  	v11 =	vmax.f32 v5, v7;
	v5 =	vmin.f32 v5, v7;
	v7 =	vmin.f32 v19, v25  }
0x11d: {  	v52 =	vmin.f32 v3, v51;
	v3 =	vmax.f32 v3, v51;
	v55 =	vmin.f32 v2, v49  }
0x11e: {  	v2 =	vmax.f32 v2, v49;
	v12 =	vmax.f32 v6, v5;
	v5 =	vmin.f32 v6, v5  }
0x11f: {  	v18 =	vmin.f32 v11, v17;
	v53 =	vmin.f32 v4, v52;
	v4 =	vmax.f32 v4, v52  }
0x120: {  	v57 =	vld [tilespmem:$0x1E00];
	v56 =	vmin.f32 v3, v55;
	v3 =	vmax.f32 v3, v55;
	v14 =	vmax.f32 v8, v5  }
0x121: {  	v5 =	vmin.f32 v8, v5;
	v20 =	vmin.f32 v12, v18;
	v6 =	vmax.f32 v12, v18  }
0x122: {  	v63 =	vld [tilespmem:$0x1E80];
	v54 =	vmax.f32 v47, v53;
	v58 =	vmin.f32 v4, v56;
	v4 =	vmax.f32 v4, v56  }
0x123: {  	v1 =	vmax.f32 v1, v5;
	v5 =	vmax.f32 v11, v17;
	v22 =	vmin.f32 v14, v20  }
0x124: {  	v8 =	vmax.f32 v14, v20;
	v59 =	vmin.f32 v54, v58;
	v61 =	vmax.f32 v54, v58  }
0x125: {  	v23 =	vld [tilespmem:$0x1F00];
	v17 =	vmin.f32 v2, v57;
	v2 =	vmax.f32 v2, v57;
	v1 =	vmax.f32 v1, v22  }
0x126: {  	v11 =	vmax.f32 v5, v7;
	v5 =	vmin.f32 v5, v7;
	v7 =	vmin.f32 v33, v39  }
0x127: {  	v18 =	vmin.f32 v3, v17;
	v3 =	vmax.f32 v3, v17;
	v21 =	vmin.f32 v2, v63  }
0x128: {  	v25 =	vmax.f32 v2, v63;
	v12 =	vmax.f32 v6, v5;
	v5 =	vmin.f32 v6, v5  }
0x129: {  	v32 =	vmin.f32 v11, v31;
	v19 =	vmin.f32 v4, v18;
	v4 =	vmax.f32 v4, v18  }
0x12a: {  	v22 =	vmin.f32 v3, v21;
	v3 =	vmax.f32 v3, v21;
	v33 =	vmin.f32 v25, v23  }
0x12b: {  	v14 =	vmax.f32 v8, v5;
	v5 =	vmin.f32 v8, v5;
	v34 =	vmin.f32 v12, v32  }
0x12c: {  	v6 =	vmax.f32 v12, v32;
	v20 =	vmax.f32 v61, v19;
	v24 =	vmin.f32 v4, v22  }
0x12d: {  	v4 =	vmax.f32 v4, v22;
	v32 =	vmax.f32 v25, v23;
	v35 =	vmin.f32 v3, v33  }
0x12e: {  	v3 =	vmax.f32 v3, v33;
	v1 =	vmax.f32 v1, v5;
	v36 =	vmin.f32 v14, v34  }
0x12f: {  	v5 =	vmax.f32 v11, v31;
	v8 =	vmax.f32 v14, v34;
	v1 =	vmax.f32 v1, v36  }
0x130: {  	v11 =	vmax.f32 v5, v7;
	v5 =	vmin.f32 v5, v7;
	v7 =	vmin.f32 v47, v53  }
0x131: {  	v12 =	vmax.f32 v6, v5;
	v5 =	vmin.f32 v6, v5;
	v46 =	vmin.f32 v11, v45  }
0x132: {  	v14 =	vmax.f32 v8, v5;
	v5 =	vmin.f32 v8, v5;
	v48 =	vmin.f32 v12, v46  }
0x133: {  	v6 =	vmax.f32 v12, v46;
	v1 =	vmax.f32 v1, v5;
	v50 =	vmin.f32 v14, v48  }
0x134: {  	v5 =	vmax.f32 v11, v45;
	v8 =	vmax.f32 v14, v48;
	v1 =	vmax.f32 v1, v50  }
0x135: {  	v11 =	vmax.f32 v5, v7;
	v5 =	vmin.f32 v5, v7;
	v7 =	vmin.f32 v61, v19  }
0x136: {  	v12 =	vmax.f32 v6, v5;
	v5 =	vmin.f32 v6, v5;
	v60 =	vmin.f32 v11, v59  }
0x137: {  	v15 =	vld [tilespmem:$0x1F80];
	v14 =	vmax.f32 v8, v5;
	v5 =	vmin.f32 v8, v5;
	v62 =	vmin.f32 v12, v60  }
0x138: {  	v6 =	vmax.f32 v12, v60;
	v1 =	vmax.f32 v1, v5;
	v5 =	vmax.f32 v11, v59  }
0x139: {  	v16 =	vmin.f32 v14, v62;
	v11 =	vmax.f32 v5, v7;
	v5 =	vmin.f32 v5, v7  }
0x13a: {  	v8 =	vmax.f32 v14, v62;
	v12 =	vmax.f32 v6, v5;
	v5 =	vmin.f32 v6, v5  }
0x13b: {  	v30 =	vld [tilespmem:$0x80];
	v1 =	vmax.f32 v1, v16;
	v14 =	vmax.f32 v8, v5;
	v5 =	vmin.f32 v8, v5  }
0x13c: {  	v26 =	vmin.f32 v20, v24;
	v34 =	vld [tilespmem:$0x100];
	v5 =	vmax.f32 v1, v5;
	v1 =	vmax.f32 v32, v15  }
0x13d: {  	v38 =	vld [tilespmem:$0x180];
	v28 =	vmax.f32 v20, v24;
	v27 =	vmin.f32 v11, v26;
	v36 =	vsub.f32 v0, v1  }
0x13e: {  	v37 =	vmax.f32 v4, v35;
	v4 =	vmin.f32 v4, v35;
	v29 =	vmin.f32 v12, v27  }
0x13f: {  	v31 =	vmax.f32 v14, v29;
	v8 =	vmin.f32 v14, v29;
	v14 =	vmul.f32 $1.442695020e+00, v36  }
0x140: {  	v16 =	vmin.f32 v28, v4;
	v4 =	vmax.f32 v28, v4;
	v17 =	vsub.f32 v30, v1  }
0x141: {  	v42 =	vld [tilespmem:$0x200];
	v2 =	vmax.f32 v11, v26;
	v41 =	vsub.f32 v34, v1;
	(erf) = vpow2.f32 v14  }
0x142: {  	v11 =	vmin.f32 v32, v15;
	v45 =	vsub.f32 v38, v1;
	v40 =	vmul.f32 $1.442695020e+00, v17  }
0x143: {  	v46 =	vld [tilespmem:$0x280];
	v6 =	vmax.f32 v12, v27;
	v39 =	vmin.f32 v2, v16;
	v44 =	vmul.f32 $1.442695020e+00, v41  }
0x144: {  	v50 =	vld [tilespmem:$0x300];
	v2 =	vmax.f32 v2, v16;
	v48 =	vmul.f32 $1.442695020e+00, v45;
	(erf) = vpow2.f32 v40  }
0x145: {  	v3 =	vmin.f32 v3, v11;
	v43 =	vmin.f32 v6, v39;
	(erf) = vpow2.f32 v44  }
0x146: {  	v52 =	vld [tilespmem:$0x380];
	v3 =	vmin.f32 v37, v3;
	v49 =	vsub.f32 v42, v1;
	(erf) = vpow2.f32 v48  }
0x147: {  	v56 =	vld [tilespmem:$0x400];
	v6 =	vmax.f32 v6, v39;
	v5 =	vmax.f32 v5, v8;
	v3 =	vmin.f32 v4, v3  }
0x148: {  	v60 =	vld [tilespmem:$0x480];
	v51 =	vsub.f32 v46, v1;
	v2 =	vmin.f32 v2, v3;
	v3 =	vmul.f32 $1.442695020e+00, v49  }
0x149: {  	v63 =	vld [tilespmem:$0x500];
	v47 =	vmax.f32 v31, v43;
	v10 =	vmin.f32 v31, v43;
	v58 =	vsub.f32 v50, v1  }
0x14a: {  	v2 =	vmin.f32 v6, v2;
	v54 =	vmul.f32 $1.442695020e+00, v51;
	v53 =	vpop (erf);
	(erf) = vpow2.f32 v3  }
0x14b: {  	v24 =	vld [tilespmem:$0x580];
	v62 =	vsub.f32 v52, v1;
	v5 =	vmax.f32 v5, v10;
	v2 =	vmin.f32 v47, v2  }
0x14c: {  	v23 =	vsub.f32 v56, v1;
	v2 =	vmax.f32 v5, v2;
	(erf) = vpow2.f32 v54  }
0x14d: {  	v27 =	vsub.f32 v60, v1;
	v5 =	vmul.f32 $1.442695020e+00, v58;
	vm0 =	vge.f32 v0, v2;
	v57 =	vpop (erf)  }
0x14e: {  	v31 =	vsub.f32 v63, v1;
	v7 =	vmul.f32 $1.442695020e+00, v62;
	v55 =	vnsel vm0, $0x0, v53;
	v61 =	vpop (erf)  }
0x14f: {  	vm13 =	vge.f32 v30, v2;
	v6 =	vadd.f32 $0.0e+00, v55;
	v22 =	vpop (erf);
	(erf) = vpow2.f32 v5  }
0x150: {  	v28 =	vld [tilespmem:$0x600];
	v35 =	vsub.f32 v24, v1;
	v59 =	vnsel vm13, $0x0, v57;
	(erf) = vpow2.f32 v7  }
0x151: {  	v26 =	vmul.f32 $1.442695020e+00, v23;
	vm14 =	vge.f32 v34, v2;
	v6 =	vadd.f32 v6, v59  }
0x152: {  	v8 =	vmul.f32 $1.442695020e+00, v27;
	vm15 =	vge.f32 v38, v2;
	v21 =	vnsel vm14, $0x0, v61  }
0x153: {  	v18 =	vld [tilespmem:$0x680];
	v34 =	vmul.f32 $1.442695020e+00, v31;
	v6 =	vadd.f32 v6, v21;
	v30 =	vpop (erf);
	(erf) = vpow2.f32 v26  }
0x154: {  	vm4 =	vge.f32 v42, v2;
	v25 =	vnsel vm15, $0x0, v22;
	(erf) = vpow2.f32 v8  }
0x155: {  	v39 =	vld [tilespmem:$0x700];
	v38 =	vsub.f32 v28, v1;
	v29 =	vadd.f32 v6, v25;
	v33 =	vpop (erf);
	(erf) = vpow2.f32 v34  }
0x156: {  	v37 =	vmul.f32 $1.442695020e+00, v35;
	v32 =	vnsel vm4, $0x0, v30  }
0x157: {  	vm5 =	vge.f32 v46, v2;
	v15 =	vmul.f32 $1.442695020e+00, v38;
	v9 =	vadd.f32 v29, v32  }
0x158: {  	v20 =	vld [tilespmem:$0x780];
	v41 =	vsub.f32 v18, v1;
	v36 =	vnsel vm5, $0x0, v33;
	v40 =	vpop (erf);
	(erf) = vpow2.f32 v37  }
0x159: {  	vm6 =	vge.f32 v50, v2;
	[tilespmem:$0x1FFC0] =	vst v21;
	v21 =	vld [tilespmem:$0x800];
	v9 =	vadd.f32 v9, v36;
	v42 =	vpop (erf);
	(erf) = vpow2.f32 v15  }
0x15a: {  	v43 =	vmul.f32 $1.442695020e+00, v41;
	v46 =	vsub.f32 v39, v1;
	v8 =	vnsel vm6, $0x0, v40  }
0x15b: {  	vm7 =	vge.f32 v52, v2;
	v19 =	vadd.f32 v8, v9  }
0x15c: {  	v49 =	vld [tilespmem:$0x880];
	v48 =	vmul.f32 $1.442695020e+00, v46;
	v9 =	vnsel vm7, $0x0, v42;
	v45 =	vpop (erf);
	(erf) = vpow2.f32 v43  }
0x15d: {  	v51 =	vsub.f32 v20, v1;
	vm8 =	vge.f32 v56, v2;
	v44 =	vadd.f32 v9, v19;
	v47 =	vpop (erf)  }
0x15e: {  	v22 =	vld [tilespmem:$0x900];
	v23 =	vsub.f32 v21, v1;
	v10 =	vnsel vm8, $0x0, v45;
	v50 =	vpop (erf);
	(erf) = vpow2.f32 v48  }
0x15f: {  	vm9 =	vge.f32 v60, v2;
	v53 =	vmul.f32 $1.442695020e+00, v51;
	v0 =	vadd.f32 v10, v44  }
0x160: {  	vm10 =	vge.f32 v63, v2;
	[tilespmem:$0x1FFA0] =	vst v55;
	v55 =	vmul.f32 $1.442695020e+00, v23;
	v11 =	vnsel vm9, $0x0, v47  }
0x161: {  	v56 =	vsub.f32 v49, v1;
	v57 =	vld [tilespmem:$0x980];
	v52 =	vpop (erf);
	(erf) = vpow2.f32 v53;
	v0 =	vadd.f32 v11, v0  }
0x162: {  	vm11 =	vge.f32 v24, v2;
	[tilespmem:$0x1FFD0] =	vst v25;
	v25 =	vld [tilespmem:$0xA00];
	v12 =	vnsel vm10, $0x0, v50;
	v54 =	vpop (erf);
	(erf) = vpow2.f32 v55  }
0x163: {  	v16 =	vmul.f32 $1.442695020e+00, v56;
	v24 =	vsub.f32 v22, v1;
	v0 =	vadd.f32 v12, v0  }
0x164: {  	vm12 =	vge.f32 v28, v2;
	v60 =	vld [tilespmem:$0xA80];
	vm13 =	vge.f32 v18, v2;
	v13 =	vnsel vm11, $0x0, v52  }
0x165: {  	[tilespmem:$0x1FFB0] =	vst v59;
	v59 =	vmul.f32 $1.442695020e+00, v24;
	v0 =	vadd.f32 v13, v0;
	v58 =	vpop (erf);
	(erf) = vpow2.f32 v16  }
0x166: {  	vm14 =	vge.f32 v39, v2;
	v62 =	vsub.f32 v57, v1;
	v26 =	vld [tilespmem:$0xB00];
	v14 =	vnsel vm12, $0x0, v54  }
0x167: {  	v27 =	vld [tilespmem:$0xB80];
	v63 =	vsub.f32 v25, v1;
	v0 =	vadd.f32 v14, v0;
	v61 =	vpop (erf);
	(erf) = vpow2.f32 v59  }
0x168: {  	vm15 =	vge.f32 v20, v2;
	v18 =	vmul.f32 $1.442695020e+00, v62;
	v15 =	vnsel vm13, $0x0, v58  }
0x169: {  	v29 =	vsub.f32 v60, v1;
	v28 =	vmul.f32 $1.442695020e+00, v63;
	v0 =	vadd.f32 v15, v0  }
0x16a: {  	v30 =	vld [tilespmem:$0xC00];
	vm4 =	vge.f32 v21, v2;
	v16 =	vnsel vm14, $0x0, v61;
	v3 =	vpop (erf);
	(erf) = vpow2.f32 v18  }
0x16b: {  	v7 =	vld [tilespmem:$0xC80];
	v6 =	vsub.f32 v26, v1;
	v4 =	vpop (erf);
	(erf) = vpow2.f32 v28;
	v0 =	vadd.f32 v16, v0  }
0x16c: {  	v5 =	vmul.f32 $1.442695020e+00, v29;
	v42 =	vsub.f32 v27, v1;
	v17 =	vnsel vm15, $0x0, v3  }
0x16d: {  	v56 =	vld [tilespmem:$0xF00];
	vm5 =	vge.f32 v49, v2;
	v41 =	vmul.f32 $1.442695020e+00, v6;
	v0 =	vadd.f32 v17, v0  }
0x16e: {  	v21 =	vmul.f32 $1.442695020e+00, v42;
	v18 =	vnsel vm4, $0x0, v4;
	v40 =	vpop (erf);
	(erf) = vpow2.f32 v5  }
0x16f: {  	v31 =	vld [tilespmem:$0xD00];
	v44 =	vsub.f32 v30, v1;
	v0 =	vadd.f32 v18, v0;
	(erf) = vpow2.f32 v41  }
0x170: {  	v46 =	vsub.f32 v7, v1;
	v47 =	vld [tilespmem:$0xD80];
	v19 =	vnsel vm5, $0x0, v40;
	v43 =	vpop (erf);
	(erf) = vpow2.f32 v21  }
0x171: {  	vm6 =	vge.f32 v22, v2;
	v45 =	vmul.f32 $1.442695020e+00, v44;
	v0 =	vadd.f32 v19, v0  }
0x172: {  	[tilespmem:$0x1FFE0] =	vst v32;
	v32 =	vmul.f32 $1.442695020e+00, v46;
	v34 =	vld [tilespmem:$0xE80];
	v37 =	vsub.f32 v56, v1;
	v20 =	vnsel vm6, $0x0, v43  }
0x173: {  	v51 =	vld [tilespmem:$0xE00];
	vm7 =	vge.f32 v57, v2;
	v48 =	vpop (erf);
	(erf) = vpow2.f32 v45;
	v0 =	vadd.f32 v20, v0  }
0x174: {  	v50 =	vsub.f32 v31, v1;
	v21 =	vnsel vm7, $0x0, v48;
	v49 =	vpop (erf);
	(erf) = vpow2.f32 v32  }
0x175: {  	vm8 =	vge.f32 v25, v2;
	v33 =	vsub.f32 v47, v1;
	v0 =	vadd.f32 v21, v0  }
0x176: {  	vm9 =	vge.f32 v60, v2;
	v53 =	vmul.f32 $1.442695020e+00, v50;
	v22 =	vnsel vm8, $0x0, v49  }
0x177: {  	v60 =	vsub.f32 v34, v1;
	v55 =	vmul.f32 $1.442695020e+00, v33;
	v0 =	vadd.f32 v22, v0;
	v52 =	vpop (erf)  }
0x178: {  	v35 =	vld [tilespmem:$0xF80];
	v58 =	vsub.f32 v51, v1;
	v23 =	vnsel vm9, $0x0, v52;
	v54 =	vpop (erf);
	(erf) = vpow2.f32 v53  }
0x179: {  	[tilespmem:$0x1FFF0] =	vst v36;
	v36 =	vld [tilespmem:$0x1000];
	vm10 =	vge.f32 v26, v2;
	v0 =	vadd.f32 v23, v0;
	v57 =	vpop (erf);
	(erf) = vpow2.f32 v55  }
0x17a: {  	vm11 =	vge.f32 v27, v2;
	v27 =	vmul.f32 $1.442695020e+00, v58;
	v24 =	vnsel vm10, $0x0, v54  }
0x17b: {  	vm12 =	vge.f32 v30, v2;
	v30 =	vmul.f32 $1.442695020e+00, v60;
	v0 =	vadd.f32 v24, v0  }
0x17c: {  	v38 =	vld [tilespmem:$0x1080];
	v62 =	vmul.f32 $1.442695020e+00, v37;
	v25 =	vnsel vm11, $0x0, v57;
	v59 =	vpop (erf);
	(erf) = vpow2.f32 v27  }
0x17d: {  	v39 =	vld [tilespmem:$0x1100];
	v63 =	vsub.f32 v35, v1;
	v61 =	vpop (erf);
	(erf) = vpow2.f32 v30;
	v0 =	vadd.f32 v25, v0  }
0x17e: {  	vm13 =	vge.f32 v7, v2;
	v4 =	vsub.f32 v36, v1;
	v26 =	vnsel vm12, $0x0, v59  }
0x17f: {  	v5 =	vmul.f32 $1.442695020e+00, v63;
	v40 =	vld [tilespmem:$0x1180];
	(erf) = vpow2.f32 v62;
	v0 =	vadd.f32 v26, v0  }
0x180: {  	vm14 =	vge.f32 v31, v2;
	v31 =	vmul.f32 $1.442695020e+00, v4;
	v27 =	vnsel vm13, $0x0, v61  }
0x181: {  	v7 =	vsub.f32 v38, v1;
	v0 =	vadd.f32 v27, v0;
	v3 =	vpop (erf);
	(erf) = vpow2.f32 v5  }
0x182: {  	v41 =	vld [tilespmem:$0x1200];
	v45 =	vsub.f32 v39, v1;
	v28 =	vnsel vm14, $0x0, v3;
	v6 =	vpop (erf);
	(erf) = vpow2.f32 v31  }
0x183: {  	v44 =	vmul.f32 $1.442695020e+00, v7;
	vm15 =	vge.f32 v47, v2;
	v0 =	vadd.f32 v28, v0  }
0x184: {  	v47 =	vsub.f32 v40, v1;
	v31 =	vmul.f32 $1.442695020e+00, v45;
	v29 =	vnsel vm15, $0x0, v6  }
0x185: {  	v42 =	vld [tilespmem:$0x1280];
	vm4 =	vge.f32 v51, v2;
	v46 =	vpop (erf);
	(erf) = vpow2.f32 v44;
	v0 =	vadd.f32 v29, v0  }
0x186: {  	v43 =	vld [tilespmem:$0x1300];
	v49 =	vmul.f32 $1.442695020e+00, v47;
	v30 =	vnsel vm4, $0x0, v46;
	v48 =	vpop (erf);
	(erf) = vpow2.f32 v31  }
0x187: {  	vm5 =	vge.f32 v34, v2;
	v51 =	vsub.f32 v41, v1;
	v0 =	vadd.f32 v30, v0  }
0x188: {  	vm6 =	vge.f32 v56, v2;
	v44 =	vld [tilespmem:$0x1380];
	v31 =	vnsel vm5, $0x0, v48;
	v50 =	vpop (erf);
	(erf) = vpow2.f32 v49  }
0x189: {  	vm7 =	vge.f32 v35, v2;
	v53 =	vmul.f32 $1.442695020e+00, v51;
	v0 =	vadd.f32 v31, v0  }
0x18a: {  	vm8 =	vge.f32 v36, v2;
	v55 =	vsub.f32 v42, v1;
	v32 =	vnsel vm6, $0x0, v50;
	v52 =	vpop (erf)  }
0x18b: {  	v57 =	vsub.f32 v43, v1;
	v45 =	vld [tilespmem:$0x1400];
	v0 =	vadd.f32 v32, v0;
	v54 =	vpop (erf);
	(erf) = vpow2.f32 v53  }
0x18c: {  	vm9 =	vge.f32 v38, v2;
	v36 =	vmul.f32 $1.442695020e+00, v55;
	v33 =	vnsel vm7, $0x0, v52  }
0x18d: {  	v37 =	vmul.f32 $1.442695020e+00, v57;
	v46 =	vld [tilespmem:$0x1480];
	v59 =	vsub.f32 v44, v1;
	v0 =	vadd.f32 v33, v0  }
0x18e: {  	v47 =	vld [tilespmem:$0x1500];
	vm10 =	vge.f32 v39, v2;
	v34 =	vnsel vm8, $0x0, v54;
	v56 =	vpop (erf);
	(erf) = vpow2.f32 v36  }
0x18f: {  	v60 =	vmul.f32 $1.442695020e+00, v59;
	v58 =	vpop (erf);
	(erf) = vpow2.f32 v37;
	v0 =	vadd.f32 v34, v0  }
0x190: {  	vm11 =	vge.f32 v40, v2;
	v61 =	vsub.f32 v45, v1;
	v35 =	vnsel vm9, $0x0, v56  }
0x191: {  	vm12 =	vge.f32 v41, v2;
	v48 =	vld [tilespmem:$0x1580];
	v62 =	vpop (erf);
	(erf) = vpow2.f32 v60;
	v0 =	vadd.f32 v35, v0  }
0x192: {  	v49 =	vld [tilespmem:$0x1600];
	v63 =	vmul.f32 $1.442695020e+00, v61;
	v4 =	vsub.f32 v46, v1;
	v36 =	vnsel vm10, $0x0, v58  }
0x193: {  	vm13 =	vge.f32 v42, v2;
	v5 =	vsub.f32 v47, v1;
	v0 =	vadd.f32 v36, v0  }
0x194: {  	v50 =	vld [tilespmem:$0x1680];
	v40 =	vmul.f32 $1.442695020e+00, v4;
	v37 =	vnsel vm11, $0x0, v62;
	v3 =	vpop (erf);
	(erf) = vpow2.f32 v63  }
0x195: {  	vm14 =	vge.f32 v43, v2;
	v7 =	vmul.f32 $1.442695020e+00, v5;
	v0 =	vadd.f32 v37, v0  }
0x196: {  	v51 =	vsub.f32 v48, v1;
	v52 =	vld [tilespmem:$0x1700];
	v38 =	vnsel vm12, $0x0, v3;
	(erf) = vpow2.f32 v40  }
0x197: {  	vm6 =	vge.f32 v47, v2;
	v57 =	vsub.f32 v49, v1;
	v6 =	vpop (erf);
	v0 =	vadd.f32 v38, v0  }
0x198: {  	v56 =	vmul.f32 $1.442695020e+00, v51;
	v39 =	vnsel vm13, $0x0, v6;
	v55 =	vpop (erf);
	(erf) = vpow2.f32 v7  }
0x199: {  	vm4 =	vge.f32 v45, v2;
	v59 =	vsub.f32 v50, v1;
	v51 =	vld [tilespmem:$0x1780];
	v0 =	vadd.f32 v39, v0  }
0x19a: {  	v42 =	vmul.f32 $1.442695020e+00, v57;
	v40 =	vnsel vm14, $0x0, v55;
	v58 =	vpop (erf);
	(erf) = vpow2.f32 v56  }
0x19b: {  	vm15 =	vge.f32 v44, v2;
	v53 =	vld [tilespmem:$0x1800];
	v61 =	vsub.f32 v52, v1;
	v0 =	vadd.f32 v40, v0  }
0x19c: {  	v54 =	vld [tilespmem:$0x1880];
	v44 =	vmul.f32 $1.442695020e+00, v59;
	v41 =	vnsel vm15, $0x0, v58;
	(erf) = vpow2.f32 v42  }
0x19d: {  	vm5 =	vge.f32 v46, v2;
	v62 =	vmul.f32 $1.442695020e+00, v61;
	v60 =	vpop (erf);
	v0 =	vadd.f32 v41, v0  }
0x19e: {  	v63 =	vsub.f32 v51, v1;
	(erf) = vpow2.f32 v44;
	v42 =	vnsel vm4, $0x0, v60  }
0x19f: {  	vm7 =	vge.f32 v48, v2;
	v55 =	vld [tilespmem:$0x1900];
	v4 =	vpop (erf);
	(erf) = vpow2.f32 v62;
	v0 =	vadd.f32 v42, v0  }
0x1a0: {  	[tilespmem:$0x2300] =	vst v8;
	v5 =	vmul.f32 $1.442695020e+00, v63;
	v7 =	vsub.f32 v53, v1;
	v56 =	vld [tilespmem:$0x1980];
	v43 =	vnsel vm5, $0x0, v4  }
0x1a1: {  	[tilespmem:$0x2380] =	vst v9;
	vm8 =	vge.f32 v49, v2;
	v61 =	vsub.f32 v54, v1;
	v6 =	vpop (erf);
	v0 =	vadd.f32 v43, v0  }
0x1a2: {  	[tilespmem:$0x2400] =	vst v10;
	v57 =	vld [tilespmem:$0x1A00];
	v60 =	vmul.f32 $1.442695020e+00, v7;
	(erf) = vpow2.f32 v5;
	v44 =	vnsel vm6, $0x0, v6  }
0x1a3: {  	[tilespmem:$0x2480] =	vst v11;
	vm9 =	vge.f32 v50, v2;
	v63 =	vmul.f32 $1.442695020e+00, v61;
	v59 =	vpop (erf);
	v0 =	vadd.f32 v44, v0  }
0x1a4: {  	[tilespmem:$0x2500] =	vst v12;
	v61 =	vld [tilespmem:$0x1C00];
	v4 =	vsub.f32 v55, v1;
	(erf) = vpow2.f32 v60;
	v45 =	vnsel vm7, $0x0, v59  }
0x1a5: {  	[tilespmem:$0x2580] =	vst v13;
	vm10 =	vge.f32 v52, v2;
	v58 =	vld [tilespmem:$0x1A80];
	v6 =	vsub.f32 v56, v1;
	v62 =	vpop (erf);
	v0 =	vadd.f32 v45, v0  }
0x1a6: {  	[tilespmem:$0x2600] =	vst v14;
	(erf) = vpow2.f32 v63;
	v48 =	vmul.f32 $1.442695020e+00, v4;
	v59 =	vld [tilespmem:$0x1B00];
	v46 =	vnsel vm8, $0x0, v62  }
0x1a7: {  	[tilespmem:$0x2680] =	vst v15;
	vm13 =	vge.f32 v54, v2;
	v4 =	vsub.f32 v57, v1;
	v5 =	vpop (erf);
	v0 =	vadd.f32 v46, v0  }
0x1a8: {  	[tilespmem:$0x2700] =	vst v16;
	v60 =	vld [tilespmem:$0x1B80];
	v50 =	vmul.f32 $1.442695020e+00, v6;
	v47 =	vnsel vm9, $0x0, v5;
	v7 =	vpop (erf);
	(erf) = vpow2.f32 v48  }
0x1a9: {  	[tilespmem:$0x2780] =	vst v17;
	v54 =	vsub.f32 v61, v1;
	v6 =	vmul.f32 $1.442695020e+00, v4;
	v0 =	vadd.f32 v47, v0  }
0x1aa: {  	[tilespmem:$0x2800] =	vst v18;
	v48 =	vnsel vm10, $0x0, v7;
	(erf) = vpow2.f32 v50;
	v7 =	vsub.f32 v58, v1  }
0x1ab: {  	[tilespmem:$0x2880] =	vst v19;
	vm11 =	vge.f32 v51, v2;
	v4 =	vsub.f32 v59, v1;
	v5 =	vpop (erf);
	v0 =	vadd.f32 v48, v0  }
0x1ac: {  	[tilespmem:$0x2900] =	vst v20;
	v49 =	vnsel vm11, $0x0, v5;
	(erf) = vpow2.f32 v6;
	v51 =	vmul.f32 $1.442695020e+00, v7  }
0x1ad: {  	[tilespmem:$0x2980] =	vst v21;
	vm12 =	vge.f32 v53, v2;
	v62 =	vld [tilespmem:$0x1C80];
	v5 =	vpop (erf);
	v6 =	vsub.f32 v60, v1;
	v0 =	vadd.f32 v49, v0  }
0x1ae: {  	[tilespmem:$0x2A00] =	vst v22;
	v63 =	vld [tilespmem:$0x1D00];
	v52 =	vmul.f32 $1.442695020e+00, v4;
	v50 =	vnsel vm12, $0x0, v5;
	(erf) = vpow2.f32 v51  }
0x1af: {  	[tilespmem:$0x2A80] =	vst v23;
	vm14 =	vge.f32 v55, v2;
	v53 =	vmul.f32 $1.442695020e+00, v6;
	v7 =	vpop (erf);
	v0 =	vadd.f32 v50, v0  }
0x1b0: {  	[tilespmem:$0x2B00] =	vst v24;
	vm15 =	vge.f32 v56, v2;
	v51 =	vnsel vm13, $0x0, v7;
	(erf) = vpow2.f32 v52;
	v7 =	vld [tilespmem:$0x1D80]  }
0x1b1: {  	[tilespmem:$0x2B80] =	vst v25;
	vm4 =	vge.f32 v57, v2;
	v5 =	vld [tilespmem:$0x1E00];
	v3 =	vpop (erf);
	(erf) = vpow2.f32 v53;
	v0 =	vadd.f32 v51, v0  }
0x1b2: {  	[tilespmem:$0x2C00] =	vst v26;
	v53 =	vmul.f32 $1.442695020e+00, v54;
	v54 =	vsub.f32 v62, v1;
	v52 =	vnsel vm14, $0x0, v3  }
0x1b3: {  	[tilespmem:$0x2C80] =	vst v27;
	vm5 =	vge.f32 v58, v2;
	v56 =	vsub.f32 v63, v1;
	v55 =	vpop (erf);
	v0 =	vadd.f32 v52, v0  }
0x1b4: {  	[tilespmem:$0x2D00] =	vst v28;
	(erf) = vpow2.f32 v53;
	v53 =	vnsel vm15, $0x0, v55;
	v54 =	vmul.f32 $1.442695020e+00, v54  }
0x1b5: {  	[tilespmem:$0x2D80] =	vst v29;
	v6 =	vld [tilespmem:$0x1E80];
	v3 =	vmul.f32 $1.442695020e+00, v56;
	v4 =	vpop (erf);
	v56 =	vsub.f32 v7, v1;
	v0 =	vadd.f32 v53, v0  }
0x1b6: {  	[tilespmem:$0x2E00] =	vst v30;
	v57 =	vsub.f32 v5, v1;
	(erf) = vpow2.f32 v54;
	v54 =	vnsel vm4, $0x0, v4;
	v4 =	vld [tilespmem:$0x1F00]  }
0x1b7: {  	[tilespmem:$0x2E80] =	vst v31;
	vm7 =	vge.f32 v60, v2;
	v56 =	vmul.f32 $1.442695020e+00, v56;
	v58 =	vpop (erf);
	v0 =	vadd.f32 v54, v0  }
0x1b8: {  	[tilespmem:$0x2F00] =	vst v32;
	v57 =	vmul.f32 $1.442695020e+00, v57;
	(erf) = vpow2.f32 v3;
	v3 =	vld [tilespmem:$0x1F80];
	v55 =	vnsel vm5, $0x0, v58  }
0x1b9: {  	[tilespmem:$0x2F80] =	vst v33;
	vm6 =	vge.f32 v59, v2;
	v58 =	vpop (erf);
	(erf) = vpow2.f32 v56;
	v0 =	vadd.f32 v55, v0  }
0x1ba: {  	[tilespmem:$0x3000] =	vst v34;
	v59 =	vsub.f32 v6, v1;
	v56 =	vnsel vm6, $0x0, v58;
	(erf) = vpow2.f32 v57;
	v60 =	vpop (erf)  }
0x1bb: {  	[tilespmem:$0x3080] =	vst v35;
	v57 =	vnsel vm7, $0x0, v60;
	v60 =	vsub.f32 v4, v1;
	v0 =	vadd.f32 v56, v0  }
0x1bc: {  	[tilespmem:$0x3100] =	vst v36;
	vm8 =	vge.f32 v61, v2;
	v58 =	vmul.f32 $1.442695020e+00, v59  }
0x1bd: {  	[tilespmem:$0x3180] =	vst v37;
	v61 =	vpop (erf);
	v59 =	vmul.f32 $1.442695020e+00, v60;
	v60 =	vsub.f32 v3, v1;
	v0 =	vadd.f32 v57, v0  }
0x1be: {  	[tilespmem:$0x3200] =	vst v38;
	(erf) = vpow2.f32 v58;
	v58 =	vnsel vm8, $0x0, v61  }
0x1bf: {  	[tilespmem:$0x3280] =	vst v39;
	vm9 =	vge.f32 v62, v2;
	v62 =	vpop (erf);
	v0 =	vadd.f32 v58, v0  }
0x1c0: {  	[tilespmem:$0x3300] =	vst v40;
	(erf) = vpow2.f32 v59;
	v1 =	vnsel vm9, $0x0, v62;
	v59 =	vmul.f32 $1.442695020e+00, v60  }
0x1c1: {  	[tilespmem:$0x3380] =	vst v41;
	vm10 =	vge.f32 v63, v2;
	v60 =	vpop (erf);
	v0 =	vadd.f32 v1, v0  }
0x1c2: {  	[tilespmem:$0x3400] =	vst v42;
	(erf) = vpow2.f32 v59;
	v59 =	vnsel vm10, $0x0, v60  }
0x1c3: {  	[tilespmem:$0x3480] =	vst v43;
	vm11 =	vge.f32 v7, v2;
	v60 =	vpop (erf);
	v0 =	vadd.f32 v59, v0  }
0x1c4: {  	[tilespmem:$0x3500] =	vst v44;
	v60 =	vnsel vm11, $0x0, v60  }
0x1c5: {  	[tilespmem:$0x3580] =	vst v45;
	vm12 =	vge.f32 v5, v2;
	v61 =	vpop (erf);
	v0 =	vadd.f32 v60, v0  }
0x1c6: {  	[tilespmem:$0x3600] =	vst v46;
	v61 =	vnsel vm12, $0x0, v61  }
0x1c7: {  	[tilespmem:$0x3680] =	vst v47;
	vm13 =	vge.f32 v6, v2;
	v62 =	vpop (erf);
	v0 =	vadd.f32 v61, v0  }
0x1c8: {  	[tilespmem:$0x3700] =	vst v48;
	v62 =	vnsel vm13, $0x0, v62  }
0x1c9: {  	[tilespmem:$0x3780] =	vst v49;
	vm14 =	vge.f32 v4, v2;
	v63 =	vpop (erf);
	v0 =	vadd.f32 v62, v0  }
0x1ca: {  	[tilespmem:$0x3800] =	vst v50;
	v7 =	vld [tilespmem:$0x1FFB0];
	v63 =	vnsel vm14, $0x0, v63  }
0x1cb: {  	[tilespmem:$0x3880] =	vst v51;
	vm15 =	vge.f32 v3, v2;
	v5 =	vpop (erf);
	v0 =	vadd.f32 v63, v0  }
0x1cc: {  	[tilespmem:$0x3900] =	vst v52;
	v2 =	vnsel vm15, $0x0, v5  }
0x1cd: {  	[tilespmem:$0x3980] =	vst v53;
	v0 =	vadd.f32 v2, v0  }
0x1ce: {  	[tilespmem:$0x3A00] =	vst v54  }
0x1cf: {  	[tilespmem:$0x2080] =	vst v7;
	v4 =	vld [tilespmem:$0x1FFA0];
	(erf) = vrcp.f32 v0  }
0x1d0: {  	[tilespmem:$0x3A80] =	vst v55  }
0x1d1: {  	[tilespmem:$0x3B00] =	vst v56  }
0x1d2: {  	[tilespmem:$0x3B80] =	vst v57  }
0x1d3: {  	[tilespmem:$0x3C00] =	vst v58  }
0x1d4: {  	[tilespmem:$0x2000] =	vst v4  }
0x1d5: {  	[tilespmem:$0x3C80] =	vst v1  }
0x1d6: {  	[tilespmem:$0x3D00] =	vst v59  }
0x1d7: {  	[tilespmem:$0x3D80] =	vst v60  }
0x1d8: {  	[tilespmem:$0x3E00] =	vst v61;
	v0 =	vpop (erf)  }
0x1d9: {  	[tilespmem:$0x3E80] =	vst v62;
	v6 =	vmul.f32 v0, v4  }
0x1da: {  	[tilespmem:$0x3F00] =	vst v63;
	v3 =	vmul.f32 v0, v7  }
0x1db: {  	v8 =	vmul.f32 v0, v8;
	[tilespmem:$0x2000] =	vst v6  }
0x1dc: {  	v9 =	vmul.f32 v0, v9;
	[tilespmem:$0x2080] =	vst v3  }
0x1dd: {  	v10 =	vmul.f32 v0, v10;
	[tilespmem:$0x2300] =	vst v8  }
0x1de: {  	v11 =	vmul.f32 v0, v11;
	[tilespmem:$0x2380] =	vst v9  }
0x1df: {  	v12 =	vmul.f32 v0, v12;
	[tilespmem:$0x2400] =	vst v10  }
0x1e0: {  	v13 =	vmul.f32 v0, v13;
	[tilespmem:$0x2480] =	vst v11  }
0x1e1: {  	v14 =	vmul.f32 v0, v14;
	[tilespmem:$0x2500] =	vst v12  }
0x1e2: {  	v15 =	vmul.f32 v0, v15;
	[tilespmem:$0x2580] =	vst v13  }
0x1e3: {  	v16 =	vmul.f32 v0, v16;
	[tilespmem:$0x2600] =	vst v14  }
0x1e4: {  	v17 =	vmul.f32 v0, v17;
	[tilespmem:$0x2680] =	vst v15  }
0x1e5: {  	v18 =	vmul.f32 v0, v18;
	[tilespmem:$0x2700] =	vst v16  }
0x1e6: {  	v19 =	vmul.f32 v0, v19;
	[tilespmem:$0x2780] =	vst v17  }
0x1e7: {  	v20 =	vmul.f32 v0, v20;
	[tilespmem:$0x2800] =	vst v18  }
0x1e8: {  	v21 =	vmul.f32 v0, v21;
	[tilespmem:$0x2880] =	vst v19  }
0x1e9: {  	v22 =	vmul.f32 v0, v22;
	[tilespmem:$0x2900] =	vst v20  }
0x1ea: {  	v23 =	vmul.f32 v0, v23;
	[tilespmem:$0x2980] =	vst v21  }
0x1eb: {  	v24 =	vmul.f32 v0, v24;
	[tilespmem:$0x2A00] =	vst v22  }
0x1ec: {  	v25 =	vmul.f32 v0, v25;
	[tilespmem:$0x2A80] =	vst v23  }
0x1ed: {  	v26 =	vmul.f32 v0, v26;
	[tilespmem:$0x2B00] =	vst v24  }
0x1ee: {  	v27 =	vmul.f32 v0, v27;
	[tilespmem:$0x2B80] =	vst v25  }
0x1ef: {  	v28 =	vmul.f32 v0, v28;
	[tilespmem:$0x2C00] =	vst v26  }
0x1f0: {  	v29 =	vmul.f32 v0, v29;
	[tilespmem:$0x2C80] =	vst v27  }
0x1f1: {  	v30 =	vmul.f32 v0, v30;
	[tilespmem:$0x2D00] =	vst v28  }
0x1f2: {  	v31 =	vmul.f32 v0, v31;
	[tilespmem:$0x2D80] =	vst v29  }
0x1f3: {  	v32 =	vmul.f32 v0, v32;
	[tilespmem:$0x2E00] =	vst v30  }
0x1f4: {  	v33 =	vmul.f32 v0, v33;
	[tilespmem:$0x2E80] =	vst v31  }
0x1f5: {  	v34 =	vmul.f32 v0, v34;
	[tilespmem:$0x2F00] =	vst v32  }
0x1f6: {  	v35 =	vmul.f32 v0, v35;
	[tilespmem:$0x2F80] =	vst v33  }
0x1f7: {  	v36 =	vmul.f32 v0, v36;
	[tilespmem:$0x3000] =	vst v34  }
0x1f8: {  	v37 =	vmul.f32 v0, v37;
	[tilespmem:$0x3080] =	vst v35  }
0x1f9: {  	v38 =	vmul.f32 v0, v38;
	[tilespmem:$0x3100] =	vst v36  }
0x1fa: {  	v39 =	vmul.f32 v0, v39;
	[tilespmem:$0x3180] =	vst v37  }
0x1fb: {  	v40 =	vmul.f32 v0, v40;
	[tilespmem:$0x3200] =	vst v38  }
0x1fc: {  	v41 =	vmul.f32 v0, v41;
	[tilespmem:$0x3280] =	vst v39  }
0x1fd: {  	v42 =	vmul.f32 v0, v42;
	[tilespmem:$0x3300] =	vst v40  }
0x1fe: {  	v43 =	vmul.f32 v0, v43;
	[tilespmem:$0x3380] =	vst v41  }
0x1ff: {  	v44 =	vmul.f32 v0, v44;
	[tilespmem:$0x3400] =	vst v42  }
0x200: {  	v45 =	vmul.f32 v0, v45;
	[tilespmem:$0x3480] =	vst v43  }
0x201: {  	v46 =	vmul.f32 v0, v46;
	[tilespmem:$0x3500] =	vst v44  }
0x202: {  	v47 =	vmul.f32 v0, v47;
	[tilespmem:$0x3580] =	vst v45  }
0x203: {  	v48 =	vmul.f32 v0, v48;
	[tilespmem:$0x3600] =	vst v46  }
0x204: {  	v49 =	vmul.f32 v0, v49;
	[tilespmem:$0x3680] =	vst v47  }
0x205: {  	v50 =	vmul.f32 v0, v50;
	[tilespmem:$0x3700] =	vst v48  }
0x206: {  	v51 =	vmul.f32 v0, v51;
	[tilespmem:$0x3780] =	vst v49  }
0x207: {  	v52 =	vmul.f32 v0, v52;
	[tilespmem:$0x3800] =	vst v50  }
0x208: {  	v53 =	vmul.f32 v0, v53;
	[tilespmem:$0x3880] =	vst v51  }
0x209: {  	v54 =	vmul.f32 v0, v54;
	[tilespmem:$0x3900] =	vst v52  }
0x20a: {  	v55 =	vmul.f32 v0, v55;
	[tilespmem:$0x3980] =	vst v53  }
0x20b: {  	v56 =	vmul.f32 v0, v56;
	[tilespmem:$0x3A00] =	vst v54  }
0x20c: {  	v57 =	vmul.f32 v0, v57;
	[tilespmem:$0x3A80] =	vst v55  }
0x20d: {  	v58 =	vmul.f32 v0, v58;
	[tilespmem:$0x3B00] =	vst v56  }
0x20e: {  	v1 =	vmul.f32 v0, v1;
	[tilespmem:$0x3B80] =	vst v57  }
0x20f: {  	v4 =	vld [tilespmem:$0x1FFC0];
	v59 =	vmul.f32 v0, v59;
	[tilespmem:$0x3C00] =	vst v58  }
0x210: {  	v60 =	vmul.f32 v0, v60;
	[tilespmem:$0x3C80] =	vst v1  }
0x211: {  	v61 =	vmul.f32 v0, v61;
	[tilespmem:$0x3D00] =	vst v59  }
0x212: {  	v7 =	vld [tilespmem:$0x1FFF0];
	[tilespmem:$0x3D80] =	vst v60  }
0x213: {  	v62 =	vmul.f32 v0, v62;
	v6 =	vld [tilespmem:$0x1FFD0];
	[tilespmem:$0x3E00] =	vst v61  }
0x214: {  	[tilespmem:$0x2100] =	vst v4;
	v4 =	vmul.f32 v0, v4  }
0x215: {  	v63 =	vmul.f32 v0, v63;
	[tilespmem:$0x3E80] =	vst v62  }
0x216: {  	[tilespmem:$0x2100] =	vst v4;
	v4 =	vld [tilespmem:$0x1FFE0]  }
0x217: {  	[tilespmem:$0x3F00] =	vst v63  }
0x218: {  	[tilespmem:$0x2280] =	vst v7;
	v3 =	vmul.f32 v0, v6  }
0x219: {  	[tilespmem:$0x2180] =	vst v6  }
0x21a: {  	[tilespmem:$0x2180] =	vst v3;
	v3 =	vmul.f32 v0, v7  }
0x21b: {  	[tilespmem:$0x2200] =	vst v4;
	v4 =	vmul.f32 v0, v4  }
0x21c: {  	[tilespmem:$0x2280] =	vst v3;
	v0 =	vmul.f32 v0, v2  }
0x21d: {  	p0 =	sne.s32 s5, $0x1;
	[tilespmem:$0x2200] =	vst v4  }
.Ltmp1:
0x21e: {  	[tilespmem:$0x3F80] =	vst v0;
	(pc) =	sbr.rel @p0 .LBB2_2-.Ltmp1, $4  }
0x21f: {  	[hbm4b:s3+s2] =	stream.linear.scatter [tilespmem:s7], [sflag:$0x1], $0x2000, $0x38;
	[tilespmem:$0x4000] =	vst v63  }
0x220: {  	_ =	swait.ge [sflag:s6], $0x2000  }
0x221: {  	[sflag:s6] =	ssyncset.done $0x0  }
0x222: {  	s5 =	sadd.s32 $0xFFFFFFFF, s5;
	[sflag:s6] =	ssyncadd.s32 $0xFFFFE000  }
.LBB2_3:
0x223: {  	_ =	sfence.sel $0x180000  }
0x224: {  	[bflag:$0x0] =	sbarrier.arrive $0xFFFF  }
0x225: {  	p0 =	sne.s32 s1, $0x0;
	_ =	strace $0x90000047  }
0x226: {  	s0 =	sadd.s32 @!p0 $0x100000, s0;
	[bflag:$0x2] =	sbarrier.arrive $0xFFFF  }
0x227: {  	[sflag:s0] =	ssyncadd.tile.s32 @!p0 $0x1;
	_ =	shalt  }
.Lfunc_end2:
_tile_overlayer_lowered:
.L_overlay_start_2:
0x228: {  	(tag) =	ssettag $0x2  }
0x229: {  	s0 =	rddreg [dreg:$0x0];
	s2 =	stileid.u32  }
0x22a: {  	s1 =	rddreg [dreg:$0x1];
	p0 =	sne.s32 s2, $0x0  }
0x22b: {  	s3 =	rddreg [dreg:$0x2];
	[bflag:$0x3] =	sbarrier.arrive $0xFFFF;
	s2 =	simm.s32 @!p0 $0x1C01  }
0x22c: {  	[timem:s3], [sflag:s2] =	dma.local @!p0 [hbm:s0], s1  }
0x22d: {  	s0 =	simm.s32 @!p0 $0x1  }
0x22e: {  	_ =	swait.ge @!p0 [sflag:s0], s1  }
0x22f: {  	s1 =	ssub.s32 @!p0 $0x0, s1;
	[sflag:s0] =	ssyncset.done @!p0 $0x0  }
0x230: {  	[sflag:s0] =	ssyncadd.s32 @!p0 s1  }
0x231: {  	[bflag:$0x3] =	sbarrier.arrive $0xFFFF  }
0x232: {  	_ =	shalt  }

</sc_bundles>
